<compile_context>
chip_gen: v7x
topology: tpu7x:2x2x1
jax: 0.10.2.dev20260603
libtpu: 0.0.44.dev20260713+nightly
codegen_flags: <defaults>
</compile_context>

<pallas_src>
import functools

import jax
import jax.numpy as jnp
from jax import lax
from jax.experimental import pallas as pl
from jax.experimental.pallas import tpu as pltpu
from jax.experimental.pallas import tpu_sc as plsc

_N = 10000
_E = 160000
_G = 64
_IN_DIM = 11
_HID = 16
_E_DIM = 6
_EDGE_H = 64

try:
    _INFO = plsc.get_sparse_core_info()
    _NC = _INFO.num_cores
    _NS = _INFO.num_subcores
except ValueError:
    _NC, _NS = 2, 16
_NW = _NC * _NS
_CH = 128
_N_CH = 40
_PER_W = _N_CH * _CH
_E_PAD = _NW * _PER_W
_ROWS_S = 640
_N_AGG = _NS * _ROWS_S
_GRP = 20

@functools.lru_cache
def _get_mesh():
    return plsc.VectorSubcoreMesh(
        core_axis_name="c", subcore_axis_name="s", num_cores=_NC, num_subcores=_NS
    )


@functools.lru_cache
def _sc_gather_fn():
    @functools.partial(
        pl.kernel,
        out_type=jax.ShapeDtypeStruct((_E_PAD, _HID), jnp.float32),
        mesh=_get_mesh(),
        scratch_types=[
            pltpu.VMEM((_N_CH, _CH), jnp.int32),
            pltpu.VMEM((_PER_W, _HID), jnp.float32),
            pltpu.SemaphoreType.DMA,
        ],
        compiler_params=pltpu.CompilerParams(
            use_tc_tiling_on_sc=False, skip_device_barrier=True
        ),
    )
    def _sc_gather(table_hbm, idx_hbm, out_hbm, idx_v, rows_v, sem):
        wid = lax.axis_index("s") * _NC + lax.axis_index("c")
        pltpu.sync_copy(idx_hbm.at[wid], idx_v)

        def body(g, carry):
            base = g * _GRP
            descs = [
                pltpu.async_copy(
                    table_hbm.at[idx_v.at[base + t]],
                    rows_v.at[pl.ds((base + t) * _CH, _CH)],
                    sem,
                )
                for t in range(_GRP)
            ]
            for d in descs:
                d.wait()
            return carry

        lax.fori_loop(0, _N_CH // _GRP, body, 0)
        pltpu.sync_copy(rows_v, out_hbm.at[pl.ds(wid * _PER_W, _PER_W)])

    return _sc_gather


@functools.lru_cache
def _make_sc_scatter(with_deg):
    n_out = 2 if with_deg else 1
    out_type = [jax.ShapeDtypeStruct((_NC, _N_AGG, _HID), jnp.float32)] * n_out
    scratch = [
        pltpu.VMEM((_N_CH, _CH), jnp.int32),
        pltpu.VMEM((_PER_W, _HID), jnp.float32),
        pltpu.VMEM((_CH, _HID), jnp.float32),
        pltpu.VMEM_SHARED((_N_AGG, _HID), jnp.float32),
        pltpu.SemaphoreType.DMA,
    ]
    if with_deg:
        scratch.append(pltpu.VMEM_SHARED((_N_AGG, _HID), jnp.float32))

    @functools.partial(
        pl.kernel, out_type=out_type, mesh=_get_mesh(), scratch_types=scratch,
        compiler_params=pltpu.CompilerParams(
            use_tc_tiling_on_sc=False, skip_device_barrier=True
        ),
    )
    def _sc_scatter(msg_hbm, dst_hbm, zeros_hbm, ones_hbm, *rest):
        if with_deg:
            agg_out, deg_out, idx_v, rows_v, ones_v, agg_sh, sem, deg_sh = rest
        else:
            agg_out, idx_v, rows_v, ones_v, agg_sh, sem = rest
        cid = lax.axis_index("c")
        sid = lax.axis_index("s")
        wid = sid * _NC + cid
        r0 = sid * _ROWS_S
        pltpu.sync_copy(zeros_hbm.at[pl.ds(r0, _ROWS_S)], agg_sh.at[pl.ds(r0, _ROWS_S)])
        if with_deg:
            pltpu.sync_copy(zeros_hbm.at[pl.ds(r0, _ROWS_S)], deg_sh.at[pl.ds(r0, _ROWS_S)])
            pltpu.sync_copy(ones_hbm, ones_v)
        pltpu.sync_copy(dst_hbm.at[wid], idx_v)
        pltpu.sync_copy(msg_hbm.at[pl.ds(wid * _PER_W, _PER_W)], rows_v)
        plsc.subcore_barrier()

        def body(j, carry):
            d1 = pltpu.async_copy(
                rows_v.at[pl.ds(j * _CH, _CH)], agg_sh.at[idx_v.at[j]], sem,
                add=True,
            )
            if with_deg:
                d2 = pltpu.async_copy(
                    ones_v, deg_sh.at[idx_v.at[j]], sem, add=True
                )
            d1.wait()
            if with_deg:
                d2.wait()
            return carry

        lax.fori_loop(0, _N_CH, body, 0)
        plsc.subcore_barrier()
        pltpu.sync_copy(agg_sh.at[pl.ds(r0, _ROWS_S)], agg_out.at[cid, pl.ds(r0, _ROWS_S)])
        if with_deg:
            pltpu.sync_copy(deg_sh.at[pl.ds(r0, _ROWS_S)], deg_out.at[cid, pl.ds(r0, _ROWS_S)])

    return _sc_scatter


_EB = 4096


def _tc_edge(ea_t, xs_t, W1, b1, W2, b2, din):
    def body(ea_ref, xs_ref, w1t_ref, b1_ref, w2t_ref, b2_ref, out_ref):
        eh_t = jnp.maximum(
            jnp.dot(w1t_ref[...], ea_ref[...], preferred_element_type=jnp.float32)
            + b1_ref[...],
            0.0,
        )
        p_t = (
            jnp.dot(w2t_ref[...], eh_t, preferred_element_type=jnp.float32)
            + b2_ref[...]
        )
        xs_t_b = xs_ref[...].T
        acc = xs_t_b[0:1, :] * p_t[0:_HID, :]
        for i in range(1, din):
            acc = acc + xs_t_b[i : i + 1, :] * p_t[i * _HID : (i + 1) * _HID, :]
        out_ref[...] = acc.T

    grid = (_E_PAD // _EB,)
    return pl.pallas_call(
        body,
        grid=grid,
        in_specs=[
            pl.BlockSpec((_E_DIM, _EB), lambda i: (0, i)),
            pl.BlockSpec((_EB, _HID), lambda i: (i, 0)),
            pl.BlockSpec((_EDGE_H, _E_DIM), lambda i: (0, 0)),
            pl.BlockSpec((_EDGE_H, 1), lambda i: (0, 0)),
            pl.BlockSpec((din * _HID, _EDGE_H), lambda i: (0, 0)),
            pl.BlockSpec((din * _HID, 1), lambda i: (0, 0)),
        ],
        out_specs=pl.BlockSpec((_EB, _HID), lambda i: (i, 0)),
        out_shape=jax.ShapeDtypeStruct((_E_PAD, _HID), jnp.float32),
    )(ea_t, xs_t, W1.T, b1[:, None], W2.T, b2[:, None])


def _tc_norm(agg2, deg2, bias, gamma, beta):
    def body(a_ref, d_ref, bias_ref, g_ref, be_ref, out_ref):
        a = a_ref[0] + a_ref[1]
        d = d_ref[0] + d_ref[1]
        t = a / jnp.maximum(d, 1.0) + bias_ref[...]
        r = jnp.maximum(t, 0.0)
        m = jnp.mean(r, axis=0, keepdims=True)
        v = jnp.mean((r - m) * (r - m), axis=0, keepdims=True)
        out_ref[...] = (r - m) / jnp.sqrt(v + 1e-5) * g_ref[...] + be_ref[...]

    return pl.pallas_call(
        body,
        out_shape=jax.ShapeDtypeStruct((_N, _HID), jnp.float32),
    )(agg2, deg2, bias[None], gamma[None], beta[None])


def _tc_final(agg2, deg2, bias, gamma, beta, gid, g2, be2):
    def body(a_ref, d_ref, bias_ref, lg_ref, lbe_ref, gid_ref, g_ref, be_ref,
             out_ref, hx_ref):
        a = a_ref[0] + a_ref[1]
        d = d_ref[0] + d_ref[1]
        t = a / jnp.maximum(d, 1.0) + bias_ref[...]
        r = jnp.maximum(t, 0.0)
        lm = jnp.mean(r, axis=0, keepdims=True)
        lv = jnp.mean((r - lm) * (r - lm), axis=0, keepdims=True)
        hv = (r - lm) / jnp.sqrt(lv + 1e-5) * lg_ref[...] + lbe_ref[...]
        gids = gid_ref[...]
        iota_g = lax.broadcasted_iota(jnp.int32, (_N, _G), 1)
        maskf = (gids == iota_g).astype(jnp.float32)
        counts = jnp.sum(maskf, axis=0)[:, None]
        sums = lax.dot_general(
            maskf, hv, (((0,), (0,)), ((), ())),
            preferred_element_type=jnp.float32,
        )
        hn = sums / jnp.maximum(counts, 1.0)
        m = jnp.mean(hn, axis=0, keepdims=True)
        v = jnp.mean((hn - m) * (hn - m), axis=0, keepdims=True)
        hnb = (hn - m) / jnp.sqrt(v + 1e-5) * g_ref[...] + be_ref[...]

        def body_g(g, carry):
            mk = gids == g
            mx = jnp.max(jnp.where(mk, hv, -jnp.inf), axis=0)
            hx_ref[pl.ds(g, 1), :] = mx[None, :]
            return carry

        lax.fori_loop(0, _G, body_g, 0)
        out_ref[:, 0:_HID] = hnb
        out_ref[:, _HID : 2 * _HID] = hx_ref[...]

    return pl.pallas_call(
        body,
        out_shape=jax.ShapeDtypeStruct((_G, 2 * _HID), jnp.float32),
        scratch_shapes=[pltpu.VMEM((_G, _HID), jnp.float32)],
    )(agg2, deg2, bias[None], gamma[None], beta[None], gid[:, None],
      g2[None], be2[None])


def kernel(x, edge_index, edge_attr, node_graph_ids, params):
    src = edge_index[0]
    dst = edge_index[1]
    pad_e = _E_PAD - _E
    src3 = jnp.concatenate([src, jnp.zeros((pad_e,), jnp.int32)]).reshape(
        _NW, _N_CH, _CH
    )
    dst3 = jnp.concatenate([dst, jnp.full((pad_e,), _N, jnp.int32)]).reshape(
        _NW, _N_CH, _CH
    )
    ea_t = jnp.concatenate(
        [edge_attr, jnp.zeros((pad_e, _E_DIM), jnp.float32)], axis=0
    ).T
    x_pad = jnp.concatenate(
        [x, jnp.zeros((_N, _HID - _IN_DIM), jnp.float32)], axis=1
    )
    zeros_init = jnp.zeros((_N_AGG, _HID), jnp.float32)
    ones_rows = jnp.ones((_CH, _HID), jnp.float32)

    layers = params["layers"]
    h = x_pad
    deg2 = None
    for li, din in enumerate((_IN_DIM, _HID)):
        lp = layers[li]
        xs = _sc_gather_fn()(h, src3)
        msg = _tc_edge(ea_t, xs, lp["W1"], lp["b1"], lp["W2"], lp["b2"], din)
        if li == 0:
            agg2, deg2 = _make_sc_scatter(True)(msg, dst3, zeros_init, ones_rows)
            h = _tc_norm(
                agg2[:, :_N], deg2[:, :_N], lp["bias"], lp["gamma"], lp["beta"]
            )
        else:
            agg2 = _make_sc_scatter(False)(msg, dst3, zeros_init, ones_rows)
            if isinstance(agg2, (list, tuple)):
                agg2 = agg2[0]

    return _tc_final(
        agg2[:, :_N], deg2[:, :_N], lp["bias"], lp["gamma"], lp["beta"],
        node_graph_ids, params["bn_out_gamma"], params["bn_out_beta"]
    )

# --- scband reference (transcript-rebuilt; emitter-appended) ---
"""Pipeline reference for scband-encoder-7748121002250 (READ-ONLY COPY).

The authoritative reference and input builder live on the scoring server;
editing this copy changes nothing except your own understanding.
"""

import jax, jax.numpy as jnp
import numpy as np

N = 10000
E = 160000
G = 64
IN_DIM = 11
HID = 16
E_DIM = 6
EDGE_H = 64
LAYER_DIMS = [(IN_DIM, HID), (HID, HID)]


def setup_inputs(seed: int = 0) -> dict:
    key = jax.random.key(seed)
    ks = jax.random.split(key, 32)
    x = jax.random.normal(ks[0], (N, IN_DIM), dtype=jnp.float32)
    edge_index = jax.random.randint(ks[1], (2, E), 0, N, dtype=jnp.int32)
    edge_attr = jax.random.normal(ks[2], (E, E_DIM), dtype=jnp.float32)
    node_graph_ids = jnp.sort(jax.random.randint(ks[3], (N,), 0, G, dtype=jnp.int32))
    layers = []
    for li, (din, dout) in enumerate(LAYER_DIMS):
        k = jax.random.split(ks[4 + li], 4)
        layers.append({
            'W1': jax.random.normal(k[0], (E_DIM, EDGE_H), dtype=jnp.float32) * 0.2,
            'b1': jnp.zeros((EDGE_H,), dtype=jnp.float32),
            'W2': jax.random.normal(k[1], (EDGE_H, din * dout), dtype=jnp.float32) * 0.05,
            'b2': jnp.zeros((din * dout,), dtype=jnp.float32),
            'bias': jnp.zeros((dout,), dtype=jnp.float32),
            'gamma': jnp.ones((dout,), dtype=jnp.float32),
            'beta': jnp.zeros((dout,), dtype=jnp.float32),
        })
    params = {
        'layers': layers,
        'bn_out_gamma': jnp.ones((HID,), dtype=jnp.float32),
        'bn_out_beta': jnp.zeros((HID,), dtype=jnp.float32),
    }
    return {'x': x, 'edge_index': edge_index, 'edge_attr': edge_attr,
            'node_graph_ids': node_graph_ids, 'params': params}


def _bn(h, gamma, beta, eps=1e-5):
    # BatchNorm1d forward with batch statistics (training-mode math, biased var)
    m = h.mean(axis=0)
    v = h.var(axis=0)
    return (h - m) / jnp.sqrt(v + eps) * gamma + beta


def _forward(x, edge_attr, params, src, dst, gid):
    h = x
    for lp, (din, dout) in zip(params['layers'], LAYER_DIMS):
        # edge MLP: Linear(e_dim, edge_h) -> ReLU -> Linear(edge_h, din*dout)
        eh = jax.nn.relu(edge_attr @ lp['W1'] + lp['b1'])
        w = (eh @ lp['W2'] + lp['b2']).reshape(E, din, dout)
        # NNConv message: x_src @ W_e  (per-edge weight matrix)
        msg = jnp.einsum('ei,eio->eo', h[src], w)
        # aggregator_type='mean' over in-edges of dst
        agg = jax.ops.segment_sum(msg, dst, num_segments=N)
        deg = jax.ops.segment_sum(jnp.ones((E, 1), dtype=msg.dtype), dst, num_segments=N)
        h_new = jnp.where(deg > 0, agg / jnp.maximum(deg, 1.0), 0.0) + lp['bias']
        # NNLayer: bn(relu(h)); dropout is identity in eval
        h = _bn(jax.nn.relu(h_new), lp['gamma'], lp['beta'])
    # readout: dgl.mean_nodes / dgl.max_nodes over batched graphs
    counts = jax.ops.segment_sum(jnp.ones((N, 1), dtype=h.dtype), gid, num_segments=G)
    hn = jax.ops.segment_sum(h, gid, num_segments=G) / jnp.maximum(counts, 1.0)
    hx = jax.ops.segment_max(h, gid, num_segments=G)
    hn = _bn(hn, params['bn_out_gamma'], params['bn_out_beta'])
    return jnp.concatenate([hn, hx], axis=1)


def reference(x, edge_index, edge_attr, node_graph_ids, params):
    src = edge_index[0]
    dst = edge_index[1]
    return _forward(x, edge_attr, params, src, dst, node_graph_ids)

if __name__ == "__main__":
    import jax
    _d = setup_inputs()
    print(jax.jit(kernel)(*tuple(_d.values())))

</pallas_src>

<mosaic_0001>
#map = affine_map<(d0, d1) -> (0, 0)>
#map1 = affine_map<(d0, d1) -> (0, 0, 0)>
module attributes {stable_mosaic.version = 14 : i64} {
  func.func @_sc_gather(%arg0: i32, %arg1: i32, %arg2: memref<10000x16xf32, #tpu.memory_space<hbm>>, %arg3: memref<32x40x128xi32, #tpu.memory_space<hbm>>, %arg4: memref<163840x16xf32, #tpu.memory_space<hbm>>, %arg5: memref<40x128xi32, #tpu.memory_space<vmem>>, %arg6: memref<5120x16xf32, #tpu.memory_space<vmem>>, %arg7: memref<!tpu.dma_semaphore, #tpu.memory_space<semaphore_mem>>) attributes {dimension_semantics = [#tpu.dimension_semantics<core_parallel>, #tpu.dimension_semantics<subcore_parallel>], iteration_bounds = array<i64: 2, 16>, scalar_prefetch = 0 : i64, scratch_operands = 3 : i64, tpu.core_type = #tpu.core_type<sc_vector_subcore>, window_params = [{transform_indices = #map}, {transform_indices = #map1}, {transform_indices = #map}]} {
    %mul3A = arith.constant 2 : i32
    %mul3A_0 = arith.muli %arg1, %mul3A : i32
    %add3A = arith.addi %mul3A_0, %arg0 : i32
    "tpu.region"() ({
      %run_scoped3A = tpu.sem_alloc : memref<!tpu.dma_semaphore, #tpu.memory_space<semaphore_mem>>
      %dma_start3A = arith.constant 0 : i32
      %dma_start3A_8 = arith.constant 0 : i32
      %dma_start3A_9 = tpu.memref_slice %arg3[%add3A, %dma_start3A, %dma_start3A_8] : memref<32x40x128xi32, #tpu.memory_space<hbm>> -> memref<1x40x128xi32, #tpu.memory_space<hbm>>
      %dma_start3A_10 = tpu.memref_squeeze %dma_start3A_9 : memref<1x40x128xi32, #tpu.memory_space<hbm>> -> memref<40x128xi32, #tpu.memory_space<hbm>>
      %dma_start3A_11 = arith.constant 0 : i32
      %dma_start3A_12 = arith.constant 0 : i32
      %dma_start3A_13 = tpu.memref_slice %arg3[%add3A, %dma_start3A_11, %dma_start3A_12] : memref<32x40x128xi32, #tpu.memory_space<hbm>> -> memref<1x40x128xi32, #tpu.memory_space<hbm>>
      %dma_start3A_14 = tpu.memref_squeeze %dma_start3A_13 : memref<1x40x128xi32, #tpu.memory_space<hbm>> -> memref<40x128xi32, #tpu.memory_space<hbm>>
      tpu.enqueue_dma source(%dma_start3A_14 : memref<40x128xi32, #tpu.memory_space<hbm>>) target(%arg5 : memref<40x128xi32, #tpu.memory_space<vmem>>) target_semaphore(%run_scoped3A : memref<!tpu.dma_semaphore, #tpu.memory_space<semaphore_mem>>)
      %dma_wait3A = arith.constant 0 : i32
      %dma_wait3A_15 = arith.constant 0 : i32
      %dma_wait3A_16 = tpu.memref_slice %arg3[%add3A, %dma_wait3A, %dma_wait3A_15] : memref<32x40x128xi32, #tpu.memory_space<hbm>> -> memref<1x40x128xi32, #tpu.memory_space<hbm>>
      %dma_wait3A_17 = tpu.memref_squeeze %dma_wait3A_16 : memref<1x40x128xi32, #tpu.memory_space<hbm>> -> memref<40x128xi32, #tpu.memory_space<hbm>>
      %dma_wait3A_18 = arith.constant 0 : i32
      %dma_wait3A_19 = arith.constant 0 : i32
      %dma_wait3A_20 = tpu.memref_slice %arg3[%add3A, %dma_wait3A_18, %dma_wait3A_19] : memref<32x40x128xi32, #tpu.memory_space<hbm>> -> memref<1x40x128xi32, #tpu.memory_space<hbm>>
      %dma_wait3A_21 = tpu.memref_squeeze %dma_wait3A_20 : memref<1x40x128xi32, #tpu.memory_space<hbm>> -> memref<40x128xi32, #tpu.memory_space<hbm>>
      tpu.wait_dma2 semaphore(%run_scoped3A : memref<!tpu.dma_semaphore, #tpu.memory_space<semaphore_mem>>) src(%dma_wait3A_21 : memref<40x128xi32, #tpu.memory_space<hbm>>) dst(%arg5 : memref<40x128xi32, #tpu.memory_space<vmem>>)
      tpu.yield
    }) : () -> ()
    %scan3A = arith.constant 0 : i32
    %scan3A_1 = arith.constant 0 : i32
    %scan3A_2 = arith.constant 2 : i32
    %scan3A_3 = arith.addi %scan3A_1, %scan3A_2 : i32
    %scan3A_4 = arith.constant 1 : i32
    scf.for %scan3A_8 = %scan3A_1 to %scan3A_3 step %scan3A_4  : i32 {
      %mul3A_9 = arith.constant 20 : i32
      %mul3A_10 = arith.muli %scan3A_8, %mul3A_9 : i32
      %add3A_11 = arith.constant 0 : i32
      %add3A_12 = arith.addi %mul3A_10, %add3A_11 : i32
      %add3A_13 = arith.constant 0 : i32
      %add3A_14 = arith.addi %mul3A_10, %add3A_13 : i32
      %mul3A_15 = arith.constant 128 : i32
      %mul3A_16 = arith.muli %add3A_14, %mul3A_15 : i32
      %dma_start3A = arith.constant 0 : i32
      %dma_start3A_17 = tpu.memref_slice %arg6[%mul3A_16, %dma_start3A] : memref<5120x16xf32, #tpu.memory_space<vmem>> -> memref<128x16xf32, #tpu.memory_space<vmem>>
      %dma_start3A_18 = arith.constant 0 : i32
      %dma_start3A_19 = tpu.memref_slice %arg5[%add3A_12, %dma_start3A_18] : memref<40x128xi32, #tpu.memory_space<vmem>> -> memref<1x128xi32, #tpu.memory_space<vmem>>
      %dma_start3A_20 = tpu.memref_squeeze %dma_start3A_19 : memref<1x128xi32, #tpu.memory_space<vmem>> -> memref<128xi32, #tpu.memory_space<vmem>>
      %dma_start3A_21 = arith.constant 0 : i32
      %dma_start3A_22 = arith.constant 0 : i32
      %dma_start3A_23 = tpu.memref_slice %arg2[%dma_start3A_21, %dma_start3A_22] : memref<10000x16xf32, #tpu.memory_space<hbm>> -> memref<10000x16xf32, #tpu.memory_space<hbm>>
      tpu.enqueue_indirect_dma source(%dma_start3A_23 : memref<10000x16xf32, #tpu.memory_space<hbm>>) target(%dma_start3A_17 : memref<128x16xf32, #tpu.memory_space<vmem>>) offsets(%dma_start3A_20 : memref<128xi32, #tpu.memory_space<vmem>>) semaphore(%arg7 : memref<!tpu.dma_semaphore, #tpu.memory_space<semaphore_mem>>)
      %add3A_24 = arith.constant 1 : i32
      %add3A_25 = arith.addi %mul3A_10, %add3A_24 : i32
      %add3A_26 = arith.constant 1 : i32
      %add3A_27 = arith.addi %mul3A_10, %add3A_26 : i32
      %mul3A_28 = arith.constant 128 : i32
      %mul3A_29 = arith.muli %add3A_27, %mul3A_28 : i32
      %dma_start3A_30 = arith.constant 0 : i32
      %dma_start3A_31 = tpu.memref_slice %arg6[%mul3A_29, %dma_start3A_30] : memref<5120x16xf32, #tpu.memory_space<vmem>> -> memref<128x16xf32, #tpu.memory_space<vmem>>
      %dma_start3A_32 = arith.constant 0 : i32
      %dma_start3A_33 = tpu.memref_slice %arg5[%add3A_25, %dma_start3A_32] : memref<40x128xi32, #tpu.memory_space<vmem>> -> memref<1x128xi32, #tpu.memory_space<vmem>>
      %dma_start3A_34 = tpu.memref_squeeze %dma_start3A_33 : memref<1x128xi32, #tpu.memory_space<vmem>> -> memref<128xi32, #tpu.memory_space<vmem>>
      %dma_start3A_35 = arith.constant 0 : i32
      %dma_start3A_36 = arith.constant 0 : i32
      %dma_start3A_37 = tpu.memref_slice %arg2[%dma_start3A_35, %dma_start3A_36] : memref<10000x16xf32, #tpu.memory_space<hbm>> -> memref<10000x16xf32, #tpu.memory_space<hbm>>
      tpu.enqueue_indirect_dma source(%dma_start3A_37 : memref<10000x16xf32, #tpu.memory_space<hbm>>) target(%dma_start3A_31 : memref<128x16xf32, #tpu.memory_space<vmem>>) offsets(%dma_start3A_34 : memref<128xi32, #tpu.memory_space<vmem>>) semaphore(%arg7 : memref<!tpu.dma_semaphore, #tpu.memory_space<semaphore_mem>>)
      %add3A_38 = arith.constant 2 : i32
      %add3A_39 = arith.addi %mul3A_10, %add3A_38 : i32
      %add3A_40 = arith.constant 2 : i32
      %add3A_41 = arith.addi %mul3A_10, %add3A_40 : i32
      %mul3A_42 = arith.constant 128 : i32
      %mul3A_43 = arith.muli %add3A_41, %mul3A_42 : i32
      %dma_start3A_44 = arith.constant 0 : i32
      %dma_start3A_45 = tpu.memref_slice %arg6[%mul3A_43, %dma_start3A_44] : memref<5120x16xf32, #tpu.memory_space<vmem>> -> memref<128x16xf32, #tpu.memory_space<vmem>>
      %dma_start3A_46 = arith.constant 0 : i32
      %dma_start3A_47 = tpu.memref_slice %arg5[%add3A_39, %dma_start3A_46] : memref<40x128xi32, #tpu.memory_space<vmem>> -> memref<1x128xi32, #tpu.memory_space<vmem>>
      %dma_start3A_48 = tpu.memref_squeeze %dma_start3A_47 : memref<1x128xi32, #tpu.memory_space<vmem>> -> memref<128xi32, #tpu.memory_space<vmem>>
      %dma_start3A_49 = arith.constant 0 : i32
      %dma_start3A_50 = arith.constant 0 : i32
      %dma_start3A_51 = tpu.memref_slice %arg2[%dma_start3A_49, %dma_start3A_50] : memref<10000x16xf32, #tpu.memory_space<hbm>> -> memref<10000x16xf32, #tpu.memory_space<hbm>>
      tpu.enqueue_indirect_dma source(%dma_start3A_51 : memref<10000x16xf32, #tpu.memory_space<hbm>>) target(%dma_start3A_45 : memref<128x16xf32, #tpu.memory_space<vmem>>) offsets(%dma_start3A_48 : memref<128xi32, #tpu.memory_space<vmem>>) semaphore(%arg7 : memref<!tpu.dma_semaphore, #tpu.memory_space<semaphore_mem>>)
      %add3A_52 = arith.constant 3 : i32
      %add3A_53 = arith.addi %mul3A_10, %add3A_52 : i32
      %add3A_54 = arith.constant 3 : i32
      %add3A_55 = arith.addi %mul3A_10, %add3A_54 : i32
      %mul3A_56 = arith.constant 128 : i32
      %mul3A_57 = arith.muli %add3A_55, %mul3A_56 : i32
      %dma_start3A_58 = arith.constant 0 : i32
      %dma_start3A_59 = tpu.memref_slice %arg6[%mul3A_57, %dma_start3A_58] : memref<5120x16xf32, #tpu.memory_space<vmem>> -> memref<128x16xf32, #tpu.memory_space<vmem>>
      %dma_start3A_60 = arith.constant 0 : i32
      %dma_start3A_61 = tpu.memref_slice %arg5[%add3A_53, %dma_start3A_60] : memref<40x128xi32, #tpu.memory_space<vmem>> -> memref<1x128xi32, #tpu.memory_space<vmem>>
      %dma_start3A_62 = tpu.memref_squeeze %dma_start3A_61 : memref<1x128xi32, #tpu.memory_space<vmem>> -> memref<128xi32, #tpu.memory_space<vmem>>
      %dma_start3A_63 = arith.constant 0 : i32
      %dma_start3A_64 = arith.constant 0 : i32
      %dma_start3A_65 = tpu.memref_slice %arg2[%dma_start3A_63, %dma_start3A_64] : memref<10000x16xf32, #tpu.memory_space<hbm>> -> memref<10000x16xf32, #tpu.memory_space<hbm>>
      tpu.enqueue_indirect_dma source(%dma_start3A_65 : memref<10000x16xf32, #tpu.memory_space<hbm>>) target(%dma_start3A_59 : memref<128x16xf32, #tpu.memory_space<vmem>>) offsets(%dma_start3A_62 : memref<128xi32, #tpu.memory_space<vmem>>) semaphore(%arg7 : memref<!tpu.dma_semaphore, #tpu.memory_space<semaphore_mem>>)
      %add3A_66 = arith.constant 4 : i32
      %add3A_67 = arith.addi %mul3A_10, %add3A_66 : i32
      %add3A_68 = arith.constant 4 : i32
      %add3A_69 = arith.addi %mul3A_10, %add3A_68 : i32
      %mul3A_70 = arith.constant 128 : i32
      %mul3A_71 = arith.muli %add3A_69, %mul3A_70 : i32
      %dma_start3A_72 = arith.constant 0 : i32
      %dma_start3A_73 = tpu.memref_slice %arg6[%mul3A_71, %dma_start3A_72] : memref<5120x16xf32, #tpu.memory_space<vmem>> -> memref<128x16xf32, #tpu.memory_space<vmem>>
      %dma_start3A_74 = arith.constant 0 : i32
      %dma_start3A_75 = tpu.memref_slice %arg5[%add3A_67, %dma_start3A_74] : memref<40x128xi32, #tpu.memory_space<vmem>> -> memref<1x128xi32, #tpu.memory_space<vmem>>
      %dma_start3A_76 = tpu.memref_squeeze %dma_start3A_75 : memref<1x128xi32, #tpu.memory_space<vmem>> -> memref<128xi32, #tpu.memory_space<vmem>>
      %dma_start3A_77 = arith.constant 0 : i32
      %dma_start3A_78 = arith.constant 0 : i32
      %dma_start3A_79 = tpu.memref_slice %arg2[%dma_start3A_77, %dma_start3A_78] : memref<10000x16xf32, #tpu.memory_space<hbm>> -> memref<10000x16xf32, #tpu.memory_space<hbm>>
      tpu.enqueue_indirect_dma source(%dma_start3A_79 : memref<10000x16xf32, #tpu.memory_space<hbm>>) target(%dma_start3A_73 : memref<128x16xf32, #tpu.memory_space<vmem>>) offsets(%dma_start3A_76 : memref<128xi32, #tpu.memory_space<vmem>>) semaphore(%arg7 : memref<!tpu.dma_semaphore, #tpu.memory_space<semaphore_mem>>)
      %add3A_80 = arith.constant 5 : i32
      %add3A_81 = arith.addi %mul3A_10, %add3A_80 : i32
      %add3A_82 = arith.constant 5 : i32
      %add3A_83 = arith.addi %mul3A_10, %add3A_82 : i32
      %mul3A_84 = arith.constant 128 : i32
      %mul3A_85 = arith.muli %add3A_83, %mul3A_84 : i32
      %dma_start3A_86 = arith.constant 0 : i32
      %dma_start3A_87 = tpu.memref_slice %arg6[%mul3A_85, %dma_start3A_86] : memref<5120x16xf32, #tpu.memory_space<vmem>> -> memref<128x16xf32, #tpu.memory_space<vmem>>
      %dma_start3A_88 = arith.constant 0 : i32
      %dma_start3A_89 = tpu.memref_slice %arg5[%add3A_81, %dma_start3A_88] : memref<40x128xi32, #tpu.memory_space<vmem>> -> memref<1x128xi32, #tpu.memory_space<vmem>>
      %dma_start3A_90 = tpu.memref_squeeze %dma_start3A_89 : memref<1x128xi32, #tpu.memory_space<vmem>> -> memref<128xi32, #tpu.memory_space<vmem>>
      %dma_start3A_91 = arith.constant 0 : i32
      %dma_start3A_92 = arith.constant 0 : i32
      %dma_start3A_93 = tpu.memref_slice %arg2[%dma_start3A_91, %dma_start3A_92] : memref<10000x16xf32, #tpu.memory_space<hbm>> -> memref<10000x16xf32, #tpu.memory_space<hbm>>
      tpu.enqueue_indirect_dma source(%dma_start3A_93 : memref<10000x16xf32, #tpu.memory_space<hbm>>) target(%dma_start3A_87 : memref<128x16xf32, #tpu.memory_space<vmem>>) offsets(%dma_start3A_90 : memref<128xi32, #tpu.memory_space<vmem>>) semaphore(%arg7 : memref<!tpu.dma_semaphore, #tpu.memory_space<semaphore_mem>>)
      %add3A_94 = arith.constant 6 : i32
      %add3A_95 = arith.addi %mul3A_10, %add3A_94 : i32
      %add3A_96 = arith.constant 6 : i32
      %add3A_97 = arith.addi %mul3A_10, %add3A_96 : i32
      %mul3A_98 = arith.constant 128 : i32
      %mul3A_99 = arith.muli %add3A_97, %mul3A_98 : i32
      %dma_start3A_100 = arith.constant 0 : i32
      %dma_start3A_101 = tpu.memref_slice %arg6[%mul3A_99, %dma_start3A_100] : memref<5120x16xf32, #tpu.memory_space<vmem>> -> memref<128x16xf32, #tpu.memory_space<vmem>>
      %dma_start3A_102 = arith.constant 0 : i32
      %dma_start3A_103 = tpu.memref_slice %arg5[%add3A_95, %dma_start3A_102] : memref<40x128xi32, #tpu.memory_space<vmem>> -> memref<1x128xi32, #tpu.memory_space<vmem>>
      %dma_start3A_104 = tpu.memref_squeeze %dma_start3A_103 : memref<1x128xi32, #tpu.memory_space<vmem>> -> memref<128xi32, #tpu.memory_space<vmem>>
      %dma_start3A_105 = arith.constant 0 : i32
      %dma_start3A_106 = arith.constant 0 : i32
      %dma_start3A_107 = tpu.memref_slice %arg2[%dma_start3A_105, %dma_start3A_106] : memref<10000x16xf32, #tpu.memory_space<hbm>> -> memref<10000x16xf32, #tpu.memory_space<hbm>>
      tpu.enqueue_indirect_dma source(%dma_start3A_107 : memref<10000x16xf32, #tpu.memory_space<hbm>>) target(%dma_start3A_101 : memref<128x16xf32, #tpu.memory_space<vmem>>) offsets(%dma_start3A_104 : memref<128xi32, #tpu.memory_space<vmem>>) semaphore(%arg7 : memref<!tpu.dma_semaphore, #tpu.memory_space<semaphore_mem>>)
      %add3A_108 = arith.constant 7 : i32
      %add3A_109 = arith.addi %mul3A_10, %add3A_108 : i32
      %add3A_110 = arith.constant 7 : i32
      %add3A_111 = arith.addi %mul3A_10, %add3A_110 : i32
      %mul3A_112 = arith.constant 128 : i32
      %mul3A_113 = arith.muli %add3A_111, %mul3A_112 : i32
      %dma_start3A_114 = arith.constant 0 : i32
      %dma_start3A_115 = tpu.memref_slice %arg6[%mul3A_113, %dma_start3A_114] : memref<5120x16xf32, #tpu.memory_space<vmem>> -> memref<128x16xf32, #tpu.memory_space<vmem>>
      %dma_start3A_116 = arith.constant 0 : i32
      %dma_start3A_117 = tpu.memref_slice %arg5[%add3A_109, %dma_start3A_116] : memref<40x128xi32, #tpu.memory_space<vmem>> -> memref<1x128xi32, #tpu.memory_space<vmem>>
      %dma_start3A_118 = tpu.memref_squeeze %dma_start3A_117 : memref<1x128xi32, #tpu.memory_space<vmem>> -> memref<128xi32, #tpu.memory_space<vmem>>
      %dma_start3A_119 = arith.constant 0 : i32
      %dma_start3A_120 = arith.constant 0 : i32
      %dma_start3A_121 = tpu.memref_slice %arg2[%dma_start3A_119, %dma_start3A_120] : memref<10000x16xf32, #tpu.memory_space<hbm>> -> memref<10000x16xf32, #tpu.memory_space<hbm>>
      tpu.enqueue_indirect_dma source(%dma_start3A_121 : memref<10000x16xf32, #tpu.memory_space<hbm>>) target(%dma_start3A_115 : memref<128x16xf32, #tpu.memory_space<vmem>>) offsets(%dma_start3A_118 : memref<128xi32, #tpu.memory_space<vmem>>) semaphore(%arg7 : memref<!tpu.dma_semaphore, #tpu.memory_space<semaphore_mem>>)
      %add3A_122 = arith.constant 8 : i32
      %add3A_123 = arith.addi %mul3A_10, %add3A_122 : i32
      %add3A_124 = arith.constant 8 : i32
      %add3A_125 = arith.addi %mul3A_10, %add3A_124 : i32
      %mul3A_126 = arith.constant 128 : i32
      %mul3A_127 = arith.muli %add3A_125, %mul3A_126 : i32
      %dma_start3A_128 = arith.constant 0 : i32
      %dma_start3A_129 = tpu.memref_slice %arg6[%mul3A_127, %dma_start3A_128] : memref<5120x16xf32, #tpu.memory_space<vmem>> -> memref<128x16xf32, #tpu.memory_space<vmem>>
      %dma_start3A_130 = arith.constant 0 : i32
      %dma_start3A_131 = tpu.memref_slice %arg5[%add3A_123, %dma_start3A_130] : memref<40x128xi32, #tpu.memory_space<vmem>> -> memref<1x128xi32, #tpu.memory_space<vmem>>
      %dma_start3A_132 = tpu.memref_squeeze %dma_start3A_131 : memref<1x128xi32, #tpu.memory_space<vmem>> -> memref<128xi32, #tpu.memory_space<vmem>>
      %dma_start3A_133 = arith.constant 0 : i32
      %dma_start3A_134 = arith.constant 0 : i32
      %dma_start3A_135 = tpu.memref_slice %arg2[%dma_start3A_133, %dma_start3A_134] : memref<10000x16xf32, #tpu.memory_space<hbm>> -> memref<10000x16xf32, #tpu.memory_space<hbm>>
      tpu.enqueue_indirect_dma source(%dma_start3A_135 : memref<10000x16xf32, #tpu.memory_space<hbm>>) target(%dma_start3A_129 : memref<128x16xf32, #tpu.memory_space<vmem>>) offsets(%dma_start3A_132 : memref<128xi32, #tpu.memory_space<vmem>>) semaphore(%arg7 : memref<!tpu.dma_semaphore, #tpu.memory_space<semaphore_mem>>)
      %add3A_136 = arith.constant 9 : i32
      %add3A_137 = arith.addi %mul3A_10, %add3A_136 : i32
      %add3A_138 = arith.constant 9 : i32
      %add3A_139 = arith.addi %mul3A_10, %add3A_138 : i32
      %mul3A_140 = arith.constant 128 : i32
      %mul3A_141 = arith.muli %add3A_139, %mul3A_140 : i32
      %dma_start3A_142 = arith.constant 0 : i32
      %dma_start3A_143 = tpu.memref_slice %arg6[%mul3A_141, %dma_start3A_142] : memref<5120x16xf32, #tpu.memory_space<vmem>> -> memref<128x16xf32, #tpu.memory_space<vmem>>
      %dma_start3A_144 = arith.constant 0 : i32
      %dma_start3A_145 = tpu.memref_slice %arg5[%add3A_137, %dma_start3A_144] : memref<40x128xi32, #tpu.memory_space<vmem>> -> memref<1x128xi32, #tpu.memory_space<vmem>>
      %dma_start3A_146 = tpu.memref_squeeze %dma_start3A_145 : memref<1x128xi32, #tpu.memory_space<vmem>> -> memref<128xi32, #tpu.memory_space<vmem>>
      %dma_start3A_147 = arith.constant 0 : i32
      %dma_start3A_148 = arith.constant 0 : i32
      %dma_start3A_149 = tpu.memref_slice %arg2[%dma_start3A_147, %dma_start3A_148] : memref<10000x16xf32, #tpu.memory_space<hbm>> -> memref<10000x16xf32, #tpu.memory_space<hbm>>
      tpu.enqueue_indirect_dma source(%dma_start3A_149 : memref<10000x16xf32, #tpu.memory_space<hbm>>) target(%dma_start3A_143 : memref<128x16xf32, #tpu.memory_space<vmem>>) offsets(%dma_start3A_146 : memref<128xi32, #tpu.memory_space<vmem>>) semaphore(%arg7 : memref<!tpu.dma_semaphore, #tpu.memory_space<semaphore_mem>>)
      %add3A_150 = arith.constant 10 : i32
      %add3A_151 = arith.addi %mul3A_10, %add3A_150 : i32
      %add3A_152 = arith.constant 10 : i32
      %add3A_153 = arith.addi %mul3A_10, %add3A_152 : i32
      %mul3A_154 = arith.constant 128 : i32
      %mul3A_155 = arith.muli %add3A_153, %mul3A_154 : i32
      %dma_start3A_156 = arith.constant 0 : i32
      %dma_start3A_157 = tpu.memref_slice %arg6[%mul3A_155, %dma_start3A_156] : memref<5120x16xf32, #tpu.memory_space<vmem>> -> memref<128x16xf32, #tpu.memory_space<vmem>>
      %dma_start3A_158 = arith.constant 0 : i32
      %dma_start3A_159 = tpu.memref_slice %arg5[%add3A_151, %dma_start3A_158] : memref<40x128xi32, #tpu.memory_space<vmem>> -> memref<1x128xi32, #tpu.memory_space<vmem>>
      %dma_start3A_160 = tpu.memref_squeeze %dma_start3A_159 : memref<1x128xi32, #tpu.memory_space<vmem>> -> memref<128xi32, #tpu.memory_space<vmem>>
      %dma_start3A_161 = arith.constant 0 : i32
      %dma_start3A_162 = arith.constant 0 : i32
      %dma_start3A_163 = tpu.memref_slice %arg2[%dma_start3A_161, %dma_start3A_162] : memref<10000x16xf32, #tpu.memory_space<hbm>> -> memref<10000x16xf32, #tpu.memory_space<hbm>>
      tpu.enqueue_indirect_dma source(%dma_start3A_163 : memref<10000x16xf32, #tpu.memory_space<hbm>>) target(%dma_start3A_157 : memref<128x16xf32, #tpu.memory_space<vmem>>) offsets(%dma_start3A_160 : memref<128xi32, #tpu.memory_space<vmem>>) semaphore(%arg7 : memref<!tpu.dma_semaphore, #tpu.memory_space<semaphore_mem>>)
      %add3A_164 = arith.constant 11 : i32
      %add3A_165 = arith.addi %mul3A_10, %add3A_164 : i32
      %add3A_166 = arith.constant 11 : i32
      %add3A_167 = arith.addi %mul3A_10, %add3A_166 : i32
      %mul3A_168 = arith.constant 128 : i32
      %mul3A_169 = arith.muli %add3A_167, %mul3A_168 : i32
      %dma_start3A_170 = arith.constant 0 : i32
      %dma_start3A_171 = tpu.memref_slice %arg6[%mul3A_169, %dma_start3A_170] : memref<5120x16xf32, #tpu.memory_space<vmem>> -> memref<128x16xf32, #tpu.memory_space<vmem>>
      %dma_start3A_172 = arith.constant 0 : i32
      %dma_start3A_173 = tpu.memref_slice %arg5[%add3A_165, %dma_start3A_172] : memref<40x128xi32, #tpu.memory_space<vmem>> -> memref<1x128xi32, #tpu.memory_space<vmem>>
      %dma_start3A_174 = tpu.memref_squeeze %dma_start3A_173 : memref<1x128xi32, #tpu.memory_space<vmem>> -> memref<128xi32, #tpu.memory_space<vmem>>
      %dma_start3A_175 = arith.constant 0 : i32
      %dma_start3A_176 = arith.constant 0 : i32
      %dma_start3A_177 = tpu.memref_slice %arg2[%dma_start3A_175, %dma_start3A_176] : memref<10000x16xf32, #tpu.memory_space<hbm>> -> memref<10000x16xf32, #tpu.memory_space<hbm>>
      tpu.enqueue_indirect_dma source(%dma_start3A_177 : memref<10000x16xf32, #tpu.memory_space<hbm>>) target(%dma_start3A_171 : memref<128x16xf32, #tpu.memory_space<vmem>>) offsets(%dma_start3A_174 : memref<128xi32, #tpu.memory_space<vmem>>) semaphore(%arg7 : memref<!tpu.dma_semaphore, #tpu.memory_space<semaphore_mem>>)
      %add3A_178 = arith.constant 12 : i32
      %add3A_179 = arith.addi %mul3A_10, %add3A_178 : i32
      %add3A_180 = arith.constant 12 : i32
      %add3A_181 = arith.addi %mul3A_10, %add3A_180 : i32
      %mul3A_182 = arith.constant 128 : i32
      %mul3A_183 = arith.muli %add3A_181, %mul3A_182 : i32
      %dma_start3A_184 = arith.constant 0 : i32
      %dma_start3A_185 = tpu.memref_slice %arg6[%mul3A_183, %dma_start3A_184] : memref<5120x16xf32, #tpu.memory_space<vmem>> -> memref<128x16xf32, #tpu.memory_space<vmem>>
      %dma_start3A_186 = arith.constant 0 : i32
      %dma_start3A_187 = tpu.memref_slice %arg5[%add3A_179, %dma_start3A_186] : memref<40x128xi32, #tpu.memory_space<vmem>> -> memref<1x128xi32, #tpu.memory_space<vmem>>
      %dma_start3A_188 = tpu.memref_squeeze %dma_start3A_187 : memref<1x128xi32, #tpu.memory_space<vmem>> -> memref<128xi32, #tpu.memory_space<vmem>>
      %dma_start3A_189 = arith.constant 0 : i32
      %dma_start3A_190 = arith.constant 0 : i32
      %dma_start3A_191 = tpu.memref_slice %arg2[%dma_start3A_189, %dma_start3A_190] : memref<10000x16xf32, #tpu.memory_space<hbm>> -> memref<10000x16xf32, #tpu.memory_space<hbm>>
      tpu.enqueue_indirect_dma source(%dma_start3A_191 : memref<10000x16xf32, #tpu.memory_space<hbm>>) target(%dma_start3A_185 : memref<128x16xf32, #tpu.memory_space<vmem>>) offsets(%dma_start3A_188 : memref<128xi32, #tpu.memory_space<vmem>>) semaphore(%arg7 : memref<!tpu.dma_semaphore, #tpu.memory_space<semaphore_mem>>)
      %add3A_192 = arith.constant 13 : i32
      %add3A_193 = arith.addi %mul3A_10, %add3A_192 : i32
      %add3A_194 = arith.constant 13 : i32
      %add3A_195 = arith.addi %mul3A_10, %add3A_194 : i32
      %mul3A_196 = arith.constant 128 : i32
      %mul3A_197 = arith.muli %add3A_195, %mul3A_196 : i32
      %dma_start3A_198 = arith.constant 0 : i32
      %dma_start3A_199 = tpu.memref_slice %arg6[%mul3A_197, %dma_start3A_198] : memref<5120x16xf32, #tpu.memory_space<vmem>> -> memref<128x16xf32, #tpu.memory_space<vmem>>
      %dma_start3A_200 = arith.constant 0 : i32
      %dma_start3A_201 = tpu.memref_slice %arg5[%add3A_193, %dma_start3A_200] : memref<40x128xi32, #tpu.memory_space<vmem>> -> memref<1x128xi32, #tpu.memory_space<vmem>>
      %dma_start3A_202 = tpu.memref_squeeze %dma_start3A_201 : memref<1x128xi32, #tpu.memory_space<vmem>> -> memref<128xi32, #tpu.memory_space<vmem>>
      %dma_start3A_203 = arith.constant 0 : i32
      %dma_start3A_204 = arith.constant 0 : i32
      %dma_start3A_205 = tpu.memref_slice %arg2[%dma_start3A_203, %dma_start3A_204] : memref<10000x16xf32, #tpu.memory_space<hbm>> -> memref<10000x16xf32, #tpu.memory_space<hbm>>
      tpu.enqueue_indirect_dma source(%dma_start3A_205 : memref<10000x16xf32, #tpu.memory_space<hbm>>) target(%dma_start3A_199 : memref<128x16xf32, #tpu.memory_space<vmem>>) offsets(%dma_start3A_202 : memref<128xi32, #tpu.memory_space<vmem>>) semaphore(%arg7 : memref<!tpu.dma_semaphore, #tpu.memory_space<semaphore_mem>>)
      %add3A_206 = arith.constant 14 : i32
      %add3A_207 = arith.addi %mul3A_10, %add3A_206 : i32
      %add3A_208 = arith.constant 14 : i32
      %add3A_209 = arith.addi %mul3A_10, %add3A_208 : i32
      %mul3A_210 = arith.constant 128 : i32
      %mul3A_211 = arith.muli %add3A_209, %mul3A_210 : i32
      %dma_start3A_212 = arith.constant 0 : i32
      %dma_start3A_213 = tpu.memref_slice %arg6[%mul3A_211, %dma_start3A_212] : memref<5120x16xf32, #tpu.memory_space<vmem>> -> memref<128x16xf32, #tpu.memory_space<vmem>>
      %dma_start3A_214 = arith.constant 0 : i32
      %dma_start3A_215 = tpu.memref_slice %arg5[%add3A_207, %dma_start3A_214] : memref<40x128xi32, #tpu.memory_space<vmem>> -> memref<1x128xi32, #tpu.memory_space<vmem>>
      %dma_start3A_216 = tpu.memref_squeeze %dma_start3A_215 : memref<1x128xi32, #tpu.memory_space<vmem>> -> memref<128xi32, #tpu.memory_space<vmem>>
      %dma_start3A_217 = arith.constant 0 : i32
      %dma_start3A_218 = arith.constant 0 : i32
      %dma_start3A_219 = tpu.memref_slice %arg2[%dma_start3A_217, %dma_start3A_218] : memref<10000x16xf32, #tpu.memory_space<hbm>> -> memref<10000x16xf32, #tpu.memory_space<hbm>>
      tpu.enqueue_indirect_dma source(%dma_start3A_219 : memref<10000x16xf32, #tpu.memory_space<hbm>>) target(%dma_start3A_213 : memref<128x16xf32, #tpu.memory_space<vmem>>) offsets(%dma_start3A_216 : memref<128xi32, #tpu.memory_space<vmem>>) semaphore(%arg7 : memref<!tpu.dma_semaphore, #tpu.memory_space<semaphore_mem>>)
      %add3A_220 = arith.constant 15 : i32
      %add3A_221 = arith.addi %mul3A_10, %add3A_220 : i32
      %add3A_222 = arith.constant 15 : i32
      %add3A_223 = arith.addi %mul3A_10, %add3A_222 : i32
      %mul3A_224 = arith.constant 128 : i32
      %mul3A_225 = arith.muli %add3A_223, %mul3A_224 : i32
      %dma_start3A_226 = arith.constant 0 : i32
      %dma_start3A_227 = tpu.memref_slice %arg6[%mul3A_225, %dma_start3A_226] : memref<5120x16xf32, #tpu.memory_space<vmem>> -> memref<128x16xf32, #tpu.memory_space<vmem>>
      %dma_start3A_228 = arith.constant 0 : i32
      %dma_start3A_229 = tpu.memref_slice %arg5[%add3A_221, %dma_start3A_228] : memref<40x128xi32, #tpu.memory_space<vmem>> -> memref<1x128xi32, #tpu.memory_space<vmem>>
      %dma_start3A_230 = tpu.memref_squeeze %dma_start3A_229 : memref<1x128xi32, #tpu.memory_space<vmem>> -> memref<128xi32, #tpu.memory_space<vmem>>
      %dma_start3A_231 = arith.constant 0 : i32
      %dma_start3A_232 = arith.constant 0 : i32
      %dma_start3A_233 = tpu.memref_slice %arg2[%dma_start3A_231, %dma_start3A_232] : memref<10000x16xf32, #tpu.memory_space<hbm>> -> memref<10000x16xf32, #tpu.memory_space<hbm>>
      tpu.enqueue_indirect_dma source(%dma_start3A_233 : memref<10000x16xf32, #tpu.memory_space<hbm>>) target(%dma_start3A_227 : memref<128x16xf32, #tpu.memory_space<vmem>>) offsets(%dma_start3A_230 : memref<128xi32, #tpu.memory_space<vmem>>) semaphore(%arg7 : memref<!tpu.dma_semaphore, #tpu.memory_space<semaphore_mem>>)
      %add3A_234 = arith.constant 16 : i32
      %add3A_235 = arith.addi %mul3A_10, %add3A_234 : i32
      %add3A_236 = arith.constant 16 : i32
      %add3A_237 = arith.addi %mul3A_10, %add3A_236 : i32
      %mul3A_238 = arith.constant 128 : i32
      %mul3A_239 = arith.muli %add3A_237, %mul3A_238 : i32
      %dma_start3A_240 = arith.constant 0 : i32
      %dma_start3A_241 = tpu.memref_slice %arg6[%mul3A_239, %dma_start3A_240] : memref<5120x16xf32, #tpu.memory_space<vmem>> -> memref<128x16xf32, #tpu.memory_space<vmem>>
      %dma_start3A_242 = arith.constant 0 : i32
      %dma_start3A_243 = tpu.memref_slice %arg5[%add3A_235, %dma_start3A_242] : memref<40x128xi32, #tpu.memory_space<vmem>> -> memref<1x128xi32, #tpu.memory_space<vmem>>
      %dma_start3A_244 = tpu.memref_squeeze %dma_start3A_243 : memref<1x128xi32, #tpu.memory_space<vmem>> -> memref<128xi32, #tpu.memory_space<vmem>>
      %dma_start3A_245 = arith.constant 0 : i32
      %dma_start3A_246 = arith.constant 0 : i32
      %dma_start3A_247 = tpu.memref_slice %arg2[%dma_start3A_245, %dma_start3A_246] : memref<10000x16xf32, #tpu.memory_space<hbm>> -> memref<10000x16xf32, #tpu.memory_space<hbm>>
      tpu.enqueue_indirect_dma source(%dma_start3A_247 : memref<10000x16xf32, #tpu.memory_space<hbm>>) target(%dma_start3A_241 : memref<128x16xf32, #tpu.memory_space<vmem>>) offsets(%dma_start3A_244 : memref<128xi32, #tpu.memory_space<vmem>>) semaphore(%arg7 : memref<!tpu.dma_semaphore, #tpu.memory_space<semaphore_mem>>)
      %add3A_248 = arith.constant 17 : i32
      %add3A_249 = arith.addi %mul3A_10, %add3A_248 : i32
      %add3A_250 = arith.constant 17 : i32
      %add3A_251 = arith.addi %mul3A_10, %add3A_250 : i32
      %mul3A_252 = arith.constant 128 : i32
      %mul3A_253 = arith.muli %add3A_251, %mul3A_252 : i32
      %dma_start3A_254 = arith.constant 0 : i32
      %dma_start3A_255 = tpu.memref_slice %arg6[%mul3A_253, %dma_start3A_254] : memref<5120x16xf32, #tpu.memory_space<vmem>> -> memref<128x16xf32, #tpu.memory_space<vmem>>
      %dma_start3A_256 = arith.constant 0 : i32
      %dma_start3A_257 = tpu.memref_slice %arg5[%add3A_249, %dma_start3A_256] : memref<40x128xi32, #tpu.memory_space<vmem>> -> memref<1x128xi32, #tpu.memory_space<vmem>>
      %dma_start3A_258 = tpu.memref_squeeze %dma_start3A_257 : memref<1x128xi32, #tpu.memory_space<vmem>> -> memref<128xi32, #tpu.memory_space<vmem>>
      %dma_start3A_259 = arith.constant 0 : i32
      %dma_start3A_260 = arith.constant 0 : i32
      %dma_start3A_261 = tpu.memref_slice %arg2[%dma_start3A_259, %dma_start3A_260] : memref<10000x16xf32, #tpu.memory_space<hbm>> -> memref<10000x16xf32, #tpu.memory_space<hbm>>
      tpu.enqueue_indirect_dma source(%dma_start3A_261 : memref<10000x16xf32, #tpu.memory_space<hbm>>) target(%dma_start3A_255 : memref<128x16xf32, #tpu.memory_space<vmem>>) offsets(%dma_start3A_258 : memref<128xi32, #tpu.memory_space<vmem>>) semaphore(%arg7 : memref<!tpu.dma_semaphore, #tpu.memory_space<semaphore_mem>>)
      %add3A_262 = arith.constant 18 : i32
      %add3A_263 = arith.addi %mul3A_10, %add3A_262 : i32
      %add3A_264 = arith.constant 18 : i32
      %add3A_265 = arith.addi %mul3A_10, %add3A_264 : i32
      %mul3A_266 = arith.constant 128 : i32
      %mul3A_267 = arith.muli %add3A_265, %mul3A_266 : i32
      %dma_start3A_268 = arith.constant 0 : i32
      %dma_start3A_269 = tpu.memref_slice %arg6[%mul3A_267, %dma_start3A_268] : memref<5120x16xf32, #tpu.memory_space<vmem>> -> memref<128x16xf32, #tpu.memory_space<vmem>>
      %dma_start3A_270 = arith.constant 0 : i32
      %dma_start3A_271 = tpu.memref_slice %arg5[%add3A_263, %dma_start3A_270] : memref<40x128xi32, #tpu.memory_space<vmem>> -> memref<1x128xi32, #tpu.memory_space<vmem>>
      %dma_start3A_272 = tpu.memref_squeeze %dma_start3A_271 : memref<1x128xi32, #tpu.memory_space<vmem>> -> memref<128xi32, #tpu.memory_space<vmem>>
      %dma_start3A_273 = arith.constant 0 : i32
      %dma_start3A_274 = arith.constant 0 : i32
      %dma_start3A_275 = tpu.memref_slice %arg2[%dma_start3A_273, %dma_start3A_274] : memref<10000x16xf32, #tpu.memory_space<hbm>> -> memref<10000x16xf32, #tpu.memory_space<hbm>>
      tpu.enqueue_indirect_dma source(%dma_start3A_275 : memref<10000x16xf32, #tpu.memory_space<hbm>>) target(%dma_start3A_269 : memref<128x16xf32, #tpu.memory_space<vmem>>) offsets(%dma_start3A_272 : memref<128xi32, #tpu.memory_space<vmem>>) semaphore(%arg7 : memref<!tpu.dma_semaphore, #tpu.memory_space<semaphore_mem>>)
      %add3A_276 = arith.constant 19 : i32
      %add3A_277 = arith.addi %mul3A_10, %add3A_276 : i32
      %add3A_278 = arith.constant 19 : i32
      %add3A_279 = arith.addi %mul3A_10, %add3A_278 : i32
      %mul3A_280 = arith.constant 128 : i32
      %mul3A_281 = arith.muli %add3A_279, %mul3A_280 : i32
      %dma_start3A_282 = arith.constant 0 : i32
      %dma_start3A_283 = tpu.memref_slice %arg6[%mul3A_281, %dma_start3A_282] : memref<5120x16xf32, #tpu.memory_space<vmem>> -> memref<128x16xf32, #tpu.memory_space<vmem>>
      %dma_start3A_284 = arith.constant 0 : i32
      %dma_start3A_285 = tpu.memref_slice %arg5[%add3A_277, %dma_start3A_284] : memref<40x128xi32, #tpu.memory_space<vmem>> -> memref<1x128xi32, #tpu.memory_space<vmem>>
      %dma_start3A_286 = tpu.memref_squeeze %dma_start3A_285 : memref<1x128xi32, #tpu.memory_space<vmem>> -> memref<128xi32, #tpu.memory_space<vmem>>
      %dma_start3A_287 = arith.constant 0 : i32
      %dma_start3A_288 = arith.constant 0 : i32
      %dma_start3A_289 = tpu.memref_slice %arg2[%dma_start3A_287, %dma_start3A_288] : memref<10000x16xf32, #tpu.memory_space<hbm>> -> memref<10000x16xf32, #tpu.memory_space<hbm>>
      tpu.enqueue_indirect_dma source(%dma_start3A_289 : memref<10000x16xf32, #tpu.memory_space<hbm>>) target(%dma_start3A_283 : memref<128x16xf32, #tpu.memory_space<vmem>>) offsets(%dma_start3A_286 : memref<128xi32, #tpu.memory_space<vmem>>) semaphore(%arg7 : memref<!tpu.dma_semaphore, #tpu.memory_space<semaphore_mem>>)
      %dma_wait3A = arith.constant 0 : i32
      %dma_wait3A_290 = tpu.memref_slice %arg6[%mul3A_16, %dma_wait3A] : memref<5120x16xf32, #tpu.memory_space<vmem>> -> memref<128x16xf32, #tpu.memory_space<vmem>>
      %dma_wait3A_291 = arith.constant 0 : i32
      %dma_wait3A_292 = tpu.memref_slice %arg5[%add3A_12, %dma_wait3A_291] : memref<40x128xi32, #tpu.memory_space<vmem>> -> memref<1x128xi32, #tpu.memory_space<vmem>>
      %dma_wait3A_293 = tpu.memref_squeeze %dma_wait3A_292 : memref<1x128xi32, #tpu.memory_space<vmem>> -> memref<128xi32, #tpu.memory_space<vmem>>
      %dma_wait3A_294 = arith.constant 0 : i32
      %dma_wait3A_295 = arith.constant 0 : i32
      %dma_wait3A_296 = tpu.memref_slice %arg2[%dma_wait3A_294, %dma_wait3A_295] : memref<10000x16xf32, #tpu.memory_space<hbm>> -> memref<10000x16xf32, #tpu.memory_space<hbm>>
      tpu.wait_indirect_dma semaphore(%arg7 : memref<!tpu.dma_semaphore, #tpu.memory_space<semaphore_mem>>) src(%dma_wait3A_296 : memref<10000x16xf32, #tpu.memory_space<hbm>>) dst(%dma_wait3A_290 : memref<128x16xf32, #tpu.memory_space<vmem>>)
      %dma_wait3A_297 = arith.constant 0 : i32
      %dma_wait3A_298 = tpu.memref_slice %arg6[%mul3A_29, %dma_wait3A_297] : memref<5120x16xf32, #tpu.memory_space<vmem>> -> memref<128x16xf32, #tpu.memory_space<vmem>>
      %dma_wait3A_299 = arith.constant 0 : i32
      %dma_wait3A_300 = tpu.memref_slice %arg5[%add3A_25, %dma_wait3A_299] : memref<40x128xi32, #tpu.memory_space<vmem>> -> memref<1x128xi32, #tpu.memory_space<vmem>>
      %dma_wait3A_301 = tpu.memref_squeeze %dma_wait3A_300 : memref<1x128xi32, #tpu.memory_space<vmem>> -> memref<128xi32, #tpu.memory_space<vmem>>
      %dma_wait3A_302 = arith.constant 0 : i32
      %dma_wait3A_303 = arith.constant 0 : i32
      %dma_wait3A_304 = tpu.memref_slice %arg2[%dma_wait3A_302, %dma_wait3A_303] : memref<10000x16xf32, #tpu.memory_space<hbm>> -> memref<10000x16xf32, #tpu.memory_space<hbm>>
      tpu.wait_indirect_dma semaphore(%arg7 : memref<!tpu.dma_semaphore, #tpu.memory_space<semaphore_mem>>) src(%dma_wait3A_304 : memref<10000x16xf32, #tpu.memory_space<hbm>>) dst(%dma_wait3A_298 : memref<128x16xf32, #tpu.memory_space<vmem>>)
      %dma_wait3A_305 = arith.constant 0 : i32
      %dma_wait3A_306 = tpu.memref_slice %arg6[%mul3A_43, %dma_wait3A_305] : memref<5120x16xf32, #tpu.memory_space<vmem>> -> memref<128x16xf32, #tpu.memory_space<vmem>>
      %dma_wait3A_307 = arith.constant 0 : i32
      %dma_wait3A_308 = tpu.memref_slice %arg5[%add3A_39, %dma_wait3A_307] : memref<40x128xi32, #tpu.memory_space<vmem>> -> memref<1x128xi32, #tpu.memory_space<vmem>>
      %dma_wait3A_309 = tpu.memref_squeeze %dma_wait3A_308 : memref<1x128xi32, #tpu.memory_space<vmem>> -> memref<128xi32, #tpu.memory_space<vmem>>
      %dma_wait3A_310 = arith.constant 0 : i32
      %dma_wait3A_311 = arith.constant 0 : i32
      %dma_wait3A_312 = tpu.memref_slice %arg2[%dma_wait3A_310, %dma_wait3A_311] : memref<10000x16xf32, #tpu.memory_space<hbm>> -> memref<10000x16xf32, #tpu.memory_space<hbm>>
      tpu.wait_indirect_dma semaphore(%arg7 : memref<!tpu.dma_semaphore, #tpu.memory_space<semaphore_mem>>) src(%dma_wait3A_312 : memref<10000x16xf32, #tpu.memory_space<hbm>>) dst(%dma_wait3A_306 : memref<128x16xf32, #tpu.memory_space<vmem>>)
      %dma_wait3A_313 = arith.constant 0 : i32
      %dma_wait3A_314 = tpu.memref_slice %arg6[%mul3A_57, %dma_wait3A_313] : memref<5120x16xf32, #tpu.memory_space<vmem>> -> memref<128x16xf32, #tpu.memory_space<vmem>>
      %dma_wait3A_315 = arith.constant 0 : i32
      %dma_wait3A_316 = tpu.memref_slice %arg5[%add3A_53, %dma_wait3A_315] : memref<40x128xi32, #tpu.memory_space<vmem>> -> memref<1x128xi32, #tpu.memory_space<vmem>>
      %dma_wait3A_317 = tpu.memref_squeeze %dma_wait3A_316 : memref<1x128xi32, #tpu.memory_space<vmem>> -> memref<128xi32, #tpu.memory_space<vmem>>
      %dma_wait3A_318 = arith.constant 0 : i32
      %dma_wait3A_319 = arith.constant 0 : i32
      %dma_wait3A_320 = tpu.memref_slice %arg2[%dma_wait3A_318, %dma_wait3A_319] : memref<10000x16xf32, #tpu.memory_space<hbm>> -> memref<10000x16xf32, #tpu.memory_space<hbm>>
      tpu.wait_indirect_dma semaphore(%arg7 : memref<!tpu.dma_semaphore, #tpu.memory_space<semaphore_mem>>) src(%dma_wait3A_320 : memref<10000x16xf32, #tpu.memory_space<hbm>>) dst(%dma_wait3A_314 : memref<128x16xf32, #tpu.memory_space<vmem>>)
      %dma_wait3A_321 = arith.constant 0 : i32
      %dma_wait3A_322 = tpu.memref_slice %arg6[%mul3A_71, %dma_wait3A_321] : memref<5120x16xf32, #tpu.memory_space<vmem>> -> memref<128x16xf32, #tpu.memory_space<vmem>>
      %dma_wait3A_323 = arith.constant 0 : i32
      %dma_wait3A_324 = tpu.memref_slice %arg5[%add3A_67, %dma_wait3A_323] : memref<40x128xi32, #tpu.memory_space<vmem>> -> memref<1x128xi32, #tpu.memory_space<vmem>>
      %dma_wait3A_325 = tpu.memref_squeeze %dma_wait3A_324 : memref<1x128xi32, #tpu.memory_space<vmem>> -> memref<128xi32, #tpu.memory_space<vmem>>
      %dma_wait3A_326 = arith.constant 0 : i32
      %dma_wait3A_327 = arith.constant 0 : i32
      %dma_wait3A_328 = tpu.memref_slice %arg2[%dma_wait3A_326, %dma_wait3A_327] : memref<10000x16xf32, #tpu.memory_space<hbm>> -> memref<10000x16xf32, #tpu.memory_space<hbm>>
      tpu.wait_indirect_dma semaphore(%arg7 : memref<!tpu.dma_semaphore, #tpu.memory_space<semaphore_mem>>) src(%dma_wait3A_328 : memref<10000x16xf32, #tpu.memory_space<hbm>>) dst(%dma_wait3A_322 : memref<128x16xf32, #tpu.memory_space<vmem>>)
      %dma_wait3A_329 = arith.constant 0 : i32
      %dma_wait3A_330 = tpu.memref_slice %arg6[%mul3A_85, %dma_wait3A_329] : memref<5120x16xf32, #tpu.memory_space<vmem>> -> memref<128x16xf32, #tpu.memory_space<vmem>>
      %dma_wait3A_331 = arith.constant 0 : i32
      %dma_wait3A_332 = tpu.memref_slice %arg5[%add3A_81, %dma_wait3A_331] : memref<40x128xi32, #tpu.memory_space<vmem>> -> memref<1x128xi32, #tpu.memory_space<vmem>>
      %dma_wait3A_333 = tpu.memref_squeeze %dma_wait3A_332 : memref<1x128xi32, #tpu.memory_space<vmem>> -> memref<128xi32, #tpu.memory_space<vmem>>
      %dma_wait3A_334 = arith.constant 0 : i32
      %dma_wait3A_335 = arith.constant 0 : i32
      %dma_wait3A_336 = tpu.memref_slice %arg2[%dma_wait3A_334, %dma_wait3A_335] : memref<10000x16xf32, #tpu.memory_space<hbm>> -> memref<10000x16xf32, #tpu.memory_space<hbm>>
      tpu.wait_indirect_dma semaphore(%arg7 : memref<!tpu.dma_semaphore, #tpu.memory_space<semaphore_mem>>) src(%dma_wait3A_336 : memref<10000x16xf32, #tpu.memory_space<hbm>>) dst(%dma_wait3A_330 : memref<128x16xf32, #tpu.memory_space<vmem>>)
      %dma_wait3A_337 = arith.constant 0 : i32
      %dma_wait3A_338 = tpu.memref_slice %arg6[%mul3A_99, %dma_wait3A_337] : memref<5120x16xf32, #tpu.memory_space<vmem>> -> memref<128x16xf32, #tpu.memory_space<vmem>>
      %dma_wait3A_339 = arith.constant 0 : i32
      %dma_wait3A_340 = tpu.memref_slice %arg5[%add3A_95, %dma_wait3A_339] : memref<40x128xi32, #tpu.memory_space<vmem>> -> memref<1x128xi32, #tpu.memory_space<vmem>>
      %dma_wait3A_341 = tpu.memref_squeeze %dma_wait3A_340 : memref<1x128xi32, #tpu.memory_space<vmem>> -> memref<128xi32, #tpu.memory_space<vmem>>
      %dma_wait3A_342 = arith.constant 0 : i32
      %dma_wait3A_343 = arith.constant 0 : i32
      %dma_wait3A_344 = tpu.memref_slice %arg2[%dma_wait3A_342, %dma_wait3A_343] : memref<10000x16xf32, #tpu.memory_space<hbm>> -> memref<10000x16xf32, #tpu.memory_space<hbm>>
      tpu.wait_indirect_dma semaphore(%arg7 : memref<!tpu.dma_semaphore, #tpu.memory_space<semaphore_mem>>) src(%dma_wait3A_344 : memref<10000x16xf32, #tpu.memory_space<hbm>>) dst(%dma_wait3A_338 : memref<128x16xf32, #tpu.memory_space<vmem>>)
      %dma_wait3A_345 = arith.constant 0 : i32
      %dma_wait3A_346 = tpu.memref_slice %arg6[%mul3A_113, %dma_wait3A_345] : memref<5120x16xf32, #tpu.memory_space<vmem>> -> memref<128x16xf32, #tpu.memory_space<vmem>>
      %dma_wait3A_347 = arith.constant 0 : i32
      %dma_wait3A_348 = tpu.memref_slice %arg5[%add3A_109, %dma_wait3A_347] : memref<40x128xi32, #tpu.memory_space<vmem>> -> memref<1x128xi32, #tpu.memory_space<vmem>>
      %dma_wait3A_349 = tpu.memref_squeeze %dma_wait3A_348 : memref<1x128xi32, #tpu.memory_space<vmem>> -> memref<128xi32, #tpu.memory_space<vmem>>
      %dma_wait3A_350 = arith.constant 0 : i32
      %dma_wait3A_351 = arith.constant 0 : i32
      %dma_wait3A_352 = tpu.memref_slice %arg2[%dma_wait3A_350, %dma_wait3A_351] : memref<10000x16xf32, #tpu.memory_space<hbm>> -> memref<10000x16xf32, #tpu.memory_space<hbm>>
      tpu.wait_indirect_dma semaphore(%arg7 : memref<!tpu.dma_semaphore, #tpu.memory_space<semaphore_mem>>) src(%dma_wait3A_352 : memref<10000x16xf32, #tpu.memory_space<hbm>>) dst(%dma_wait3A_346 : memref<128x16xf32, #tpu.memory_space<vmem>>)
      %dma_wait3A_353 = arith.constant 0 : i32
      %dma_wait3A_354 = tpu.memref_slice %arg6[%mul3A_127, %dma_wait3A_353] : memref<5120x16xf32, #tpu.memory_space<vmem>> -> memref<128x16xf32, #tpu.memory_space<vmem>>
      %dma_wait3A_355 = arith.constant 0 : i32
      %dma_wait3A_356 = tpu.memref_slice %arg5[%add3A_123, %dma_wait3A_355] : memref<40x128xi32, #tpu.memory_space<vmem>> -> memref<1x128xi32, #tpu.memory_space<vmem>>
      %dma_wait3A_357 = tpu.memref_squeeze %dma_wait3A_356 : memref<1x128xi32, #tpu.memory_space<vmem>> -> memref<128xi32, #tpu.memory_space<vmem>>
      %dma_wait3A_358 = arith.constant 0 : i32
      %dma_wait3A_359 = arith.constant 0 : i32
      %dma_wait3A_360 = tpu.memref_slice %arg2[%dma_wait3A_358, %dma_wait3A_359] : memref<10000x16xf32, #tpu.memory_space<hbm>> -> memref<10000x16xf32, #tpu.memory_space<hbm>>
      tpu.wait_indirect_dma semaphore(%arg7 : memref<!tpu.dma_semaphore, #tpu.memory_space<semaphore_mem>>) src(%dma_wait3A_360 : memref<10000x16xf32, #tpu.memory_space<hbm>>) dst(%dma_wait3A_354 : memref<128x16xf32, #tpu.memory_space<vmem>>)
      %dma_wait3A_361 = arith.constant 0 : i32
      %dma_wait3A_362 = tpu.memref_slice %arg6[%mul3A_141, %dma_wait3A_361] : memref<5120x16xf32, #tpu.memory_space<vmem>> -> memref<128x16xf32, #tpu.memory_space<vmem>>
      %dma_wait3A_363 = arith.constant 0 : i32
      %dma_wait3A_364 = tpu.memref_slice %arg5[%add3A_137, %dma_wait3A_363] : memref<40x128xi32, #tpu.memory_space<vmem>> -> memref<1x128xi32, #tpu.memory_space<vmem>>
      %dma_wait3A_365 = tpu.memref_squeeze %dma_wait3A_364 : memref<1x128xi32, #tpu.memory_space<vmem>> -> memref<128xi32, #tpu.memory_space<vmem>>
      %dma_wait3A_366 = arith.constant 0 : i32
      %dma_wait3A_367 = arith.constant 0 : i32
      %dma_wait3A_368 = tpu.memref_slice %arg2[%dma_wait3A_366, %dma_wait3A_367] : memref<10000x16xf32, #tpu.memory_space<hbm>> -> memref<10000x16xf32, #tpu.memory_space<hbm>>
      tpu.wait_indirect_dma semaphore(%arg7 : memref<!tpu.dma_semaphore, #tpu.memory_space<semaphore_mem>>) src(%dma_wait3A_368 : memref<10000x16xf32, #tpu.memory_space<hbm>>) dst(%dma_wait3A_362 : memref<128x16xf32, #tpu.memory_space<vmem>>)
      %dma_wait3A_369 = arith.constant 0 : i32
      %dma_wait3A_370 = tpu.memref_slice %arg6[%mul3A_155, %dma_wait3A_369] : memref<5120x16xf32, #tpu.memory_space<vmem>> -> memref<128x16xf32, #tpu.memory_space<vmem>>
      %dma_wait3A_371 = arith.constant 0 : i32
      %dma_wait3A_372 = tpu.memref_slice %arg5[%add3A_151, %dma_wait3A_371] : memref<40x128xi32, #tpu.memory_space<vmem>> -> memref<1x128xi32, #tpu.memory_space<vmem>>
      %dma_wait3A_373 = tpu.memref_squeeze %dma_wait3A_372 : memref<1x128xi32, #tpu.memory_space<vmem>> -> memref<128xi32, #tpu.memory_space<vmem>>
      %dma_wait3A_374 = arith.constant 0 : i32
      %dma_wait3A_375 = arith.constant 0 : i32
      %dma_wait3A_376 = tpu.memref_slice %arg2[%dma_wait3A_374, %dma_wait3A_375] : memref<10000x16xf32, #tpu.memory_space<hbm>> -> memref<10000x16xf32, #tpu.memory_space<hbm>>
      tpu.wait_indirect_dma semaphore(%arg7 : memref<!tpu.dma_semaphore, #tpu.memory_space<semaphore_mem>>) src(%dma_wait3A_376 : memref<10000x16xf32, #tpu.memory_space<hbm>>) dst(%dma_wait3A_370 : memref<128x16xf32, #tpu.memory_space<vmem>>)
      %dma_wait3A_377 = arith.constant 0 : i32
      %dma_wait3A_378 = tpu.memref_slice %arg6[%mul3A_169, %dma_wait3A_377] : memref<5120x16xf32, #tpu.memory_space<vmem>> -> memref<128x16xf32, #tpu.memory_space<vmem>>
      %dma_wait3A_379 = arith.constant 0 : i32
      %dma_wait3A_380 = tpu.memref_slice %arg5[%add3A_165, %dma_wait3A_379] : memref<40x128xi32, #tpu.memory_space<vmem>> -> memref<1x128xi32, #tpu.memory_space<vmem>>
      %dma_wait3A_381 = tpu.memref_squeeze %dma_wait3A_380 : memref<1x128xi32, #tpu.memory_space<vmem>> -> memref<128xi32, #tpu.memory_space<vmem>>
      %dma_wait3A_382 = arith.constant 0 : i32
      %dma_wait3A_383 = arith.constant 0 : i32
      %dma_wait3A_384 = tpu.memref_slice %arg2[%dma_wait3A_382, %dma_wait3A_383] : memref<10000x16xf32, #tpu.memory_space<hbm>> -> memref<10000x16xf32, #tpu.memory_space<hbm>>
      tpu.wait_indirect_dma semaphore(%arg7 : memref<!tpu.dma_semaphore, #tpu.memory_space<semaphore_mem>>) src(%dma_wait3A_384 : memref<10000x16xf32, #tpu.memory_space<hbm>>) dst(%dma_wait3A_378 : memref<128x16xf32, #tpu.memory_space<vmem>>)
      %dma_wait3A_385 = arith.constant 0 : i32
      %dma_wait3A_386 = tpu.memref_slice %arg6[%mul3A_183, %dma_wait3A_385] : memref<5120x16xf32, #tpu.memory_space<vmem>> -> memref<128x16xf32, #tpu.memory_space<vmem>>
      %dma_wait3A_387 = arith.constant 0 : i32
      %dma_wait3A_388 = tpu.memref_slice %arg5[%add3A_179, %dma_wait3A_387] : memref<40x128xi32, #tpu.memory_space<vmem>> -> memref<1x128xi32, #tpu.memory_space<vmem>>
      %dma_wait3A_389 = tpu.memref_squeeze %dma_wait3A_388 : memref<1x128xi32, #tpu.memory_space<vmem>> -> memref<128xi32, #tpu.memory_space<vmem>>
      %dma_wait3A_390 = arith.constant 0 : i32
      %dma_wait3A_391 = arith.constant 0 : i32
      %dma_wait3A_392 = tpu.memref_slice %arg2[%dma_wait3A_390, %dma_wait3A_391] : memref<10000x16xf32, #tpu.memory_space<hbm>> -> memref<10000x16xf32, #tpu.memory_space<hbm>>
      tpu.wait_indirect_dma semaphore(%arg7 : memref<!tpu.dma_semaphore, #tpu.memory_space<semaphore_mem>>) src(%dma_wait3A_392 : memref<10000x16xf32, #tpu.memory_space<hbm>>) dst(%dma_wait3A_386 : memref<128x16xf32, #tpu.memory_space<vmem>>)
      %dma_wait3A_393 = arith.constant 0 : i32
      %dma_wait3A_394 = tpu.memref_slice %arg6[%mul3A_197, %dma_wait3A_393] : memref<5120x16xf32, #tpu.memory_space<vmem>> -> memref<128x16xf32, #tpu.memory_space<vmem>>
      %dma_wait3A_395 = arith.constant 0 : i32
      %dma_wait3A_396 = tpu.memref_slice %arg5[%add3A_193, %dma_wait3A_395] : memref<40x128xi32, #tpu.memory_space<vmem>> -> memref<1x128xi32, #tpu.memory_space<vmem>>
      %dma_wait3A_397 = tpu.memref_squeeze %dma_wait3A_396 : memref<1x128xi32, #tpu.memory_space<vmem>> -> memref<128xi32, #tpu.memory_space<vmem>>
      %dma_wait3A_398 = arith.constant 0 : i32
      %dma_wait3A_399 = arith.constant 0 : i32
      %dma_wait3A_400 = tpu.memref_slice %arg2[%dma_wait3A_398, %dma_wait3A_399] : memref<10000x16xf32, #tpu.memory_space<hbm>> -> memref<10000x16xf32, #tpu.memory_space<hbm>>
      tpu.wait_indirect_dma semaphore(%arg7 : memref<!tpu.dma_semaphore, #tpu.memory_space<semaphore_mem>>) src(%dma_wait3A_400 : memref<10000x16xf32, #tpu.memory_space<hbm>>) dst(%dma_wait3A_394 : memref<128x16xf32, #tpu.memory_space<vmem>>)
      %dma_wait3A_401 = arith.constant 0 : i32
      %dma_wait3A_402 = tpu.memref_slice %arg6[%mul3A_211, %dma_wait3A_401] : memref<5120x16xf32, #tpu.memory_space<vmem>> -> memref<128x16xf32, #tpu.memory_space<vmem>>
      %dma_wait3A_403 = arith.constant 0 : i32
      %dma_wait3A_404 = tpu.memref_slice %arg5[%add3A_207, %dma_wait3A_403] : memref<40x128xi32, #tpu.memory_space<vmem>> -> memref<1x128xi32, #tpu.memory_space<vmem>>
      %dma_wait3A_405 = tpu.memref_squeeze %dma_wait3A_404 : memref<1x128xi32, #tpu.memory_space<vmem>> -> memref<128xi32, #tpu.memory_space<vmem>>
      %dma_wait3A_406 = arith.constant 0 : i32
      %dma_wait3A_407 = arith.constant 0 : i32
      %dma_wait3A_408 = tpu.memref_slice %arg2[%dma_wait3A_406, %dma_wait3A_407] : memref<10000x16xf32, #tpu.memory_space<hbm>> -> memref<10000x16xf32, #tpu.memory_space<hbm>>
      tpu.wait_indirect_dma semaphore(%arg7 : memref<!tpu.dma_semaphore, #tpu.memory_space<semaphore_mem>>) src(%dma_wait3A_408 : memref<10000x16xf32, #tpu.memory_space<hbm>>) dst(%dma_wait3A_402 : memref<128x16xf32, #tpu.memory_space<vmem>>)
      %dma_wait3A_409 = arith.constant 0 : i32
      %dma_wait3A_410 = tpu.memref_slice %arg6[%mul3A_225, %dma_wait3A_409] : memref<5120x16xf32, #tpu.memory_space<vmem>> -> memref<128x16xf32, #tpu.memory_space<vmem>>
      %dma_wait3A_411 = arith.constant 0 : i32
      %dma_wait3A_412 = tpu.memref_slice %arg5[%add3A_221, %dma_wait3A_411] : memref<40x128xi32, #tpu.memory_space<vmem>> -> memref<1x128xi32, #tpu.memory_space<vmem>>
      %dma_wait3A_413 = tpu.memref_squeeze %dma_wait3A_412 : memref<1x128xi32, #tpu.memory_space<vmem>> -> memref<128xi32, #tpu.memory_space<vmem>>
      %dma_wait3A_414 = arith.constant 0 : i32
      %dma_wait3A_415 = arith.constant 0 : i32
      %dma_wait3A_416 = tpu.memref_slice %arg2[%dma_wait3A_414, %dma_wait3A_415] : memref<10000x16xf32, #tpu.memory_space<hbm>> -> memref<10000x16xf32, #tpu.memory_space<hbm>>
      tpu.wait_indirect_dma semaphore(%arg7 : memref<!tpu.dma_semaphore, #tpu.memory_space<semaphore_mem>>) src(%dma_wait3A_416 : memref<10000x16xf32, #tpu.memory_space<hbm>>) dst(%dma_wait3A_410 : memref<128x16xf32, #tpu.memory_space<vmem>>)
      %dma_wait3A_417 = arith.constant 0 : i32
      %dma_wait3A_418 = tpu.memref_slice %arg6[%mul3A_239, %dma_wait3A_417] : memref<5120x16xf32, #tpu.memory_space<vmem>> -> memref<128x16xf32, #tpu.memory_space<vmem>>
      %dma_wait3A_419 = arith.constant 0 : i32
      %dma_wait3A_420 = tpu.memref_slice %arg5[%add3A_235, %dma_wait3A_419] : memref<40x128xi32, #tpu.memory_space<vmem>> -> memref<1x128xi32, #tpu.memory_space<vmem>>
      %dma_wait3A_421 = tpu.memref_squeeze %dma_wait3A_420 : memref<1x128xi32, #tpu.memory_space<vmem>> -> memref<128xi32, #tpu.memory_space<vmem>>
      %dma_wait3A_422 = arith.constant 0 : i32
      %dma_wait3A_423 = arith.constant 0 : i32
      %dma_wait3A_424 = tpu.memref_slice %arg2[%dma_wait3A_422, %dma_wait3A_423] : memref<10000x16xf32, #tpu.memory_space<hbm>> -> memref<10000x16xf32, #tpu.memory_space<hbm>>
      tpu.wait_indirect_dma semaphore(%arg7 : memref<!tpu.dma_semaphore, #tpu.memory_space<semaphore_mem>>) src(%dma_wait3A_424 : memref<10000x16xf32, #tpu.memory_space<hbm>>) dst(%dma_wait3A_418 : memref<128x16xf32, #tpu.memory_space<vmem>>)
      %dma_wait3A_425 = arith.constant 0 : i32
      %dma_wait3A_426 = tpu.memref_slice %arg6[%mul3A_253, %dma_wait3A_425] : memref<5120x16xf32, #tpu.memory_space<vmem>> -> memref<128x16xf32, #tpu.memory_space<vmem>>
      %dma_wait3A_427 = arith.constant 0 : i32
      %dma_wait3A_428 = tpu.memref_slice %arg5[%add3A_249, %dma_wait3A_427] : memref<40x128xi32, #tpu.memory_space<vmem>> -> memref<1x128xi32, #tpu.memory_space<vmem>>
      %dma_wait3A_429 = tpu.memref_squeeze %dma_wait3A_428 : memref<1x128xi32, #tpu.memory_space<vmem>> -> memref<128xi32, #tpu.memory_space<vmem>>
      %dma_wait3A_430 = arith.constant 0 : i32
      %dma_wait3A_431 = arith.constant 0 : i32
      %dma_wait3A_432 = tpu.memref_slice %arg2[%dma_wait3A_430, %dma_wait3A_431] : memref<10000x16xf32, #tpu.memory_space<hbm>> -> memref<10000x16xf32, #tpu.memory_space<hbm>>
      tpu.wait_indirect_dma semaphore(%arg7 : memref<!tpu.dma_semaphore, #tpu.memory_space<semaphore_mem>>) src(%dma_wait3A_432 : memref<10000x16xf32, #tpu.memory_space<hbm>>) dst(%dma_wait3A_426 : memref<128x16xf32, #tpu.memory_space<vmem>>)
      %dma_wait3A_433 = arith.constant 0 : i32
      %dma_wait3A_434 = tpu.memref_slice %arg6[%mul3A_267, %dma_wait3A_433] : memref<5120x16xf32, #tpu.memory_space<vmem>> -> memref<128x16xf32, #tpu.memory_space<vmem>>
      %dma_wait3A_435 = arith.constant 0 : i32
      %dma_wait3A_436 = tpu.memref_slice %arg5[%add3A_263, %dma_wait3A_435] : memref<40x128xi32, #tpu.memory_space<vmem>> -> memref<1x128xi32, #tpu.memory_space<vmem>>
      %dma_wait3A_437 = tpu.memref_squeeze %dma_wait3A_436 : memref<1x128xi32, #tpu.memory_space<vmem>> -> memref<128xi32, #tpu.memory_space<vmem>>
      %dma_wait3A_438 = arith.constant 0 : i32
      %dma_wait3A_439 = arith.constant 0 : i32
      %dma_wait3A_440 = tpu.memref_slice %arg2[%dma_wait3A_438, %dma_wait3A_439] : memref<10000x16xf32, #tpu.memory_space<hbm>> -> memref<10000x16xf32, #tpu.memory_space<hbm>>
      tpu.wait_indirect_dma semaphore(%arg7 : memref<!tpu.dma_semaphore, #tpu.memory_space<semaphore_mem>>) src(%dma_wait3A_440 : memref<10000x16xf32, #tpu.memory_space<hbm>>) dst(%dma_wait3A_434 : memref<128x16xf32, #tpu.memory_space<vmem>>)
      %dma_wait3A_441 = arith.constant 0 : i32
      %dma_wait3A_442 = tpu.memref_slice %arg6[%mul3A_281, %dma_wait3A_441] : memref<5120x16xf32, #tpu.memory_space<vmem>> -> memref<128x16xf32, #tpu.memory_space<vmem>>
      %dma_wait3A_443 = arith.constant 0 : i32
      %dma_wait3A_444 = tpu.memref_slice %arg5[%add3A_277, %dma_wait3A_443] : memref<40x128xi32, #tpu.memory_space<vmem>> -> memref<1x128xi32, #tpu.memory_space<vmem>>
      %dma_wait3A_445 = tpu.memref_squeeze %dma_wait3A_444 : memref<1x128xi32, #tpu.memory_space<vmem>> -> memref<128xi32, #tpu.memory_space<vmem>>
      %dma_wait3A_446 = arith.constant 0 : i32
      %dma_wait3A_447 = arith.constant 0 : i32
      %dma_wait3A_448 = tpu.memref_slice %arg2[%dma_wait3A_446, %dma_wait3A_447] : memref<10000x16xf32, #tpu.memory_space<hbm>> -> memref<10000x16xf32, #tpu.memory_space<hbm>>
      tpu.wait_indirect_dma semaphore(%arg7 : memref<!tpu.dma_semaphore, #tpu.memory_space<semaphore_mem>>) src(%dma_wait3A_448 : memref<10000x16xf32, #tpu.memory_space<hbm>>) dst(%dma_wait3A_442 : memref<128x16xf32, #tpu.memory_space<vmem>>)
    }
    %scan3A_5 = arith.constant 2 : i32
    %mul3A_6 = arith.constant 5120 : i32
    %mul3A_7 = arith.muli %add3A, %mul3A_6 : i32
    "tpu.region"() ({
      %run_scoped3A = tpu.sem_alloc : memref<!tpu.dma_semaphore, #tpu.memory_space<semaphore_mem>>
      %dma_start3A = arith.constant 0 : i32
      %dma_start3A_8 = tpu.memref_slice %arg4[%mul3A_7, %dma_start3A] : memref<163840x16xf32, #tpu.memory_space<hbm>> -> memref<5120x16xf32, #tpu.memory_space<hbm>>
      %dma_start3A_9 = arith.constant 0 : i32
      %dma_start3A_10 = tpu.memref_slice %arg4[%mul3A_7, %dma_start3A_9] : memref<163840x16xf32, #tpu.memory_space<hbm>> -> memref<5120x16xf32, #tpu.memory_space<hbm>>
      tpu.enqueue_dma source(%arg6 : memref<5120x16xf32, #tpu.memory_space<vmem>>) target(%dma_start3A_10 : memref<5120x16xf32, #tpu.memory_space<hbm>>) target_semaphore(%run_scoped3A : memref<!tpu.dma_semaphore, #tpu.memory_space<semaphore_mem>>)
      %dma_wait3A = arith.constant 0 : i32
      %dma_wait3A_11 = tpu.memref_slice %arg4[%mul3A_7, %dma_wait3A] : memref<163840x16xf32, #tpu.memory_space<hbm>> -> memref<5120x16xf32, #tpu.memory_space<hbm>>
      %dma_wait3A_12 = arith.constant 0 : i32
      %dma_wait3A_13 = tpu.memref_slice %arg4[%mul3A_7, %dma_wait3A_12] : memref<163840x16xf32, #tpu.memory_space<hbm>> -> memref<5120x16xf32, #tpu.memory_space<hbm>>
      tpu.wait_dma2 semaphore(%run_scoped3A : memref<!tpu.dma_semaphore, #tpu.memory_space<semaphore_mem>>) src(%arg6 : memref<5120x16xf32, #tpu.memory_space<vmem>>) dst(%dma_wait3A_13 : memref<5120x16xf32, #tpu.memory_space<hbm>>)
      tpu.yield
    }) : () -> ()
    return
  }
}

#map = affine_map<(d0, d1) -> (0, 0)>
#map1 = affine_map<(d0, d1) -> (0, 0, 0)>
module attributes {stable_mosaic.version = 14 : i64} {
  func.func @_sc_scatter(%arg0: i32, %arg1: i32, %arg2: memref<163840x16xf32, #tpu.memory_space<hbm>>, %arg3: memref<32x40x128xi32, #tpu.memory_space<hbm>>, %arg4: memref<10240x16xf32, #tpu.memory_space<hbm>>, %arg5: memref<128x16xf32, #tpu.memory_space<hbm>>, %arg6: memref<2x10240x16xf32, #tpu.memory_space<hbm>>, %arg7: memref<2x10240x16xf32, #tpu.memory_space<hbm>>, %arg8: memref<40x128xi32, #tpu.memory_space<vmem>>, %arg9: memref<5120x16xf32, #tpu.memory_space<vmem>>, %arg10: memref<128x16xf32, #tpu.memory_space<vmem>>, %arg11: memref<10240x16xf32, #tpu.memory_space<vmem_shared>>, %arg12: memref<!tpu.dma_semaphore, #tpu.memory_space<semaphore_mem>>, %arg13: memref<10240x16xf32, #tpu.memory_space<vmem_shared>>) attributes {dimension_semantics = [#tpu.dimension_semantics<core_parallel>, #tpu.dimension_semantics<subcore_parallel>], iteration_bounds = array<i64: 2, 16>, scalar_prefetch = 0 : i64, scratch_operands = 6 : i64, tpu.core_type = #tpu.core_type<sc_vector_subcore>, window_params = [{transform_indices = #map}, {transform_indices = #map1}, {transform_indices = #map}, {transform_indices = #map}, {transform_indices = #map1}, {transform_indices = #map1}]} {
    %mul3A = arith.constant 2 : i32
    %mul3A_0 = arith.muli %arg1, %mul3A : i32
    %add3A = arith.addi %mul3A_0, %arg0 : i32
    %mul3A_1 = arith.constant 640 : i32
    %mul3A_2 = arith.muli %arg1, %mul3A_1 : i32
    "tpu.region"() ({
      %run_scoped3A = tpu.sem_alloc : memref<!tpu.dma_semaphore, #tpu.memory_space<semaphore_mem>>
      %dma_start3A = arith.constant 0 : i32
      %dma_start3A_11 = tpu.memref_slice %arg11[%mul3A_2, %dma_start3A] : memref<10240x16xf32, #tpu.memory_space<vmem_shared>> -> memref<640x16xf32, #tpu.memory_space<vmem_shared>>
      %dma_start3A_12 = arith.constant 0 : i32
      %dma_start3A_13 = tpu.memref_slice %arg4[%mul3A_2, %dma_start3A_12] : memref<10240x16xf32, #tpu.memory_space<hbm>> -> memref<640x16xf32, #tpu.memory_space<hbm>>
      tpu.enqueue_dma source(%dma_start3A_13 : memref<640x16xf32, #tpu.memory_space<hbm>>) target(%dma_start3A_11 : memref<640x16xf32, #tpu.memory_space<vmem_shared>>) target_semaphore(%run_scoped3A : memref<!tpu.dma_semaphore, #tpu.memory_space<semaphore_mem>>)
      %dma_wait3A = arith.constant 0 : i32
      %dma_wait3A_14 = tpu.memref_slice %arg11[%mul3A_2, %dma_wait3A] : memref<10240x16xf32, #tpu.memory_space<vmem_shared>> -> memref<640x16xf32, #tpu.memory_space<vmem_shared>>
      %dma_wait3A_15 = arith.constant 0 : i32
      %dma_wait3A_16 = tpu.memref_slice %arg4[%mul3A_2, %dma_wait3A_15] : memref<10240x16xf32, #tpu.memory_space<hbm>> -> memref<640x16xf32, #tpu.memory_space<hbm>>
      tpu.wait_dma2 semaphore(%run_scoped3A : memref<!tpu.dma_semaphore, #tpu.memory_space<semaphore_mem>>) src(%dma_wait3A_16 : memref<640x16xf32, #tpu.memory_space<hbm>>) dst(%dma_wait3A_14 : memref<640x16xf32, #tpu.memory_space<vmem_shared>>)
      tpu.yield
    }) : () -> ()
    "tpu.region"() ({
      %run_scoped3A = tpu.sem_alloc : memref<!tpu.dma_semaphore, #tpu.memory_space<semaphore_mem>>
      %dma_start3A = arith.constant 0 : i32
      %dma_start3A_11 = tpu.memref_slice %arg13[%mul3A_2, %dma_start3A] : memref<10240x16xf32, #tpu.memory_space<vmem_shared>> -> memref<640x16xf32, #tpu.memory_space<vmem_shared>>
      %dma_start3A_12 = arith.constant 0 : i32
      %dma_start3A_13 = tpu.memref_slice %arg4[%mul3A_2, %dma_start3A_12] : memref<10240x16xf32, #tpu.memory_space<hbm>> -> memref<640x16xf32, #tpu.memory_space<hbm>>
      tpu.enqueue_dma source(%dma_start3A_13 : memref<640x16xf32, #tpu.memory_space<hbm>>) target(%dma_start3A_11 : memref<640x16xf32, #tpu.memory_space<vmem_shared>>) target_semaphore(%run_scoped3A : memref<!tpu.dma_semaphore, #tpu.memory_space<semaphore_mem>>)
      %dma_wait3A = arith.constant 0 : i32
      %dma_wait3A_14 = tpu.memref_slice %arg13[%mul3A_2, %dma_wait3A] : memref<10240x16xf32, #tpu.memory_space<vmem_shared>> -> memref<640x16xf32, #tpu.memory_space<vmem_shared>>
      %dma_wait3A_15 = arith.constant 0 : i32
      %dma_wait3A_16 = tpu.memref_slice %arg4[%mul3A_2, %dma_wait3A_15] : memref<10240x16xf32, #tpu.memory_space<hbm>> -> memref<640x16xf32, #tpu.memory_space<hbm>>
      tpu.wait_dma2 semaphore(%run_scoped3A : memref<!tpu.dma_semaphore, #tpu.memory_space<semaphore_mem>>) src(%dma_wait3A_16 : memref<640x16xf32, #tpu.memory_space<hbm>>) dst(%dma_wait3A_14 : memref<640x16xf32, #tpu.memory_space<vmem_shared>>)
      tpu.yield
    }) : () -> ()
    "tpu.region"() ({
      %run_scoped3A = tpu.sem_alloc : memref<!tpu.dma_semaphore, #tpu.memory_space<semaphore_mem>>
      tpu.enqueue_dma source(%arg5 : memref<128x16xf32, #tpu.memory_space<hbm>>) target(%arg10 : memref<128x16xf32, #tpu.memory_space<vmem>>) target_semaphore(%run_scoped3A : memref<!tpu.dma_semaphore, #tpu.memory_space<semaphore_mem>>)
      tpu.wait_dma2 semaphore(%run_scoped3A : memref<!tpu.dma_semaphore, #tpu.memory_space<semaphore_mem>>) src(%arg5 : memref<128x16xf32, #tpu.memory_space<hbm>>) dst(%arg10 : memref<128x16xf32, #tpu.memory_space<vmem>>)
      tpu.yield
    }) : () -> ()
    "tpu.region"() ({
      %run_scoped3A = tpu.sem_alloc : memref<!tpu.dma_semaphore, #tpu.memory_space<semaphore_mem>>
      %dma_start3A = arith.constant 0 : i32
      %dma_start3A_11 = arith.constant 0 : i32
      %dma_start3A_12 = tpu.memref_slice %arg3[%add3A, %dma_start3A, %dma_start3A_11] : memref<32x40x128xi32, #tpu.memory_space<hbm>> -> memref<1x40x128xi32, #tpu.memory_space<hbm>>
      %dma_start3A_13 = tpu.memref_squeeze %dma_start3A_12 : memref<1x40x128xi32, #tpu.memory_space<hbm>> -> memref<40x128xi32, #tpu.memory_space<hbm>>
      %dma_start3A_14 = arith.constant 0 : i32
      %dma_start3A_15 = arith.constant 0 : i32
      %dma_start3A_16 = tpu.memref_slice %arg3[%add3A, %dma_start3A_14, %dma_start3A_15] : memref<32x40x128xi32, #tpu.memory_space<hbm>> -> memref<1x40x128xi32, #tpu.memory_space<hbm>>
      %dma_start3A_17 = tpu.memref_squeeze %dma_start3A_16 : memref<1x40x128xi32, #tpu.memory_space<hbm>> -> memref<40x128xi32, #tpu.memory_space<hbm>>
      tpu.enqueue_dma source(%dma_start3A_17 : memref<40x128xi32, #tpu.memory_space<hbm>>) target(%arg8 : memref<40x128xi32, #tpu.memory_space<vmem>>) target_semaphore(%run_scoped3A : memref<!tpu.dma_semaphore, #tpu.memory_space<semaphore_mem>>)
      %dma_wait3A = arith.constant 0 : i32
      %dma_wait3A_18 = arith.constant 0 : i32
      %dma_wait3A_19 = tpu.memref_slice %arg3[%add3A, %dma_wait3A, %dma_wait3A_18] : memref<32x40x128xi32, #tpu.memory_space<hbm>> -> memref<1x40x128xi32, #tpu.memory_space<hbm>>
      %dma_wait3A_20 = tpu.memref_squeeze %dma_wait3A_19 : memref<1x40x128xi32, #tpu.memory_space<hbm>> -> memref<40x128xi32, #tpu.memory_space<hbm>>
      %dma_wait3A_21 = arith.constant 0 : i32
      %dma_wait3A_22 = arith.constant 0 : i32
      %dma_wait3A_23 = tpu.memref_slice %arg3[%add3A, %dma_wait3A_21, %dma_wait3A_22] : memref<32x40x128xi32, #tpu.memory_space<hbm>> -> memref<1x40x128xi32, #tpu.memory_space<hbm>>
      %dma_wait3A_24 = tpu.memref_squeeze %dma_wait3A_23 : memref<1x40x128xi32, #tpu.memory_space<hbm>> -> memref<40x128xi32, #tpu.memory_space<hbm>>
      tpu.wait_dma2 semaphore(%run_scoped3A : memref<!tpu.dma_semaphore, #tpu.memory_space<semaphore_mem>>) src(%dma_wait3A_24 : memref<40x128xi32, #tpu.memory_space<hbm>>) dst(%arg8 : memref<40x128xi32, #tpu.memory_space<vmem>>)
      tpu.yield
    }) : () -> ()
    %mul3A_3 = arith.constant 5120 : i32
    %mul3A_4 = arith.muli %add3A, %mul3A_3 : i32
    "tpu.region"() ({
      %run_scoped3A = tpu.sem_alloc : memref<!tpu.dma_semaphore, #tpu.memory_space<semaphore_mem>>
      %dma_start3A = arith.constant 0 : i32
      %dma_start3A_11 = tpu.memref_slice %arg2[%mul3A_4, %dma_start3A] : memref<163840x16xf32, #tpu.memory_space<hbm>> -> memref<5120x16xf32, #tpu.memory_space<hbm>>
      %dma_start3A_12 = arith.constant 0 : i32
      %dma_start3A_13 = tpu.memref_slice %arg2[%mul3A_4, %dma_start3A_12] : memref<163840x16xf32, #tpu.memory_space<hbm>> -> memref<5120x16xf32, #tpu.memory_space<hbm>>
      tpu.enqueue_dma source(%dma_start3A_13 : memref<5120x16xf32, #tpu.memory_space<hbm>>) target(%arg9 : memref<5120x16xf32, #tpu.memory_space<vmem>>) target_semaphore(%run_scoped3A : memref<!tpu.dma_semaphore, #tpu.memory_space<semaphore_mem>>)
      %dma_wait3A = arith.constant 0 : i32
      %dma_wait3A_14 = tpu.memref_slice %arg2[%mul3A_4, %dma_wait3A] : memref<163840x16xf32, #tpu.memory_space<hbm>> -> memref<5120x16xf32, #tpu.memory_space<hbm>>
      %dma_wait3A_15 = arith.constant 0 : i32
      %dma_wait3A_16 = tpu.memref_slice %arg2[%mul3A_4, %dma_wait3A_15] : memref<163840x16xf32, #tpu.memory_space<hbm>> -> memref<5120x16xf32, #tpu.memory_space<hbm>>
      tpu.wait_dma2 semaphore(%run_scoped3A : memref<!tpu.dma_semaphore, #tpu.memory_space<semaphore_mem>>) src(%dma_wait3A_16 : memref<5120x16xf32, #tpu.memory_space<hbm>>) dst(%arg9 : memref<5120x16xf32, #tpu.memory_space<vmem>>)
      tpu.yield
    }) : () -> ()
    %barrier3A = arith.constant 0 : index
    tpu.barrier barrier_id(%barrier3A)
    %scan3A = arith.constant 0 : i32
    %scan3A_5 = arith.constant 0 : i32
    %scan3A_6 = arith.constant 40 : i32
    %scan3A_7 = arith.addi %scan3A_5, %scan3A_6 : i32
    %scan3A_8 = arith.constant 1 : i32
    scf.for %scan3A_11 = %scan3A_5 to %scan3A_7 step %scan3A_8  : i32 {
      %mul3A_12 = arith.constant 128 : i32
      %mul3A_13 = arith.muli %scan3A_11, %mul3A_12 : i32
      %dma_start3A = arith.constant 0 : i32
      %dma_start3A_14 = tpu.memref_slice %arg9[%mul3A_13, %dma_start3A] : memref<5120x16xf32, #tpu.memory_space<vmem>> -> memref<128x16xf32, #tpu.memory_space<vmem>>
      %dma_start3A_15 = arith.constant 0 : i32
      %dma_start3A_16 = tpu.memref_slice %arg8[%scan3A_11, %dma_start3A_15] : memref<40x128xi32, #tpu.memory_space<vmem>> -> memref<1x128xi32, #tpu.memory_space<vmem>>
      %dma_start3A_17 = tpu.memref_squeeze %dma_start3A_16 : memref<1x128xi32, #tpu.memory_space<vmem>> -> memref<128xi32, #tpu.memory_space<vmem>>
      %dma_start3A_18 = arith.constant 0 : i32
      %dma_start3A_19 = arith.constant 0 : i32
      %dma_start3A_20 = tpu.memref_slice %arg11[%dma_start3A_18, %dma_start3A_19] : memref<10240x16xf32, #tpu.memory_space<vmem_shared>> -> memref<10240x16xf32, #tpu.memory_space<vmem_shared>>
      tpu.enqueue_indirect_dma source(%dma_start3A_14 : memref<128x16xf32, #tpu.memory_space<vmem>>) target(%dma_start3A_20 : memref<10240x16xf32, #tpu.memory_space<vmem_shared>>) offsets(%dma_start3A_17 : memref<128xi32, #tpu.memory_space<vmem>>) semaphore(%arg12 : memref<!tpu.dma_semaphore, #tpu.memory_space<semaphore_mem>>) {add = true}
      %dma_start3A_21 = arith.constant 0 : i32
      %dma_start3A_22 = tpu.memref_slice %arg8[%scan3A_11, %dma_start3A_21] : memref<40x128xi32, #tpu.memory_space<vmem>> -> memref<1x128xi32, #tpu.memory_space<vmem>>
      %dma_start3A_23 = tpu.memref_squeeze %dma_start3A_22 : memref<1x128xi32, #tpu.memory_space<vmem>> -> memref<128xi32, #tpu.memory_space<vmem>>
      %dma_start3A_24 = arith.constant 0 : i32
      %dma_start3A_25 = arith.constant 0 : i32
      %dma_start3A_26 = tpu.memref_slice %arg13[%dma_start3A_24, %dma_start3A_25] : memref<10240x16xf32, #tpu.memory_space<vmem_shared>> -> memref<10240x16xf32, #tpu.memory_space<vmem_shared>>
      tpu.enqueue_indirect_dma source(%arg10 : memref<128x16xf32, #tpu.memory_space<vmem>>) target(%dma_start3A_26 : memref<10240x16xf32, #tpu.memory_space<vmem_shared>>) offsets(%dma_start3A_23 : memref<128xi32, #tpu.memory_space<vmem>>) semaphore(%arg12 : memref<!tpu.dma_semaphore, #tpu.memory_space<semaphore_mem>>) {add = true}
      %dma_wait3A = arith.constant 0 : i32
      %dma_wait3A_27 = tpu.memref_slice %arg9[%mul3A_13, %dma_wait3A] : memref<5120x16xf32, #tpu.memory_space<vmem>> -> memref<128x16xf32, #tpu.memory_space<vmem>>
      %dma_wait3A_28 = arith.constant 0 : i32
      %dma_wait3A_29 = tpu.memref_slice %arg8[%scan3A_11, %dma_wait3A_28] : memref<40x128xi32, #tpu.memory_space<vmem>> -> memref<1x128xi32, #tpu.memory_space<vmem>>
      %dma_wait3A_30 = tpu.memref_squeeze %dma_wait3A_29 : memref<1x128xi32, #tpu.memory_space<vmem>> -> memref<128xi32, #tpu.memory_space<vmem>>
      %dma_wait3A_31 = arith.constant 0 : i32
      %dma_wait3A_32 = arith.constant 0 : i32
      %dma_wait3A_33 = tpu.memref_slice %arg11[%dma_wait3A_31, %dma_wait3A_32] : memref<10240x16xf32, #tpu.memory_space<vmem_shared>> -> memref<10240x16xf32, #tpu.memory_space<vmem_shared>>
      tpu.wait_indirect_dma semaphore(%arg12 : memref<!tpu.dma_semaphore, #tpu.memory_space<semaphore_mem>>) src(%dma_wait3A_27 : memref<128x16xf32, #tpu.memory_space<vmem>>) dst(%dma_wait3A_33 : memref<10240x16xf32, #tpu.memory_space<vmem_shared>>)
      %dma_wait3A_34 = arith.constant 0 : i32
      %dma_wait3A_35 = tpu.memref_slice %arg8[%scan3A_11, %dma_wait3A_34] : memref<40x128xi32, #tpu.memory_space<vmem>> -> memref<1x128xi32, #tpu.memory_space<vmem>>
      %dma_wait3A_36 = tpu.memref_squeeze %dma_wait3A_35 : memref<1x128xi32, #tpu.memory_space<vmem>> -> memref<128xi32, #tpu.memory_space<vmem>>
      %dma_wait3A_37 = arith.constant 0 : i32
      %dma_wait3A_38 = arith.constant 0 : i32
      %dma_wait3A_39 = tpu.memref_slice %arg13[%dma_wait3A_37, %dma_wait3A_38] : memref<10240x16xf32, #tpu.memory_space<vmem_shared>> -> memref<10240x16xf32, #tpu.memory_space<vmem_shared>>
      tpu.wait_indirect_dma semaphore(%arg12 : memref<!tpu.dma_semaphore, #tpu.memory_space<semaphore_mem>>) src(%arg10 : memref<128x16xf32, #tpu.memory_space<vmem>>) dst(%dma_wait3A_39 : memref<10240x16xf32, #tpu.memory_space<vmem_shared>>)
    }
    %scan3A_9 = arith.constant 40 : i32
    %barrier3A_10 = arith.constant 0 : index
    tpu.barrier barrier_id(%barrier3A_10)
    "tpu.region"() ({
      %run_scoped3A = tpu.sem_alloc : memref<!tpu.dma_semaphore, #tpu.memory_space<semaphore_mem>>
      %dma_start3A = arith.constant 0 : i32
      %dma_start3A_11 = tpu.memref_slice %arg6[%arg0, %mul3A_2, %dma_start3A] : memref<2x10240x16xf32, #tpu.memory_space<hbm>> -> memref<1x640x16xf32, #tpu.memory_space<hbm>>
      %dma_start3A_12 = tpu.memref_squeeze %dma_start3A_11 : memref<1x640x16xf32, #tpu.memory_space<hbm>> -> memref<640x16xf32, #tpu.memory_space<hbm>>
      %dma_start3A_13 = arith.constant 0 : i32
      %dma_start3A_14 = tpu.memref_slice %arg11[%mul3A_2, %dma_start3A_13] : memref<10240x16xf32, #tpu.memory_space<vmem_shared>> -> memref<640x16xf32, #tpu.memory_space<vmem_shared>>
      tpu.enqueue_dma source(%dma_start3A_14 : memref<640x16xf32, #tpu.memory_space<vmem_shared>>) target(%dma_start3A_12 : memref<640x16xf32, #tpu.memory_space<hbm>>) target_semaphore(%run_scoped3A : memref<!tpu.dma_semaphore, #tpu.memory_space<semaphore_mem>>)
      %dma_wait3A = arith.constant 0 : i32
      %dma_wait3A_15 = tpu.memref_slice %arg6[%arg0, %mul3A_2, %dma_wait3A] : memref<2x10240x16xf32, #tpu.memory_space<hbm>> -> memref<1x640x16xf32, #tpu.memory_space<hbm>>
      %dma_wait3A_16 = tpu.memref_squeeze %dma_wait3A_15 : memref<1x640x16xf32, #tpu.memory_space<hbm>> -> memref<640x16xf32, #tpu.memory_space<hbm>>
      %dma_wait3A_17 = arith.constant 0 : i32
      %dma_wait3A_18 = tpu.memref_slice %arg11[%mul3A_2, %dma_wait3A_17] : memref<10240x16xf32, #tpu.memory_space<vmem_shared>> -> memref<640x16xf32, #tpu.memory_space<vmem_shared>>
      tpu.wait_dma2 semaphore(%run_scoped3A : memref<!tpu.dma_semaphore, #tpu.memory_space<semaphore_mem>>) src(%dma_wait3A_18 : memref<640x16xf32, #tpu.memory_space<vmem_shared>>) dst(%dma_wait3A_16 : memref<640x16xf32, #tpu.memory_space<hbm>>)
      tpu.yield
    }) : () -> ()
    "tpu.region"() ({
      %run_scoped3A = tpu.sem_alloc : memref<!tpu.dma_semaphore, #tpu.memory_space<semaphore_mem>>
      %dma_start3A = arith.constant 0 : i32
      %dma_start3A_11 = tpu.memref_slice %arg7[%arg0, %mul3A_2, %dma_start3A] : memref<2x10240x16xf32, #tpu.memory_space<hbm>> -> memref<1x640x16xf32, #tpu.memory_space<hbm>>
      %dma_start3A_12 = tpu.memref_squeeze %dma_start3A_11 : memref<1x640x16xf32, #tpu.memory_space<hbm>> -> memref<640x16xf32, #tpu.memory_space<hbm>>
      %dma_start3A_13 = arith.constant 0 : i32
      %dma_start3A_14 = tpu.memref_slice %arg13[%mul3A_2, %dma_start3A_13] : memref<10240x16xf32, #tpu.memory_space<vmem_shared>> -> memref<640x16xf32, #tpu.memory_space<vmem_shared>>
      tpu.enqueue_dma source(%dma_start3A_14 : memref<640x16xf32, #tpu.memory_space<vmem_shared>>) target(%dma_start3A_12 : memref<640x16xf32, #tpu.memory_space<hbm>>) target_semaphore(%run_scoped3A : memref<!tpu.dma_semaphore, #tpu.memory_space<semaphore_mem>>)
      %dma_wait3A = arith.constant 0 : i32
      %dma_wait3A_15 = tpu.memref_slice %arg7[%arg0, %mul3A_2, %dma_wait3A] : memref<2x10240x16xf32, #tpu.memory_space<hbm>> -> memref<1x640x16xf32, #tpu.memory_space<hbm>>
      %dma_wait3A_16 = tpu.memref_squeeze %dma_wait3A_15 : memref<1x640x16xf32, #tpu.memory_space<hbm>> -> memref<640x16xf32, #tpu.memory_space<hbm>>
      %dma_wait3A_17 = arith.constant 0 : i32
      %dma_wait3A_18 = tpu.memref_slice %arg13[%mul3A_2, %dma_wait3A_17] : memref<10240x16xf32, #tpu.memory_space<vmem_shared>> -> memref<640x16xf32, #tpu.memory_space<vmem_shared>>
      tpu.wait_dma2 semaphore(%run_scoped3A : memref<!tpu.dma_semaphore, #tpu.memory_space<semaphore_mem>>) src(%dma_wait3A_18 : memref<640x16xf32, #tpu.memory_space<vmem_shared>>) dst(%dma_wait3A_16 : memref<640x16xf32, #tpu.memory_space<hbm>>)
      tpu.yield
    }) : () -> ()
    return
  }
}

#map = affine_map<(d0, d1) -> (0, 0)>
#map1 = affine_map<(d0, d1) -> (0, 0, 0)>
module attributes {stable_mosaic.version = 14 : i64} {
  func.func @_sc_gather(%arg0: i32, %arg1: i32, %arg2: memref<10000x16xf32, #tpu.memory_space<hbm>>, %arg3: memref<32x40x128xi32, #tpu.memory_space<hbm>>, %arg4: memref<163840x16xf32, #tpu.memory_space<hbm>>, %arg5: memref<40x128xi32, #tpu.memory_space<vmem>>, %arg6: memref<5120x16xf32, #tpu.memory_space<vmem>>, %arg7: memref<!tpu.dma_semaphore, #tpu.memory_space<semaphore_mem>>) attributes {dimension_semantics = [#tpu.dimension_semantics<core_parallel>, #tpu.dimension_semantics<subcore_parallel>], iteration_bounds = array<i64: 2, 16>, scalar_prefetch = 0 : i64, scratch_operands = 3 : i64, tpu.core_type = #tpu.core_type<sc_vector_subcore>, window_params = [{transform_indices = #map}, {transform_indices = #map1}, {transform_indices = #map}]} {
    %mul3A = arith.constant 2 : i32
    %mul3A_0 = arith.muli %arg1, %mul3A : i32
    %add3A = arith.addi %mul3A_0, %arg0 : i32
    "tpu.region"() ({
      %run_scoped3A = tpu.sem_alloc : memref<!tpu.dma_semaphore, #tpu.memory_space<semaphore_mem>>
      %dma_start3A = arith.constant 0 : i32
      %dma_start3A_8 = arith.constant 0 : i32
      %dma_start3A_9 = tpu.memref_slice %arg3[%add3A, %dma_start3A, %dma_start3A_8] : memref<32x40x128xi32, #tpu.memory_space<hbm>> -> memref<1x40x128xi32, #tpu.memory_space<hbm>>
      %dma_start3A_10 = tpu.memref_squeeze %dma_start3A_9 : memref<1x40x128xi32, #tpu.memory_space<hbm>> -> memref<40x128xi32, #tpu.memory_space<hbm>>
      %dma_start3A_11 = arith.constant 0 : i32
      %dma_start3A_12 = arith.constant 0 : i32
      %dma_start3A_13 = tpu.memref_slice %arg3[%add3A, %dma_start3A_11, %dma_start3A_12] : memref<32x40x128xi32, #tpu.memory_space<hbm>> -> memref<1x40x128xi32, #tpu.memory_space<hbm>>
      %dma_start3A_14 = tpu.memref_squeeze %dma_start3A_13 : memref<1x40x128xi32, #tpu.memory_space<hbm>> -> memref<40x128xi32, #tpu.memory_space<hbm>>
      tpu.enqueue_dma source(%dma_start3A_14 : memref<40x128xi32, #tpu.memory_space<hbm>>) target(%arg5 : memref<40x128xi32, #tpu.memory_space<vmem>>) target_semaphore(%run_scoped3A : memref<!tpu.dma_semaphore, #tpu.memory_space<semaphore_mem>>)
      %dma_wait3A = arith.constant 0 : i32
      %dma_wait3A_15 = arith.constant 0 : i32
      %dma_wait3A_16 = tpu.memref_slice %arg3[%add3A, %dma_wait3A, %dma_wait3A_15] : memref<32x40x128xi32, #tpu.memory_space<hbm>> -> memref<1x40x128xi32, #tpu.memory_space<hbm>>
      %dma_wait3A_17 = tpu.memref_squeeze %dma_wait3A_16 : memref<1x40x128xi32, #tpu.memory_space<hbm>> -> memref<40x128xi32, #tpu.memory_space<hbm>>
      %dma_wait3A_18 = arith.constant 0 : i32
      %dma_wait3A_19 = arith.constant 0 : i32
      %dma_wait3A_20 = tpu.memref_slice %arg3[%add3A, %dma_wait3A_18, %dma_wait3A_19] : memref<32x40x128xi32, #tpu.memory_space<hbm>> -> memref<1x40x128xi32, #tpu.memory_space<hbm>>
      %dma_wait3A_21 = tpu.memref_squeeze %dma_wait3A_20 : memref<1x40x128xi32, #tpu.memory_space<hbm>> -> memref<40x128xi32, #tpu.memory_space<hbm>>
      tpu.wait_dma2 semaphore(%run_scoped3A : memref<!tpu.dma_semaphore, #tpu.memory_space<semaphore_mem>>) src(%dma_wait3A_21 : memref<40x128xi32, #tpu.memory_space<hbm>>) dst(%arg5 : memref<40x128xi32, #tpu.memory_space<vmem>>)
      tpu.yield
    }) : () -> ()
    %scan3A = arith.constant 0 : i32
    %scan3A_1 = arith.constant 0 : i32
    %scan3A_2 = arith.constant 2 : i32
    %scan3A_3 = arith.addi %scan3A_1, %scan3A_2 : i32
    %scan3A_4 = arith.constant 1 : i32
    scf.for %scan3A_8 = %scan3A_1 to %scan3A_3 step %scan3A_4  : i32 {
      %mul3A_9 = arith.constant 20 : i32
      %mul3A_10 = arith.muli %scan3A_8, %mul3A_9 : i32
      %add3A_11 = arith.constant 0 : i32
      %add3A_12 = arith.addi %mul3A_10, %add3A_11 : i32
      %add3A_13 = arith.constant 0 : i32
      %add3A_14 = arith.addi %mul3A_10, %add3A_13 : i32
      %mul3A_15 = arith.constant 128 : i32
      %mul3A_16 = arith.muli %add3A_14, %mul3A_15 : i32
      %dma_start3A = arith.constant 0 : i32
      %dma_start3A_17 = tpu.memref_slice %arg6[%mul3A_16, %dma_start3A] : memref<5120x16xf32, #tpu.memory_space<vmem>> -> memref<128x16xf32, #tpu.memory_space<vmem>>
      %dma_start3A_18 = arith.constant 0 : i32
      %dma_start3A_19 = tpu.memref_slice %arg5[%add3A_12, %dma_start3A_18] : memref<40x128xi32, #tpu.memory_space<vmem>> -> memref<1x128xi32, #tpu.memory_space<vmem>>
      %dma_start3A_20 = tpu.memref_squeeze %dma_start3A_19 : memref<1x128xi32, #tpu.memory_space<vmem>> -> memref<128xi32, #tpu.memory_space<vmem>>
      %dma_start3A_21 = arith.constant 0 : i32
      %dma_start3A_22 = arith.constant 0 : i32
      %dma_start3A_23 = tpu.memref_slice %arg2[%dma_start3A_21, %dma_start3A_22] : memref<10000x16xf32, #tpu.memory_space<hbm>> -> memref<10000x16xf32, #tpu.memory_space<hbm>>
      tpu.enqueue_indirect_dma source(%dma_start3A_23 : memref<10000x16xf32, #tpu.memory_space<hbm>>) target(%dma_start3A_17 : memref<128x16xf32, #tpu.memory_space<vmem>>) offsets(%dma_start3A_20 : memref<128xi32, #tpu.memory_space<vmem>>) semaphore(%arg7 : memref<!tpu.dma_semaphore, #tpu.memory_space<semaphore_mem>>)
      %add3A_24 = arith.constant 1 : i32
      %add3A_25 = arith.addi %mul3A_10, %add3A_24 : i32
      %add3A_26 = arith.constant 1 : i32
      %add3A_27 = arith.addi %mul3A_10, %add3A_26 : i32
      %mul3A_28 = arith.constant 128 : i32
      %mul3A_29 = arith.muli %add3A_27, %mul3A_28 : i32
      %dma_start3A_30 = arith.constant 0 : i32
      %dma_start3A_31 = tpu.memref_slice %arg6[%mul3A_29, %dma_start3A_30] : memref<5120x16xf32, #tpu.memory_space<vmem>> -> memref<128x16xf32, #tpu.memory_space<vmem>>
      %dma_start3A_32 = arith.constant 0 : i32
      %dma_start3A_33 = tpu.memref_slice %arg5[%add3A_25, %dma_start3A_32] : memref<40x128xi32, #tpu.memory_space<vmem>> -> memref<1x128xi32, #tpu.memory_space<vmem>>
      %dma_start3A_34 = tpu.memref_squeeze %dma_start3A_33 : memref<1x128xi32, #tpu.memory_space<vmem>> -> memref<128xi32, #tpu.memory_space<vmem>>
      %dma_start3A_35 = arith.constant 0 : i32
      %dma_start3A_36 = arith.constant 0 : i32
      %dma_start3A_37 = tpu.memref_slice %arg2[%dma_start3A_35, %dma_start3A_36] : memref<10000x16xf32, #tpu.memory_space<hbm>> -> memref<10000x16xf32, #tpu.memory_space<hbm>>
      tpu.enqueue_indirect_dma source(%dma_start3A_37 : memref<10000x16xf32, #tpu.memory_space<hbm>>) target(%dma_start3A_31 : memref<128x16xf32, #tpu.memory_space<vmem>>) offsets(%dma_start3A_34 : memref<128xi32, #tpu.memory_space<vmem>>) semaphore(%arg7 : memref<!tpu.dma_semaphore, #tpu.memory_space<semaphore_mem>>)
      %add3A_38 = arith.constant 2 : i32
      %add3A_39 = arith.addi %mul3A_10, %add3A_38 : i32
      %add3A_40 = arith.constant 2 : i32
      %add3A_41 = arith.addi %mul3A_10, %add3A_40 : i32
      %mul3A_42 = arith.constant 128 : i32
      %mul3A_43 = arith.muli %add3A_41, %mul3A_42 : i32
      %dma_start3A_44 = arith.constant 0 : i32
      %dma_start3A_45 = tpu.memref_slice %arg6[%mul3A_43, %dma_start3A_44] : memref<5120x16xf32, #tpu.memory_space<vmem>> -> memref<128x16xf32, #tpu.memory_space<vmem>>
      %dma_start3A_46 = arith.constant 0 : i32
      %dma_start3A_47 = tpu.memref_slice %arg5[%add3A_39, %dma_start3A_46] : memref<40x128xi32, #tpu.memory_space<vmem>> -> memref<1x128xi32, #tpu.memory_space<vmem>>
      %dma_start3A_48 = tpu.memref_squeeze %dma_start3A_47 : memref<1x128xi32, #tpu.memory_space<vmem>> -> memref<128xi32, #tpu.memory_space<vmem>>
      %dma_start3A_49 = arith.constant 0 : i32
      %dma_start3A_50 = arith.constant 0 : i32
      %dma_start3A_51 = tpu.memref_slice %arg2[%dma_start3A_49, %dma_start3A_50] : memref<10000x16xf32, #tpu.memory_space<hbm>> -> memref<10000x16xf32, #tpu.memory_space<hbm>>
      tpu.enqueue_indirect_dma source(%dma_start3A_51 : memref<10000x16xf32, #tpu.memory_space<hbm>>) target(%dma_start3A_45 : memref<128x16xf32, #tpu.memory_space<vmem>>) offsets(%dma_start3A_48 : memref<128xi32, #tpu.memory_space<vmem>>) semaphore(%arg7 : memref<!tpu.dma_semaphore, #tpu.memory_space<semaphore_mem>>)
      %add3A_52 = arith.constant 3 : i32
      %add3A_53 = arith.addi %mul3A_10, %add3A_52 : i32
      %add3A_54 = arith.constant 3 : i32
      %add3A_55 = arith.addi %mul3A_10, %add3A_54 : i32
      %mul3A_56 = arith.constant 128 : i32
      %mul3A_57 = arith.muli %add3A_55, %mul3A_56 : i32
      %dma_start3A_58 = arith.constant 0 : i32
      %dma_start3A_59 = tpu.memref_slice %arg6[%mul3A_57, %dma_start3A_58] : memref<5120x16xf32, #tpu.memory_space<vmem>> -> memref<128x16xf32, #tpu.memory_space<vmem>>
      %dma_start3A_60 = arith.constant 0 : i32
      %dma_start3A_61 = tpu.memref_slice %arg5[%add3A_53, %dma_start3A_60] : memref<40x128xi32, #tpu.memory_space<vmem>> -> memref<1x128xi32, #tpu.memory_space<vmem>>
      %dma_start3A_62 = tpu.memref_squeeze %dma_start3A_61 : memref<1x128xi32, #tpu.memory_space<vmem>> -> memref<128xi32, #tpu.memory_space<vmem>>
      %dma_start3A_63 = arith.constant 0 : i32
      %dma_start3A_64 = arith.constant 0 : i32
      %dma_start3A_65 = tpu.memref_slice %arg2[%dma_start3A_63, %dma_start3A_64] : memref<10000x16xf32, #tpu.memory_space<hbm>> -> memref<10000x16xf32, #tpu.memory_space<hbm>>
      tpu.enqueue_indirect_dma source(%dma_start3A_65 : memref<10000x16xf32, #tpu.memory_space<hbm>>) target(%dma_start3A_59 : memref<128x16xf32, #tpu.memory_space<vmem>>) offsets(%dma_start3A_62 : memref<128xi32, #tpu.memory_space<vmem>>) semaphore(%arg7 : memref<!tpu.dma_semaphore, #tpu.memory_space<semaphore_mem>>)
      %add3A_66 = arith.constant 4 : i32
      %add3A_67 = arith.addi %mul3A_10, %add3A_66 : i32
      %add3A_68 = arith.constant 4 : i32
      %add3A_69 = arith.addi %mul3A_10, %add3A_68 : i32
      %mul3A_70 = arith.constant 128 : i32
      %mul3A_71 = arith.muli %add3A_69, %mul3A_70 : i32
      %dma_start3A_72 = arith.constant 0 : i32
      %dma_start3A_73 = tpu.memref_slice %arg6[%mul3A_71, %dma_start3A_72] : memref<5120x16xf32, #tpu.memory_space<vmem>> -> memref<128x16xf32, #tpu.memory_space<vmem>>
      %dma_start3A_74 = arith.constant 0 : i32
      %dma_start3A_75 = tpu.memref_slice %arg5[%add3A_67, %dma_start3A_74] : memref<40x128xi32, #tpu.memory_space<vmem>> -> memref<1x128xi32, #tpu.memory_space<vmem>>
      %dma_start3A_76 = tpu.memref_squeeze %dma_start3A_75 : memref<1x128xi32, #tpu.memory_space<vmem>> -> memref<128xi32, #tpu.memory_space<vmem>>
      %dma_start3A_77 = arith.constant 0 : i32
      %dma_start3A_78 = arith.constant 0 : i32
      %dma_start3A_79 = tpu.memref_slice %arg2[%dma_start3A_77, %dma_start3A_78] : memref<10000x16xf32, #tpu.memory_space<hbm>> -> memref<10000x16xf32, #tpu.memory_space<hbm>>
      tpu.enqueue_indirect_dma source(%dma_start3A_79 : memref<10000x16xf32, #tpu.memory_space<hbm>>) target(%dma_start3A_73 : memref<128x16xf32, #tpu.memory_space<vmem>>) offsets(%dma_start3A_76 : memref<128xi32, #tpu.memory_space<vmem>>) semaphore(%arg7 : memref<!tpu.dma_semaphore, #tpu.memory_space<semaphore_mem>>)
      %add3A_80 = arith.constant 5 : i32
      %add3A_81 = arith.addi %mul3A_10, %add3A_80 : i32
      %add3A_82 = arith.constant 5 : i32
      %add3A_83 = arith.addi %mul3A_10, %add3A_82 : i32
      %mul3A_84 = arith.constant 128 : i32
      %mul3A_85 = arith.muli %add3A_83, %mul3A_84 : i32
      %dma_start3A_86 = arith.constant 0 : i32
      %dma_start3A_87 = tpu.memref_slice %arg6[%mul3A_85, %dma_start3A_86] : memref<5120x16xf32, #tpu.memory_space<vmem>> -> memref<128x16xf32, #tpu.memory_space<vmem>>
      %dma_start3A_88 = arith.constant 0 : i32
      %dma_start3A_89 = tpu.memref_slice %arg5[%add3A_81, %dma_start3A_88] : memref<40x128xi32, #tpu.memory_space<vmem>> -> memref<1x128xi32, #tpu.memory_space<vmem>>
      %dma_start3A_90 = tpu.memref_squeeze %dma_start3A_89 : memref<1x128xi32, #tpu.memory_space<vmem>> -> memref<128xi32, #tpu.memory_space<vmem>>
      %dma_start3A_91 = arith.constant 0 : i32
      %dma_start3A_92 = arith.constant 0 : i32
      %dma_start3A_93 = tpu.memref_slice %arg2[%dma_start3A_91, %dma_start3A_92] : memref<10000x16xf32, #tpu.memory_space<hbm>> -> memref<10000x16xf32, #tpu.memory_space<hbm>>
      tpu.enqueue_indirect_dma source(%dma_start3A_93 : memref<10000x16xf32, #tpu.memory_space<hbm>>) target(%dma_start3A_87 : memref<128x16xf32, #tpu.memory_space<vmem>>) offsets(%dma_start3A_90 : memref<128xi32, #tpu.memory_space<vmem>>) semaphore(%arg7 : memref<!tpu.dma_semaphore, #tpu.memory_space<semaphore_mem>>)
      %add3A_94 = arith.constant 6 : i32
      %add3A_95 = arith.addi %mul3A_10, %add3A_94 : i32
      %add3A_96 = arith.constant 6 : i32
      %add3A_97 = arith.addi %mul3A_10, %add3A_96 : i32
      %mul3A_98 = arith.constant 128 : i32
      %mul3A_99 = arith.muli %add3A_97, %mul3A_98 : i32
      %dma_start3A_100 = arith.constant 0 : i32
      %dma_start3A_101 = tpu.memref_slice %arg6[%mul3A_99, %dma_start3A_100] : memref<5120x16xf32, #tpu.memory_space<vmem>> -> memref<128x16xf32, #tpu.memory_space<vmem>>
      %dma_start3A_102 = arith.constant 0 : i32
      %dma_start3A_103 = tpu.memref_slice %arg5[%add3A_95, %dma_start3A_102] : memref<40x128xi32, #tpu.memory_space<vmem>> -> memref<1x128xi32, #tpu.memory_space<vmem>>
      %dma_start3A_104 = tpu.memref_squeeze %dma_start3A_103 : memref<1x128xi32, #tpu.memory_space<vmem>> -> memref<128xi32, #tpu.memory_space<vmem>>
      %dma_start3A_105 = arith.constant 0 : i32
      %dma_start3A_106 = arith.constant 0 : i32
      %dma_start3A_107 = tpu.memref_slice %arg2[%dma_start3A_105, %dma_start3A_106] : memref<10000x16xf32, #tpu.memory_space<hbm>> -> memref<10000x16xf32, #tpu.memory_space<hbm>>
      tpu.enqueue_indirect_dma source(%dma_start3A_107 : memref<10000x16xf32, #tpu.memory_space<hbm>>) target(%dma_start3A_101 : memref<128x16xf32, #tpu.memory_space<vmem>>) offsets(%dma_start3A_104 : memref<128xi32, #tpu.memory_space<vmem>>) semaphore(%arg7 : memref<!tpu.dma_semaphore, #tpu.memory_space<semaphore_mem>>)
      %add3A_108 = arith.constant 7 : i32
      %add3A_109 = arith.addi %mul3A_10, %add3A_108 : i32
      %add3A_110 = arith.constant 7 : i32
      %add3A_111 = arith.addi %mul3A_10, %add3A_110 : i32
      %mul3A_112 = arith.constant 128 : i32
      %mul3A_113 = arith.muli %add3A_111, %mul3A_112 : i32
      %dma_start3A_114 = arith.constant 0 : i32
      %dma_start3A_115 = tpu.memref_slice %arg6[%mul3A_113, %dma_start3A_114] : memref<5120x16xf32, #tpu.memory_space<vmem>> -> memref<128x16xf32, #tpu.memory_space<vmem>>
      %dma_start3A_116 = arith.constant 0 : i32
      %dma_start3A_117 = tpu.memref_slice %arg5[%add3A_109, %dma_start3A_116] : memref<40x128xi32, #tpu.memory_space<vmem>> -> memref<1x128xi32, #tpu.memory_space<vmem>>
      %dma_start3A_118 = tpu.memref_squeeze %dma_start3A_117 : memref<1x128xi32, #tpu.memory_space<vmem>> -> memref<128xi32, #tpu.memory_space<vmem>>
      %dma_start3A_119 = arith.constant 0 : i32
      %dma_start3A_120 = arith.constant 0 : i32
      %dma_start3A_121 = tpu.memref_slice %arg2[%dma_start3A_119, %dma_start3A_120] : memref<10000x16xf32, #tpu.memory_space<hbm>> -> memref<10000x16xf32, #tpu.memory_space<hbm>>
      tpu.enqueue_indirect_dma source(%dma_start3A_121 : memref<10000x16xf32, #tpu.memory_space<hbm>>) target(%dma_start3A_115 : memref<128x16xf32, #tpu.memory_space<vmem>>) offsets(%dma_start3A_118 : memref<128xi32, #tpu.memory_space<vmem>>) semaphore(%arg7 : memref<!tpu.dma_semaphore, #tpu.memory_space<semaphore_mem>>)
      %add3A_122 = arith.constant 8 : i32
      %add3A_123 = arith.addi %mul3A_10, %add3A_122 : i32
      %add3A_124 = arith.constant 8 : i32
      %add3A_125 = arith.addi %mul3A_10, %add3A_124 : i32
      %mul3A_126 = arith.constant 128 : i32
      %mul3A_127 = arith.muli %add3A_125, %mul3A_126 : i32
      %dma_start3A_128 = arith.constant 0 : i32
      %dma_start3A_129 = tpu.memref_slice %arg6[%mul3A_127, %dma_start3A_128] : memref<5120x16xf32, #tpu.memory_space<vmem>> -> memref<128x16xf32, #tpu.memory_space<vmem>>
      %dma_start3A_130 = arith.constant 0 : i32
      %dma_start3A_131 = tpu.memref_slice %arg5[%add3A_123, %dma_start3A_130] : memref<40x128xi32, #tpu.memory_space<vmem>> -> memref<1x128xi32, #tpu.memory_space<vmem>>
      %dma_start3A_132 = tpu.memref_squeeze %dma_start3A_131 : memref<1x128xi32, #tpu.memory_space<vmem>> -> memref<128xi32, #tpu.memory_space<vmem>>
      %dma_start3A_133 = arith.constant 0 : i32
      %dma_start3A_134 = arith.constant 0 : i32
      %dma_start3A_135 = tpu.memref_slice %arg2[%dma_start3A_133, %dma_start3A_134] : memref<10000x16xf32, #tpu.memory_space<hbm>> -> memref<10000x16xf32, #tpu.memory_space<hbm>>
      tpu.enqueue_indirect_dma source(%dma_start3A_135 : memref<10000x16xf32, #tpu.memory_space<hbm>>) target(%dma_start3A_129 : memref<128x16xf32, #tpu.memory_space<vmem>>) offsets(%dma_start3A_132 : memref<128xi32, #tpu.memory_space<vmem>>) semaphore(%arg7 : memref<!tpu.dma_semaphore, #tpu.memory_space<semaphore_mem>>)
      %add3A_136 = arith.constant 9 : i32
      %add3A_137 = arith.addi %mul3A_10, %add3A_136 : i32
      %add3A_138 = arith.constant 9 : i32
      %add3A_139 = arith.addi %mul3A_10, %add3A_138 : i32
      %mul3A_140 = arith.constant 128 : i32
      %mul3A_141 = arith.muli %add3A_139, %mul3A_140 : i32
      %dma_start3A_142 = arith.constant 0 : i32
      %dma_start3A_143 = tpu.memref_slice %arg6[%mul3A_141, %dma_start3A_142] : memref<5120x16xf32, #tpu.memory_space<vmem>> -> memref<128x16xf32, #tpu.memory_space<vmem>>
      %dma_start3A_144 = arith.constant 0 : i32
      %dma_start3A_145 = tpu.memref_slice %arg5[%add3A_137, %dma_start3A_144] : memref<40x128xi32, #tpu.memory_space<vmem>> -> memref<1x128xi32, #tpu.memory_space<vmem>>
      %dma_start3A_146 = tpu.memref_squeeze %dma_start3A_145 : memref<1x128xi32, #tpu.memory_space<vmem>> -> memref<128xi32, #tpu.memory_space<vmem>>
      %dma_start3A_147 = arith.constant 0 : i32
      %dma_start3A_148 = arith.constant 0 : i32
      %dma_start3A_149 = tpu.memref_slice %arg2[%dma_start3A_147, %dma_start3A_148] : memref<10000x16xf32, #tpu.memory_space<hbm>> -> memref<10000x16xf32, #tpu.memory_space<hbm>>
      tpu.enqueue_indirect_dma source(%dma_start3A_149 : memref<10000x16xf32, #tpu.memory_space<hbm>>) target(%dma_start3A_143 : memref<128x16xf32, #tpu.memory_space<vmem>>) offsets(%dma_start3A_146 : memref<128xi32, #tpu.memory_space<vmem>>) semaphore(%arg7 : memref<!tpu.dma_semaphore, #tpu.memory_space<semaphore_mem>>)
      %add3A_150 = arith.constant 10 : i32
      %add3A_151 = arith.addi %mul3A_10, %add3A_150 : i32
      %add3A_152 = arith.constant 10 : i32
      %add3A_153 = arith.addi %mul3A_10, %add3A_152 : i32
      %mul3A_154 = arith.constant 128 : i32
      %mul3A_155 = arith.muli %add3A_153, %mul3A_154 : i32
      %dma_start3A_156 = arith.constant 0 : i32
      %dma_start3A_157 = tpu.memref_slice %arg6[%mul3A_155, %dma_start3A_156] : memref<5120x16xf32, #tpu.memory_space<vmem>> -> memref<128x16xf32, #tpu.memory_space<vmem>>
      %dma_start3A_158 = arith.constant 0 : i32
      %dma_start3A_159 = tpu.memref_slice %arg5[%add3A_151, %dma_start3A_158] : memref<40x128xi32, #tpu.memory_space<vmem>> -> memref<1x128xi32, #tpu.memory_space<vmem>>
      %dma_start3A_160 = tpu.memref_squeeze %dma_start3A_159 : memref<1x128xi32, #tpu.memory_space<vmem>> -> memref<128xi32, #tpu.memory_space<vmem>>
      %dma_start3A_161 = arith.constant 0 : i32
      %dma_start3A_162 = arith.constant 0 : i32
      %dma_start3A_163 = tpu.memref_slice %arg2[%dma_start3A_161, %dma_start3A_162] : memref<10000x16xf32, #tpu.memory_space<hbm>> -> memref<10000x16xf32, #tpu.memory_space<hbm>>
      tpu.enqueue_indirect_dma source(%dma_start3A_163 : memref<10000x16xf32, #tpu.memory_space<hbm>>) target(%dma_start3A_157 : memref<128x16xf32, #tpu.memory_space<vmem>>) offsets(%dma_start3A_160 : memref<128xi32, #tpu.memory_space<vmem>>) semaphore(%arg7 : memref<!tpu.dma_semaphore, #tpu.memory_space<semaphore_mem>>)
      %add3A_164 = arith.constant 11 : i32
      %add3A_165 = arith.addi %mul3A_10, %add3A_164 : i32
      %add3A_166 = arith.constant 11 : i32
      %add3A_167 = arith.addi %mul3A_10, %add3A_166 : i32
      %mul3A_168 = arith.constant 128 : i32
      %mul3A_169 = arith.muli %add3A_167, %mul3A_168 : i32
      %dma_start3A_170 = arith.constant 0 : i32
      %dma_start3A_171 = tpu.memref_slice %arg6[%mul3A_169, %dma_start3A_170] : memref<5120x16xf32, #tpu.memory_space<vmem>> -> memref<128x16xf32, #tpu.memory_space<vmem>>
      %dma_start3A_172 = arith.constant 0 : i32
      %dma_start3A_173 = tpu.memref_slice %arg5[%add3A_165, %dma_start3A_172] : memref<40x128xi32, #tpu.memory_space<vmem>> -> memref<1x128xi32, #tpu.memory_space<vmem>>
      %dma_start3A_174 = tpu.memref_squeeze %dma_start3A_173 : memref<1x128xi32, #tpu.memory_space<vmem>> -> memref<128xi32, #tpu.memory_space<vmem>>
      %dma_start3A_175 = arith.constant 0 : i32
      %dma_start3A_176 = arith.constant 0 : i32
      %dma_start3A_177 = tpu.memref_slice %arg2[%dma_start3A_175, %dma_start3A_176] : memref<10000x16xf32, #tpu.memory_space<hbm>> -> memref<10000x16xf32, #tpu.memory_space<hbm>>
      tpu.enqueue_indirect_dma source(%dma_start3A_177 : memref<10000x16xf32, #tpu.memory_space<hbm>>) target(%dma_start3A_171 : memref<128x16xf32, #tpu.memory_space<vmem>>) offsets(%dma_start3A_174 : memref<128xi32, #tpu.memory_space<vmem>>) semaphore(%arg7 : memref<!tpu.dma_semaphore, #tpu.memory_space<semaphore_mem>>)
      %add3A_178 = arith.constant 12 : i32
      %add3A_179 = arith.addi %mul3A_10, %add3A_178 : i32
      %add3A_180 = arith.constant 12 : i32
      %add3A_181 = arith.addi %mul3A_10, %add3A_180 : i32
      %mul3A_182 = arith.constant 128 : i32
      %mul3A_183 = arith.muli %add3A_181, %mul3A_182 : i32
      %dma_start3A_184 = arith.constant 0 : i32
      %dma_start3A_185 = tpu.memref_slice %arg6[%mul3A_183, %dma_start3A_184] : memref<5120x16xf32, #tpu.memory_space<vmem>> -> memref<128x16xf32, #tpu.memory_space<vmem>>
      %dma_start3A_186 = arith.constant 0 : i32
      %dma_start3A_187 = tpu.memref_slice %arg5[%add3A_179, %dma_start3A_186] : memref<40x128xi32, #tpu.memory_space<vmem>> -> memref<1x128xi32, #tpu.memory_space<vmem>>
      %dma_start3A_188 = tpu.memref_squeeze %dma_start3A_187 : memref<1x128xi32, #tpu.memory_space<vmem>> -> memref<128xi32, #tpu.memory_space<vmem>>
      %dma_start3A_189 = arith.constant 0 : i32
      %dma_start3A_190 = arith.constant 0 : i32
      %dma_start3A_191 = tpu.memref_slice %arg2[%dma_start3A_189, %dma_start3A_190] : memref<10000x16xf32, #tpu.memory_space<hbm>> -> memref<10000x16xf32, #tpu.memory_space<hbm>>
      tpu.enqueue_indirect_dma source(%dma_start3A_191 : memref<10000x16xf32, #tpu.memory_space<hbm>>) target(%dma_start3A_185 : memref<128x16xf32, #tpu.memory_space<vmem>>) offsets(%dma_start3A_188 : memref<128xi32, #tpu.memory_space<vmem>>) semaphore(%arg7 : memref<!tpu.dma_semaphore, #tpu.memory_space<semaphore_mem>>)
      %add3A_192 = arith.constant 13 : i32
      %add3A_193 = arith.addi %mul3A_10, %add3A_192 : i32
      %add3A_194 = arith.constant 13 : i32
      %add3A_195 = arith.addi %mul3A_10, %add3A_194 : i32
      %mul3A_196 = arith.constant 128 : i32
      %mul3A_197 = arith.muli %add3A_195, %mul3A_196 : i32
      %dma_start3A_198 = arith.constant 0 : i32
      %dma_start3A_199 = tpu.memref_slice %arg6[%mul3A_197, %dma_start3A_198] : memref<5120x16xf32, #tpu.memory_space<vmem>> -> memref<128x16xf32, #tpu.memory_space<vmem>>
      %dma_start3A_200 = arith.constant 0 : i32
      %dma_start3A_201 = tpu.memref_slice %arg5[%add3A_193, %dma_start3A_200] : memref<40x128xi32, #tpu.memory_space<vmem>> -> memref<1x128xi32, #tpu.memory_space<vmem>>
      %dma_start3A_202 = tpu.memref_squeeze %dma_start3A_201 : memref<1x128xi32, #tpu.memory_space<vmem>> -> memref<128xi32, #tpu.memory_space<vmem>>
      %dma_start3A_203 = arith.constant 0 : i32
      %dma_start3A_204 = arith.constant 0 : i32
      %dma_start3A_205 = tpu.memref_slice %arg2[%dma_start3A_203, %dma_start3A_204] : memref<10000x16xf32, #tpu.memory_space<hbm>> -> memref<10000x16xf32, #tpu.memory_space<hbm>>
      tpu.enqueue_indirect_dma source(%dma_start3A_205 : memref<10000x16xf32, #tpu.memory_space<hbm>>) target(%dma_start3A_199 : memref<128x16xf32, #tpu.memory_space<vmem>>) offsets(%dma_start3A_202 : memref<128xi32, #tpu.memory_space<vmem>>) semaphore(%arg7 : memref<!tpu.dma_semaphore, #tpu.memory_space<semaphore_mem>>)
      %add3A_206 = arith.constant 14 : i32
      %add3A_207 = arith.addi %mul3A_10, %add3A_206 : i32
      %add3A_208 = arith.constant 14 : i32
      %add3A_209 = arith.addi %mul3A_10, %add3A_208 : i32
      %mul3A_210 = arith.constant 128 : i32
      %mul3A_211 = arith.muli %add3A_209, %mul3A_210 : i32
      %dma_start3A_212 = arith.constant 0 : i32
      %dma_start3A_213 = tpu.memref_slice %arg6[%mul3A_211, %dma_start3A_212] : memref<5120x16xf32, #tpu.memory_space<vmem>> -> memref<128x16xf32, #tpu.memory_space<vmem>>
      %dma_start3A_214 = arith.constant 0 : i32
      %dma_start3A_215 = tpu.memref_slice %arg5[%add3A_207, %dma_start3A_214] : memref<40x128xi32, #tpu.memory_space<vmem>> -> memref<1x128xi32, #tpu.memory_space<vmem>>
      %dma_start3A_216 = tpu.memref_squeeze %dma_start3A_215 : memref<1x128xi32, #tpu.memory_space<vmem>> -> memref<128xi32, #tpu.memory_space<vmem>>
      %dma_start3A_217 = arith.constant 0 : i32
      %dma_start3A_218 = arith.constant 0 : i32
      %dma_start3A_219 = tpu.memref_slice %arg2[%dma_start3A_217, %dma_start3A_218] : memref<10000x16xf32, #tpu.memory_space<hbm>> -> memref<10000x16xf32, #tpu.memory_space<hbm>>
      tpu.enqueue_indirect_dma source(%dma_start3A_219 : memref<10000x16xf32, #tpu.memory_space<hbm>>) target(%dma_start3A_213 : memref<128x16xf32, #tpu.memory_space<vmem>>) offsets(%dma_start3A_216 : memref<128xi32, #tpu.memory_space<vmem>>) semaphore(%arg7 : memref<!tpu.dma_semaphore, #tpu.memory_space<semaphore_mem>>)
      %add3A_220 = arith.constant 15 : i32
      %add3A_221 = arith.addi %mul3A_10, %add3A_220 : i32
      %add3A_222 = arith.constant 15 : i32
      %add3A_223 = arith.addi %mul3A_10, %add3A_222 : i32
      %mul3A_224 = arith.constant 128 : i32
      %mul3A_225 = arith.muli %add3A_223, %mul3A_224 : i32
      %dma_start3A_226 = arith.constant 0 : i32
      %dma_start3A_227 = tpu.memref_slice %arg6[%mul3A_225, %dma_start3A_226] : memref<5120x16xf32, #tpu.memory_space<vmem>> -> memref<128x16xf32, #tpu.memory_space<vmem>>
      %dma_start3A_228 = arith.constant 0 : i32
      %dma_start3A_229 = tpu.memref_slice %arg5[%add3A_221, %dma_start3A_228] : memref<40x128xi32, #tpu.memory_space<vmem>> -> memref<1x128xi32, #tpu.memory_space<vmem>>
      %dma_start3A_230 = tpu.memref_squeeze %dma_start3A_229 : memref<1x128xi32, #tpu.memory_space<vmem>> -> memref<128xi32, #tpu.memory_space<vmem>>
      %dma_start3A_231 = arith.constant 0 : i32
      %dma_start3A_232 = arith.constant 0 : i32
      %dma_start3A_233 = tpu.memref_slice %arg2[%dma_start3A_231, %dma_start3A_232] : memref<10000x16xf32, #tpu.memory_space<hbm>> -> memref<10000x16xf32, #tpu.memory_space<hbm>>
      tpu.enqueue_indirect_dma source(%dma_start3A_233 : memref<10000x16xf32, #tpu.memory_space<hbm>>) target(%dma_start3A_227 : memref<128x16xf32, #tpu.memory_space<vmem>>) offsets(%dma_start3A_230 : memref<128xi32, #tpu.memory_space<vmem>>) semaphore(%arg7 : memref<!tpu.dma_semaphore, #tpu.memory_space<semaphore_mem>>)
      %add3A_234 = arith.constant 16 : i32
      %add3A_235 = arith.addi %mul3A_10, %add3A_234 : i32
      %add3A_236 = arith.constant 16 : i32
      %add3A_237 = arith.addi %mul3A_10, %add3A_236 : i32
      %mul3A_238 = arith.constant 128 : i32
      %mul3A_239 = arith.muli %add3A_237, %mul3A_238 : i32
      %dma_start3A_240 = arith.constant 0 : i32
      %dma_start3A_241 = tpu.memref_slice %arg6[%mul3A_239, %dma_start3A_240] : memref<5120x16xf32, #tpu.memory_space<vmem>> -> memref<128x16xf32, #tpu.memory_space<vmem>>
      %dma_start3A_242 = arith.constant 0 : i32
      %dma_start3A_243 = tpu.memref_slice %arg5[%add3A_235, %dma_start3A_242] : memref<40x128xi32, #tpu.memory_space<vmem>> -> memref<1x128xi32, #tpu.memory_space<vmem>>
      %dma_start3A_244 = tpu.memref_squeeze %dma_start3A_243 : memref<1x128xi32, #tpu.memory_space<vmem>> -> memref<128xi32, #tpu.memory_space<vmem>>
      %dma_start3A_245 = arith.constant 0 : i32
      %dma_start3A_246 = arith.constant 0 : i32
      %dma_start3A_247 = tpu.memref_slice %arg2[%dma_start3A_245, %dma_start3A_246] : memref<10000x16xf32, #tpu.memory_space<hbm>> -> memref<10000x16xf32, #tpu.memory_space<hbm>>
      tpu.enqueue_indirect_dma source(%dma_start3A_247 : memref<10000x16xf32, #tpu.memory_space<hbm>>) target(%dma_start3A_241 : memref<128x16xf32, #tpu.memory_space<vmem>>) offsets(%dma_start3A_244 : memref<128xi32, #tpu.memory_space<vmem>>) semaphore(%arg7 : memref<!tpu.dma_semaphore, #tpu.memory_space<semaphore_mem>>)
      %add3A_248 = arith.constant 17 : i32
      %add3A_249 = arith.addi %mul3A_10, %add3A_248 : i32
      %add3A_250 = arith.constant 17 : i32
      %add3A_251 = arith.addi %mul3A_10, %add3A_250 : i32
      %mul3A_252 = arith.constant 128 : i32
      %mul3A_253 = arith.muli %add3A_251, %mul3A_252 : i32
      %dma_start3A_254 = arith.constant 0 : i32
      %dma_start3A_255 = tpu.memref_slice %arg6[%mul3A_253, %dma_start3A_254] : memref<5120x16xf32, #tpu.memory_space<vmem>> -> memref<128x16xf32, #tpu.memory_space<vmem>>
      %dma_start3A_256 = arith.constant 0 : i32
      %dma_start3A_257 = tpu.memref_slice %arg5[%add3A_249, %dma_start3A_256] : memref<40x128xi32, #tpu.memory_space<vmem>> -> memref<1x128xi32, #tpu.memory_space<vmem>>
      %dma_start3A_258 = tpu.memref_squeeze %dma_start3A_257 : memref<1x128xi32, #tpu.memory_space<vmem>> -> memref<128xi32, #tpu.memory_space<vmem>>
      %dma_start3A_259 = arith.constant 0 : i32
      %dma_start3A_260 = arith.constant 0 : i32
      %dma_start3A_261 = tpu.memref_slice %arg2[%dma_start3A_259, %dma_start3A_260] : memref<10000x16xf32, #tpu.memory_space<hbm>> -> memref<10000x16xf32, #tpu.memory_space<hbm>>
      tpu.enqueue_indirect_dma source(%dma_start3A_261 : memref<10000x16xf32, #tpu.memory_space<hbm>>) target(%dma_start3A_255 : memref<128x16xf32, #tpu.memory_space<vmem>>) offsets(%dma_start3A_258 : memref<128xi32, #tpu.memory_space<vmem>>) semaphore(%arg7 : memref<!tpu.dma_semaphore, #tpu.memory_space<semaphore_mem>>)
      %add3A_262 = arith.constant 18 : i32
      %add3A_263 = arith.addi %mul3A_10, %add3A_262 : i32
      %add3A_264 = arith.constant 18 : i32
      %add3A_265 = arith.addi %mul3A_10, %add3A_264 : i32
      %mul3A_266 = arith.constant 128 : i32
      %mul3A_267 = arith.muli %add3A_265, %mul3A_266 : i32
      %dma_start3A_268 = arith.constant 0 : i32
      %dma_start3A_269 = tpu.memref_slice %arg6[%mul3A_267, %dma_start3A_268] : memref<5120x16xf32, #tpu.memory_space<vmem>> -> memref<128x16xf32, #tpu.memory_space<vmem>>
      %dma_start3A_270 = arith.constant 0 : i32
      %dma_start3A_271 = tpu.memref_slice %arg5[%add3A_263, %dma_start3A_270] : memref<40x128xi32, #tpu.memory_space<vmem>> -> memref<1x128xi32, #tpu.memory_space<vmem>>
      %dma_start3A_272 = tpu.memref_squeeze %dma_start3A_271 : memref<1x128xi32, #tpu.memory_space<vmem>> -> memref<128xi32, #tpu.memory_space<vmem>>
      %dma_start3A_273 = arith.constant 0 : i32
      %dma_start3A_274 = arith.constant 0 : i32
      %dma_start3A_275 = tpu.memref_slice %arg2[%dma_start3A_273, %dma_start3A_274] : memref<10000x16xf32, #tpu.memory_space<hbm>> -> memref<10000x16xf32, #tpu.memory_space<hbm>>
      tpu.enqueue_indirect_dma source(%dma_start3A_275 : memref<10000x16xf32, #tpu.memory_space<hbm>>) target(%dma_start3A_269 : memref<128x16xf32, #tpu.memory_space<vmem>>) offsets(%dma_start3A_272 : memref<128xi32, #tpu.memory_space<vmem>>) semaphore(%arg7 : memref<!tpu.dma_semaphore, #tpu.memory_space<semaphore_mem>>)
      %add3A_276 = arith.constant 19 : i32
      %add3A_277 = arith.addi %mul3A_10, %add3A_276 : i32
      %add3A_278 = arith.constant 19 : i32
      %add3A_279 = arith.addi %mul3A_10, %add3A_278 : i32
      %mul3A_280 = arith.constant 128 : i32
      %mul3A_281 = arith.muli %add3A_279, %mul3A_280 : i32
      %dma_start3A_282 = arith.constant 0 : i32
      %dma_start3A_283 = tpu.memref_slice %arg6[%mul3A_281, %dma_start3A_282] : memref<5120x16xf32, #tpu.memory_space<vmem>> -> memref<128x16xf32, #tpu.memory_space<vmem>>
      %dma_start3A_284 = arith.constant 0 : i32
      %dma_start3A_285 = tpu.memref_slice %arg5[%add3A_277, %dma_start3A_284] : memref<40x128xi32, #tpu.memory_space<vmem>> -> memref<1x128xi32, #tpu.memory_space<vmem>>
      %dma_start3A_286 = tpu.memref_squeeze %dma_start3A_285 : memref<1x128xi32, #tpu.memory_space<vmem>> -> memref<128xi32, #tpu.memory_space<vmem>>
      %dma_start3A_287 = arith.constant 0 : i32
      %dma_start3A_288 = arith.constant 0 : i32
      %dma_start3A_289 = tpu.memref_slice %arg2[%dma_start3A_287, %dma_start3A_288] : memref<10000x16xf32, #tpu.memory_space<hbm>> -> memref<10000x16xf32, #tpu.memory_space<hbm>>
      tpu.enqueue_indirect_dma source(%dma_start3A_289 : memref<10000x16xf32, #tpu.memory_space<hbm>>) target(%dma_start3A_283 : memref<128x16xf32, #tpu.memory_space<vmem>>) offsets(%dma_start3A_286 : memref<128xi32, #tpu.memory_space<vmem>>) semaphore(%arg7 : memref<!tpu.dma_semaphore, #tpu.memory_space<semaphore_mem>>)
      %dma_wait3A = arith.constant 0 : i32
      %dma_wait3A_290 = tpu.memref_slice %arg6[%mul3A_16, %dma_wait3A] : memref<5120x16xf32, #tpu.memory_space<vmem>> -> memref<128x16xf32, #tpu.memory_space<vmem>>
      %dma_wait3A_291 = arith.constant 0 : i32
      %dma_wait3A_292 = tpu.memref_slice %arg5[%add3A_12, %dma_wait3A_291] : memref<40x128xi32, #tpu.memory_space<vmem>> -> memref<1x128xi32, #tpu.memory_space<vmem>>
      %dma_wait3A_293 = tpu.memref_squeeze %dma_wait3A_292 : memref<1x128xi32, #tpu.memory_space<vmem>> -> memref<128xi32, #tpu.memory_space<vmem>>
      %dma_wait3A_294 = arith.constant 0 : i32
      %dma_wait3A_295 = arith.constant 0 : i32
      %dma_wait3A_296 = tpu.memref_slice %arg2[%dma_wait3A_294, %dma_wait3A_295] : memref<10000x16xf32, #tpu.memory_space<hbm>> -> memref<10000x16xf32, #tpu.memory_space<hbm>>
      tpu.wait_indirect_dma semaphore(%arg7 : memref<!tpu.dma_semaphore, #tpu.memory_space<semaphore_mem>>) src(%dma_wait3A_296 : memref<10000x16xf32, #tpu.memory_space<hbm>>) dst(%dma_wait3A_290 : memref<128x16xf32, #tpu.memory_space<vmem>>)
      %dma_wait3A_297 = arith.constant 0 : i32
      %dma_wait3A_298 = tpu.memref_slice %arg6[%mul3A_29, %dma_wait3A_297] : memref<5120x16xf32, #tpu.memory_space<vmem>> -> memref<128x16xf32, #tpu.memory_space<vmem>>
      %dma_wait3A_299 = arith.constant 0 : i32
      %dma_wait3A_300 = tpu.memref_slice %arg5[%add3A_25, %dma_wait3A_299] : memref<40x128xi32, #tpu.memory_space<vmem>> -> memref<1x128xi32, #tpu.memory_space<vmem>>
      %dma_wait3A_301 = tpu.memref_squeeze %dma_wait3A_300 : memref<1x128xi32, #tpu.memory_space<vmem>> -> memref<128xi32, #tpu.memory_space<vmem>>
      %dma_wait3A_302 = arith.constant 0 : i32
      %dma_wait3A_303 = arith.constant 0 : i32
      %dma_wait3A_304 = tpu.memref_slice %arg2[%dma_wait3A_302, %dma_wait3A_303] : memref<10000x16xf32, #tpu.memory_space<hbm>> -> memref<10000x16xf32, #tpu.memory_space<hbm>>
      tpu.wait_indirect_dma semaphore(%arg7 : memref<!tpu.dma_semaphore, #tpu.memory_space<semaphore_mem>>) src(%dma_wait3A_304 : memref<10000x16xf32, #tpu.memory_space<hbm>>) dst(%dma_wait3A_298 : memref<128x16xf32, #tpu.memory_space<vmem>>)
      %dma_wait3A_305 = arith.constant 0 : i32
      %dma_wait3A_306 = tpu.memref_slice %arg6[%mul3A_43, %dma_wait3A_305] : memref<5120x16xf32, #tpu.memory_space<vmem>> -> memref<128x16xf32, #tpu.memory_space<vmem>>
      %dma_wait3A_307 = arith.constant 0 : i32
      %dma_wait3A_308 = tpu.memref_slice %arg5[%add3A_39, %dma_wait3A_307] : memref<40x128xi32, #tpu.memory_space<vmem>> -> memref<1x128xi32, #tpu.memory_space<vmem>>
      %dma_wait3A_309 = tpu.memref_squeeze %dma_wait3A_308 : memref<1x128xi32, #tpu.memory_space<vmem>> -> memref<128xi32, #tpu.memory_space<vmem>>
      %dma_wait3A_310 = arith.constant 0 : i32
      %dma_wait3A_311 = arith.constant 0 : i32
      %dma_wait3A_312 = tpu.memref_slice %arg2[%dma_wait3A_310, %dma_wait3A_311] : memref<10000x16xf32, #tpu.memory_space<hbm>> -> memref<10000x16xf32, #tpu.memory_space<hbm>>
      tpu.wait_indirect_dma semaphore(%arg7 : memref<!tpu.dma_semaphore, #tpu.memory_space<semaphore_mem>>) src(%dma_wait3A_312 : memref<10000x16xf32, #tpu.memory_space<hbm>>) dst(%dma_wait3A_306 : memref<128x16xf32, #tpu.memory_space<vmem>>)
      %dma_wait3A_313 = arith.constant 0 : i32
      %dma_wait3A_314 = tpu.memref_slice %arg6[%mul3A_57, %dma_wait3A_313] : memref<5120x16xf32, #tpu.memory_space<vmem>> -> memref<128x16xf32, #tpu.memory_space<vmem>>
      %dma_wait3A_315 = arith.constant 0 : i32
      %dma_wait3A_316 = tpu.memref_slice %arg5[%add3A_53, %dma_wait3A_315] : memref<40x128xi32, #tpu.memory_space<vmem>> -> memref<1x128xi32, #tpu.memory_space<vmem>>
      %dma_wait3A_317 = tpu.memref_squeeze %dma_wait3A_316 : memref<1x128xi32, #tpu.memory_space<vmem>> -> memref<128xi32, #tpu.memory_space<vmem>>
      %dma_wait3A_318 = arith.constant 0 : i32
      %dma_wait3A_319 = arith.constant 0 : i32
      %dma_wait3A_320 = tpu.memref_slice %arg2[%dma_wait3A_318, %dma_wait3A_319] : memref<10000x16xf32, #tpu.memory_space<hbm>> -> memref<10000x16xf32, #tpu.memory_space<hbm>>
      tpu.wait_indirect_dma semaphore(%arg7 : memref<!tpu.dma_semaphore, #tpu.memory_space<semaphore_mem>>) src(%dma_wait3A_320 : memref<10000x16xf32, #tpu.memory_space<hbm>>) dst(%dma_wait3A_314 : memref<128x16xf32, #tpu.memory_space<vmem>>)
      %dma_wait3A_321 = arith.constant 0 : i32
      %dma_wait3A_322 = tpu.memref_slice %arg6[%mul3A_71, %dma_wait3A_321] : memref<5120x16xf32, #tpu.memory_space<vmem>> -> memref<128x16xf32, #tpu.memory_space<vmem>>
      %dma_wait3A_323 = arith.constant 0 : i32
      %dma_wait3A_324 = tpu.memref_slice %arg5[%add3A_67, %dma_wait3A_323] : memref<40x128xi32, #tpu.memory_space<vmem>> -> memref<1x128xi32, #tpu.memory_space<vmem>>
      %dma_wait3A_325 = tpu.memref_squeeze %dma_wait3A_324 : memref<1x128xi32, #tpu.memory_space<vmem>> -> memref<128xi32, #tpu.memory_space<vmem>>
      %dma_wait3A_326 = arith.constant 0 : i32
      %dma_wait3A_327 = arith.constant 0 : i32
      %dma_wait3A_328 = tpu.memref_slice %arg2[%dma_wait3A_326, %dma_wait3A_327] : memref<10000x16xf32, #tpu.memory_space<hbm>> -> memref<10000x16xf32, #tpu.memory_space<hbm>>
      tpu.wait_indirect_dma semaphore(%arg7 : memref<!tpu.dma_semaphore, #tpu.memory_space<semaphore_mem>>) src(%dma_wait3A_328 : memref<10000x16xf32, #tpu.memory_space<hbm>>) dst(%dma_wait3A_322 : memref<128x16xf32, #tpu.memory_space<vmem>>)
      %dma_wait3A_329 = arith.constant 0 : i32
      %dma_wait3A_330 = tpu.memref_slice %arg6[%mul3A_85, %dma_wait3A_329] : memref<5120x16xf32, #tpu.memory_space<vmem>> -> memref<128x16xf32, #tpu.memory_space<vmem>>
      %dma_wait3A_331 = arith.constant 0 : i32
      %dma_wait3A_332 = tpu.memref_slice %arg5[%add3A_81, %dma_wait3A_331] : memref<40x128xi32, #tpu.memory_space<vmem>> -> memref<1x128xi32, #tpu.memory_space<vmem>>
      %dma_wait3A_333 = tpu.memref_squeeze %dma_wait3A_332 : memref<1x128xi32, #tpu.memory_space<vmem>> -> memref<128xi32, #tpu.memory_space<vmem>>
      %dma_wait3A_334 = arith.constant 0 : i32
      %dma_wait3A_335 = arith.constant 0 : i32
      %dma_wait3A_336 = tpu.memref_slice %arg2[%dma_wait3A_334, %dma_wait3A_335] : memref<10000x16xf32, #tpu.memory_space<hbm>> -> memref<10000x16xf32, #tpu.memory_space<hbm>>
      tpu.wait_indirect_dma semaphore(%arg7 : memref<!tpu.dma_semaphore, #tpu.memory_space<semaphore_mem>>) src(%dma_wait3A_336 : memref<10000x16xf32, #tpu.memory_space<hbm>>) dst(%dma_wait3A_330 : memref<128x16xf32, #tpu.memory_space<vmem>>)
      %dma_wait3A_337 = arith.constant 0 : i32
      %dma_wait3A_338 = tpu.memref_slice %arg6[%mul3A_99, %dma_wait3A_337] : memref<5120x16xf32, #tpu.memory_space<vmem>> -> memref<128x16xf32, #tpu.memory_space<vmem>>
      %dma_wait3A_339 = arith.constant 0 : i32
      %dma_wait3A_340 = tpu.memref_slice %arg5[%add3A_95, %dma_wait3A_339] : memref<40x128xi32, #tpu.memory_space<vmem>> -> memref<1x128xi32, #tpu.memory_space<vmem>>
      %dma_wait3A_341 = tpu.memref_squeeze %dma_wait3A_340 : memref<1x128xi32, #tpu.memory_space<vmem>> -> memref<128xi32, #tpu.memory_space<vmem>>
      %dma_wait3A_342 = arith.constant 0 : i32
      %dma_wait3A_343 = arith.constant 0 : i32
      %dma_wait3A_344 = tpu.memref_slice %arg2[%dma_wait3A_342, %dma_wait3A_343] : memref<10000x16xf32, #tpu.memory_space<hbm>> -> memref<10000x16xf32, #tpu.memory_space<hbm>>
      tpu.wait_indirect_dma semaphore(%arg7 : memref<!tpu.dma_semaphore, #tpu.memory_space<semaphore_mem>>) src(%dma_wait3A_344 : memref<10000x16xf32, #tpu.memory_space<hbm>>) dst(%dma_wait3A_338 : memref<128x16xf32, #tpu.memory_space<vmem>>)
      %dma_wait3A_345 = arith.constant 0 : i32
      %dma_wait3A_346 = tpu.memref_slice %arg6[%mul3A_113, %dma_wait3A_345] : memref<5120x16xf32, #tpu.memory_space<vmem>> -> memref<128x16xf32, #tpu.memory_space<vmem>>
      %dma_wait3A_347 = arith.constant 0 : i32
      %dma_wait3A_348 = tpu.memref_slice %arg5[%add3A_109, %dma_wait3A_347] : memref<40x128xi32, #tpu.memory_space<vmem>> -> memref<1x128xi32, #tpu.memory_space<vmem>>
      %dma_wait3A_349 = tpu.memref_squeeze %dma_wait3A_348 : memref<1x128xi32, #tpu.memory_space<vmem>> -> memref<128xi32, #tpu.memory_space<vmem>>
      %dma_wait3A_350 = arith.constant 0 : i32
      %dma_wait3A_351 = arith.constant 0 : i32
      %dma_wait3A_352 = tpu.memref_slice %arg2[%dma_wait3A_350, %dma_wait3A_351] : memref<10000x16xf32, #tpu.memory_space<hbm>> -> memref<10000x16xf32, #tpu.memory_space<hbm>>
      tpu.wait_indirect_dma semaphore(%arg7 : memref<!tpu.dma_semaphore, #tpu.memory_space<semaphore_mem>>) src(%dma_wait3A_352 : memref<10000x16xf32, #tpu.memory_space<hbm>>) dst(%dma_wait3A_346 : memref<128x16xf32, #tpu.memory_space<vmem>>)
      %dma_wait3A_353 = arith.constant 0 : i32
      %dma_wait3A_354 = tpu.memref_slice %arg6[%mul3A_127, %dma_wait3A_353] : memref<5120x16xf32, #tpu.memory_space<vmem>> -> memref<128x16xf32, #tpu.memory_space<vmem>>
      %dma_wait3A_355 = arith.constant 0 : i32
      %dma_wait3A_356 = tpu.memref_slice %arg5[%add3A_123, %dma_wait3A_355] : memref<40x128xi32, #tpu.memory_space<vmem>> -> memref<1x128xi32, #tpu.memory_space<vmem>>
      %dma_wait3A_357 = tpu.memref_squeeze %dma_wait3A_356 : memref<1x128xi32, #tpu.memory_space<vmem>> -> memref<128xi32, #tpu.memory_space<vmem>>
      %dma_wait3A_358 = arith.constant 0 : i32
      %dma_wait3A_359 = arith.constant 0 : i32
      %dma_wait3A_360 = tpu.memref_slice %arg2[%dma_wait3A_358, %dma_wait3A_359] : memref<10000x16xf32, #tpu.memory_space<hbm>> -> memref<10000x16xf32, #tpu.memory_space<hbm>>
      tpu.wait_indirect_dma semaphore(%arg7 : memref<!tpu.dma_semaphore, #tpu.memory_space<semaphore_mem>>) src(%dma_wait3A_360 : memref<10000x16xf32, #tpu.memory_space<hbm>>) dst(%dma_wait3A_354 : memref<128x16xf32, #tpu.memory_space<vmem>>)
      %dma_wait3A_361 = arith.constant 0 : i32
      %dma_wait3A_362 = tpu.memref_slice %arg6[%mul3A_141, %dma_wait3A_361] : memref<5120x16xf32, #tpu.memory_space<vmem>> -> memref<128x16xf32, #tpu.memory_space<vmem>>
      %dma_wait3A_363 = arith.constant 0 : i32
      %dma_wait3A_364 = tpu.memref_slice %arg5[%add3A_137, %dma_wait3A_363] : memref<40x128xi32, #tpu.memory_space<vmem>> -> memref<1x128xi32, #tpu.memory_space<vmem>>
      %dma_wait3A_365 = tpu.memref_squeeze %dma_wait3A_364 : memref<1x128xi32, #tpu.memory_space<vmem>> -> memref<128xi32, #tpu.memory_space<vmem>>
      %dma_wait3A_366 = arith.constant 0 : i32
      %dma_wait3A_367 = arith.constant 0 : i32
      %dma_wait3A_368 = tpu.memref_slice %arg2[%dma_wait3A_366, %dma_wait3A_367] : memref<10000x16xf32, #tpu.memory_space<hbm>> -> memref<10000x16xf32, #tpu.memory_space<hbm>>
      tpu.wait_indirect_dma semaphore(%arg7 : memref<!tpu.dma_semaphore, #tpu.memory_space<semaphore_mem>>) src(%dma_wait3A_368 : memref<10000x16xf32, #tpu.memory_space<hbm>>) dst(%dma_wait3A_362 : memref<128x16xf32, #tpu.memory_space<vmem>>)
      %dma_wait3A_369 = arith.constant 0 : i32
      %dma_wait3A_370 = tpu.memref_slice %arg6[%mul3A_155, %dma_wait3A_369] : memref<5120x16xf32, #tpu.memory_space<vmem>> -> memref<128x16xf32, #tpu.memory_space<vmem>>
      %dma_wait3A_371 = arith.constant 0 : i32
      %dma_wait3A_372 = tpu.memref_slice %arg5[%add3A_151, %dma_wait3A_371] : memref<40x128xi32, #tpu.memory_space<vmem>> -> memref<1x128xi32, #tpu.memory_space<vmem>>
      %dma_wait3A_373 = tpu.memref_squeeze %dma_wait3A_372 : memref<1x128xi32, #tpu.memory_space<vmem>> -> memref<128xi32, #tpu.memory_space<vmem>>
      %dma_wait3A_374 = arith.constant 0 : i32
      %dma_wait3A_375 = arith.constant 0 : i32
      %dma_wait3A_376 = tpu.memref_slice %arg2[%dma_wait3A_374, %dma_wait3A_375] : memref<10000x16xf32, #tpu.memory_space<hbm>> -> memref<10000x16xf32, #tpu.memory_space<hbm>>
      tpu.wait_indirect_dma semaphore(%arg7 : memref<!tpu.dma_semaphore, #tpu.memory_space<semaphore_mem>>) src(%dma_wait3A_376 : memref<10000x16xf32, #tpu.memory_space<hbm>>) dst(%dma_wait3A_370 : memref<128x16xf32, #tpu.memory_space<vmem>>)
      %dma_wait3A_377 = arith.constant 0 : i32
      %dma_wait3A_378 = tpu.memref_slice %arg6[%mul3A_169, %dma_wait3A_377] : memref<5120x16xf32, #tpu.memory_space<vmem>> -> memref<128x16xf32, #tpu.memory_space<vmem>>
      %dma_wait3A_379 = arith.constant 0 : i32
      %dma_wait3A_380 = tpu.memref_slice %arg5[%add3A_165, %dma_wait3A_379] : memref<40x128xi32, #tpu.memory_space<vmem>> -> memref<1x128xi32, #tpu.memory_space<vmem>>
      %dma_wait3A_381 = tpu.memref_squeeze %dma_wait3A_380 : memref<1x128xi32, #tpu.memory_space<vmem>> -> memref<128xi32, #tpu.memory_space<vmem>>
      %dma_wait3A_382 = arith.constant 0 : i32
      %dma_wait3A_383 = arith.constant 0 : i32
      %dma_wait3A_384 = tpu.memref_slice %arg2[%dma_wait3A_382, %dma_wait3A_383] : memref<10000x16xf32, #tpu.memory_space<hbm>> -> memref<10000x16xf32, #tpu.memory_space<hbm>>
      tpu.wait_indirect_dma semaphore(%arg7 : memref<!tpu.dma_semaphore, #tpu.memory_space<semaphore_mem>>) src(%dma_wait3A_384 : memref<10000x16xf32, #tpu.memory_space<hbm>>) dst(%dma_wait3A_378 : memref<128x16xf32, #tpu.memory_space<vmem>>)
      %dma_wait3A_385 = arith.constant 0 : i32
      %dma_wait3A_386 = tpu.memref_slice %arg6[%mul3A_183, %dma_wait3A_385] : memref<5120x16xf32, #tpu.memory_space<vmem>> -> memref<128x16xf32, #tpu.memory_space<vmem>>
      %dma_wait3A_387 = arith.constant 0 : i32
      %dma_wait3A_388 = tpu.memref_slice %arg5[%add3A_179, %dma_wait3A_387] : memref<40x128xi32, #tpu.memory_space<vmem>> -> memref<1x128xi32, #tpu.memory_space<vmem>>
      %dma_wait3A_389 = tpu.memref_squeeze %dma_wait3A_388 : memref<1x128xi32, #tpu.memory_space<vmem>> -> memref<128xi32, #tpu.memory_space<vmem>>
      %dma_wait3A_390 = arith.constant 0 : i32
      %dma_wait3A_391 = arith.constant 0 : i32
      %dma_wait3A_392 = tpu.memref_slice %arg2[%dma_wait3A_390, %dma_wait3A_391] : memref<10000x16xf32, #tpu.memory_space<hbm>> -> memref<10000x16xf32, #tpu.memory_space<hbm>>
      tpu.wait_indirect_dma semaphore(%arg7 : memref<!tpu.dma_semaphore, #tpu.memory_space<semaphore_mem>>) src(%dma_wait3A_392 : memref<10000x16xf32, #tpu.memory_space<hbm>>) dst(%dma_wait3A_386 : memref<128x16xf32, #tpu.memory_space<vmem>>)
      %dma_wait3A_393 = arith.constant 0 : i32
      %dma_wait3A_394 = tpu.memref_slice %arg6[%mul3A_197, %dma_wait3A_393] : memref<5120x16xf32, #tpu.memory_space<vmem>> -> memref<128x16xf32, #tpu.memory_space<vmem>>
      %dma_wait3A_395 = arith.constant 0 : i32
      %dma_wait3A_396 = tpu.memref_slice %arg5[%add3A_193, %dma_wait3A_395] : memref<40x128xi32, #tpu.memory_space<vmem>> -> memref<1x128xi32, #tpu.memory_space<vmem>>
      %dma_wait3A_397 = tpu.memref_squeeze %dma_wait3A_396 : memref<1x128xi32, #tpu.memory_space<vmem>> -> memref<128xi32, #tpu.memory_space<vmem>>
      %dma_wait3A_398 = arith.constant 0 : i32
      %dma_wait3A_399 = arith.constant 0 : i32
      %dma_wait3A_400 = tpu.memref_slice %arg2[%dma_wait3A_398, %dma_wait3A_399] : memref<10000x16xf32, #tpu.memory_space<hbm>> -> memref<10000x16xf32, #tpu.memory_space<hbm>>
      tpu.wait_indirect_dma semaphore(%arg7 : memref<!tpu.dma_semaphore, #tpu.memory_space<semaphore_mem>>) src(%dma_wait3A_400 : memref<10000x16xf32, #tpu.memory_space<hbm>>) dst(%dma_wait3A_394 : memref<128x16xf32, #tpu.memory_space<vmem>>)
      %dma_wait3A_401 = arith.constant 0 : i32
      %dma_wait3A_402 = tpu.memref_slice %arg6[%mul3A_211, %dma_wait3A_401] : memref<5120x16xf32, #tpu.memory_space<vmem>> -> memref<128x16xf32, #tpu.memory_space<vmem>>
      %dma_wait3A_403 = arith.constant 0 : i32
      %dma_wait3A_404 = tpu.memref_slice %arg5[%add3A_207, %dma_wait3A_403] : memref<40x128xi32, #tpu.memory_space<vmem>> -> memref<1x128xi32, #tpu.memory_space<vmem>>
      %dma_wait3A_405 = tpu.memref_squeeze %dma_wait3A_404 : memref<1x128xi32, #tpu.memory_space<vmem>> -> memref<128xi32, #tpu.memory_space<vmem>>
      %dma_wait3A_406 = arith.constant 0 : i32
      %dma_wait3A_407 = arith.constant 0 : i32
      %dma_wait3A_408 = tpu.memref_slice %arg2[%dma_wait3A_406, %dma_wait3A_407] : memref<10000x16xf32, #tpu.memory_space<hbm>> -> memref<10000x16xf32, #tpu.memory_space<hbm>>
      tpu.wait_indirect_dma semaphore(%arg7 : memref<!tpu.dma_semaphore, #tpu.memory_space<semaphore_mem>>) src(%dma_wait3A_408 : memref<10000x16xf32, #tpu.memory_space<hbm>>) dst(%dma_wait3A_402 : memref<128x16xf32, #tpu.memory_space<vmem>>)
      %dma_wait3A_409 = arith.constant 0 : i32
      %dma_wait3A_410 = tpu.memref_slice %arg6[%mul3A_225, %dma_wait3A_409] : memref<5120x16xf32, #tpu.memory_space<vmem>> -> memref<128x16xf32, #tpu.memory_space<vmem>>
      %dma_wait3A_411 = arith.constant 0 : i32
      %dma_wait3A_412 = tpu.memref_slice %arg5[%add3A_221, %dma_wait3A_411] : memref<40x128xi32, #tpu.memory_space<vmem>> -> memref<1x128xi32, #tpu.memory_space<vmem>>
      %dma_wait3A_413 = tpu.memref_squeeze %dma_wait3A_412 : memref<1x128xi32, #tpu.memory_space<vmem>> -> memref<128xi32, #tpu.memory_space<vmem>>
      %dma_wait3A_414 = arith.constant 0 : i32
      %dma_wait3A_415 = arith.constant 0 : i32
      %dma_wait3A_416 = tpu.memref_slice %arg2[%dma_wait3A_414, %dma_wait3A_415] : memref<10000x16xf32, #tpu.memory_space<hbm>> -> memref<10000x16xf32, #tpu.memory_space<hbm>>
      tpu.wait_indirect_dma semaphore(%arg7 : memref<!tpu.dma_semaphore, #tpu.memory_space<semaphore_mem>>) src(%dma_wait3A_416 : memref<10000x16xf32, #tpu.memory_space<hbm>>) dst(%dma_wait3A_410 : memref<128x16xf32, #tpu.memory_space<vmem>>)
      %dma_wait3A_417 = arith.constant 0 : i32
      %dma_wait3A_418 = tpu.memref_slice %arg6[%mul3A_239, %dma_wait3A_417] : memref<5120x16xf32, #tpu.memory_space<vmem>> -> memref<128x16xf32, #tpu.memory_space<vmem>>
      %dma_wait3A_419 = arith.constant 0 : i32
      %dma_wait3A_420 = tpu.memref_slice %arg5[%add3A_235, %dma_wait3A_419] : memref<40x128xi32, #tpu.memory_space<vmem>> -> memref<1x128xi32, #tpu.memory_space<vmem>>
      %dma_wait3A_421 = tpu.memref_squeeze %dma_wait3A_420 : memref<1x128xi32, #tpu.memory_space<vmem>> -> memref<128xi32, #tpu.memory_space<vmem>>
      %dma_wait3A_422 = arith.constant 0 : i32
      %dma_wait3A_423 = arith.constant 0 : i32
      %dma_wait3A_424 = tpu.memref_slice %arg2[%dma_wait3A_422, %dma_wait3A_423] : memref<10000x16xf32, #tpu.memory_space<hbm>> -> memref<10000x16xf32, #tpu.memory_space<hbm>>
      tpu.wait_indirect_dma semaphore(%arg7 : memref<!tpu.dma_semaphore, #tpu.memory_space<semaphore_mem>>) src(%dma_wait3A_424 : memref<10000x16xf32, #tpu.memory_space<hbm>>) dst(%dma_wait3A_418 : memref<128x16xf32, #tpu.memory_space<vmem>>)
      %dma_wait3A_425 = arith.constant 0 : i32
      %dma_wait3A_426 = tpu.memref_slice %arg6[%mul3A_253, %dma_wait3A_425] : memref<5120x16xf32, #tpu.memory_space<vmem>> -> memref<128x16xf32, #tpu.memory_space<vmem>>
      %dma_wait3A_427 = arith.constant 0 : i32
      %dma_wait3A_428 = tpu.memref_slice %arg5[%add3A_249, %dma_wait3A_427] : memref<40x128xi32, #tpu.memory_space<vmem>> -> memref<1x128xi32, #tpu.memory_space<vmem>>
      %dma_wait3A_429 = tpu.memref_squeeze %dma_wait3A_428 : memref<1x128xi32, #tpu.memory_space<vmem>> -> memref<128xi32, #tpu.memory_space<vmem>>
      %dma_wait3A_430 = arith.constant 0 : i32
      %dma_wait3A_431 = arith.constant 0 : i32
      %dma_wait3A_432 = tpu.memref_slice %arg2[%dma_wait3A_430, %dma_wait3A_431] : memref<10000x16xf32, #tpu.memory_space<hbm>> -> memref<10000x16xf32, #tpu.memory_space<hbm>>
      tpu.wait_indirect_dma semaphore(%arg7 : memref<!tpu.dma_semaphore, #tpu.memory_space<semaphore_mem>>) src(%dma_wait3A_432 : memref<10000x16xf32, #tpu.memory_space<hbm>>) dst(%dma_wait3A_426 : memref<128x16xf32, #tpu.memory_space<vmem>>)
      %dma_wait3A_433 = arith.constant 0 : i32
      %dma_wait3A_434 = tpu.memref_slice %arg6[%mul3A_267, %dma_wait3A_433] : memref<5120x16xf32, #tpu.memory_space<vmem>> -> memref<128x16xf32, #tpu.memory_space<vmem>>
      %dma_wait3A_435 = arith.constant 0 : i32
      %dma_wait3A_436 = tpu.memref_slice %arg5[%add3A_263, %dma_wait3A_435] : memref<40x128xi32, #tpu.memory_space<vmem>> -> memref<1x128xi32, #tpu.memory_space<vmem>>
      %dma_wait3A_437 = tpu.memref_squeeze %dma_wait3A_436 : memref<1x128xi32, #tpu.memory_space<vmem>> -> memref<128xi32, #tpu.memory_space<vmem>>
      %dma_wait3A_438 = arith.constant 0 : i32
      %dma_wait3A_439 = arith.constant 0 : i32
      %dma_wait3A_440 = tpu.memref_slice %arg2[%dma_wait3A_438, %dma_wait3A_439] : memref<10000x16xf32, #tpu.memory_space<hbm>> -> memref<10000x16xf32, #tpu.memory_space<hbm>>
      tpu.wait_indirect_dma semaphore(%arg7 : memref<!tpu.dma_semaphore, #tpu.memory_space<semaphore_mem>>) src(%dma_wait3A_440 : memref<10000x16xf32, #tpu.memory_space<hbm>>) dst(%dma_wait3A_434 : memref<128x16xf32, #tpu.memory_space<vmem>>)
      %dma_wait3A_441 = arith.constant 0 : i32
      %dma_wait3A_442 = tpu.memref_slice %arg6[%mul3A_281, %dma_wait3A_441] : memref<5120x16xf32, #tpu.memory_space<vmem>> -> memref<128x16xf32, #tpu.memory_space<vmem>>
      %dma_wait3A_443 = arith.constant 0 : i32
      %dma_wait3A_444 = tpu.memref_slice %arg5[%add3A_277, %dma_wait3A_443] : memref<40x128xi32, #tpu.memory_space<vmem>> -> memref<1x128xi32, #tpu.memory_space<vmem>>
      %dma_wait3A_445 = tpu.memref_squeeze %dma_wait3A_444 : memref<1x128xi32, #tpu.memory_space<vmem>> -> memref<128xi32, #tpu.memory_space<vmem>>
      %dma_wait3A_446 = arith.constant 0 : i32
      %dma_wait3A_447 = arith.constant 0 : i32
      %dma_wait3A_448 = tpu.memref_slice %arg2[%dma_wait3A_446, %dma_wait3A_447] : memref<10000x16xf32, #tpu.memory_space<hbm>> -> memref<10000x16xf32, #tpu.memory_space<hbm>>
      tpu.wait_indirect_dma semaphore(%arg7 : memref<!tpu.dma_semaphore, #tpu.memory_space<semaphore_mem>>) src(%dma_wait3A_448 : memref<10000x16xf32, #tpu.memory_space<hbm>>) dst(%dma_wait3A_442 : memref<128x16xf32, #tpu.memory_space<vmem>>)
    }
    %scan3A_5 = arith.constant 2 : i32
    %mul3A_6 = arith.constant 5120 : i32
    %mul3A_7 = arith.muli %add3A, %mul3A_6 : i32
    "tpu.region"() ({
      %run_scoped3A = tpu.sem_alloc : memref<!tpu.dma_semaphore, #tpu.memory_space<semaphore_mem>>
      %dma_start3A = arith.constant 0 : i32
      %dma_start3A_8 = tpu.memref_slice %arg4[%mul3A_7, %dma_start3A] : memref<163840x16xf32, #tpu.memory_space<hbm>> -> memref<5120x16xf32, #tpu.memory_space<hbm>>
      %dma_start3A_9 = arith.constant 0 : i32
      %dma_start3A_10 = tpu.memref_slice %arg4[%mul3A_7, %dma_start3A_9] : memref<163840x16xf32, #tpu.memory_space<hbm>> -> memref<5120x16xf32, #tpu.memory_space<hbm>>
      tpu.enqueue_dma source(%arg6 : memref<5120x16xf32, #tpu.memory_space<vmem>>) target(%dma_start3A_10 : memref<5120x16xf32, #tpu.memory_space<hbm>>) target_semaphore(%run_scoped3A : memref<!tpu.dma_semaphore, #tpu.memory_space<semaphore_mem>>)
      %dma_wait3A = arith.constant 0 : i32
      %dma_wait3A_11 = tpu.memref_slice %arg4[%mul3A_7, %dma_wait3A] : memref<163840x16xf32, #tpu.memory_space<hbm>> -> memref<5120x16xf32, #tpu.memory_space<hbm>>
      %dma_wait3A_12 = arith.constant 0 : i32
      %dma_wait3A_13 = tpu.memref_slice %arg4[%mul3A_7, %dma_wait3A_12] : memref<163840x16xf32, #tpu.memory_space<hbm>> -> memref<5120x16xf32, #tpu.memory_space<hbm>>
      tpu.wait_dma2 semaphore(%run_scoped3A : memref<!tpu.dma_semaphore, #tpu.memory_space<semaphore_mem>>) src(%arg6 : memref<5120x16xf32, #tpu.memory_space<vmem>>) dst(%dma_wait3A_13 : memref<5120x16xf32, #tpu.memory_space<hbm>>)
      tpu.yield
    }) : () -> ()
    return
  }
}

#map = affine_map<(d0, d1) -> (0, 0)>
#map1 = affine_map<(d0, d1) -> (0, 0, 0)>
module attributes {stable_mosaic.version = 14 : i64} {
  func.func @_sc_scatter(%arg0: i32, %arg1: i32, %arg2: memref<163840x16xf32, #tpu.memory_space<hbm>>, %arg3: memref<32x40x128xi32, #tpu.memory_space<hbm>>, %arg4: memref<10240x16xf32, #tpu.memory_space<hbm>>, %arg5: memref<128x16xf32, #tpu.memory_space<hbm>>, %arg6: memref<2x10240x16xf32, #tpu.memory_space<hbm>>, %arg7: memref<40x128xi32, #tpu.memory_space<vmem>>, %arg8: memref<5120x16xf32, #tpu.memory_space<vmem>>, %arg9: memref<128x16xf32, #tpu.memory_space<vmem>>, %arg10: memref<10240x16xf32, #tpu.memory_space<vmem_shared>>, %arg11: memref<!tpu.dma_semaphore, #tpu.memory_space<semaphore_mem>>) attributes {dimension_semantics = [#tpu.dimension_semantics<core_parallel>, #tpu.dimension_semantics<subcore_parallel>], iteration_bounds = array<i64: 2, 16>, scalar_prefetch = 0 : i64, scratch_operands = 5 : i64, tpu.core_type = #tpu.core_type<sc_vector_subcore>, window_params = [{transform_indices = #map}, {transform_indices = #map1}, {transform_indices = #map}, {transform_indices = #map}, {transform_indices = #map1}]} {
    %mul3A = arith.constant 2 : i32
    %mul3A_0 = arith.muli %arg1, %mul3A : i32
    %add3A = arith.addi %mul3A_0, %arg0 : i32
    %mul3A_1 = arith.constant 640 : i32
    %mul3A_2 = arith.muli %arg1, %mul3A_1 : i32
    "tpu.region"() ({
      %run_scoped3A = tpu.sem_alloc : memref<!tpu.dma_semaphore, #tpu.memory_space<semaphore_mem>>
      %dma_start3A = arith.constant 0 : i32
      %dma_start3A_11 = tpu.memref_slice %arg10[%mul3A_2, %dma_start3A] : memref<10240x16xf32, #tpu.memory_space<vmem_shared>> -> memref<640x16xf32, #tpu.memory_space<vmem_shared>>
      %dma_start3A_12 = arith.constant 0 : i32
      %dma_start3A_13 = tpu.memref_slice %arg4[%mul3A_2, %dma_start3A_12] : memref<10240x16xf32, #tpu.memory_space<hbm>> -> memref<640x16xf32, #tpu.memory_space<hbm>>
      tpu.enqueue_dma source(%dma_start3A_13 : memref<640x16xf32, #tpu.memory_space<hbm>>) target(%dma_start3A_11 : memref<640x16xf32, #tpu.memory_space<vmem_shared>>) target_semaphore(%run_scoped3A : memref<!tpu.dma_semaphore, #tpu.memory_space<semaphore_mem>>)
      %dma_wait3A = arith.constant 0 : i32
      %dma_wait3A_14 = tpu.memref_slice %arg10[%mul3A_2, %dma_wait3A] : memref<10240x16xf32, #tpu.memory_space<vmem_shared>> -> memref<640x16xf32, #tpu.memory_space<vmem_shared>>
      %dma_wait3A_15 = arith.constant 0 : i32
      %dma_wait3A_16 = tpu.memref_slice %arg4[%mul3A_2, %dma_wait3A_15] : memref<10240x16xf32, #tpu.memory_space<hbm>> -> memref<640x16xf32, #tpu.memory_space<hbm>>
      tpu.wait_dma2 semaphore(%run_scoped3A : memref<!tpu.dma_semaphore, #tpu.memory_space<semaphore_mem>>) src(%dma_wait3A_16 : memref<640x16xf32, #tpu.memory_space<hbm>>) dst(%dma_wait3A_14 : memref<640x16xf32, #tpu.memory_space<vmem_shared>>)
      tpu.yield
    }) : () -> ()
    "tpu.region"() ({
      %run_scoped3A = tpu.sem_alloc : memref<!tpu.dma_semaphore, #tpu.memory_space<semaphore_mem>>
      %dma_start3A = arith.constant 0 : i32
      %dma_start3A_11 = arith.constant 0 : i32
      %dma_start3A_12 = tpu.memref_slice %arg3[%add3A, %dma_start3A, %dma_start3A_11] : memref<32x40x128xi32, #tpu.memory_space<hbm>> -> memref<1x40x128xi32, #tpu.memory_space<hbm>>
      %dma_start3A_13 = tpu.memref_squeeze %dma_start3A_12 : memref<1x40x128xi32, #tpu.memory_space<hbm>> -> memref<40x128xi32, #tpu.memory_space<hbm>>
      %dma_start3A_14 = arith.constant 0 : i32
      %dma_start3A_15 = arith.constant 0 : i32
      %dma_start3A_16 = tpu.memref_slice %arg3[%add3A, %dma_start3A_14, %dma_start3A_15] : memref<32x40x128xi32, #tpu.memory_space<hbm>> -> memref<1x40x128xi32, #tpu.memory_space<hbm>>
      %dma_start3A_17 = tpu.memref_squeeze %dma_start3A_16 : memref<1x40x128xi32, #tpu.memory_space<hbm>> -> memref<40x128xi32, #tpu.memory_space<hbm>>
      tpu.enqueue_dma source(%dma_start3A_17 : memref<40x128xi32, #tpu.memory_space<hbm>>) target(%arg7 : memref<40x128xi32, #tpu.memory_space<vmem>>) target_semaphore(%run_scoped3A : memref<!tpu.dma_semaphore, #tpu.memory_space<semaphore_mem>>)
      %dma_wait3A = arith.constant 0 : i32
      %dma_wait3A_18 = arith.constant 0 : i32
      %dma_wait3A_19 = tpu.memref_slice %arg3[%add3A, %dma_wait3A, %dma_wait3A_18] : memref<32x40x128xi32, #tpu.memory_space<hbm>> -> memref<1x40x128xi32, #tpu.memory_space<hbm>>
      %dma_wait3A_20 = tpu.memref_squeeze %dma_wait3A_19 : memref<1x40x128xi32, #tpu.memory_space<hbm>> -> memref<40x128xi32, #tpu.memory_space<hbm>>
      %dma_wait3A_21 = arith.constant 0 : i32
      %dma_wait3A_22 = arith.constant 0 : i32
      %dma_wait3A_23 = tpu.memref_slice %arg3[%add3A, %dma_wait3A_21, %dma_wait3A_22] : memref<32x40x128xi32, #tpu.memory_space<hbm>> -> memref<1x40x128xi32, #tpu.memory_space<hbm>>
      %dma_wait3A_24 = tpu.memref_squeeze %dma_wait3A_23 : memref<1x40x128xi32, #tpu.memory_space<hbm>> -> memref<40x128xi32, #tpu.memory_space<hbm>>
      tpu.wait_dma2 semaphore(%run_scoped3A : memref<!tpu.dma_semaphore, #tpu.memory_space<semaphore_mem>>) src(%dma_wait3A_24 : memref<40x128xi32, #tpu.memory_space<hbm>>) dst(%arg7 : memref<40x128xi32, #tpu.memory_space<vmem>>)
      tpu.yield
    }) : () -> ()
    %mul3A_3 = arith.constant 5120 : i32
    %mul3A_4 = arith.muli %add3A, %mul3A_3 : i32
    "tpu.region"() ({
      %run_scoped3A = tpu.sem_alloc : memref<!tpu.dma_semaphore, #tpu.memory_space<semaphore_mem>>
      %dma_start3A = arith.constant 0 : i32
      %dma_start3A_11 = tpu.memref_slice %arg2[%mul3A_4, %dma_start3A] : memref<163840x16xf32, #tpu.memory_space<hbm>> -> memref<5120x16xf32, #tpu.memory_space<hbm>>
      %dma_start3A_12 = arith.constant 0 : i32
      %dma_start3A_13 = tpu.memref_slice %arg2[%mul3A_4, %dma_start3A_12] : memref<163840x16xf32, #tpu.memory_space<hbm>> -> memref<5120x16xf32, #tpu.memory_space<hbm>>
      tpu.enqueue_dma source(%dma_start3A_13 : memref<5120x16xf32, #tpu.memory_space<hbm>>) target(%arg8 : memref<5120x16xf32, #tpu.memory_space<vmem>>) target_semaphore(%run_scoped3A : memref<!tpu.dma_semaphore, #tpu.memory_space<semaphore_mem>>)
      %dma_wait3A = arith.constant 0 : i32
      %dma_wait3A_14 = tpu.memref_slice %arg2[%mul3A_4, %dma_wait3A] : memref<163840x16xf32, #tpu.memory_space<hbm>> -> memref<5120x16xf32, #tpu.memory_space<hbm>>
      %dma_wait3A_15 = arith.constant 0 : i32
      %dma_wait3A_16 = tpu.memref_slice %arg2[%mul3A_4, %dma_wait3A_15] : memref<163840x16xf32, #tpu.memory_space<hbm>> -> memref<5120x16xf32, #tpu.memory_space<hbm>>
      tpu.wait_dma2 semaphore(%run_scoped3A : memref<!tpu.dma_semaphore, #tpu.memory_space<semaphore_mem>>) src(%dma_wait3A_16 : memref<5120x16xf32, #tpu.memory_space<hbm>>) dst(%arg8 : memref<5120x16xf32, #tpu.memory_space<vmem>>)
      tpu.yield
    }) : () -> ()
    %barrier3A = arith.constant 0 : index
    tpu.barrier barrier_id(%barrier3A)
    %scan3A = arith.constant 0 : i32
    %scan3A_5 = arith.constant 0 : i32
    %scan3A_6 = arith.constant 40 : i32
    %scan3A_7 = arith.addi %scan3A_5, %scan3A_6 : i32
    %scan3A_8 = arith.constant 1 : i32
    scf.for %scan3A_11 = %scan3A_5 to %scan3A_7 step %scan3A_8  : i32 {
      %mul3A_12 = arith.constant 128 : i32
      %mul3A_13 = arith.muli %scan3A_11, %mul3A_12 : i32
      %dma_start3A = arith.constant 0 : i32
      %dma_start3A_14 = tpu.memref_slice %arg8[%mul3A_13, %dma_start3A] : memref<5120x16xf32, #tpu.memory_space<vmem>> -> memref<128x16xf32, #tpu.memory_space<vmem>>
      %dma_start3A_15 = arith.constant 0 : i32
      %dma_start3A_16 = tpu.memref_slice %arg7[%scan3A_11, %dma_start3A_15] : memref<40x128xi32, #tpu.memory_space<vmem>> -> memref<1x128xi32, #tpu.memory_space<vmem>>
      %dma_start3A_17 = tpu.memref_squeeze %dma_start3A_16 : memref<1x128xi32, #tpu.memory_space<vmem>> -> memref<128xi32, #tpu.memory_space<vmem>>
      %dma_start3A_18 = arith.constant 0 : i32
      %dma_start3A_19 = arith.constant 0 : i32
      %dma_start3A_20 = tpu.memref_slice %arg10[%dma_start3A_18, %dma_start3A_19] : memref<10240x16xf32, #tpu.memory_space<vmem_shared>> -> memref<10240x16xf32, #tpu.memory_space<vmem_shared>>
      tpu.enqueue_indirect_dma source(%dma_start3A_14 : memref<128x16xf32, #tpu.memory_space<vmem>>) target(%dma_start3A_20 : memref<10240x16xf32, #tpu.memory_space<vmem_shared>>) offsets(%dma_start3A_17 : memref<128xi32, #tpu.memory_space<vmem>>) semaphore(%arg11 : memref<!tpu.dma_semaphore, #tpu.memory_space<semaphore_mem>>) {add = true}
      %dma_wait3A = arith.constant 0 : i32
      %dma_wait3A_21 = tpu.memref_slice %arg8[%mul3A_13, %dma_wait3A] : memref<5120x16xf32, #tpu.memory_space<vmem>> -> memref<128x16xf32, #tpu.memory_space<vmem>>
      %dma_wait3A_22 = arith.constant 0 : i32
      %dma_wait3A_23 = tpu.memref_slice %arg7[%scan3A_11, %dma_wait3A_22] : memref<40x128xi32, #tpu.memory_space<vmem>> -> memref<1x128xi32, #tpu.memory_space<vmem>>
      %dma_wait3A_24 = tpu.memref_squeeze %dma_wait3A_23 : memref<1x128xi32, #tpu.memory_space<vmem>> -> memref<128xi32, #tpu.memory_space<vmem>>
      %dma_wait3A_25 = arith.constant 0 : i32
      %dma_wait3A_26 = arith.constant 0 : i32
      %dma_wait3A_27 = tpu.memref_slice %arg10[%dma_wait3A_25, %dma_wait3A_26] : memref<10240x16xf32, #tpu.memory_space<vmem_shared>> -> memref<10240x16xf32, #tpu.memory_space<vmem_shared>>
      tpu.wait_indirect_dma semaphore(%arg11 : memref<!tpu.dma_semaphore, #tpu.memory_space<semaphore_mem>>) src(%dma_wait3A_21 : memref<128x16xf32, #tpu.memory_space<vmem>>) dst(%dma_wait3A_27 : memref<10240x16xf32, #tpu.memory_space<vmem_shared>>)
    }
    %scan3A_9 = arith.constant 40 : i32
    %barrier3A_10 = arith.constant 0 : index
    tpu.barrier barrier_id(%barrier3A_10)
    "tpu.region"() ({
      %run_scoped3A = tpu.sem_alloc : memref<!tpu.dma_semaphore, #tpu.memory_space<semaphore_mem>>
      %dma_start3A = arith.constant 0 : i32
      %dma_start3A_11 = tpu.memref_slice %arg6[%arg0, %mul3A_2, %dma_start3A] : memref<2x10240x16xf32, #tpu.memory_space<hbm>> -> memref<1x640x16xf32, #tpu.memory_space<hbm>>
      %dma_start3A_12 = tpu.memref_squeeze %dma_start3A_11 : memref<1x640x16xf32, #tpu.memory_space<hbm>> -> memref<640x16xf32, #tpu.memory_space<hbm>>
      %dma_start3A_13 = arith.constant 0 : i32
      %dma_start3A_14 = tpu.memref_slice %arg10[%mul3A_2, %dma_start3A_13] : memref<10240x16xf32, #tpu.memory_space<vmem_shared>> -> memref<640x16xf32, #tpu.memory_space<vmem_shared>>
      tpu.enqueue_dma source(%dma_start3A_14 : memref<640x16xf32, #tpu.memory_space<vmem_shared>>) target(%dma_start3A_12 : memref<640x16xf32, #tpu.memory_space<hbm>>) target_semaphore(%run_scoped3A : memref<!tpu.dma_semaphore, #tpu.memory_space<semaphore_mem>>)
      %dma_wait3A = arith.constant 0 : i32
      %dma_wait3A_15 = tpu.memref_slice %arg6[%arg0, %mul3A_2, %dma_wait3A] : memref<2x10240x16xf32, #tpu.memory_space<hbm>> -> memref<1x640x16xf32, #tpu.memory_space<hbm>>
      %dma_wait3A_16 = tpu.memref_squeeze %dma_wait3A_15 : memref<1x640x16xf32, #tpu.memory_space<hbm>> -> memref<640x16xf32, #tpu.memory_space<hbm>>
      %dma_wait3A_17 = arith.constant 0 : i32
      %dma_wait3A_18 = tpu.memref_slice %arg10[%mul3A_2, %dma_wait3A_17] : memref<10240x16xf32, #tpu.memory_space<vmem_shared>> -> memref<640x16xf32, #tpu.memory_space<vmem_shared>>
      tpu.wait_dma2 semaphore(%run_scoped3A : memref<!tpu.dma_semaphore, #tpu.memory_space<semaphore_mem>>) src(%dma_wait3A_18 : memref<640x16xf32, #tpu.memory_space<vmem_shared>>) dst(%dma_wait3A_16 : memref<640x16xf32, #tpu.memory_space<hbm>>)
      tpu.yield
    }) : () -> ()
    return
  }
}

module attributes {stable_mosaic.version = 14 : i64} {
  func.func @body(%arg0: i32, %arg1: memref<6x4096xf32, #tpu.memory_space<vmem>>, %arg2: memref<4096x16xf32, #tpu.memory_space<vmem>>, %arg3: memref<64x6xf32, #tpu.memory_space<vmem>>, %arg4: memref<64x1xf32, #tpu.memory_space<vmem>>, %arg5: memref<176x64xf32, #tpu.memory_space<vmem>>, %arg6: memref<176x1xf32, #tpu.memory_space<vmem>>, %arg7: memref<4096x16xf32, #tpu.memory_space<vmem>>) attributes {dimension_semantics = [#tpu.dimension_semantics<arbitrary>], iteration_bounds = array<i64: 40>, scalar_prefetch = 0 : i64, scratch_operands = 0 : i64, tpu.core_type = #tpu.core_type<tc>, window_params = [{transform_indices = @transform_0, window_bounds = array<i64: 6, 4096>}, {transform_indices = @transform_1, window_bounds = array<i64: 4096, 16>}, {pipeline_mode = #tpu.pipeline_mode<synchronous>, transform_indices = @transform_2, window_bounds = array<i64: 64, 6>}, {pipeline_mode = #tpu.pipeline_mode<synchronous>, transform_indices = @transform_3, window_bounds = array<i64: 64, 1>}, {pipeline_mode = #tpu.pipeline_mode<synchronous>, transform_indices = @transform_4, window_bounds = array<i64: 176, 64>}, {pipeline_mode = #tpu.pipeline_mode<synchronous>, transform_indices = @transform_5, window_bounds = array<i64: 176, 1>}, {transform_indices = @transform_6, window_bounds = array<i64: 4096, 16>}]} {
    %get3A = arith.constant 0 : index
    %get3A_0 = arith.constant 0 : index
    %get3A_1 = vector.load %arg3[%get3A, %get3A_0] : memref<64x6xf32, #tpu.memory_space<vmem>>, vector<64x6xf32>
    %get3A_2 = arith.constant 0 : index
    %get3A_3 = arith.constant 0 : index
    %get3A_4 = vector.load %arg1[%get3A_2, %get3A_3] : memref<6x4096xf32, #tpu.memory_space<vmem>>, vector<6x4096xf32>
    %dot_general3A = arith.constant dense<0.000000e+00> : vector<64x4096xf32>
    %dot_general3A_5 = tpu.matmul %get3A_1, %get3A_4, %dot_general3A {dimension_numbers = #tpu.dot_dimension_numbers<[1], [0], [0], [1], [0, 0, 1, 1], [], []>, transpose_lhs_hint = false} : vector<64x6xf32>, vector<6x4096xf32>, vector<64x4096xf32> -> vector<64x4096xf32>
    %get3A_6 = arith.constant 0 : index
    %get3A_7 = arith.constant 0 : index
    %get3A_8 = vector.load %arg4[%get3A_6, %get3A_7] : memref<64x1xf32, #tpu.memory_space<vmem>>, vector<64x1xf32>
    %add3A = vector.broadcast %get3A_8 : vector<64x1xf32> to vector<64x4096xf32>
    %add3A_9 = arith.addf %dot_general3A_5, %add3A : vector<64x4096xf32>
    %max3A = arith.constant 0.000000e+00 : f32
    %max3A_10 = vector.broadcast %max3A : f32 to vector<64x4096xf32>
    %max3A_11 = arith.maximumf %add3A_9, %max3A_10 : vector<64x4096xf32>
    %get3A_12 = arith.constant 0 : index
    %get3A_13 = arith.constant 0 : index
    %get3A_14 = vector.load %arg5[%get3A_12, %get3A_13] : memref<176x64xf32, #tpu.memory_space<vmem>>, vector<176x64xf32>
    %dot_general3A_15 = arith.constant dense<0.000000e+00> : vector<176x4096xf32>
    %dot_general3A_16 = tpu.matmul %get3A_14, %max3A_11, %dot_general3A_15 {dimension_numbers = #tpu.dot_dimension_numbers<[1], [0], [0], [1], [0, 0, 1, 1], [], []>, transpose_lhs_hint = false} : vector<176x64xf32>, vector<64x4096xf32>, vector<176x4096xf32> -> vector<176x4096xf32>
    %get3A_17 = arith.constant 0 : index
    %get3A_18 = arith.constant 0 : index
    %get3A_19 = vector.load %arg6[%get3A_17, %get3A_18] : memref<176x1xf32, #tpu.memory_space<vmem>>, vector<176x1xf32>
    %add3A_20 = vector.broadcast %get3A_19 : vector<176x1xf32> to vector<176x4096xf32>
    %add3A_21 = arith.addf %dot_general3A_16, %add3A_20 : vector<176x4096xf32>
    %get3A_22 = arith.constant 0 : index
    %get3A_23 = arith.constant 0 : index
    %get3A_24 = vector.load %arg2[%get3A_22, %get3A_23] : memref<4096x16xf32, #tpu.memory_space<vmem>>, vector<4096x16xf32>
    %transpose3A = tpu.transpose %get3A_24, [1, 0] : vector<4096x16xf32> -> vector<16x4096xf32>
    %slice3A = vector.extract_strided_slice %transpose3A {offsets = [0, 0], sizes = [1, 4096], strides = [1, 1]} : vector<16x4096xf32> to vector<1x4096xf32>
    %slice3A_25 = vector.extract_strided_slice %add3A_21 {offsets = [0, 0], sizes = [16, 4096], strides = [1, 1]} : vector<176x4096xf32> to vector<16x4096xf32>
    %mul3A = vector.broadcast %slice3A : vector<1x4096xf32> to vector<16x4096xf32>
    %mul3A_26 = arith.mulf %mul3A, %slice3A_25 : vector<16x4096xf32>
    %slice3A_27 = vector.extract_strided_slice %transpose3A {offsets = [1, 0], sizes = [1, 4096], strides = [1, 1]} : vector<16x4096xf32> to vector<1x4096xf32>
    %slice3A_28 = vector.extract_strided_slice %add3A_21 {offsets = [16, 0], sizes = [16, 4096], strides = [1, 1]} : vector<176x4096xf32> to vector<16x4096xf32>
    %mul3A_29 = vector.broadcast %slice3A_27 : vector<1x4096xf32> to vector<16x4096xf32>
    %mul3A_30 = arith.mulf %mul3A_29, %slice3A_28 : vector<16x4096xf32>
    %add3A_31 = arith.addf %mul3A_26, %mul3A_30 : vector<16x4096xf32>
    %slice3A_32 = vector.extract_strided_slice %transpose3A {offsets = [2, 0], sizes = [1, 4096], strides = [1, 1]} : vector<16x4096xf32> to vector<1x4096xf32>
    %slice3A_33 = vector.extract_strided_slice %add3A_21 {offsets = [32, 0], sizes = [16, 4096], strides = [1, 1]} : vector<176x4096xf32> to vector<16x4096xf32>
    %mul3A_34 = vector.broadcast %slice3A_32 : vector<1x4096xf32> to vector<16x4096xf32>
    %mul3A_35 = arith.mulf %mul3A_34, %slice3A_33 : vector<16x4096xf32>
    %add3A_36 = arith.addf %add3A_31, %mul3A_35 : vector<16x4096xf32>
    %slice3A_37 = vector.extract_strided_slice %transpose3A {offsets = [3, 0], sizes = [1, 4096], strides = [1, 1]} : vector<16x4096xf32> to vector<1x4096xf32>
    %slice3A_38 = vector.extract_strided_slice %add3A_21 {offsets = [48, 0], sizes = [16, 4096], strides = [1, 1]} : vector<176x4096xf32> to vector<16x4096xf32>
    %mul3A_39 = vector.broadcast %slice3A_37 : vector<1x4096xf32> to vector<16x4096xf32>
    %mul3A_40 = arith.mulf %mul3A_39, %slice3A_38 : vector<16x4096xf32>
    %add3A_41 = arith.addf %add3A_36, %mul3A_40 : vector<16x4096xf32>
    %slice3A_42 = vector.extract_strided_slice %transpose3A {offsets = [4, 0], sizes = [1, 4096], strides = [1, 1]} : vector<16x4096xf32> to vector<1x4096xf32>
    %slice3A_43 = vector.extract_strided_slice %add3A_21 {offsets = [64, 0], sizes = [16, 4096], strides = [1, 1]} : vector<176x4096xf32> to vector<16x4096xf32>
    %mul3A_44 = vector.broadcast %slice3A_42 : vector<1x4096xf32> to vector<16x4096xf32>
    %mul3A_45 = arith.mulf %mul3A_44, %slice3A_43 : vector<16x4096xf32>
    %add3A_46 = arith.addf %add3A_41, %mul3A_45 : vector<16x4096xf32>
    %slice3A_47 = vector.extract_strided_slice %transpose3A {offsets = [5, 0], sizes = [1, 4096], strides = [1, 1]} : vector<16x4096xf32> to vector<1x4096xf32>
    %slice3A_48 = vector.extract_strided_slice %add3A_21 {offsets = [80, 0], sizes = [16, 4096], strides = [1, 1]} : vector<176x4096xf32> to vector<16x4096xf32>
    %mul3A_49 = vector.broadcast %slice3A_47 : vector<1x4096xf32> to vector<16x4096xf32>
    %mul3A_50 = arith.mulf %mul3A_49, %slice3A_48 : vector<16x4096xf32>
    %add3A_51 = arith.addf %add3A_46, %mul3A_50 : vector<16x4096xf32>
    %slice3A_52 = vector.extract_strided_slice %transpose3A {offsets = [6, 0], sizes = [1, 4096], strides = [1, 1]} : vector<16x4096xf32> to vector<1x4096xf32>
    %slice3A_53 = vector.extract_strided_slice %add3A_21 {offsets = [96, 0], sizes = [16, 4096], strides = [1, 1]} : vector<176x4096xf32> to vector<16x4096xf32>
    %mul3A_54 = vector.broadcast %slice3A_52 : vector<1x4096xf32> to vector<16x4096xf32>
    %mul3A_55 = arith.mulf %mul3A_54, %slice3A_53 : vector<16x4096xf32>
    %add3A_56 = arith.addf %add3A_51, %mul3A_55 : vector<16x4096xf32>
    %slice3A_57 = vector.extract_strided_slice %transpose3A {offsets = [7, 0], sizes = [1, 4096], strides = [1, 1]} : vector<16x4096xf32> to vector<1x4096xf32>
    %slice3A_58 = vector.extract_strided_slice %add3A_21 {offsets = [112, 0], sizes = [16, 4096], strides = [1, 1]} : vector<176x4096xf32> to vector<16x4096xf32>
    %mul3A_59 = vector.broadcast %slice3A_57 : vector<1x4096xf32> to vector<16x4096xf32>
    %mul3A_60 = arith.mulf %mul3A_59, %slice3A_58 : vector<16x4096xf32>
    %add3A_61 = arith.addf %add3A_56, %mul3A_60 : vector<16x4096xf32>
    %slice3A_62 = vector.extract_strided_slice %transpose3A {offsets = [8, 0], sizes = [1, 4096], strides = [1, 1]} : vector<16x4096xf32> to vector<1x4096xf32>
    %slice3A_63 = vector.extract_strided_slice %add3A_21 {offsets = [128, 0], sizes = [16, 4096], strides = [1, 1]} : vector<176x4096xf32> to vector<16x4096xf32>
    %mul3A_64 = vector.broadcast %slice3A_62 : vector<1x4096xf32> to vector<16x4096xf32>
    %mul3A_65 = arith.mulf %mul3A_64, %slice3A_63 : vector<16x4096xf32>
    %add3A_66 = arith.addf %add3A_61, %mul3A_65 : vector<16x4096xf32>
    %slice3A_67 = vector.extract_strided_slice %transpose3A {offsets = [9, 0], sizes = [1, 4096], strides = [1, 1]} : vector<16x4096xf32> to vector<1x4096xf32>
    %slice3A_68 = vector.extract_strided_slice %add3A_21 {offsets = [144, 0], sizes = [16, 4096], strides = [1, 1]} : vector<176x4096xf32> to vector<16x4096xf32>
    %mul3A_69 = vector.broadcast %slice3A_67 : vector<1x4096xf32> to vector<16x4096xf32>
    %mul3A_70 = arith.mulf %mul3A_69, %slice3A_68 : vector<16x4096xf32>
    %add3A_71 = arith.addf %add3A_66, %mul3A_70 : vector<16x4096xf32>
    %slice3A_72 = vector.extract_strided_slice %transpose3A {offsets = [10, 0], sizes = [1, 4096], strides = [1, 1]} : vector<16x4096xf32> to vector<1x4096xf32>
    %slice3A_73 = vector.extract_strided_slice %add3A_21 {offsets = [160, 0], sizes = [16, 4096], strides = [1, 1]} : vector<176x4096xf32> to vector<16x4096xf32>
    %mul3A_74 = vector.broadcast %slice3A_72 : vector<1x4096xf32> to vector<16x4096xf32>
    %mul3A_75 = arith.mulf %mul3A_74, %slice3A_73 : vector<16x4096xf32>
    %add3A_76 = arith.addf %add3A_71, %mul3A_75 : vector<16x4096xf32>
    %transpose3A_77 = tpu.transpose %add3A_76, [1, 0] : vector<16x4096xf32> -> vector<4096x16xf32>
    %swap3A = arith.constant 0 : index
    %swap3A_78 = arith.constant 0 : index
    %swap3A_79 = vector.load %arg7[%swap3A, %swap3A_78] : memref<4096x16xf32, #tpu.memory_space<vmem>>, vector<4096x16xf32>
    tpu.vector_store %arg7[%swap3A, %swap3A_78], %transpose3A_77 {strides = array<i32>} : memref<4096x16xf32, #tpu.memory_space<vmem>>, vector<4096x16xf32>,
    return
  }
  func.func @transform_0(%arg0: i32) -> (i32, i32) {
    %c0_i32 = arith.constant 0 : i32
    %c0_i32_0 = arith.constant 0 : i32
    return %c0_i32, %arg0 : i32, i32
  }
  func.func @transform_1(%arg0: i32) -> (i32, i32) {
    %c0_i32 = arith.constant 0 : i32
    %c0_i32_0 = arith.constant 0 : i32
    return %arg0, %c0_i32 : i32, i32
  }
  func.func @transform_2(%arg0: i32) -> (i32, i32) {
    %c0_i32 = arith.constant 0 : i32
    %c0_i32_0 = arith.constant 0 : i32
    %c0_i32_1 = arith.constant 0 : i32
    return %c0_i32, %c0_i32_0 : i32, i32
  }
  func.func @transform_3(%arg0: i32) -> (i32, i32) {
    %c0_i32 = arith.constant 0 : i32
    %c0_i32_0 = arith.constant 0 : i32
    %c0_i32_1 = arith.constant 0 : i32
    return %c0_i32, %c0_i32_0 : i32, i32
  }
  func.func @transform_4(%arg0: i32) -> (i32, i32) {
    %c0_i32 = arith.constant 0 : i32
    %c0_i32_0 = arith.constant 0 : i32
    %c0_i32_1 = arith.constant 0 : i32
    return %c0_i32, %c0_i32_0 : i32, i32
  }
  func.func @transform_5(%arg0: i32) -> (i32, i32) {
    %c0_i32 = arith.constant 0 : i32
    %c0_i32_0 = arith.constant 0 : i32
    %c0_i32_1 = arith.constant 0 : i32
    return %c0_i32, %c0_i32_0 : i32, i32
  }
  func.func @transform_6(%arg0: i32) -> (i32, i32) {
    %c0_i32 = arith.constant 0 : i32
    %c0_i32_0 = arith.constant 0 : i32
    return %arg0, %c0_i32 : i32, i32
  }
}

module attributes {stable_mosaic.version = 14 : i64} {
  func.func @body(%arg0: memref<2x10000x16xf32, #tpu.memory_space<vmem>>, %arg1: memref<2x10000x16xf32, #tpu.memory_space<vmem>>, %arg2: memref<1x16xf32, #tpu.memory_space<vmem>>, %arg3: memref<1x16xf32, #tpu.memory_space<vmem>>, %arg4: memref<1x16xf32, #tpu.memory_space<vmem>>, %arg5: memref<10000x16xf32, #tpu.memory_space<vmem>>) attributes {dimension_semantics = [], scalar_prefetch = 0 : i64, scratch_operands = 0 : i64, tpu.core_type = #tpu.core_type<tc>} {
    %get3A = arith.constant 0 : index
    %get3A_0 = arith.constant 0 : index
    %get3A_1 = arith.constant 0 : index
    %get3A_2 = vector.load %arg0[%get3A, %get3A_0, %get3A_1] : memref<2x10000x16xf32, #tpu.memory_space<vmem>>, vector<1x10000x16xf32>
    %get3A_3 = vector.shape_cast %get3A_2 : vector<1x10000x16xf32> to vector<10000x16xf32>
    %get3A_4 = arith.constant 1 : index
    %get3A_5 = arith.constant 0 : index
    %get3A_6 = arith.constant 0 : index
    %get3A_7 = vector.load %arg0[%get3A_4, %get3A_5, %get3A_6] : memref<2x10000x16xf32, #tpu.memory_space<vmem>>, vector<1x10000x16xf32>
    %get3A_8 = vector.shape_cast %get3A_7 : vector<1x10000x16xf32> to vector<10000x16xf32>
    %add3A = arith.addf %get3A_3, %get3A_8 : vector<10000x16xf32>
    %get3A_9 = arith.constant 0 : index
    %get3A_10 = arith.constant 0 : index
    %get3A_11 = arith.constant 0 : index
    %get3A_12 = vector.load %arg1[%get3A_9, %get3A_10, %get3A_11] : memref<2x10000x16xf32, #tpu.memory_space<vmem>>, vector<1x10000x16xf32>
    %get3A_13 = vector.shape_cast %get3A_12 : vector<1x10000x16xf32> to vector<10000x16xf32>
    %get3A_14 = arith.constant 1 : index
    %get3A_15 = arith.constant 0 : index
    %get3A_16 = arith.constant 0 : index
    %get3A_17 = vector.load %arg1[%get3A_14, %get3A_15, %get3A_16] : memref<2x10000x16xf32, #tpu.memory_space<vmem>>, vector<1x10000x16xf32>
    %get3A_18 = vector.shape_cast %get3A_17 : vector<1x10000x16xf32> to vector<10000x16xf32>
    %add3A_19 = arith.addf %get3A_13, %get3A_18 : vector<10000x16xf32>
    %max3A = arith.constant 1.000000e+00 : f32
    %max3A_20 = vector.broadcast %max3A : f32 to vector<10000x16xf32>
    %max3A_21 = arith.maximumf %add3A_19, %max3A_20 : vector<10000x16xf32>
    %div3A = arith.divf %add3A, %max3A_21 : vector<10000x16xf32>
    %get3A_22 = arith.constant 0 : index
    %get3A_23 = arith.constant 0 : index
    %get3A_24 = vector.load %arg2[%get3A_22, %get3A_23] : memref<1x16xf32, #tpu.memory_space<vmem>>, vector<1x16xf32>
    %add3A_25 = vector.broadcast %get3A_24 : vector<1x16xf32> to vector<10000x16xf32>
    %add3A_26 = arith.addf %div3A, %add3A_25 : vector<10000x16xf32>
    %max3A_27 = arith.constant 0.000000e+00 : f32
    %max3A_28 = vector.broadcast %max3A_27 : f32 to vector<10000x16xf32>
    %max3A_29 = arith.maximumf %add3A_26, %max3A_28 : vector<10000x16xf32>
    %reduce_sum3A = arith.constant dense<0.000000e+00> : vector<16xf32>
    %reduce_sum3A_30 = vector.multi_reduction <add>, %max3A_29, %reduce_sum3A [0] : vector<10000x16xf32> to vector<16xf32>
    %broadcast_in_dim3A = vector.shape_cast %reduce_sum3A_30 : vector<16xf32> to vector<1x16xf32>
    %div3A_31 = arith.constant 1.000000e+04 : f32
    %div3A_32 = vector.broadcast %div3A_31 : f32 to vector<1x16xf32>
    %div3A_33 = arith.divf %broadcast_in_dim3A, %div3A_32 : vector<1x16xf32>
    %sub3A = vector.broadcast %div3A_33 : vector<1x16xf32> to vector<10000x16xf32>
    %sub3A_34 = arith.subf %max3A_29, %sub3A : vector<10000x16xf32>
    %sub3A_35 = vector.broadcast %div3A_33 : vector<1x16xf32> to vector<10000x16xf32>
    %sub3A_36 = arith.subf %max3A_29, %sub3A_35 : vector<10000x16xf32>
    %mul3A = arith.mulf %sub3A_34, %sub3A_36 : vector<10000x16xf32>
    %reduce_sum3A_37 = arith.constant dense<0.000000e+00> : vector<16xf32>
    %reduce_sum3A_38 = vector.multi_reduction <add>, %mul3A, %reduce_sum3A_37 [0] : vector<10000x16xf32> to vector<16xf32>
    %broadcast_in_dim3A_39 = vector.shape_cast %reduce_sum3A_38 : vector<16xf32> to vector<1x16xf32>
    %div3A_40 = arith.constant 1.000000e+04 : f32
    %div3A_41 = vector.broadcast %div3A_40 : f32 to vector<1x16xf32>
    %div3A_42 = arith.divf %broadcast_in_dim3A_39, %div3A_41 : vector<1x16xf32>
    %sub3A_43 = vector.broadcast %div3A_33 : vector<1x16xf32> to vector<10000x16xf32>
    %sub3A_44 = arith.subf %max3A_29, %sub3A_43 : vector<10000x16xf32>
    %add3A_45 = arith.constant 9.99999974E-6 : f32
    %add3A_46 = vector.broadcast %add3A_45 : f32 to vector<1x16xf32>
    %add3A_47 = arith.addf %div3A_42, %add3A_46 : vector<1x16xf32>
    %sqrt3A = math.sqrt %add3A_47 : vector<1x16xf32>
    %div3A_48 = vector.broadcast %sqrt3A : vector<1x16xf32> to vector<10000x16xf32>
    %div3A_49 = arith.divf %sub3A_44, %div3A_48 : vector<10000x16xf32>
    %get3A_50 = arith.constant 0 : index
    %get3A_51 = arith.constant 0 : index
    %get3A_52 = vector.load %arg3[%get3A_50, %get3A_51] : memref<1x16xf32, #tpu.memory_space<vmem>>, vector<1x16xf32>
    %mul3A_53 = vector.broadcast %get3A_52 : vector<1x16xf32> to vector<10000x16xf32>
    %mul3A_54 = arith.mulf %div3A_49, %mul3A_53 : vector<10000x16xf32>
    %get3A_55 = arith.constant 0 : index
    %get3A_56 = arith.constant 0 : index
    %get3A_57 = vector.load %arg4[%get3A_55, %get3A_56] : memref<1x16xf32, #tpu.memory_space<vmem>>, vector<1x16xf32>
    %add3A_58 = vector.broadcast %get3A_57 : vector<1x16xf32> to vector<10000x16xf32>
    %add3A_59 = arith.addf %mul3A_54, %add3A_58 : vector<10000x16xf32>
    %swap3A = arith.constant 0 : index
    %swap3A_60 = arith.constant 0 : index
    %swap3A_61 = vector.load %arg5[%swap3A, %swap3A_60] : memref<10000x16xf32, #tpu.memory_space<vmem>>, vector<10000x16xf32>
    tpu.vector_store %arg5[%swap3A, %swap3A_60], %add3A_59 {strides = array<i32>} : memref<10000x16xf32, #tpu.memory_space<vmem>>, vector<10000x16xf32>,
    return
  }
}

module attributes {stable_mosaic.version = 14 : i64} {
  func.func @body(%arg0: i32, %arg1: memref<6x4096xf32, #tpu.memory_space<vmem>>, %arg2: memref<4096x16xf32, #tpu.memory_space<vmem>>, %arg3: memref<64x6xf32, #tpu.memory_space<vmem>>, %arg4: memref<64x1xf32, #tpu.memory_space<vmem>>, %arg5: memref<256x64xf32, #tpu.memory_space<vmem>>, %arg6: memref<256x1xf32, #tpu.memory_space<vmem>>, %arg7: memref<4096x16xf32, #tpu.memory_space<vmem>>) attributes {dimension_semantics = [#tpu.dimension_semantics<arbitrary>], iteration_bounds = array<i64: 40>, scalar_prefetch = 0 : i64, scratch_operands = 0 : i64, tpu.core_type = #tpu.core_type<tc>, window_params = [{transform_indices = @transform_0, window_bounds = array<i64: 6, 4096>}, {transform_indices = @transform_1, window_bounds = array<i64: 4096, 16>}, {pipeline_mode = #tpu.pipeline_mode<synchronous>, transform_indices = @transform_2, window_bounds = array<i64: 64, 6>}, {pipeline_mode = #tpu.pipeline_mode<synchronous>, transform_indices = @transform_3, window_bounds = array<i64: 64, 1>}, {pipeline_mode = #tpu.pipeline_mode<synchronous>, transform_indices = @transform_4, window_bounds = array<i64: 256, 64>}, {pipeline_mode = #tpu.pipeline_mode<synchronous>, transform_indices = @transform_5, window_bounds = array<i64: 256, 1>}, {transform_indices = @transform_6, window_bounds = array<i64: 4096, 16>}]} {
    %get3A = arith.constant 0 : index
    %get3A_0 = arith.constant 0 : index
    %get3A_1 = vector.load %arg3[%get3A, %get3A_0] : memref<64x6xf32, #tpu.memory_space<vmem>>, vector<64x6xf32>
    %get3A_2 = arith.constant 0 : index
    %get3A_3 = arith.constant 0 : index
    %get3A_4 = vector.load %arg1[%get3A_2, %get3A_3] : memref<6x4096xf32, #tpu.memory_space<vmem>>, vector<6x4096xf32>
    %dot_general3A = arith.constant dense<0.000000e+00> : vector<64x4096xf32>
    %dot_general3A_5 = tpu.matmul %get3A_1, %get3A_4, %dot_general3A {dimension_numbers = #tpu.dot_dimension_numbers<[1], [0], [0], [1], [0, 0, 1, 1], [], []>, transpose_lhs_hint = false} : vector<64x6xf32>, vector<6x4096xf32>, vector<64x4096xf32> -> vector<64x4096xf32>
    %get3A_6 = arith.constant 0 : index
    %get3A_7 = arith.constant 0 : index
    %get3A_8 = vector.load %arg4[%get3A_6, %get3A_7] : memref<64x1xf32, #tpu.memory_space<vmem>>, vector<64x1xf32>
    %add3A = vector.broadcast %get3A_8 : vector<64x1xf32> to vector<64x4096xf32>
    %add3A_9 = arith.addf %dot_general3A_5, %add3A : vector<64x4096xf32>
    %max3A = arith.constant 0.000000e+00 : f32
    %max3A_10 = vector.broadcast %max3A : f32 to vector<64x4096xf32>
    %max3A_11 = arith.maximumf %add3A_9, %max3A_10 : vector<64x4096xf32>
    %get3A_12 = arith.constant 0 : index
    %get3A_13 = arith.constant 0 : index
    %get3A_14 = vector.load %arg5[%get3A_12, %get3A_13] : memref<256x64xf32, #tpu.memory_space<vmem>>, vector<256x64xf32>
    %dot_general3A_15 = arith.constant dense<0.000000e+00> : vector<256x4096xf32>
    %dot_general3A_16 = tpu.matmul %get3A_14, %max3A_11, %dot_general3A_15 {dimension_numbers = #tpu.dot_dimension_numbers<[1], [0], [0], [1], [0, 0, 1, 1], [], []>, transpose_lhs_hint = false} : vector<256x64xf32>, vector<64x4096xf32>, vector<256x4096xf32> -> vector<256x4096xf32>
    %get3A_17 = arith.constant 0 : index
    %get3A_18 = arith.constant 0 : index
    %get3A_19 = vector.load %arg6[%get3A_17, %get3A_18] : memref<256x1xf32, #tpu.memory_space<vmem>>, vector<256x1xf32>
    %add3A_20 = vector.broadcast %get3A_19 : vector<256x1xf32> to vector<256x4096xf32>
    %add3A_21 = arith.addf %dot_general3A_16, %add3A_20 : vector<256x4096xf32>
    %get3A_22 = arith.constant 0 : index
    %get3A_23 = arith.constant 0 : index
    %get3A_24 = vector.load %arg2[%get3A_22, %get3A_23] : memref<4096x16xf32, #tpu.memory_space<vmem>>, vector<4096x16xf32>
    %transpose3A = tpu.transpose %get3A_24, [1, 0] : vector<4096x16xf32> -> vector<16x4096xf32>
    %slice3A = vector.extract_strided_slice %transpose3A {offsets = [0, 0], sizes = [1, 4096], strides = [1, 1]} : vector<16x4096xf32> to vector<1x4096xf32>
    %slice3A_25 = vector.extract_strided_slice %add3A_21 {offsets = [0, 0], sizes = [16, 4096], strides = [1, 1]} : vector<256x4096xf32> to vector<16x4096xf32>
    %mul3A = vector.broadcast %slice3A : vector<1x4096xf32> to vector<16x4096xf32>
    %mul3A_26 = arith.mulf %mul3A, %slice3A_25 : vector<16x4096xf32>
    %slice3A_27 = vector.extract_strided_slice %transpose3A {offsets = [1, 0], sizes = [1, 4096], strides = [1, 1]} : vector<16x4096xf32> to vector<1x4096xf32>
    %slice3A_28 = vector.extract_strided_slice %add3A_21 {offsets = [16, 0], sizes = [16, 4096], strides = [1, 1]} : vector<256x4096xf32> to vector<16x4096xf32>
    %mul3A_29 = vector.broadcast %slice3A_27 : vector<1x4096xf32> to vector<16x4096xf32>
    %mul3A_30 = arith.mulf %mul3A_29, %slice3A_28 : vector<16x4096xf32>
    %add3A_31 = arith.addf %mul3A_26, %mul3A_30 : vector<16x4096xf32>
    %slice3A_32 = vector.extract_strided_slice %transpose3A {offsets = [2, 0], sizes = [1, 4096], strides = [1, 1]} : vector<16x4096xf32> to vector<1x4096xf32>
    %slice3A_33 = vector.extract_strided_slice %add3A_21 {offsets = [32, 0], sizes = [16, 4096], strides = [1, 1]} : vector<256x4096xf32> to vector<16x4096xf32>
    %mul3A_34 = vector.broadcast %slice3A_32 : vector<1x4096xf32> to vector<16x4096xf32>
    %mul3A_35 = arith.mulf %mul3A_34, %slice3A_33 : vector<16x4096xf32>
    %add3A_36 = arith.addf %add3A_31, %mul3A_35 : vector<16x4096xf32>
    %slice3A_37 = vector.extract_strided_slice %transpose3A {offsets = [3, 0], sizes = [1, 4096], strides = [1, 1]} : vector<16x4096xf32> to vector<1x4096xf32>
    %slice3A_38 = vector.extract_strided_slice %add3A_21 {offsets = [48, 0], sizes = [16, 4096], strides = [1, 1]} : vector<256x4096xf32> to vector<16x4096xf32>
    %mul3A_39 = vector.broadcast %slice3A_37 : vector<1x4096xf32> to vector<16x4096xf32>
    %mul3A_40 = arith.mulf %mul3A_39, %slice3A_38 : vector<16x4096xf32>
    %add3A_41 = arith.addf %add3A_36, %mul3A_40 : vector<16x4096xf32>
    %slice3A_42 = vector.extract_strided_slice %transpose3A {offsets = [4, 0], sizes = [1, 4096], strides = [1, 1]} : vector<16x4096xf32> to vector<1x4096xf32>
    %slice3A_43 = vector.extract_strided_slice %add3A_21 {offsets = [64, 0], sizes = [16, 4096], strides = [1, 1]} : vector<256x4096xf32> to vector<16x4096xf32>
    %mul3A_44 = vector.broadcast %slice3A_42 : vector<1x4096xf32> to vector<16x4096xf32>
    %mul3A_45 = arith.mulf %mul3A_44, %slice3A_43 : vector<16x4096xf32>
    %add3A_46 = arith.addf %add3A_41, %mul3A_45 : vector<16x4096xf32>
    %slice3A_47 = vector.extract_strided_slice %transpose3A {offsets = [5, 0], sizes = [1, 4096], strides = [1, 1]} : vector<16x4096xf32> to vector<1x4096xf32>
    %slice3A_48 = vector.extract_strided_slice %add3A_21 {offsets = [80, 0], sizes = [16, 4096], strides = [1, 1]} : vector<256x4096xf32> to vector<16x4096xf32>
    %mul3A_49 = vector.broadcast %slice3A_47 : vector<1x4096xf32> to vector<16x4096xf32>
    %mul3A_50 = arith.mulf %mul3A_49, %slice3A_48 : vector<16x4096xf32>
    %add3A_51 = arith.addf %add3A_46, %mul3A_50 : vector<16x4096xf32>
    %slice3A_52 = vector.extract_strided_slice %transpose3A {offsets = [6, 0], sizes = [1, 4096], strides = [1, 1]} : vector<16x4096xf32> to vector<1x4096xf32>
    %slice3A_53 = vector.extract_strided_slice %add3A_21 {offsets = [96, 0], sizes = [16, 4096], strides = [1, 1]} : vector<256x4096xf32> to vector<16x4096xf32>
    %mul3A_54 = vector.broadcast %slice3A_52 : vector<1x4096xf32> to vector<16x4096xf32>
    %mul3A_55 = arith.mulf %mul3A_54, %slice3A_53 : vector<16x4096xf32>
    %add3A_56 = arith.addf %add3A_51, %mul3A_55 : vector<16x4096xf32>
    %slice3A_57 = vector.extract_strided_slice %transpose3A {offsets = [7, 0], sizes = [1, 4096], strides = [1, 1]} : vector<16x4096xf32> to vector<1x4096xf32>
    %slice3A_58 = vector.extract_strided_slice %add3A_21 {offsets = [112, 0], sizes = [16, 4096], strides = [1, 1]} : vector<256x4096xf32> to vector<16x4096xf32>
    %mul3A_59 = vector.broadcast %slice3A_57 : vector<1x4096xf32> to vector<16x4096xf32>
    %mul3A_60 = arith.mulf %mul3A_59, %slice3A_58 : vector<16x4096xf32>
    %add3A_61 = arith.addf %add3A_56, %mul3A_60 : vector<16x4096xf32>
    %slice3A_62 = vector.extract_strided_slice %transpose3A {offsets = [8, 0], sizes = [1, 4096], strides = [1, 1]} : vector<16x4096xf32> to vector<1x4096xf32>
    %slice3A_63 = vector.extract_strided_slice %add3A_21 {offsets = [128, 0], sizes = [16, 4096], strides = [1, 1]} : vector<256x4096xf32> to vector<16x4096xf32>
    %mul3A_64 = vector.broadcast %slice3A_62 : vector<1x4096xf32> to vector<16x4096xf32>
    %mul3A_65 = arith.mulf %mul3A_64, %slice3A_63 : vector<16x4096xf32>
    %add3A_66 = arith.addf %add3A_61, %mul3A_65 : vector<16x4096xf32>
    %slice3A_67 = vector.extract_strided_slice %transpose3A {offsets = [9, 0], sizes = [1, 4096], strides = [1, 1]} : vector<16x4096xf32> to vector<1x4096xf32>
    %slice3A_68 = vector.extract_strided_slice %add3A_21 {offsets = [144, 0], sizes = [16, 4096], strides = [1, 1]} : vector<256x4096xf32> to vector<16x4096xf32>
    %mul3A_69 = vector.broadcast %slice3A_67 : vector<1x4096xf32> to vector<16x4096xf32>
    %mul3A_70 = arith.mulf %mul3A_69, %slice3A_68 : vector<16x4096xf32>
    %add3A_71 = arith.addf %add3A_66, %mul3A_70 : vector<16x4096xf32>
    %slice3A_72 = vector.extract_strided_slice %transpose3A {offsets = [10, 0], sizes = [1, 4096], strides = [1, 1]} : vector<16x4096xf32> to vector<1x4096xf32>
    %slice3A_73 = vector.extract_strided_slice %add3A_21 {offsets = [160, 0], sizes = [16, 4096], strides = [1, 1]} : vector<256x4096xf32> to vector<16x4096xf32>
    %mul3A_74 = vector.broadcast %slice3A_72 : vector<1x4096xf32> to vector<16x4096xf32>
    %mul3A_75 = arith.mulf %mul3A_74, %slice3A_73 : vector<16x4096xf32>
    %add3A_76 = arith.addf %add3A_71, %mul3A_75 : vector<16x4096xf32>
    %slice3A_77 = vector.extract_strided_slice %transpose3A {offsets = [11, 0], sizes = [1, 4096], strides = [1, 1]} : vector<16x4096xf32> to vector<1x4096xf32>
    %slice3A_78 = vector.extract_strided_slice %add3A_21 {offsets = [176, 0], sizes = [16, 4096], strides = [1, 1]} : vector<256x4096xf32> to vector<16x4096xf32>
    %mul3A_79 = vector.broadcast %slice3A_77 : vector<1x4096xf32> to vector<16x4096xf32>
    %mul3A_80 = arith.mulf %mul3A_79, %slice3A_78 : vector<16x4096xf32>
    %add3A_81 = arith.addf %add3A_76, %mul3A_80 : vector<16x4096xf32>
    %slice3A_82 = vector.extract_strided_slice %transpose3A {offsets = [12, 0], sizes = [1, 4096], strides = [1, 1]} : vector<16x4096xf32> to vector<1x4096xf32>
    %slice3A_83 = vector.extract_strided_slice %add3A_21 {offsets = [192, 0], sizes = [16, 4096], strides = [1, 1]} : vector<256x4096xf32> to vector<16x4096xf32>
    %mul3A_84 = vector.broadcast %slice3A_82 : vector<1x4096xf32> to vector<16x4096xf32>
    %mul3A_85 = arith.mulf %mul3A_84, %slice3A_83 : vector<16x4096xf32>
    %add3A_86 = arith.addf %add3A_81, %mul3A_85 : vector<16x4096xf32>
    %slice3A_87 = vector.extract_strided_slice %transpose3A {offsets = [13, 0], sizes = [1, 4096], strides = [1, 1]} : vector<16x4096xf32> to vector<1x4096xf32>
    %slice3A_88 = vector.extract_strided_slice %add3A_21 {offsets = [208, 0], sizes = [16, 4096], strides = [1, 1]} : vector<256x4096xf32> to vector<16x4096xf32>
    %mul3A_89 = vector.broadcast %slice3A_87 : vector<1x4096xf32> to vector<16x4096xf32>
    %mul3A_90 = arith.mulf %mul3A_89, %slice3A_88 : vector<16x4096xf32>
    %add3A_91 = arith.addf %add3A_86, %mul3A_90 : vector<16x4096xf32>
    %slice3A_92 = vector.extract_strided_slice %transpose3A {offsets = [14, 0], sizes = [1, 4096], strides = [1, 1]} : vector<16x4096xf32> to vector<1x4096xf32>
    %slice3A_93 = vector.extract_strided_slice %add3A_21 {offsets = [224, 0], sizes = [16, 4096], strides = [1, 1]} : vector<256x4096xf32> to vector<16x4096xf32>
    %mul3A_94 = vector.broadcast %slice3A_92 : vector<1x4096xf32> to vector<16x4096xf32>
    %mul3A_95 = arith.mulf %mul3A_94, %slice3A_93 : vector<16x4096xf32>
    %add3A_96 = arith.addf %add3A_91, %mul3A_95 : vector<16x4096xf32>
    %slice3A_97 = vector.extract_strided_slice %transpose3A {offsets = [15, 0], sizes = [1, 4096], strides = [1, 1]} : vector<16x4096xf32> to vector<1x4096xf32>
    %slice3A_98 = vector.extract_strided_slice %add3A_21 {offsets = [240, 0], sizes = [16, 4096], strides = [1, 1]} : vector<256x4096xf32> to vector<16x4096xf32>
    %mul3A_99 = vector.broadcast %slice3A_97 : vector<1x4096xf32> to vector<16x4096xf32>
    %mul3A_100 = arith.mulf %mul3A_99, %slice3A_98 : vector<16x4096xf32>
    %add3A_101 = arith.addf %add3A_96, %mul3A_100 : vector<16x4096xf32>
    %transpose3A_102 = tpu.transpose %add3A_101, [1, 0] : vector<16x4096xf32> -> vector<4096x16xf32>
    %swap3A = arith.constant 0 : index
    %swap3A_103 = arith.constant 0 : index
    %swap3A_104 = vector.load %arg7[%swap3A, %swap3A_103] : memref<4096x16xf32, #tpu.memory_space<vmem>>, vector<4096x16xf32>
    tpu.vector_store %arg7[%swap3A, %swap3A_103], %transpose3A_102 {strides = array<i32>} : memref<4096x16xf32, #tpu.memory_space<vmem>>, vector<4096x16xf32>,
    return
  }
  func.func @transform_0(%arg0: i32) -> (i32, i32) {
    %c0_i32 = arith.constant 0 : i32
    %c0_i32_0 = arith.constant 0 : i32
    return %c0_i32, %arg0 : i32, i32
  }
  func.func @transform_1(%arg0: i32) -> (i32, i32) {
    %c0_i32 = arith.constant 0 : i32
    %c0_i32_0 = arith.constant 0 : i32
    return %arg0, %c0_i32 : i32, i32
  }
  func.func @transform_2(%arg0: i32) -> (i32, i32) {
    %c0_i32 = arith.constant 0 : i32
    %c0_i32_0 = arith.constant 0 : i32
    %c0_i32_1 = arith.constant 0 : i32
    return %c0_i32, %c0_i32_0 : i32, i32
  }
  func.func @transform_3(%arg0: i32) -> (i32, i32) {
    %c0_i32 = arith.constant 0 : i32
    %c0_i32_0 = arith.constant 0 : i32
    %c0_i32_1 = arith.constant 0 : i32
    return %c0_i32, %c0_i32_0 : i32, i32
  }
  func.func @transform_4(%arg0: i32) -> (i32, i32) {
    %c0_i32 = arith.constant 0 : i32
    %c0_i32_0 = arith.constant 0 : i32
    %c0_i32_1 = arith.constant 0 : i32
    return %c0_i32, %c0_i32_0 : i32, i32
  }
  func.func @transform_5(%arg0: i32) -> (i32, i32) {
    %c0_i32 = arith.constant 0 : i32
    %c0_i32_0 = arith.constant 0 : i32
    %c0_i32_1 = arith.constant 0 : i32
    return %c0_i32, %c0_i32_0 : i32, i32
  }
  func.func @transform_6(%arg0: i32) -> (i32, i32) {
    %c0_i32 = arith.constant 0 : i32
    %c0_i32_0 = arith.constant 0 : i32
    return %arg0, %c0_i32 : i32, i32
  }
}

module attributes {stable_mosaic.version = 14 : i64} {
  func.func @body(%arg0: memref<2x10000x16xf32, #tpu.memory_space<vmem>>, %arg1: memref<2x10000x16xf32, #tpu.memory_space<vmem>>, %arg2: memref<1x16xf32, #tpu.memory_space<vmem>>, %arg3: memref<1x16xf32, #tpu.memory_space<vmem>>, %arg4: memref<1x16xf32, #tpu.memory_space<vmem>>, %arg5: memref<10000x1xi32, #tpu.memory_space<vmem>>, %arg6: memref<1x16xf32, #tpu.memory_space<vmem>>, %arg7: memref<1x16xf32, #tpu.memory_space<vmem>>, %arg8: memref<64x32xf32, #tpu.memory_space<vmem>>, %arg9: memref<64x16xf32, #tpu.memory_space<vmem>>) attributes {dimension_semantics = [], scalar_prefetch = 0 : i64, scratch_operands = 1 : i64, tpu.core_type = #tpu.core_type<tc>} {
    %get3A = arith.constant 0 : index
    %get3A_0 = arith.constant 0 : index
    %get3A_1 = arith.constant 0 : index
    %get3A_2 = vector.load %arg0[%get3A, %get3A_0, %get3A_1] : memref<2x10000x16xf32, #tpu.memory_space<vmem>>, vector<1x10000x16xf32>
    %get3A_3 = vector.shape_cast %get3A_2 : vector<1x10000x16xf32> to vector<10000x16xf32>
    %get3A_4 = arith.constant 1 : index
    %get3A_5 = arith.constant 0 : index
    %get3A_6 = arith.constant 0 : index
    %get3A_7 = vector.load %arg0[%get3A_4, %get3A_5, %get3A_6] : memref<2x10000x16xf32, #tpu.memory_space<vmem>>, vector<1x10000x16xf32>
    %get3A_8 = vector.shape_cast %get3A_7 : vector<1x10000x16xf32> to vector<10000x16xf32>
    %add3A = arith.addf %get3A_3, %get3A_8 : vector<10000x16xf32>
    %get3A_9 = arith.constant 0 : index
    %get3A_10 = arith.constant 0 : index
    %get3A_11 = arith.constant 0 : index
    %get3A_12 = vector.load %arg1[%get3A_9, %get3A_10, %get3A_11] : memref<2x10000x16xf32, #tpu.memory_space<vmem>>, vector<1x10000x16xf32>
    %get3A_13 = vector.shape_cast %get3A_12 : vector<1x10000x16xf32> to vector<10000x16xf32>
    %get3A_14 = arith.constant 1 : index
    %get3A_15 = arith.constant 0 : index
    %get3A_16 = arith.constant 0 : index
    %get3A_17 = vector.load %arg1[%get3A_14, %get3A_15, %get3A_16] : memref<2x10000x16xf32, #tpu.memory_space<vmem>>, vector<1x10000x16xf32>
    %get3A_18 = vector.shape_cast %get3A_17 : vector<1x10000x16xf32> to vector<10000x16xf32>
    %add3A_19 = arith.addf %get3A_13, %get3A_18 : vector<10000x16xf32>
    %max3A = arith.constant 1.000000e+00 : f32
    %max3A_20 = vector.broadcast %max3A : f32 to vector<10000x16xf32>
    %max3A_21 = arith.maximumf %add3A_19, %max3A_20 : vector<10000x16xf32>
    %div3A = arith.divf %add3A, %max3A_21 : vector<10000x16xf32>
    %get3A_22 = arith.constant 0 : index
    %get3A_23 = arith.constant 0 : index
    %get3A_24 = vector.load %arg2[%get3A_22, %get3A_23] : memref<1x16xf32, #tpu.memory_space<vmem>>, vector<1x16xf32>
    %add3A_25 = vector.broadcast %get3A_24 : vector<1x16xf32> to vector<10000x16xf32>
    %add3A_26 = arith.addf %div3A, %add3A_25 : vector<10000x16xf32>
    %max3A_27 = arith.constant 0.000000e+00 : f32
    %max3A_28 = vector.broadcast %max3A_27 : f32 to vector<10000x16xf32>
    %max3A_29 = arith.maximumf %add3A_26, %max3A_28 : vector<10000x16xf32>
    %reduce_sum3A = arith.constant dense<0.000000e+00> : vector<16xf32>
    %reduce_sum3A_30 = vector.multi_reduction <add>, %max3A_29, %reduce_sum3A [0] : vector<10000x16xf32> to vector<16xf32>
    %broadcast_in_dim3A = vector.shape_cast %reduce_sum3A_30 : vector<16xf32> to vector<1x16xf32>
    %div3A_31 = arith.constant 1.000000e+04 : f32
    %div3A_32 = vector.broadcast %div3A_31 : f32 to vector<1x16xf32>
    %div3A_33 = arith.divf %broadcast_in_dim3A, %div3A_32 : vector<1x16xf32>
    %sub3A = vector.broadcast %div3A_33 : vector<1x16xf32> to vector<10000x16xf32>
    %sub3A_34 = arith.subf %max3A_29, %sub3A : vector<10000x16xf32>
    %sub3A_35 = vector.broadcast %div3A_33 : vector<1x16xf32> to vector<10000x16xf32>
    %sub3A_36 = arith.subf %max3A_29, %sub3A_35 : vector<10000x16xf32>
    %mul3A = arith.mulf %sub3A_34, %sub3A_36 : vector<10000x16xf32>
    %reduce_sum3A_37 = arith.constant dense<0.000000e+00> : vector<16xf32>
    %reduce_sum3A_38 = vector.multi_reduction <add>, %mul3A, %reduce_sum3A_37 [0] : vector<10000x16xf32> to vector<16xf32>
    %broadcast_in_dim3A_39 = vector.shape_cast %reduce_sum3A_38 : vector<16xf32> to vector<1x16xf32>
    %div3A_40 = arith.constant 1.000000e+04 : f32
    %div3A_41 = vector.broadcast %div3A_40 : f32 to vector<1x16xf32>
    %div3A_42 = arith.divf %broadcast_in_dim3A_39, %div3A_41 : vector<1x16xf32>
    %sub3A_43 = vector.broadcast %div3A_33 : vector<1x16xf32> to vector<10000x16xf32>
    %sub3A_44 = arith.subf %max3A_29, %sub3A_43 : vector<10000x16xf32>
    %add3A_45 = arith.constant 9.99999974E-6 : f32
    %add3A_46 = vector.broadcast %add3A_45 : f32 to vector<1x16xf32>
    %add3A_47 = arith.addf %div3A_42, %add3A_46 : vector<1x16xf32>
    %sqrt3A = math.sqrt %add3A_47 : vector<1x16xf32>
    %div3A_48 = vector.broadcast %sqrt3A : vector<1x16xf32> to vector<10000x16xf32>
    %div3A_49 = arith.divf %sub3A_44, %div3A_48 : vector<10000x16xf32>
    %get3A_50 = arith.constant 0 : index
    %get3A_51 = arith.constant 0 : index
    %get3A_52 = vector.load %arg3[%get3A_50, %get3A_51] : memref<1x16xf32, #tpu.memory_space<vmem>>, vector<1x16xf32>
    %mul3A_53 = vector.broadcast %get3A_52 : vector<1x16xf32> to vector<10000x16xf32>
    %mul3A_54 = arith.mulf %div3A_49, %mul3A_53 : vector<10000x16xf32>
    %get3A_55 = arith.constant 0 : index
    %get3A_56 = arith.constant 0 : index
    %get3A_57 = vector.load %arg4[%get3A_55, %get3A_56] : memref<1x16xf32, #tpu.memory_space<vmem>>, vector<1x16xf32>
    %add3A_58 = vector.broadcast %get3A_57 : vector<1x16xf32> to vector<10000x16xf32>
    %add3A_59 = arith.addf %mul3A_54, %add3A_58 : vector<10000x16xf32>
    %get3A_60 = arith.constant 0 : index
    %get3A_61 = arith.constant 0 : index
    %get3A_62 = vector.load %arg5[%get3A_60, %get3A_61] : memref<10000x1xi32, #tpu.memory_space<vmem>>, vector<10000x1xi32>
    %iota3A = tpu.iota {dimensions = array<i32: 1>} : vector<10000x64xi32>
    %eq3A = vector.broadcast %get3A_62 : vector<10000x1xi32> to vector<10000x64xi32>
    %eq3A_63 = arith.cmpi eq, %eq3A, %iota3A : vector<10000x64xi32>
    %convert_element_type3A = arith.extui %eq3A_63 : vector<10000x64xi1> to vector<10000x64xi32>
    %convert_element_type3A_64 = arith.sitofp %convert_element_type3A : vector<10000x64xi32> to vector<10000x64xf32>
    %reduce_sum3A_65 = arith.constant dense<0.000000e+00> : vector<64xf32>
    %reduce_sum3A_66 = vector.multi_reduction <add>, %convert_element_type3A_64, %reduce_sum3A_65 [0] : vector<10000x64xf32> to vector<64xf32>
    %broadcast_in_dim3A_67 = vector.shape_cast %reduce_sum3A_66 : vector<64xf32> to vector<64x1xf32>
    %dot_general3A = arith.constant dense<0.000000e+00> : vector<64x16xf32>
    %dot_general3A_68 = tpu.matmul %convert_element_type3A_64, %add3A_59, %dot_general3A {dimension_numbers = #tpu.dot_dimension_numbers<[0], [0], [1], [1], [0, 1, 1, 1], [], []>, transpose_lhs_hint = false} : vector<10000x64xf32>, vector<10000x16xf32>, vector<64x16xf32> -> vector<64x16xf32>
    %max3A_69 = arith.constant 1.000000e+00 : f32
    %max3A_70 = vector.broadcast %max3A_69 : f32 to vector<64x1xf32>
    %max3A_71 = arith.maximumf %broadcast_in_dim3A_67, %max3A_70 : vector<64x1xf32>
    %div3A_72 = vector.broadcast %max3A_71 : vector<64x1xf32> to vector<64x16xf32>
    %div3A_73 = arith.divf %dot_general3A_68, %div3A_72 : vector<64x16xf32>
    %reduce_sum3A_74 = arith.constant dense<0.000000e+00> : vector<16xf32>
    %reduce_sum3A_75 = vector.multi_reduction <add>, %div3A_73, %reduce_sum3A_74 [0] : vector<64x16xf32> to vector<16xf32>
    %broadcast_in_dim3A_76 = vector.shape_cast %reduce_sum3A_75 : vector<16xf32> to vector<1x16xf32>
    %div3A_77 = arith.constant 6.400000e+01 : f32
    %div3A_78 = vector.broadcast %div3A_77 : f32 to vector<1x16xf32>
    %div3A_79 = arith.divf %broadcast_in_dim3A_76, %div3A_78 : vector<1x16xf32>
    %sub3A_80 = vector.broadcast %div3A_79 : vector<1x16xf32> to vector<64x16xf32>
    %sub3A_81 = arith.subf %div3A_73, %sub3A_80 : vector<64x16xf32>
    %sub3A_82 = vector.broadcast %div3A_79 : vector<1x16xf32> to vector<64x16xf32>
    %sub3A_83 = arith.subf %div3A_73, %sub3A_82 : vector<64x16xf32>
    %mul3A_84 = arith.mulf %sub3A_81, %sub3A_83 : vector<64x16xf32>
    %reduce_sum3A_85 = arith.constant dense<0.000000e+00> : vector<16xf32>
    %reduce_sum3A_86 = vector.multi_reduction <add>, %mul3A_84, %reduce_sum3A_85 [0] : vector<64x16xf32> to vector<16xf32>
    %broadcast_in_dim3A_87 = vector.shape_cast %reduce_sum3A_86 : vector<16xf32> to vector<1x16xf32>
    %div3A_88 = arith.constant 6.400000e+01 : f32
    %div3A_89 = vector.broadcast %div3A_88 : f32 to vector<1x16xf32>
    %div3A_90 = arith.divf %broadcast_in_dim3A_87, %div3A_89 : vector<1x16xf32>
    %sub3A_91 = vector.broadcast %div3A_79 : vector<1x16xf32> to vector<64x16xf32>
    %sub3A_92 = arith.subf %div3A_73, %sub3A_91 : vector<64x16xf32>
    %add3A_93 = arith.constant 9.99999974E-6 : f32
    %add3A_94 = vector.broadcast %add3A_93 : f32 to vector<1x16xf32>
    %add3A_95 = arith.addf %div3A_90, %add3A_94 : vector<1x16xf32>
    %sqrt3A_96 = math.sqrt %add3A_95 : vector<1x16xf32>
    %div3A_97 = vector.broadcast %sqrt3A_96 : vector<1x16xf32> to vector<64x16xf32>
    %div3A_98 = arith.divf %sub3A_92, %div3A_97 : vector<64x16xf32>
    %get3A_99 = arith.constant 0 : index
    %get3A_100 = arith.constant 0 : index
    %get3A_101 = vector.load %arg6[%get3A_99, %get3A_100] : memref<1x16xf32, #tpu.memory_space<vmem>>, vector<1x16xf32>
    %mul3A_102 = vector.broadcast %get3A_101 : vector<1x16xf32> to vector<64x16xf32>
    %mul3A_103 = arith.mulf %div3A_98, %mul3A_102 : vector<64x16xf32>
    %get3A_104 = arith.constant 0 : index
    %get3A_105 = arith.constant 0 : index
    %get3A_106 = vector.load %arg7[%get3A_104, %get3A_105] : memref<1x16xf32, #tpu.memory_space<vmem>>, vector<1x16xf32>
    %add3A_107 = vector.broadcast %get3A_106 : vector<1x16xf32> to vector<64x16xf32>
    %add3A_108 = arith.addf %mul3A_103, %add3A_107 : vector<64x16xf32>
    %scan3A = arith.constant 0 : i32
    %scan3A_109 = arith.constant 64 : i32
    %scan3A_110 = arith.addi %scan3A, %scan3A_109 : i32
    %scan3A_111 = arith.constant 1 : i32
    scf.for %scan3A_121 = %scan3A to %scan3A_110 step %scan3A_111  : i32 {
      %eq3A_122 = vector.broadcast %scan3A_121 : i32 to vector<10000x1xi32>
      %eq3A_123 = arith.cmpi eq, %get3A_62, %eq3A_122 : vector<10000x1xi32>
      %jit3A = arith.constant 0xFF800000 : f32
      %broadcast_in_dim3A_124 = vector.shape_cast %eq3A_123 : vector<10000x1xi1> to vector<10000x1xi1>
      %broadcast_in_dim3A_125 = vector.broadcast %broadcast_in_dim3A_124 : vector<10000x1xi1> to vector<10000x16xi1>
      %broadcast_in_dim3A_126 = vector.broadcast %jit3A : f32 to vector<10000x16xf32>
      %select_n3A = arith.select %broadcast_in_dim3A_125, %add3A_59, %broadcast_in_dim3A_126 : vector<10000x16xi1>, vector<10000x16xf32>
      %reduce_max3A = arith.constant dense<0xFF800000> : vector<16xf32>
      %reduce_max3A_127 = vector.multi_reduction <maximumf>, %select_n3A, %reduce_max3A [0] : vector<10000x16xf32> to vector<16xf32>
      %broadcast_in_dim3A_128 = vector.shape_cast %reduce_max3A_127 : vector<16xf32> to vector<1x16xf32>
      %swap3A_129 = arith.index_cast %scan3A_121 : i32 to index
      %swap3A_130 = arith.constant 0 : index
      %swap3A_131 = vector.load %arg9[%swap3A_129, %swap3A_130] : memref<64x16xf32, #tpu.memory_space<vmem>>, vector<1x16xf32>
      tpu.vector_store %arg9[%swap3A_129, %swap3A_130], %broadcast_in_dim3A_128 {strides = array<i32>} : memref<64x16xf32, #tpu.memory_space<vmem>>, vector<1x16xf32>,
    }
    %scan3A_112 = arith.constant 64 : i32
    %swap3A = arith.constant 0 : index
    %swap3A_113 = arith.constant 0 : index
    %swap3A_114 = vector.load %arg8[%swap3A, %swap3A_113] : memref<64x32xf32, #tpu.memory_space<vmem>>, vector<64x16xf32>
    tpu.vector_store %arg8[%swap3A, %swap3A_113], %add3A_108 {strides = array<i32>} : memref<64x32xf32, #tpu.memory_space<vmem>>, vector<64x16xf32>,
    %get3A_115 = arith.constant 0 : index
    %get3A_116 = arith.constant 0 : index
    %get3A_117 = vector.load %arg9[%get3A_115, %get3A_116] : memref<64x16xf32, #tpu.memory_space<vmem>>, vector<64x16xf32>
    %swap3A_118 = arith.constant 0 : index
    %swap3A_119 = arith.constant 16 : index
    %swap3A_120 = vector.load %arg8[%swap3A_118, %swap3A_119] : memref<64x32xf32, #tpu.memory_space<vmem>>, vector<64x16xf32>
    tpu.vector_store %arg8[%swap3A_118, %swap3A_119], %get3A_117 {strides = array<i32>} : memref<64x32xf32, #tpu.memory_space<vmem>>, vector<64x16xf32>,
    return
  }
}

</mosaic_0001>

<sc_bundles>
// kernel: kernel.10.cloned.1.call-start
scs
__scs_entry_jumppad:
0x0: {  	(pc) =	sbr.rel $0x88, $3  }
0x1: {  	(tag) =	ssettag $0x0;
	lr =	simm.s32 $0x1  }
0x2: {  	[smem:$0x3F8D] =	sst lr;
	_ =	strace $0xD0000000  }
0x3: {  	_ = 	snop  }
0x4: {  	_ = 	snop  }
0x5: {  	_ = 	snop  }
0x6: {  	_ = 	snop  }
0x7: {  	_ = 	snop  }
__scs_overlays_trampoline_lowered:
0x8: {  	[smem:$0x3F9C] =	sst s0  }
0x9: {  	[smem:$0x3F9D] =	sst s1  }
0xa: {  	[smem:$0x3F9E] =	sst s2  }
0xb: {  	[smem:$0x3F9F] =	sst s3  }
0xc: {  	[smem:$0x3FA0] =	sst s4  }
0xd: {  	[smem:$0x3FA1] =	sst s5  }
0xe: {  	[smem:$0x3FA2] =	sst s6  }
0xf: {  	[smem:$0x3FA3] =	sst s7  }
0x10: {  	[smem:$0x3FA4] =	sst s8  }
0x11: {  	[smem:$0x3FA5] =	sst s9;
	s0 =	simm.s32 @!p0 $0x0  }
0x12: {  	s1 =	sld [smem:$0x3F8B];
	s0 =	simm.s32 @p0 $0x1  }
0x13: {  	[smem:$0x3FA6] =	sst s0;
	s0 =	simm.s32 @!p1 $0x0  }
0x14: {  	s2 =	sld [smem:$0x3F8A];
	s0 =	simm.s32 @p1 $0x1  }
0x15: {  	[smem:$0x3FA7] =	sst s0;
	s0 =	simm.s32 @!p2 $0x0  }
0x16: {  	s3 =	sld [smem:$0x3FDB];
	s0 =	simm.s32 @p2 $0x1  }
0x17: {  	s4 =	simm.s32 $0x1BF5;
	[smem:$0x3FA9] =	sst s0  }
0x18: {  	s0 =	sld [smem:$0x3F8C];
	_ =	swait.ge [sflag:s4], $0x0  }
0x19: {  	s7 =	sld [smem:$0x3F8D]  }
0x1a: {  	s8 =	sadd.s32 $0xFFFFE003, lr  }
0x1b: {  	s9 =	sadd.s32 $0xFFFFFEF7, lr;
	s5 =	simm.s32 $0xFFFFFFFF;
	p2 =	slt.u32 s8, $0xFFFFF086  }
0x1c: {  	p1 =	slt.u32 s9, $0xF7A;
	s5 =	simm.s32 @!p2 $0x0  }
0x1d: {  	s5 =	simm.s32 @p1 $0x1;
	p0 =	seq.s32 s7, s2  }
0x1e: {  	s7 =	smul.u32 @!p0 $0xF7A, s2;
	p2 =	seq.s32 @!p0 s5, $0x0  }
0x1f: {  	s9 =	smul.u32 $0xF7A, s1;
	s8 =	simm.s32 @!p0 $0x1BF5;
	p2 =	por !p2, p0  }
0x20: {  	[sflag:s8] =	ssyncset.s32 @!p0 $0xFFFFF086;
	s6 =	sadd.s32 @!p0 s3, s7;
	s7 =	simm.s32 @!p0 $0x108  }
0x21: {  	s3 =	sadd.s32 s3, s9;
	s6 =	sadd.s32 @!p0 $0x88, s6;
	s7 =	simm.s32 @p2 $0x1082  }
0x22: {  	[simem:s7], [sflag:s8] =	dma.local @!p0 [hbm:s6], $0xF7A  }
0x23: {  	s9 =	sor.u32 $0xD0000000, s2;
	s6 =	simm.s32 $0x108;
	_ =	swait.ge @!p0 [sflag:s8], $0x0  }
0x24: {  	s3 =	sadd.s32 $0x88, s3;
	s6 =	simm.s32 @!p1 $0x1082;
	[sflag:s4] =	ssyncset.s32 $0xFFFFF086  }
0x25: {  	[simem:s6], [sflag:s4] =	dma.local [hbm:s3], $0xF7A  }
0x26: {  	[smem:$0x3F8D] =	sst s1;
	(tag) =	ssettag s2;
	_ =	strace s9  }
0x27: {  	s1 =	sld [smem:$0x3F9D]  }
0x28: {  	s2 =	sld [smem:$0x3F9E]  }
0x29: {  	s4 =	sld [smem:$0x3FA0]  }
0x2a: {  	p0 =	seq.s32 s5, $0x0;
	s5 =	sld [smem:$0x3FA1]  }
0x2b: {  	s6 =	sld [smem:$0x3FA2]  }
0x2c: {  	s7 =	sld [smem:$0x3FA3]  }
0x2d: {  	s3 =	simm.s32 $0x108;
	s8 =	sld [smem:$0x3FA4]  }
0x2e: {  	s3 =	simm.s32 @!p0 $0x1082;
	s9 =	sld [smem:$0x3FA5]  }
0x2f: {  	lr =	sadd.s32 s0, s3;
	s0 =	sld [smem:$0x3F9C]  }
0x30: {  	s3 =	sld [smem:$0x3F9F]  }
0x31: {  	[smem:$0x3FA8] =	sst s10  }
0x32: {  	s10 =	sld [smem:$0x3FA6];
	_ =	sdelay $0x3  }
0x33: {  	p0 =	seq.s32 s10, $0x1;
	s10 =	sld [smem:$0x3FA8];
	_ =	sdelay $0x3  }
0x34: {  	[smem:$0x3FA8] =	sst s10  }
0x35: {  	s10 =	sld [smem:$0x3FA7];
	_ =	sdelay $0x3  }
0x36: {  	p1 =	seq.s32 s10, $0x1;
	s10 =	sld [smem:$0x3FA8];
	_ =	sdelay $0x3  }
0x37: {  	[smem:$0x3FA8] =	sst s10  }
0x38: {  	s10 =	sld [smem:$0x3FA9]  }
0x39: {  	_ = 	snop;
	(pc) =	sbr.ind lr, $3  }
0x3a: {  	_ = 	snop  }
0x3b: {  	_ = 	snop  }
0x3c: {  	p2 =	seq.s32 s10, $0x1;
	s10 =	sld [smem:$0x3FA8]  }
0x3d: {  	_ =	shalt  }
0x3e: {  	_ =	shalt  }
0x3f: {  	_ =	shalt  }
0x40: {  	_ =	shalt  }
0x41: {  	_ =	shalt  }
0x42: {  	_ =	shalt  }
0x43: {  	_ =	shalt  }
0x44: {  	_ =	shalt  }
0x45: {  	_ =	shalt  }
0x46: {  	_ =	shalt  }
0x47: {  	_ =	shalt  }
0x48: {  	_ =	shalt  }
0x49: {  	_ =	shalt  }
0x4a: {  	_ =	shalt  }
0x4b: {  	_ =	shalt  }
0x4c: {  	_ =	shalt  }
0x4d: {  	_ =	shalt  }
0x4e: {  	_ =	shalt  }
0x4f: {  	_ =	shalt  }
0x50: {  	_ =	shalt  }
0x51: {  	_ =	shalt  }
0x52: {  	_ =	shalt  }
0x53: {  	_ =	shalt  }
0x54: {  	_ =	shalt  }
0x55: {  	_ =	shalt  }
0x56: {  	_ =	shalt  }
0x57: {  	_ =	shalt  }
0x58: {  	_ =	shalt  }
0x59: {  	_ =	shalt  }
0x5a: {  	_ =	shalt  }
0x5b: {  	_ =	shalt  }
0x5c: {  	_ =	shalt  }
0x5d: {  	_ =	shalt  }
0x5e: {  	_ =	shalt  }
0x5f: {  	_ =	shalt  }
0x60: {  	_ =	shalt  }
0x61: {  	_ =	shalt  }
0x62: {  	_ =	shalt  }
0x63: {  	_ =	shalt  }
0x64: {  	_ =	shalt  }
0x65: {  	_ =	shalt  }
0x66: {  	_ =	shalt  }
0x67: {  	_ =	shalt  }
0x68: {  	_ =	shalt  }
0x69: {  	_ =	shalt  }
0x6a: {  	_ =	shalt  }
0x6b: {  	_ =	shalt  }
0x6c: {  	_ =	shalt  }
0x6d: {  	_ =	shalt  }
0x6e: {  	_ =	shalt  }
0x6f: {  	_ =	shalt  }
0x70: {  	_ =	shalt  }
0x71: {  	_ =	shalt  }
0x72: {  	_ =	shalt  }
0x73: {  	_ =	shalt  }
0x74: {  	_ =	shalt  }
0x75: {  	_ =	shalt  }
0x76: {  	_ =	shalt  }
0x77: {  	_ =	shalt  }
0x78: {  	_ =	shalt  }
0x79: {  	_ =	shalt  }
0x7a: {  	_ =	shalt  }
0x7b: {  	_ =	shalt  }
0x7c: {  	_ =	shalt  }
0x7d: {  	_ =	shalt  }
0x7e: {  	_ =	shalt  }
0x7f: {  	_ =	shalt  }
0x80: {  	_ =	shalt  }
0x81: {  	_ =	shalt  }
0x82: {  	_ =	shalt  }
0x83: {  	_ =	shalt  }
0x84: {  	_ =	shalt  }
0x85: {  	_ =	shalt  }
0x86: {  	_ =	shalt  }
0x87: {  	_ =	shalt  }
.Lfunc_end0:
.L_simem_size_0:
called_computation_lowered:
.L_overlay_start_0:
0x88: {  	s2 =	sld [smem:$0x3FD9]  }
0x89: {  	s3 =	sld [smem:$0x3FFE];
	_ =	sdelay $0x1  }
0x8a: {  	s1 =	srdreg.scid  }
0x8b: {  	s0 =	sand.u32 $0x1, s1  }
0x8c: {  	s16 =	sshll.u32 s0, $0xA;
	s2 =	sadd.s32 s3, s2  }
0x8d: {  	s2 =	sadd.s32 s2, s16  }
0x8e: {  	[smem:$0x3FB4] =	sst s2  }
0x8f: {  	_ = 	snop  }
0x90: {  	(tm) =	ssettm $0x1  }
0x91: {  	s17 =	sld [smem:$0x3FFB];
	_ =	sdelay $0x3  }
0x92: {  	_ =	strace s17  }
0x93: {  	s2 =	sld [smem:$0x3FFC];
	_ =	sdelay $0x3  }
0x94: {  	_ =	strace s2  }
0x95: {  	s2 =	sld [smem:$0x3FFD];
	_ =	sdelay $0x3  }
0x96: {  	_ =	strace s2  }
0x97: {  	_ =	strace $0x8FFFFFFF  }
0x98: {  	s18 =	sld [smem:$0x3FDB];
	_ =	sdelay $0x1  }
0x99: {  	s19 =	simm.s32 $_scs_section_size  }
0x9a: {  	s4 =	simm.s32 $_size__tile_overlayer_lowered;
	s5 =	simm.s32 $_tile_overlayer_lowered  }
0x9b: {  	s22 =	simm.s32 $0x1BFF;
	s21 =	sshll.u32 s5, $0x1;
	s2 =	sadd.s32 s19, s18  }
0x9c: {  	s6 =	simm.s32 $0x0;
	s20 =	sshll.u32 s4, $0x1;
	s4 =	sadd.s32 s21, s2  }
0x9d: {  	[timem:s6], [sflag:s22] =	dma.local [hbm:s4], s20  }
0x9e: {  	_ =	swait.ge [sflag:s22], s20  }
0x9f: {  	s3 =	ssub.s32 $0x0, s20;
	[sflag:s22] =	ssyncset.done $0x0  }
0xa0: {  	[sflag:s22] =	ssyncadd.s32 s3;
	_ =	sdelay $0x1  }
0xa1: {  	s23 =	simm.s32 $0x1B8B  }
0xa2: {  	_ =	swait.ge [sflag:s23], $0x1  }
0xa3: {  	[sflag:s23] =	ssyncset.done $0x0  }
0xa4: {  	s25 =	simm.s32 $0x1B8E;
	s24 =	sld [smem:$0x3FFE];
	[sflag:s23] =	ssyncadd.s32 $0xFFFFFFFF  }
0xa5: {  	s26 =	simm.s32 $execute0_lowered;
	[smem:$0x3FD2] =	sst s25  }
0xa6: {  	s4 =	sshll.u32 s26, $0x1;
	_ =	strace $0x80000046;
	[dreg:$0x1] =	wrdreg $0xFFFFFFFF  }
0xa7: {  	s28 =	simm.s32 $_size_execute0_lowered;
	s2 =	sadd.s32 s2, s4;
	[dreg:$0x0] =	wrdreg $0x0  }
0xa8: {  	s4 =	sshll.u32 s28, $0x1;
	[dreg:$0x2] =	wrdreg s2  }
0xa9: {  	[dreg:$0x3] =	wrdreg s4  }
0xaa: {  	[dreg:$0x4] =	wrdreg $0xC0  }
0xab: {  	_ =	task [dreg:s6], $0x5FFFF  }
0xac: {  	[dreg:$0x1] =	wrdreg $0xFFFFFFFF  }
0xad: {  	[dreg:$0x0] =	wrdreg $0x60  }
0xae: {  	[dreg:$0x2] =	wrdreg s24  }
0xaf: {  	[dreg:$0x3] =	wrdreg $0x9  }
0xb0: {  	_ =	task.clear_ibuf [dreg:s6], $0x4FFFF;
	_ =	strace $0x90000046  }
0xb1: {  	s29 =	simm.s32 $0x9;
	_ =	strace $0x80000048  }
0xb2: {  	_ =	swait.ge [sflag:s29], $0x1  }
0xb3: {  	[sflag:s29] =	ssyncadd.s32 $0xFFFFFFFF  }
0xb4: {  	_ =	strace $0x90000048  }
0xb5: {  	_ =	sfence  }
0xb6: {  	s30 =	sld [smem:$0x0];
	_ =	sdelay $0x2  }
0xb7: {  	s31 =	sshll.u32 s1, $0xD;
	s1 =	sshrl.u32 s1, $0x2  }
0xb8: {  	s3 =	sand.u32 $0x4000, s31;
	s1 =	sadd.s32 s1, s30  }
0xb9: {  	s0 =	sor.u32 s3, s0;
	s1 =	sshll.u32 s1, $0x11  }
0xba: {  	s0 =	sor.u32 s1, s0  }
0xbb: {  	s0 =	sadd.s32 $0x8F2B, s0  }
0xbc: {  	[sflag:s0] =	ssyncadd.remote.s32 $0x1  }
0xbd: {  	_ =	sfence.sel $0xFFFF  }
0xbe: {  	[dreg:$0x0] =	wrdreg $0xFFFFFFFF;
	(pc) =	sbr.abs _section_cstart, $3  }
0xbf: {  	[dreg:$0x1] =	wrdreg $0xFFFFFFFF  }
0xc0: {  	_ =	task.clear_ibuf [dreg:s6], $0x2FFFF;
	_ =	strace $0x9FFFFFFF  }
0xc1: {  	(tm) =	ssettm $0x7FFFFFFF  }
tec
execute0_lowered:
.L_overlay_start_1:
0x0: {  	(tag) =	ssettag $0x1  }
0x1: {  	s2 =	stileid.u32  }
0x2: {  	s4 =	rddreg [dreg:$0x0];
	s15 =	sshll.u32 s2, $0x1;
	s2 =	simm.s32 $0x0  }
0x3: {  	s16 =	simm.s32 $0x1C00;
	[smem:$0x7FF] =	sst s2  }
0x4: {  	s17 =	simm.s32 $0x100;
	_ =	strace $0x80000047;
	[dreg:$0x4] =	wrdreg s16  }
0x5: {  	s18 =	simm.s32 $0x2400;
	[dreg:$0x5] =	wrdreg s17  }
0x6: {  	s19 =	simm.s32 $0x180;
	[dreg:$0x6] =	wrdreg s18  }
0x7: {  	s20 =	simm.s32 $0x2C00;
	[dreg:$0x7] =	wrdreg s19  }
0x8: {  	s21 =	simm.s32 $0x200;
	[dreg:$0x8] =	wrdreg s20  }
0x9: {  	s22 =	simm.s32 $0x3400;
	[dreg:$0x9] =	wrdreg s21  }
0xa: {  	s23 =	simm.s32 $0x280;
	[dreg:$0xa] =	wrdreg s22  }
0xb: {  	s24 =	simm.s32 $0x3C00;
	[dreg:$0xb] =	wrdreg s23  }
0xc: {  	s25 =	simm.s32 $0x300;
	[dreg:$0xc] =	wrdreg s24  }
0xd: {  	s26 =	simm.s32 $0x4400;
	[dreg:$0xd] =	wrdreg s25  }
0xe: {  	s5 =	simm.s32 $0x4C00;
	[dreg:$0xe] =	wrdreg s26  }
0xf: {  	s6 =	simm.s32 $0x400;
	[dreg:$0x10] =	wrdreg s5  }
0x10: {  	s7 =	simm.s32 $0x5400;
	[dreg:$0x11] =	wrdreg s6  }
0x11: {  	s8 =	simm.s32 $0x480;
	[dreg:$0x12] =	wrdreg s7  }
0x12: {  	s9 =	simm.s32 $0x5C00;
	[dreg:$0x13] =	wrdreg s8  }
0x13: {  	s10 =	simm.s32 $0x500;
	[dreg:$0x14] =	wrdreg s9  }
0x14: {  	s11 =	simm.s32 $0x6400;
	[dreg:$0x15] =	wrdreg s10  }
0x15: {  	s12 =	simm.s32 $0x580;
	[dreg:$0x16] =	wrdreg s11  }
0x16: {  	s0 =	srdreg.scid;
	s13 =	simm.s32 $0x6C00;
	[dreg:$0x17] =	wrdreg s12  }
0x17: {  	s14 =	simm.s32 $0x600;
	s1 =	sand.u32 $0x1, s0;
	[dreg:$0x18] =	wrdreg s13  }
0x18: {  	s0 =	sor.u32 s1, s15;
	s15 =	simm.s32 $0x7400;
	[dreg:$0x19] =	wrdreg s14  }
0x19: {  	[dreg:$0x1a] =	wrdreg s15;
	s16 =	simm.s32 $0x680  }
0x1a: {  	s17 =	simm.s32 $0x7C00;
	[dreg:$0x1b] =	wrdreg s16  }
0x1b: {  	s18 =	simm.s32 $0x700;
	[dreg:$0x1c] =	wrdreg s17  }
0x1c: {  	s19 =	simm.s32 $0x8400;
	[dreg:$0x1d] =	wrdreg s18  }
0x1d: {  	s20 =	simm.s32 $0x780;
	[dreg:$0x1e] =	wrdreg s19  }
0x1e: {  	s21 =	simm.s32 $0x8C00;
	[dreg:$0x1f] =	wrdreg s20  }
0x1f: {  	s22 =	simm.s32 $0x800;
	[smem:$0x7E5] =	sst s21  }
0x20: {  	s23 =	simm.s32 $0x9400;
	[smem:$0x7E7] =	sst s22  }
0x21: {  	s24 =	simm.s32 $0x880;
	[smem:$0x7E6] =	sst s23  }
0x22: {  	s25 =	simm.s32 $0x9C00;
	[smem:$0x7E8] =	sst s24  }
0x23: {  	s26 =	simm.s32 $0x900;
	[smem:$0x7E4] =	sst s25  }
0x24: {  	s5 =	simm.s32 $0x980;
	[smem:$0x7EA] =	sst s26  }
0x25: {  	s6 =	simm.s32 $0xAC00;
	[smem:$0x7EB] =	sst s5  }
0x26: {  	s7 =	simm.s32 $0xA00;
	[smem:$0x7EC] =	sst s6  }
0x27: {  	s8 =	simm.s32 $0xB400;
	[smem:$0x7F3] =	sst s7  }
0x28: {  	s9 =	simm.s32 $0xA80;
	[smem:$0x7F4] =	sst s8  }
0x29: {  	s10 =	simm.s32 $0xBC00;
	[smem:$0x7F0] =	sst s9  }
0x2a: {  	s11 =	simm.s32 $0xB00;
	[smem:$0x7F1] =	sst s10  }
0x2b: {  	s12 =	simm.s32 $0xC400;
	[smem:$0x7EF] =	sst s11  }
0x2c: {  	s13 =	simm.s32 $0xB80;
	[smem:$0x7F2] =	sst s12  }
0x2d: {  	s14 =	simm.s32 $0xCC00;
	[smem:$0x7F8] =	sst s13  }
0x2e: {  	s15 =	simm.s32 $0xC00;
	[smem:$0x7F7] =	sst s14  }
0x2f: {  	[smem:$0x7F9] =	sst s15;
	s16 =	simm.s32 $0xD400  }
0x30: {  	s17 =	simm.s32 $0xC80;
	[smem:$0x7F6] =	sst s16  }
0x31: {  	s18 =	simm.s32 $0xDC00;
	[smem:$0x7FA] =	sst s17  }
0x32: {  	s19 =	simm.s32 $0xD00;
	[smem:$0x7EE] =	sst s18  }
0x33: {  	s20 =	simm.s32 $0xE400;
	[smem:$0x7FB] =	sst s19  }
0x34: {  	s3 =	smul.u32 $0x280, s0;
	s21 =	simm.s32 $0xD80;
	[smem:$0x7F5] =	sst s20  }
0x35: {  	s0 =	smul.u32 $0x2800, s0;
	s22 =	simm.s32 $0xEC00;
	[smem:$0x7FC] =	sst s21  }
0x36: {  	s23 =	simm.s32 $0xE00;
	s3 =	sadd.s32 s3, s4;
	[smem:$0x7ED] =	sst s22  }
0x37: {  	s0 =	sadd.s32 s0, s4;
	[smem:$0x7FD] =	sst s23;
	s3 =	sadd.s32 $0x8800, s3  }
0x38: {  	s0 =	sadd.s32 $0xD800, s0;
	[dreg:$0x2] =	wrdreg s3  }
0x39: {  	[dreg:$0x3] =	wrdreg s0;
	s3 =	simm.s32 $0x380  }
0x3a: {  	[dreg:$0xf] =	wrdreg s3  }
0x3b: {  	s3 =	simm.s32 $0xA400;
	s5 =	rddreg [dreg:$0x2]  }
0x3c: {  	[smem:$0x7E9] =	sst s3;
	s3 =	simm.s32 $0x2  }
0x3d: {  	[tilespmem:s2], [sflag:$0x2] =	stream.linear.gather [hbm4b:s5+s2], $0x1400, $0x38;
	[tilespmem:$0x15400] =	vst v63  }
0x3e: {  	_ =	swait.ge [sflag:s3], $0x1400  }
0x3f: {  	s0 =	rddreg [dreg:$0x12]  }
0x40: {  	s7 =	rddreg [dreg:$0xd]  }
0x41: {  	s8 =	sld [smem:$0x7E4]  }
0x42: {  	s9 =	rddreg [dreg:$0xe]  }
0x43: {  	s10 =	sld [smem:$0x7E5]  }
0x44: {  	s11 =	rddreg [dreg:$0xb]  }
0x45: {  	s12 =	rddreg [dreg:$0x1c]  }
0x46: {  	s13 =	rddreg [dreg:$0x9]  }
0x47: {  	s14 =	rddreg [dreg:$0x18]  }
0x48: {  	s15 =	rddreg [dreg:$0x14]  }
0x49: {  	s16 =	rddreg [dreg:$0x7]  }
0x4a: {  	s17 =	rddreg [dreg:$0x10]  }
0x4b: {  	s18 =	rddreg [dreg:$0xa]  }
0x4c: {  	s19 =	rddreg [dreg:$0x8]  }
0x4d: {  	s20 =	rddreg [dreg:$0xc]  }
0x4e: {  	s21 =	rddreg [dreg:$0x5]  }
0x4f: {  	s6 =	simm.s32 $0x80;
	s22 =	rddreg [dreg:$0x4]  }
0x50: {  	s5 =	sadd.s32 $0x3800, s4;
	[sflag:s3] =	ssyncset.done $0x0;
	s23 =	rddreg [dreg:$0x6]  }
0x51: {  	s4 =	simm.s32 $0x1400;
	s24 =	rddreg [dreg:$0x11];
	[sflag:s3] =	ssyncadd.s32 $0xFFFFEC00  }
0x52: {  	[tilespmem:s4], [sflag:$0x1] =	stream.indirect.gather [hbm4b:s5+s6], $0x10, s2, s6, $0xb8;
	[tilespmem:$0x15400] =	vst v63  }
0x53: {  	s25 =	rddreg [dreg:$0x13]  }
0x54: {  	[tilespmem:s22], [sflag:$0x1] =	stream.indirect.gather [hbm4b:s5+s6], $0x10, s6, s6, $0xb8;
	[tilespmem:$0x15400] =	vst v63  }
0x55: {  	s26 =	rddreg [dreg:$0x15]  }
0x56: {  	[tilespmem:s23], [sflag:$0x1] =	stream.indirect.gather [hbm4b:s5+s6], $0x10, s21, s6, $0xb8;
	[tilespmem:$0x15400] =	vst v63  }
0x57: {  	s22 =	rddreg [dreg:$0xf]  }
0x58: {  	[tilespmem:s19], [sflag:$0x1] =	stream.indirect.gather [hbm4b:s5+s6], $0x10, s16, s6, $0xb8;
	[tilespmem:$0x15400] =	vst v63  }
0x59: {  	s21 =	sld [smem:$0x7EB]  }
0x5a: {  	[tilespmem:s18], [sflag:$0x1] =	stream.indirect.gather [hbm4b:s5+s6], $0x10, s13, s6, $0xb8;
	[tilespmem:$0x15400] =	vst v63  }
0x5b: {  	s19 =	rddreg [dreg:$0x16]  }
0x5c: {  	[tilespmem:s20], [sflag:$0x1] =	stream.indirect.gather [hbm4b:s5+s6], $0x10, s11, s6, $0xb8;
	[tilespmem:$0x15400] =	vst v63  }
0x5d: {  	s13 =	rddreg [dreg:$0x17]  }
0x5e: {  	[tilespmem:s9], [sflag:$0x1] =	stream.indirect.gather [hbm4b:s5+s6], $0x10, s7, s6, $0xb8;
	[tilespmem:$0x15400] =	vst v63  }
0x5f: {  	s18 =	rddreg [dreg:$0x1a]  }
0x60: {  	[tilespmem:s17], [sflag:$0x1] =	stream.indirect.gather [hbm4b:s5+s6], $0x10, s22, s6, $0xb8;
	[tilespmem:$0x15400] =	vst v63  }
0x61: {  	s20 =	rddreg [dreg:$0x19]  }
0x62: {  	[tilespmem:s0], [sflag:$0x1] =	stream.indirect.gather [hbm4b:s5+s6], $0x10, s24, s6, $0xb8;
	[tilespmem:$0x15400] =	vst v63  }
0x63: {  	s22 =	rddreg [dreg:$0x1b]  }
0x64: {  	[tilespmem:s15], [sflag:$0x1] =	stream.indirect.gather [hbm4b:s5+s6], $0x10, s25, s6, $0xb8;
	[tilespmem:$0x15400] =	vst v63  }
0x65: {  	s17 =	sld [smem:$0x7E7]  }
0x66: {  	[tilespmem:s19], [sflag:$0x1] =	stream.indirect.gather [hbm4b:s5+s6], $0x10, s26, s6, $0xb8;
	[tilespmem:$0x15400] =	vst v63  }
0x67: {  	s24 =	rddreg [dreg:$0x1e]  }
0x68: {  	[tilespmem:s14], [sflag:$0x1] =	stream.indirect.gather [hbm4b:s5+s6], $0x10, s13, s6, $0xb8;
	[tilespmem:$0x15400] =	vst v63  }
0x69: {  	s25 =	rddreg [dreg:$0x1d]  }
0x6a: {  	[tilespmem:s18], [sflag:$0x1] =	stream.indirect.gather [hbm4b:s5+s6], $0x10, s20, s6, $0xb8;
	[tilespmem:$0x15400] =	vst v63  }
0x6b: {  	s26 =	rddreg [dreg:$0x1f]  }
0x6c: {  	[tilespmem:s12], [sflag:$0x1] =	stream.indirect.gather [hbm4b:s5+s6], $0x10, s22, s6, $0xb8;
	[tilespmem:$0x15400] =	vst v63  }
0x6d: {  	s19 =	sld [smem:$0x7E9]  }
0x6e: {  	[tilespmem:s24], [sflag:$0x1] =	stream.indirect.gather [hbm4b:s5+s6], $0x10, s25, s6, $0xb8;
	[tilespmem:$0x15400] =	vst v63  }
0x6f: {  	s14 =	sld [smem:$0x7E6]  }
0x70: {  	[tilespmem:s10], [sflag:$0x1] =	stream.indirect.gather [hbm4b:s5+s6], $0x10, s26, s6, $0xb8;
	[tilespmem:$0x15400] =	vst v63  }
0x71: {  	s18 =	sld [smem:$0x7E8]  }
0x72: {  	[tilespmem:s14], [sflag:$0x1] =	stream.indirect.gather [hbm4b:s5+s6], $0x10, s17, s6, $0xb8;
	[tilespmem:$0x15400] =	vst v63  }
0x73: {  	s20 =	sld [smem:$0x7EA]  }
0x74: {  	[tilespmem:s8], [sflag:$0x1] =	stream.indirect.gather [hbm4b:s5+s6], $0x10, s18, s6, $0xb8;
	[tilespmem:$0x15400] =	vst v63  }
0x75: {  	s22 =	sld [smem:$0x7EC]  }
0x76: {  	[tilespmem:s19], [sflag:$0x1] =	stream.indirect.gather [hbm4b:s5+s6], $0x10, s20, s6, $0xb8;
	[tilespmem:$0x15400] =	vst v63  }
0x77: {  	s7 =	simm.s32 $0x1  }
0x78: {  	[tilespmem:s22], [sflag:$0x1] =	stream.indirect.gather [hbm4b:s5+s6], $0x10, s21, s6, $0xb8;
	[tilespmem:$0x15400] =	vst v63  }
0x79: {  	_ =	swait.ge [sflag:s7], $0x800  }
0x7a: {  	[sflag:s7] =	ssyncset.done $0x0  }
0x7b: {  	[sflag:s7] =	ssyncadd.s32 $0xFFFFF800  }
0x7c: {  	_ =	swait.ge [sflag:s7], $0x800  }
0x7d: {  	[sflag:s7] =	ssyncset.done $0x0  }
0x7e: {  	[sflag:s7] =	ssyncadd.s32 $0xFFFFF800  }
0x7f: {  	_ =	swait.ge [sflag:s7], $0x800  }
0x80: {  	[sflag:s7] =	ssyncset.done $0x0  }
0x81: {  	[sflag:s7] =	ssyncadd.s32 $0xFFFFF800  }
0x82: {  	_ =	swait.ge [sflag:s7], $0x800  }
0x83: {  	[sflag:s7] =	ssyncset.done $0x0  }
0x84: {  	[sflag:s7] =	ssyncadd.s32 $0xFFFFF800  }
0x85: {  	_ =	swait.ge [sflag:s7], $0x800  }
0x86: {  	[sflag:s7] =	ssyncset.done $0x0  }
0x87: {  	[sflag:s7] =	ssyncadd.s32 $0xFFFFF800  }
0x88: {  	_ =	swait.ge [sflag:s7], $0x800  }
0x89: {  	[sflag:s7] =	ssyncset.done $0x0  }
0x8a: {  	[sflag:s7] =	ssyncadd.s32 $0xFFFFF800  }
0x8b: {  	_ =	swait.ge [sflag:s7], $0x800  }
0x8c: {  	[sflag:s7] =	ssyncset.done $0x0  }
0x8d: {  	[sflag:s7] =	ssyncadd.s32 $0xFFFFF800  }
0x8e: {  	_ =	swait.ge [sflag:s7], $0x800  }
0x8f: {  	[sflag:s7] =	ssyncset.done $0x0  }
0x90: {  	[sflag:s7] =	ssyncadd.s32 $0xFFFFF800  }
0x91: {  	_ =	swait.ge [sflag:s7], $0x800  }
0x92: {  	[sflag:s7] =	ssyncset.done $0x0  }
0x93: {  	[sflag:s7] =	ssyncadd.s32 $0xFFFFF800  }
0x94: {  	_ =	swait.ge [sflag:s7], $0x800  }
0x95: {  	[sflag:s7] =	ssyncset.done $0x0  }
0x96: {  	[sflag:s7] =	ssyncadd.s32 $0xFFFFF800  }
0x97: {  	_ =	swait.ge [sflag:s7], $0x800  }
0x98: {  	[sflag:s7] =	ssyncset.done $0x0  }
0x99: {  	[sflag:s7] =	ssyncadd.s32 $0xFFFFF800  }
0x9a: {  	_ =	swait.ge [sflag:s7], $0x800  }
0x9b: {  	[sflag:s7] =	ssyncset.done $0x0  }
0x9c: {  	[sflag:s7] =	ssyncadd.s32 $0xFFFFF800  }
0x9d: {  	_ =	swait.ge [sflag:s7], $0x800  }
0x9e: {  	[sflag:s7] =	ssyncset.done $0x0  }
0x9f: {  	[sflag:s7] =	ssyncadd.s32 $0xFFFFF800  }
0xa0: {  	_ =	swait.ge [sflag:s7], $0x800  }
0xa1: {  	[sflag:s7] =	ssyncset.done $0x0  }
0xa2: {  	[sflag:s7] =	ssyncadd.s32 $0xFFFFF800  }
0xa3: {  	_ =	swait.ge [sflag:s7], $0x800  }
0xa4: {  	[sflag:s7] =	ssyncset.done $0x0  }
0xa5: {  	[sflag:s7] =	ssyncadd.s32 $0xFFFFF800  }
0xa6: {  	_ =	swait.ge [sflag:s7], $0x800  }
0xa7: {  	[sflag:s7] =	ssyncset.done $0x0  }
0xa8: {  	[sflag:s7] =	ssyncadd.s32 $0xFFFFF800  }
0xa9: {  	_ =	swait.ge [sflag:s7], $0x800  }
0xaa: {  	[sflag:s7] =	ssyncset.done $0x0  }
0xab: {  	[sflag:s7] =	ssyncadd.s32 $0xFFFFF800  }
0xac: {  	_ =	swait.ge [sflag:s7], $0x800  }
0xad: {  	[sflag:s7] =	ssyncset.done $0x0  }
0xae: {  	[sflag:s7] =	ssyncadd.s32 $0xFFFFF800  }
0xaf: {  	_ =	swait.ge [sflag:s7], $0x800  }
0xb0: {  	[sflag:s7] =	ssyncset.done $0x0  }
0xb1: {  	[sflag:s7] =	ssyncadd.s32 $0xFFFFF800  }
0xb2: {  	_ =	swait.ge [sflag:s7], $0x800  }
0xb3: {  	s0 =	sld [smem:$0x7ED]  }
0xb4: {  	s8 =	sld [smem:$0x7EE]  }
0xb5: {  	s23 =	sld [smem:$0x7EF]  }
0xb6: {  	s24 =	sld [smem:$0x7F0]  }
0xb7: {  	s25 =	sld [smem:$0x7F1]  }
0xb8: {  	s26 =	sld [smem:$0x7F2]  }
0xb9: {  	s15 =	sld [smem:$0x7F3]  }
0xba: {  	s16 =	sld [smem:$0x7F4]  }
0xbb: {  	[sflag:s7] =	ssyncset.done $0x0;
	s17 =	sld [smem:$0x7F5]  }
0xbc: {  	s18 =	sld [smem:$0x7F6];
	[sflag:s7] =	ssyncadd.s32 $0xFFFFF800  }
0xbd: {  	[tilespmem:s16], [sflag:$0x1] =	stream.indirect.gather [hbm4b:s5+s6], $0x10, s15, s6, $0xb8;
	[tilespmem:$0x15400] =	vst v63  }
0xbe: {  	s19 =	sld [smem:$0x7F7]  }
0xbf: {  	[tilespmem:s25], [sflag:$0x1] =	stream.indirect.gather [hbm4b:s5+s6], $0x10, s24, s6, $0xb8;
	[tilespmem:$0x15400] =	vst v63  }
0xc0: {  	s20 =	sld [smem:$0x7F8]  }
0xc1: {  	[tilespmem:s26], [sflag:$0x1] =	stream.indirect.gather [hbm4b:s5+s6], $0x10, s23, s6, $0xb8;
	[tilespmem:$0x15400] =	vst v63  }
0xc2: {  	s21 =	sld [smem:$0x7F9]  }
0xc3: {  	[tilespmem:s19], [sflag:$0x1] =	stream.indirect.gather [hbm4b:s5+s6], $0x10, s20, s6, $0xb8;
	[tilespmem:$0x15400] =	vst v63  }
0xc4: {  	s22 =	sld [smem:$0x7FA]  }
0xc5: {  	[tilespmem:s18], [sflag:$0x1] =	stream.indirect.gather [hbm4b:s5+s6], $0x10, s21, s6, $0xb8;
	[tilespmem:$0x15400] =	vst v63  }
0xc6: {  	s23 =	sld [smem:$0x7FB]  }
0xc7: {  	[tilespmem:s8], [sflag:$0x1] =	stream.indirect.gather [hbm4b:s5+s6], $0x10, s22, s6, $0xb8;
	[tilespmem:$0x15400] =	vst v63  }
0xc8: {  	s24 =	sld [smem:$0x7FC]  }
0xc9: {  	[tilespmem:s17], [sflag:$0x1] =	stream.indirect.gather [hbm4b:s5+s6], $0x10, s23, s6, $0xb8;
	[tilespmem:$0x15400] =	vst v63  }
0xca: {  	s25 =	sld [smem:$0x7FD]  }
0xcb: {  	[tilespmem:s0], [sflag:$0x1] =	stream.indirect.gather [hbm4b:s5+s6], $0x10, s24, s6, $0xb8;
	[tilespmem:$0x15400] =	vst v63  }
0xcc: {  	s26 =	simm.s32 $0xF400  }
0xcd: {  	[tilespmem:s26], [sflag:$0x1] =	stream.indirect.gather [hbm4b:s5+s6], $0x10, s25, s6, $0xb8;
	[tilespmem:$0x15400] =	vst v63  }
0xce: {  	s9 =	simm.s32 $0xFC00;
	s8 =	simm.s32 $0xE80  }
0xcf: {  	[tilespmem:s9], [sflag:$0x1] =	stream.indirect.gather [hbm4b:s5+s6], $0x10, s8, s6, $0xb8;
	[tilespmem:$0x15400] =	vst v63  }
0xd0: {  	s11 =	simm.s32 $0x10400;
	s10 =	simm.s32 $0xF00  }
0xd1: {  	[tilespmem:s11], [sflag:$0x1] =	stream.indirect.gather [hbm4b:s5+s6], $0x10, s10, s6, $0xb8;
	[tilespmem:$0x15400] =	vst v63  }
0xd2: {  	s13 =	simm.s32 $0x10C00;
	s12 =	simm.s32 $0xF80  }
0xd3: {  	[tilespmem:s13], [sflag:$0x1] =	stream.indirect.gather [hbm4b:s5+s6], $0x10, s12, s6, $0xb8;
	[tilespmem:$0x15400] =	vst v63  }
0xd4: {  	s14 =	simm.s32 $0x1000;
	s15 =	simm.s32 $0x11400  }
0xd5: {  	[tilespmem:s15], [sflag:$0x1] =	stream.indirect.gather [hbm4b:s5+s6], $0x10, s14, s6, $0xb8;
	[tilespmem:$0x15400] =	vst v63  }
0xd6: {  	s16 =	simm.s32 $0x1080;
	s17 =	simm.s32 $0x11C00  }
0xd7: {  	[tilespmem:s17], [sflag:$0x1] =	stream.indirect.gather [hbm4b:s5+s6], $0x10, s16, s6, $0xb8;
	[tilespmem:$0x15400] =	vst v63  }
0xd8: {  	s19 =	simm.s32 $0x12400;
	s18 =	simm.s32 $0x1100  }
0xd9: {  	[tilespmem:s19], [sflag:$0x1] =	stream.indirect.gather [hbm4b:s5+s6], $0x10, s18, s6, $0xb8;
	[tilespmem:$0x15400] =	vst v63  }
0xda: {  	s20 =	simm.s32 $0x1180;
	s21 =	simm.s32 $0x12C00  }
0xdb: {  	[tilespmem:s21], [sflag:$0x1] =	stream.indirect.gather [hbm4b:s5+s6], $0x10, s20, s6, $0xb8;
	[tilespmem:$0x15400] =	vst v63  }
0xdc: {  	s22 =	simm.s32 $0x1200;
	s23 =	simm.s32 $0x13400  }
0xdd: {  	[tilespmem:s23], [sflag:$0x1] =	stream.indirect.gather [hbm4b:s5+s6], $0x10, s22, s6, $0xb8;
	[tilespmem:$0x15400] =	vst v63  }
0xde: {  	s24 =	simm.s32 $0x1280;
	s25 =	simm.s32 $0x13C00  }
0xdf: {  	[tilespmem:s25], [sflag:$0x1] =	stream.indirect.gather [hbm4b:s5+s6], $0x10, s24, s6, $0xb8;
	[tilespmem:$0x15400] =	vst v63  }
0xe0: {  	s28 =	simm.s32 $0x1300;
	s29 =	simm.s32 $0x14400  }
0xe1: {  	[tilespmem:s29], [sflag:$0x1] =	stream.indirect.gather [hbm4b:s5+s6], $0x10, s28, s6, $0xb8;
	[tilespmem:$0x15400] =	vst v63  }
0xe2: {  	s30 =	simm.s32 $0x1380;
	s31 =	simm.s32 $0x14C00  }
0xe3: {  	[tilespmem:s31], [sflag:$0x1] =	stream.indirect.gather [hbm4b:s5+s6], $0x10, s30, s6, $0xb8;
	[tilespmem:$0x15400] =	vst v63  }
0xe4: {  	_ =	swait.ge [sflag:s7], $0x800  }
0xe5: {  	[sflag:s7] =	ssyncset.done $0x0  }
0xe6: {  	[sflag:s7] =	ssyncadd.s32 $0xFFFFF800  }
0xe7: {  	_ =	swait.ge [sflag:s7], $0x800  }
0xe8: {  	[sflag:s7] =	ssyncset.done $0x0  }
0xe9: {  	[sflag:s7] =	ssyncadd.s32 $0xFFFFF800  }
0xea: {  	_ =	swait.ge [sflag:s7], $0x800  }
0xeb: {  	[sflag:s7] =	ssyncset.done $0x0  }
0xec: {  	[sflag:s7] =	ssyncadd.s32 $0xFFFFF800  }
0xed: {  	_ =	swait.ge [sflag:s7], $0x800  }
0xee: {  	[sflag:s7] =	ssyncset.done $0x0  }
0xef: {  	[sflag:s7] =	ssyncadd.s32 $0xFFFFF800  }
0xf0: {  	_ =	swait.ge [sflag:s7], $0x800  }
0xf1: {  	[sflag:s7] =	ssyncset.done $0x0  }
0xf2: {  	[sflag:s7] =	ssyncadd.s32 $0xFFFFF800  }
0xf3: {  	_ =	swait.ge [sflag:s7], $0x800  }
0xf4: {  	[sflag:s7] =	ssyncset.done $0x0  }
0xf5: {  	[sflag:s7] =	ssyncadd.s32 $0xFFFFF800  }
0xf6: {  	_ =	swait.ge [sflag:s7], $0x800  }
0xf7: {  	[sflag:s7] =	ssyncset.done $0x0  }
0xf8: {  	[sflag:s7] =	ssyncadd.s32 $0xFFFFF800  }
0xf9: {  	_ =	swait.ge [sflag:s7], $0x800  }
0xfa: {  	[sflag:s7] =	ssyncset.done $0x0  }
0xfb: {  	[sflag:s7] =	ssyncadd.s32 $0xFFFFF800  }
0xfc: {  	_ =	swait.ge [sflag:s7], $0x800  }
0xfd: {  	[sflag:s7] =	ssyncset.done $0x0  }
0xfe: {  	[sflag:s7] =	ssyncadd.s32 $0xFFFFF800  }
0xff: {  	_ =	swait.ge [sflag:s7], $0x800  }
0x100: {  	s26 =	ssub.s32 $0x2, s1;
	[sflag:s7] =	ssyncset.done $0x0  }
0x101: {  	s1 =	sshrl.u32 s26, $0x1;
	[sflag:s7] =	ssyncadd.s32 $0xFFFFF800  }
0x102: {  	s0 =	ssub.s32 s26, s1;
	_ =	swait.ge [sflag:s7], $0x800  }
0x103: {  	s0 =	smax.u32 s0, $0x1;
	[sflag:s7] =	ssyncset.done $0x0  }
0x104: {  	p0 =	sne.s32 s0, $0x1;
	[sflag:s7] =	ssyncadd.s32 $0xFFFFF800  }
.Ltmp0:
0x105: {  	_ =	swait.ge [sflag:s7], $0x800;
	(pc) =	sbr.rel @!p0 .LBB2_2-.Ltmp0, $4  }
0x106: {  	[sflag:s7] =	ssyncset.done $0x0  }
0x107: {  	[sflag:s7] =	ssyncadd.s32 $0xFFFFF800  }
0x108: {  	_ =	swait.ge [sflag:s7], $0x800  }
0x109: {  	s1 =	sadd.s32 $0xFFFFFFFF, s0;
	[sflag:s7] =	ssyncset.done $0x0  }
.LBB2_1:
0x10a: {  	[sflag:s7] =	ssyncadd.s32 $0xFFFFF800  }
0x10b: {  	_ =	swait.ge [sflag:s7], $0x800  }
0x10c: {  	[sflag:s7] =	ssyncset.done $0x0  }
0x10d: {  	[sflag:s7] =	ssyncadd.s32 $0xFFFFF800  }
0x10e: {  	_ =	swait.ge [sflag:s7], $0x800  }
0x10f: {  	[sflag:s7] =	ssyncset.done $0x0  }
0x110: {  	[sflag:s7] =	ssyncadd.s32 $0xFFFFF800  }
0x111: {  	_ =	swait.ge [sflag:s7], $0x800  }
0x112: {  	[sflag:s7] =	ssyncset.done $0x0  }
0x113: {  	[sflag:s7] =	ssyncadd.s32 $0xFFFFF800  }
0x114: {  	_ =	swait.ge [sflag:s7], $0x800  }
0x115: {  	[sflag:s7] =	ssyncset.done $0x0  }
0x116: {  	[sflag:s7] =	ssyncadd.s32 $0xFFFFF800  }
0x117: {  	_ =	swait.ge [sflag:s7], $0x800  }
0x118: {  	[sflag:s7] =	ssyncset.done $0x0  }
0x119: {  	[sflag:s7] =	ssyncadd.s32 $0xFFFFF800  }
0x11a: {  	_ =	swait.ge [sflag:s7], $0x800  }
0x11b: {  	[sflag:s7] =	ssyncset.done $0x0  }
0x11c: {  	[sflag:s7] =	ssyncadd.s32 $0xFFFFF800  }
0x11d: {  	_ =	swait.ge [sflag:s7], $0x800  }
0x11e: {  	[sflag:s7] =	ssyncset.done $0x0  }
0x11f: {  	s0 =	rddreg [dreg:$0x3];
	[sflag:s7] =	ssyncadd.s32 $0xFFFFF800  }
0x120: {  	[hbm4b:s0+s2] =	stream.linear.scatter [tilespmem:s4], [sflag:$0x2], $0x14000, $0x38;
	[tilespmem:$0x15400] =	vst v63  }
0x121: {  	_ =	swait.ge [sflag:s3], $0x14000  }
0x122: {  	[sflag:s3] =	ssyncset.done $0x0  }
0x123: {  	s18 =	rddreg [dreg:$0x2];
	[sflag:s3] =	ssyncadd.s32 $0xFFFEC000  }
0x124: {  	[tilespmem:s2], [sflag:$0x2] =	stream.linear.gather [hbm4b:s18+s2], $0x1400, $0x38;
	[tilespmem:$0x15400] =	vst v63  }
0x125: {  	_ =	swait.ge [sflag:s3], $0x1400  }
0x126: {  	s10 =	rddreg [dreg:$0x12]  }
0x127: {  	s12 =	rddreg [dreg:$0xd]  }
0x128: {  	s0 =	sld [smem:$0x7E4]  }
0x129: {  	s13 =	rddreg [dreg:$0xe]  }
0x12a: {  	s8 =	sld [smem:$0x7E5]  }
0x12b: {  	s14 =	rddreg [dreg:$0xb]  }
0x12c: {  	s9 =	rddreg [dreg:$0x1c]  }
0x12d: {  	s15 =	rddreg [dreg:$0x9]  }
0x12e: {  	s11 =	rddreg [dreg:$0x18]  }
0x12f: {  	s16 =	rddreg [dreg:$0x14]  }
0x130: {  	s17 =	rddreg [dreg:$0x7]  }
0x131: {  	s18 =	rddreg [dreg:$0x10]  }
0x132: {  	s19 =	rddreg [dreg:$0xa]  }
0x133: {  	s20 =	rddreg [dreg:$0x8]  }
0x134: {  	s21 =	rddreg [dreg:$0xc]  }
0x135: {  	s22 =	rddreg [dreg:$0x5]  }
0x136: {  	s23 =	rddreg [dreg:$0x4]  }
0x137: {  	[sflag:s3] =	ssyncset.done $0x0;
	s24 =	rddreg [dreg:$0x6]  }
0x138: {  	s25 =	rddreg [dreg:$0xf];
	[sflag:s3] =	ssyncadd.s32 $0xFFFFEC00  }
0x139: {  	[tilespmem:s4], [sflag:$0x1] =	stream.indirect.gather [hbm4b:s5+s6], $0x10, s2, s6, $0xb8;
	[tilespmem:$0x15400] =	vst v63  }
0x13a: {  	s26 =	rddreg [dreg:$0x11]  }
0x13b: {  	[tilespmem:s23], [sflag:$0x1] =	stream.indirect.gather [hbm4b:s5+s6], $0x10, s6, s6, $0xb8;
	[tilespmem:$0x15400] =	vst v63  }
0x13c: {  	s23 =	rddreg [dreg:$0x13]  }
0x13d: {  	[tilespmem:s24], [sflag:$0x1] =	stream.indirect.gather [hbm4b:s5+s6], $0x10, s22, s6, $0xb8;
	[tilespmem:$0x15400] =	vst v63  }
0x13e: {  	s22 =	rddreg [dreg:$0x16]  }
0x13f: {  	[tilespmem:s20], [sflag:$0x1] =	stream.indirect.gather [hbm4b:s5+s6], $0x10, s17, s6, $0xb8;
	[tilespmem:$0x15400] =	vst v63  }
0x140: {  	s24 =	rddreg [dreg:$0x1b]  }
0x141: {  	[tilespmem:s19], [sflag:$0x1] =	stream.indirect.gather [hbm4b:s5+s6], $0x10, s15, s6, $0xb8;
	[tilespmem:$0x15400] =	vst v63  }
0x142: {  	s17 =	rddreg [dreg:$0x15]  }
0x143: {  	[tilespmem:s21], [sflag:$0x1] =	stream.indirect.gather [hbm4b:s5+s6], $0x10, s14, s6, $0xb8;
	[tilespmem:$0x15400] =	vst v63  }
0x144: {  	s20 =	rddreg [dreg:$0x1a]  }
0x145: {  	[tilespmem:s13], [sflag:$0x1] =	stream.indirect.gather [hbm4b:s5+s6], $0x10, s12, s6, $0xb8;
	[tilespmem:$0x15400] =	vst v63  }
0x146: {  	s19 =	rddreg [dreg:$0x17]  }
0x147: {  	[tilespmem:s18], [sflag:$0x1] =	stream.indirect.gather [hbm4b:s5+s6], $0x10, s25, s6, $0xb8;
	[tilespmem:$0x15400] =	vst v63  }
0x148: {  	s21 =	rddreg [dreg:$0x19]  }
0x149: {  	[tilespmem:s10], [sflag:$0x1] =	stream.indirect.gather [hbm4b:s5+s6], $0x10, s26, s6, $0xb8;
	[tilespmem:$0x15400] =	vst v63  }
0x14a: {  	s25 =	rddreg [dreg:$0x1e]  }
0x14b: {  	[tilespmem:s16], [sflag:$0x1] =	stream.indirect.gather [hbm4b:s5+s6], $0x10, s23, s6, $0xb8;
	[tilespmem:$0x15400] =	vst v63  }
0x14c: {  	s18 =	rddreg [dreg:$0x1f]  }
0x14d: {  	[tilespmem:s22], [sflag:$0x1] =	stream.indirect.gather [hbm4b:s5+s6], $0x10, s17, s6, $0xb8;
	[tilespmem:$0x15400] =	vst v63  }
0x14e: {  	s26 =	rddreg [dreg:$0x1d]  }
0x14f: {  	[tilespmem:s11], [sflag:$0x1] =	stream.indirect.gather [hbm4b:s5+s6], $0x10, s19, s6, $0xb8;
	[tilespmem:$0x15400] =	vst v63  }
0x150: {  	s23 =	sld [smem:$0x7EA]  }
0x151: {  	[tilespmem:s20], [sflag:$0x1] =	stream.indirect.gather [hbm4b:s5+s6], $0x10, s21, s6, $0xb8;
	[tilespmem:$0x15400] =	vst v63  }
0x152: {  	s22 =	sld [smem:$0x7E9]  }
0x153: {  	[tilespmem:s9], [sflag:$0x1] =	stream.indirect.gather [hbm4b:s5+s6], $0x10, s24, s6, $0xb8;
	[tilespmem:$0x15400] =	vst v63  }
0x154: {  	s19 =	sld [smem:$0x7E6]  }
0x155: {  	[tilespmem:s25], [sflag:$0x1] =	stream.indirect.gather [hbm4b:s5+s6], $0x10, s26, s6, $0xb8;
	[tilespmem:$0x15400] =	vst v63  }
0x156: {  	s20 =	sld [smem:$0x7E7]  }
0x157: {  	[tilespmem:s8], [sflag:$0x1] =	stream.indirect.gather [hbm4b:s5+s6], $0x10, s18, s6, $0xb8;
	[tilespmem:$0x15400] =	vst v63  }
0x158: {  	s21 =	sld [smem:$0x7E8]  }
0x159: {  	[tilespmem:s19], [sflag:$0x1] =	stream.indirect.gather [hbm4b:s5+s6], $0x10, s20, s6, $0xb8;
	[tilespmem:$0x15400] =	vst v63  }
0x15a: {  	s24 =	sld [smem:$0x7EB]  }
0x15b: {  	[tilespmem:s0], [sflag:$0x1] =	stream.indirect.gather [hbm4b:s5+s6], $0x10, s21, s6, $0xb8;
	[tilespmem:$0x15400] =	vst v63  }
0x15c: {  	s25 =	sld [smem:$0x7EC]  }
0x15d: {  	[tilespmem:s22], [sflag:$0x1] =	stream.indirect.gather [hbm4b:s5+s6], $0x10, s23, s6, $0xb8;
	[tilespmem:$0x15400] =	vst v63  }
0x15e: {  	_ = 	snop  }
0x15f: {  	[tilespmem:s25], [sflag:$0x1] =	stream.indirect.gather [hbm4b:s5+s6], $0x10, s24, s6, $0xb8;
	[tilespmem:$0x15400] =	vst v63  }
0x160: {  	_ =	swait.ge [sflag:s7], $0x800  }
0x161: {  	[sflag:s7] =	ssyncset.done $0x0  }
0x162: {  	[sflag:s7] =	ssyncadd.s32 $0xFFFFF800  }
0x163: {  	_ =	swait.ge [sflag:s7], $0x800  }
0x164: {  	[sflag:s7] =	ssyncset.done $0x0  }
0x165: {  	[sflag:s7] =	ssyncadd.s32 $0xFFFFF800  }
0x166: {  	_ =	swait.ge [sflag:s7], $0x800  }
0x167: {  	[sflag:s7] =	ssyncset.done $0x0  }
0x168: {  	[sflag:s7] =	ssyncadd.s32 $0xFFFFF800  }
0x169: {  	_ =	swait.ge [sflag:s7], $0x800  }
0x16a: {  	[sflag:s7] =	ssyncset.done $0x0  }
0x16b: {  	[sflag:s7] =	ssyncadd.s32 $0xFFFFF800  }
0x16c: {  	_ =	swait.ge [sflag:s7], $0x800  }
0x16d: {  	[sflag:s7] =	ssyncset.done $0x0  }
0x16e: {  	[sflag:s7] =	ssyncadd.s32 $0xFFFFF800  }
0x16f: {  	_ =	swait.ge [sflag:s7], $0x800  }
0x170: {  	[sflag:s7] =	ssyncset.done $0x0  }
0x171: {  	[sflag:s7] =	ssyncadd.s32 $0xFFFFF800  }
0x172: {  	_ =	swait.ge [sflag:s7], $0x800  }
0x173: {  	[sflag:s7] =	ssyncset.done $0x0  }
0x174: {  	[sflag:s7] =	ssyncadd.s32 $0xFFFFF800  }
0x175: {  	_ =	swait.ge [sflag:s7], $0x800  }
0x176: {  	[sflag:s7] =	ssyncset.done $0x0  }
0x177: {  	[sflag:s7] =	ssyncadd.s32 $0xFFFFF800  }
0x178: {  	_ =	swait.ge [sflag:s7], $0x800  }
0x179: {  	[sflag:s7] =	ssyncset.done $0x0  }
0x17a: {  	[sflag:s7] =	ssyncadd.s32 $0xFFFFF800  }
0x17b: {  	_ =	swait.ge [sflag:s7], $0x800  }
0x17c: {  	[sflag:s7] =	ssyncset.done $0x0  }
0x17d: {  	[sflag:s7] =	ssyncadd.s32 $0xFFFFF800  }
0x17e: {  	_ =	swait.ge [sflag:s7], $0x800  }
0x17f: {  	[sflag:s7] =	ssyncset.done $0x0  }
0x180: {  	[sflag:s7] =	ssyncadd.s32 $0xFFFFF800  }
0x181: {  	_ =	swait.ge [sflag:s7], $0x800  }
0x182: {  	[sflag:s7] =	ssyncset.done $0x0  }
0x183: {  	[sflag:s7] =	ssyncadd.s32 $0xFFFFF800  }
0x184: {  	_ =	swait.ge [sflag:s7], $0x800  }
0x185: {  	[sflag:s7] =	ssyncset.done $0x0  }
0x186: {  	[sflag:s7] =	ssyncadd.s32 $0xFFFFF800  }
0x187: {  	_ =	swait.ge [sflag:s7], $0x800  }
0x188: {  	[sflag:s7] =	ssyncset.done $0x0  }
0x189: {  	[sflag:s7] =	ssyncadd.s32 $0xFFFFF800  }
0x18a: {  	_ =	swait.ge [sflag:s7], $0x800  }
0x18b: {  	[sflag:s7] =	ssyncset.done $0x0  }
0x18c: {  	[sflag:s7] =	ssyncadd.s32 $0xFFFFF800  }
0x18d: {  	_ =	swait.ge [sflag:s7], $0x800  }
0x18e: {  	[sflag:s7] =	ssyncset.done $0x0  }
0x18f: {  	[sflag:s7] =	ssyncadd.s32 $0xFFFFF800  }
0x190: {  	_ =	swait.ge [sflag:s7], $0x800  }
0x191: {  	[sflag:s7] =	ssyncset.done $0x0  }
0x192: {  	[sflag:s7] =	ssyncadd.s32 $0xFFFFF800  }
0x193: {  	_ =	swait.ge [sflag:s7], $0x800  }
0x194: {  	[sflag:s7] =	ssyncset.done $0x0  }
0x195: {  	[sflag:s7] =	ssyncadd.s32 $0xFFFFF800  }
0x196: {  	_ =	swait.ge [sflag:s7], $0x800  }
0x197: {  	[sflag:s7] =	ssyncset.done $0x0  }
0x198: {  	[sflag:s7] =	ssyncadd.s32 $0xFFFFF800  }
0x199: {  	_ =	swait.ge [sflag:s7], $0x800  }
0x19a: {  	s0 =	sld [smem:$0x7ED]  }
0x19b: {  	s9 =	sld [smem:$0x7EE]  }
0x19c: {  	s26 =	sld [smem:$0x7EF]  }
0x19d: {  	s12 =	sld [smem:$0x7F0]  }
0x19e: {  	s13 =	sld [smem:$0x7F1]  }
0x19f: {  	s16 =	sld [smem:$0x7F2]  }
0x1a0: {  	s17 =	sld [smem:$0x7F3]  }
0x1a1: {  	s18 =	sld [smem:$0x7F4]  }
0x1a2: {  	[sflag:s7] =	ssyncset.done $0x0;
	s19 =	sld [smem:$0x7F5]  }
0x1a3: {  	s20 =	sld [smem:$0x7F6];
	[sflag:s7] =	ssyncadd.s32 $0xFFFFF800  }
0x1a4: {  	[tilespmem:s18], [sflag:$0x1] =	stream.indirect.gather [hbm4b:s5+s6], $0x10, s17, s6, $0xb8;
	[tilespmem:$0x15400] =	vst v63  }
0x1a5: {  	s21 =	sld [smem:$0x7F7]  }
0x1a6: {  	[tilespmem:s13], [sflag:$0x1] =	stream.indirect.gather [hbm4b:s5+s6], $0x10, s12, s6, $0xb8;
	[tilespmem:$0x15400] =	vst v63  }
0x1a7: {  	s22 =	sld [smem:$0x7F8]  }
0x1a8: {  	[tilespmem:s16], [sflag:$0x1] =	stream.indirect.gather [hbm4b:s5+s6], $0x10, s26, s6, $0xb8;
	[tilespmem:$0x15400] =	vst v63  }
0x1a9: {  	s23 =	sld [smem:$0x7F9]  }
0x1aa: {  	[tilespmem:s21], [sflag:$0x1] =	stream.indirect.gather [hbm4b:s5+s6], $0x10, s22, s6, $0xb8;
	[tilespmem:$0x15400] =	vst v63  }
0x1ab: {  	s24 =	sld [smem:$0x7FA]  }
0x1ac: {  	[tilespmem:s20], [sflag:$0x1] =	stream.indirect.gather [hbm4b:s5+s6], $0x10, s23, s6, $0xb8;
	[tilespmem:$0x15400] =	vst v63  }
0x1ad: {  	s25 =	sld [smem:$0x7FB]  }
0x1ae: {  	[tilespmem:s9], [sflag:$0x1] =	stream.indirect.gather [hbm4b:s5+s6], $0x10, s24, s6, $0xb8;
	[tilespmem:$0x15400] =	vst v63  }
0x1af: {  	s8 =	sld [smem:$0x7FC]  }
0x1b0: {  	[tilespmem:s19], [sflag:$0x1] =	stream.indirect.gather [hbm4b:s5+s6], $0x10, s25, s6, $0xb8;
	[tilespmem:$0x15400] =	vst v63  }
0x1b1: {  	s26 =	sld [smem:$0x7FD]  }
0x1b2: {  	[tilespmem:s0], [sflag:$0x1] =	stream.indirect.gather [hbm4b:s5+s6], $0x10, s8, s6, $0xb8;
	[tilespmem:$0x15400] =	vst v63  }
0x1b3: {  	s8 =	simm.s32 $0xF400  }
0x1b4: {  	[tilespmem:s8], [sflag:$0x1] =	stream.indirect.gather [hbm4b:s5+s6], $0x10, s26, s6, $0xb8;
	[tilespmem:$0x15400] =	vst v63  }
0x1b5: {  	s10 =	simm.s32 $0xFC00;
	s9 =	simm.s32 $0xE80  }
0x1b6: {  	[tilespmem:s10], [sflag:$0x1] =	stream.indirect.gather [hbm4b:s5+s6], $0x10, s9, s6, $0xb8;
	[tilespmem:$0x15400] =	vst v63  }
0x1b7: {  	s11 =	simm.s32 $0xF00;
	s12 =	simm.s32 $0x10400  }
0x1b8: {  	[tilespmem:s12], [sflag:$0x1] =	stream.indirect.gather [hbm4b:s5+s6], $0x10, s11, s6, $0xb8;
	[tilespmem:$0x15400] =	vst v63  }
0x1b9: {  	s14 =	simm.s32 $0x10C00;
	s13 =	simm.s32 $0xF80  }
0x1ba: {  	[tilespmem:s14], [sflag:$0x1] =	stream.indirect.gather [hbm4b:s5+s6], $0x10, s13, s6, $0xb8;
	[tilespmem:$0x15400] =	vst v63  }
0x1bb: {  	s15 =	simm.s32 $0x1000;
	s16 =	simm.s32 $0x11400  }
0x1bc: {  	[tilespmem:s16], [sflag:$0x1] =	stream.indirect.gather [hbm4b:s5+s6], $0x10, s15, s6, $0xb8;
	[tilespmem:$0x15400] =	vst v63  }
0x1bd: {  	s17 =	simm.s32 $0x1080;
	s18 =	simm.s32 $0x11C00  }
0x1be: {  	[tilespmem:s18], [sflag:$0x1] =	stream.indirect.gather [hbm4b:s5+s6], $0x10, s17, s6, $0xb8;
	[tilespmem:$0x15400] =	vst v63  }
0x1bf: {  	s20 =	simm.s32 $0x12400;
	s19 =	simm.s32 $0x1100  }
0x1c0: {  	[tilespmem:s20], [sflag:$0x1] =	stream.indirect.gather [hbm4b:s5+s6], $0x10, s19, s6, $0xb8;
	[tilespmem:$0x15400] =	vst v63  }
0x1c1: {  	s21 =	simm.s32 $0x1180;
	s22 =	simm.s32 $0x12C00  }
0x1c2: {  	[tilespmem:s22], [sflag:$0x1] =	stream.indirect.gather [hbm4b:s5+s6], $0x10, s21, s6, $0xb8;
	[tilespmem:$0x15400] =	vst v63  }
0x1c3: {  	s23 =	simm.s32 $0x1200;
	s24 =	simm.s32 $0x13400  }
0x1c4: {  	[tilespmem:s24], [sflag:$0x1] =	stream.indirect.gather [hbm4b:s5+s6], $0x10, s23, s6, $0xb8;
	[tilespmem:$0x15400] =	vst v63  }
0x1c5: {  	s25 =	simm.s32 $0x1280;
	s26 =	simm.s32 $0x13C00  }
0x1c6: {  	[tilespmem:s26], [sflag:$0x1] =	stream.indirect.gather [hbm4b:s5+s6], $0x10, s25, s6, $0xb8;
	[tilespmem:$0x15400] =	vst v63  }
0x1c7: {  	_ = 	snop  }
0x1c8: {  	[tilespmem:s29], [sflag:$0x1] =	stream.indirect.gather [hbm4b:s5+s6], $0x10, s28, s6, $0xb8;
	[tilespmem:$0x15400] =	vst v63  }
0x1c9: {  	_ = 	snop  }
0x1ca: {  	[tilespmem:s31], [sflag:$0x1] =	stream.indirect.gather [hbm4b:s5+s6], $0x10, s30, s6, $0xb8;
	[tilespmem:$0x15400] =	vst v63  }
0x1cb: {  	_ =	swait.ge [sflag:s7], $0x800  }
0x1cc: {  	[sflag:s7] =	ssyncset.done $0x0  }
0x1cd: {  	[sflag:s7] =	ssyncadd.s32 $0xFFFFF800  }
0x1ce: {  	_ =	swait.ge [sflag:s7], $0x800  }
0x1cf: {  	[sflag:s7] =	ssyncset.done $0x0  }
0x1d0: {  	[sflag:s7] =	ssyncadd.s32 $0xFFFFF800  }
0x1d1: {  	_ =	swait.ge [sflag:s7], $0x800  }
0x1d2: {  	[sflag:s7] =	ssyncset.done $0x0  }
0x1d3: {  	[sflag:s7] =	ssyncadd.s32 $0xFFFFF800  }
0x1d4: {  	_ =	swait.ge [sflag:s7], $0x800  }
0x1d5: {  	[sflag:s7] =	ssyncset.done $0x0  }
0x1d6: {  	[sflag:s7] =	ssyncadd.s32 $0xFFFFF800  }
0x1d7: {  	_ =	swait.ge [sflag:s7], $0x800  }
0x1d8: {  	[sflag:s7] =	ssyncset.done $0x0  }
0x1d9: {  	[sflag:s7] =	ssyncadd.s32 $0xFFFFF800  }
0x1da: {  	_ =	swait.ge [sflag:s7], $0x800  }
0x1db: {  	[sflag:s7] =	ssyncset.done $0x0  }
0x1dc: {  	[sflag:s7] =	ssyncadd.s32 $0xFFFFF800  }
0x1dd: {  	_ =	swait.ge [sflag:s7], $0x800  }
0x1de: {  	[sflag:s7] =	ssyncset.done $0x0  }
0x1df: {  	[sflag:s7] =	ssyncadd.s32 $0xFFFFF800  }
0x1e0: {  	_ =	swait.ge [sflag:s7], $0x800  }
0x1e1: {  	[sflag:s7] =	ssyncset.done $0x0  }
0x1e2: {  	[sflag:s7] =	ssyncadd.s32 $0xFFFFF800  }
0x1e3: {  	_ =	swait.ge [sflag:s7], $0x800  }
0x1e4: {  	[sflag:s7] =	ssyncset.done $0x0  }
0x1e5: {  	[sflag:s7] =	ssyncadd.s32 $0xFFFFF800  }
0x1e6: {  	_ =	swait.ge [sflag:s7], $0x800  }
0x1e7: {  	[sflag:s7] =	ssyncset.done $0x0  }
0x1e8: {  	[sflag:s7] =	ssyncadd.s32 $0xFFFFF800  }
0x1e9: {  	_ =	swait.ge [sflag:s7], $0x800  }
0x1ea: {  	[sflag:s7] =	ssyncset.done $0x0  }
0x1eb: {  	p0 =	sne.s32 s1, $0x1;
	[sflag:s7] =	ssyncadd.s32 $0xFFFFF800  }
.Ltmp1:
0x1ec: {  	_ =	swait.ge [sflag:s7], $0x800;
	(pc) =	sbr.rel @p0 .LBB2_1-.Ltmp1, $4  }
0x1ed: {  	[sflag:s7] =	ssyncset.done $0x0  }
0x1ee: {  	[sflag:s7] =	ssyncadd.s32 $0xFFFFF800  }
0x1ef: {  	_ =	swait.ge [sflag:s7], $0x800  }
0x1f0: {  	s1 =	sadd.s32 $0xFFFFFFFF, s1;
	[sflag:s7] =	ssyncset.done $0x0  }
.LBB2_2:
0x1f1: {  	[sflag:s7] =	ssyncadd.s32 $0xFFFFF800  }
0x1f2: {  	_ =	swait.ge [sflag:s7], $0x800  }
0x1f3: {  	[sflag:s7] =	ssyncset.done $0x0  }
0x1f4: {  	[sflag:s7] =	ssyncadd.s32 $0xFFFFF800  }
0x1f5: {  	_ =	swait.ge [sflag:s7], $0x800  }
0x1f6: {  	[sflag:s7] =	ssyncset.done $0x0  }
0x1f7: {  	[sflag:s7] =	ssyncadd.s32 $0xFFFFF800  }
0x1f8: {  	_ =	swait.ge [sflag:s7], $0x800  }
0x1f9: {  	[sflag:s7] =	ssyncset.done $0x0  }
0x1fa: {  	[sflag:s7] =	ssyncadd.s32 $0xFFFFF800  }
0x1fb: {  	_ =	swait.ge [sflag:s7], $0x800  }
0x1fc: {  	[sflag:s7] =	ssyncset.done $0x0  }
0x1fd: {  	[sflag:s7] =	ssyncadd.s32 $0xFFFFF800  }
0x1fe: {  	_ =	swait.ge [sflag:s7], $0x800  }
0x1ff: {  	[sflag:s7] =	ssyncset.done $0x0  }
0x200: {  	[sflag:s7] =	ssyncadd.s32 $0xFFFFF800  }
0x201: {  	_ =	swait.ge [sflag:s7], $0x800  }
0x202: {  	[sflag:s7] =	ssyncset.done $0x0  }
0x203: {  	[sflag:s7] =	ssyncadd.s32 $0xFFFFF800  }
0x204: {  	_ =	swait.ge [sflag:s7], $0x800  }
0x205: {  	[sflag:s7] =	ssyncset.done $0x0  }
0x206: {  	s0 =	rddreg [dreg:$0x3];
	[sflag:s7] =	ssyncadd.s32 $0xFFFFF800  }
0x207: {  	[hbm4b:s0+s2] =	stream.linear.scatter [tilespmem:s4], [sflag:$0x2], $0x14000, $0x38;
	[tilespmem:$0x15400] =	vst v63  }
0x208: {  	_ =	swait.ge [sflag:s3], $0x14000  }
0x209: {  	[sflag:s3] =	ssyncset.done $0x0  }
0x20a: {  	[sflag:s3] =	ssyncadd.s32 $0xFFFEC000  }
0x20b: {  	_ =	sfence.sel $0x180000  }
0x20c: {  	[bflag:$0x0] =	sbarrier.arrive $0xFFFF  }
0x20d: {  	_ =	strace $0x90000047  }
0x20e: {  	s31 =	stileid.u32;
	[bflag:$0x2] =	sbarrier.arrive $0xFFFF  }
0x20f: {  	p0 =	sne.s32 s31, $0x0;
	s0 =	rddreg [dreg:$0x1]  }
0x210: {  	s0 =	sadd.s32 @!p0 $0x100000, s0  }
0x211: {  	[sflag:s0] =	ssyncadd.tile.s32 @!p0 $0x1;
	_ =	shalt  }
.Lfunc_end2:
_tile_overlayer_lowered:
.L_overlay_start_2:
0x212: {  	(tag) =	ssettag $0x2  }
0x213: {  	s0 =	rddreg [dreg:$0x0];
	s2 =	stileid.u32  }
0x214: {  	s1 =	rddreg [dreg:$0x1];
	p0 =	sne.s32 s2, $0x0  }
0x215: {  	s3 =	rddreg [dreg:$0x2];
	[bflag:$0x3] =	sbarrier.arrive $0xFFFF;
	s2 =	simm.s32 @!p0 $0x1C02  }
0x216: {  	[timem:s3], [sflag:s2] =	dma.local @!p0 [hbm:s0], s1  }
0x217: {  	s0 =	simm.s32 @!p0 $0x2  }
0x218: {  	_ =	swait.ge @!p0 [sflag:s0], s1  }
0x219: {  	s1 =	ssub.s32 @!p0 $0x0, s1;
	[sflag:s0] =	ssyncset.done @!p0 $0x0  }
0x21a: {  	[sflag:s0] =	ssyncadd.s32 @!p0 s1  }
0x21b: {  	[bflag:$0x3] =	sbarrier.arrive $0xFFFF  }
0x21c: {  	_ =	shalt  }

// kernel: kernel.13.cloned.1.call-start
scs
__scs_entry_jumppad:
0x0: {  	(pc) =	sbr.rel $0x88, $3  }
0x1: {  	(tag) =	ssettag $0x0;
	lr =	simm.s32 $0x1  }
0x2: {  	[smem:$0x3F8D] =	sst lr;
	_ =	strace $0xD0000000  }
0x3: {  	_ = 	snop  }
0x4: {  	_ = 	snop  }
0x5: {  	_ = 	snop  }
0x6: {  	_ = 	snop  }
0x7: {  	_ = 	snop  }
__scs_overlays_trampoline_lowered:
0x8: {  	[smem:$0x3F9C] =	sst s0  }
0x9: {  	[smem:$0x3F9D] =	sst s1  }
0xa: {  	[smem:$0x3F9E] =	sst s2  }
0xb: {  	[smem:$0x3F9F] =	sst s3  }
0xc: {  	[smem:$0x3FA0] =	sst s4  }
0xd: {  	[smem:$0x3FA1] =	sst s5  }
0xe: {  	[smem:$0x3FA2] =	sst s6  }
0xf: {  	[smem:$0x3FA3] =	sst s7  }
0x10: {  	[smem:$0x3FA4] =	sst s8  }
0x11: {  	[smem:$0x3FA5] =	sst s9;
	s0 =	simm.s32 @!p0 $0x0  }
0x12: {  	s1 =	sld [smem:$0x3F8B];
	s0 =	simm.s32 @p0 $0x1  }
0x13: {  	[smem:$0x3FA6] =	sst s0;
	s0 =	simm.s32 @!p1 $0x0  }
0x14: {  	s2 =	sld [smem:$0x3F8A];
	s0 =	simm.s32 @p1 $0x1  }
0x15: {  	[smem:$0x3FA7] =	sst s0;
	s0 =	simm.s32 @!p2 $0x0  }
0x16: {  	s3 =	sld [smem:$0x3FDB];
	s0 =	simm.s32 @p2 $0x1  }
0x17: {  	s4 =	simm.s32 $0x1BF5;
	[smem:$0x3FA9] =	sst s0  }
0x18: {  	s0 =	sld [smem:$0x3F8C];
	_ =	swait.ge [sflag:s4], $0x0  }
0x19: {  	s7 =	sld [smem:$0x3F8D]  }
0x1a: {  	s8 =	sadd.s32 $0xFFFFE003, lr  }
0x1b: {  	s9 =	sadd.s32 $0xFFFFFEF7, lr;
	s5 =	simm.s32 $0xFFFFFFFF;
	p2 =	slt.u32 s8, $0xFFFFF086  }
0x1c: {  	p1 =	slt.u32 s9, $0xF7A;
	s5 =	simm.s32 @!p2 $0x0  }
0x1d: {  	s5 =	simm.s32 @p1 $0x1;
	p0 =	seq.s32 s7, s2  }
0x1e: {  	s7 =	smul.u32 @!p0 $0xF7A, s2;
	p2 =	seq.s32 @!p0 s5, $0x0  }
0x1f: {  	s9 =	smul.u32 $0xF7A, s1;
	s8 =	simm.s32 @!p0 $0x1BF5;
	p2 =	por !p2, p0  }
0x20: {  	[sflag:s8] =	ssyncset.s32 @!p0 $0xFFFFF086;
	s6 =	sadd.s32 @!p0 s3, s7;
	s7 =	simm.s32 @!p0 $0x108  }
0x21: {  	s3 =	sadd.s32 s3, s9;
	s6 =	sadd.s32 @!p0 $0x88, s6;
	s7 =	simm.s32 @p2 $0x1082  }
0x22: {  	[simem:s7], [sflag:s8] =	dma.local @!p0 [hbm:s6], $0xF7A  }
0x23: {  	s9 =	sor.u32 $0xD0000000, s2;
	s6 =	simm.s32 $0x108;
	_ =	swait.ge @!p0 [sflag:s8], $0x0  }
0x24: {  	s3 =	sadd.s32 $0x88, s3;
	s6 =	simm.s32 @!p1 $0x1082;
	[sflag:s4] =	ssyncset.s32 $0xFFFFF086  }
0x25: {  	[simem:s6], [sflag:s4] =	dma.local [hbm:s3], $0xF7A  }
0x26: {  	[smem:$0x3F8D] =	sst s1;
	(tag) =	ssettag s2;
	_ =	strace s9  }
0x27: {  	s1 =	sld [smem:$0x3F9D]  }
0x28: {  	s2 =	sld [smem:$0x3F9E]  }
0x29: {  	s4 =	sld [smem:$0x3FA0]  }
0x2a: {  	p0 =	seq.s32 s5, $0x0;
	s5 =	sld [smem:$0x3FA1]  }
0x2b: {  	s6 =	sld [smem:$0x3FA2]  }
0x2c: {  	s7 =	sld [smem:$0x3FA3]  }
0x2d: {  	s3 =	simm.s32 $0x108;
	s8 =	sld [smem:$0x3FA4]  }
0x2e: {  	s3 =	simm.s32 @!p0 $0x1082;
	s9 =	sld [smem:$0x3FA5]  }
0x2f: {  	lr =	sadd.s32 s0, s3;
	s0 =	sld [smem:$0x3F9C]  }
0x30: {  	s3 =	sld [smem:$0x3F9F]  }
0x31: {  	[smem:$0x3FA8] =	sst s10  }
0x32: {  	s10 =	sld [smem:$0x3FA6];
	_ =	sdelay $0x3  }
0x33: {  	p0 =	seq.s32 s10, $0x1;
	s10 =	sld [smem:$0x3FA8];
	_ =	sdelay $0x3  }
0x34: {  	[smem:$0x3FA8] =	sst s10  }
0x35: {  	s10 =	sld [smem:$0x3FA7];
	_ =	sdelay $0x3  }
0x36: {  	p1 =	seq.s32 s10, $0x1;
	s10 =	sld [smem:$0x3FA8];
	_ =	sdelay $0x3  }
0x37: {  	[smem:$0x3FA8] =	sst s10  }
0x38: {  	s10 =	sld [smem:$0x3FA9]  }
0x39: {  	_ = 	snop;
	(pc) =	sbr.ind lr, $3  }
0x3a: {  	_ = 	snop  }
0x3b: {  	_ = 	snop  }
0x3c: {  	p2 =	seq.s32 s10, $0x1;
	s10 =	sld [smem:$0x3FA8]  }
0x3d: {  	_ =	shalt  }
0x3e: {  	_ =	shalt  }
0x3f: {  	_ =	shalt  }
0x40: {  	_ =	shalt  }
0x41: {  	_ =	shalt  }
0x42: {  	_ =	shalt  }
0x43: {  	_ =	shalt  }
0x44: {  	_ =	shalt  }
0x45: {  	_ =	shalt  }
0x46: {  	_ =	shalt  }
0x47: {  	_ =	shalt  }
0x48: {  	_ =	shalt  }
0x49: {  	_ =	shalt  }
0x4a: {  	_ =	shalt  }
0x4b: {  	_ =	shalt  }
0x4c: {  	_ =	shalt  }
0x4d: {  	_ =	shalt  }
0x4e: {  	_ =	shalt  }
0x4f: {  	_ =	shalt  }
0x50: {  	_ =	shalt  }
0x51: {  	_ =	shalt  }
0x52: {  	_ =	shalt  }
0x53: {  	_ =	shalt  }
0x54: {  	_ =	shalt  }
0x55: {  	_ =	shalt  }
0x56: {  	_ =	shalt  }
0x57: {  	_ =	shalt  }
0x58: {  	_ =	shalt  }
0x59: {  	_ =	shalt  }
0x5a: {  	_ =	shalt  }
0x5b: {  	_ =	shalt  }
0x5c: {  	_ =	shalt  }
0x5d: {  	_ =	shalt  }
0x5e: {  	_ =	shalt  }
0x5f: {  	_ =	shalt  }
0x60: {  	_ =	shalt  }
0x61: {  	_ =	shalt  }
0x62: {  	_ =	shalt  }
0x63: {  	_ =	shalt  }
0x64: {  	_ =	shalt  }
0x65: {  	_ =	shalt  }
0x66: {  	_ =	shalt  }
0x67: {  	_ =	shalt  }
0x68: {  	_ =	shalt  }
0x69: {  	_ =	shalt  }
0x6a: {  	_ =	shalt  }
0x6b: {  	_ =	shalt  }
0x6c: {  	_ =	shalt  }
0x6d: {  	_ =	shalt  }
0x6e: {  	_ =	shalt  }
0x6f: {  	_ =	shalt  }
0x70: {  	_ =	shalt  }
0x71: {  	_ =	shalt  }
0x72: {  	_ =	shalt  }
0x73: {  	_ =	shalt  }
0x74: {  	_ =	shalt  }
0x75: {  	_ =	shalt  }
0x76: {  	_ =	shalt  }
0x77: {  	_ =	shalt  }
0x78: {  	_ =	shalt  }
0x79: {  	_ =	shalt  }
0x7a: {  	_ =	shalt  }
0x7b: {  	_ =	shalt  }
0x7c: {  	_ =	shalt  }
0x7d: {  	_ =	shalt  }
0x7e: {  	_ =	shalt  }
0x7f: {  	_ =	shalt  }
0x80: {  	_ =	shalt  }
0x81: {  	_ =	shalt  }
0x82: {  	_ =	shalt  }
0x83: {  	_ =	shalt  }
0x84: {  	_ =	shalt  }
0x85: {  	_ =	shalt  }
0x86: {  	_ =	shalt  }
0x87: {  	_ =	shalt  }
.Lfunc_end0:
.L_simem_size_0:
called_computation.1_lowered:
.L_overlay_start_0:
0x88: {  	s2 =	sld [smem:$0x3FD9]  }
0x89: {  	s3 =	sld [smem:$0x3FFE];
	_ =	sdelay $0x1  }
0x8a: {  	s1 =	srdreg.scid  }
0x8b: {  	s0 =	sand.u32 $0x1, s1  }
0x8c: {  	s17 =	sshll.u32 s0, $0xA;
	s2 =	sadd.s32 s3, s2  }
0x8d: {  	s2 =	sadd.s32 s2, s17  }
0x8e: {  	[smem:$0x3FB4] =	sst s2  }
0x8f: {  	_ = 	snop  }
0x90: {  	s2 =	sld [smem:$0x3FD0];
	(tm) =	ssettm $0x1  }
0x91: {  	s18 =	sld [smem:$0x3FFB];
	_ =	sdelay $0x3  }
0x92: {  	_ =	strace s18  }
0x93: {  	s3 =	sld [smem:$0x3FFC];
	_ =	sdelay $0x3  }
0x94: {  	_ =	strace s3  }
0x95: {  	s3 =	sld [smem:$0x3FFD];
	_ =	sdelay $0x3  }
0x96: {  	_ =	strace s3  }
0x97: {  	_ =	strace $0x8FFFFFFF  }
0x98: {  	s19 =	sld [smem:$0x3FDB];
	_ =	sdelay $0x1  }
0x99: {  	s4 =	simm.s32 $_scs_section_size  }
0x9a: {  	s5 =	simm.s32 $_size__tile_overlayer_lowered;
	s6 =	simm.s32 $_tile_overlayer_lowered  }
0x9b: {  	s22 =	simm.s32 $0x1BFF;
	s21 =	sshll.u32 s6, $0x1;
	s3 =	sadd.s32 s4, s19  }
0x9c: {  	s7 =	simm.s32 $0x0;
	s20 =	sshll.u32 s5, $0x1;
	s5 =	sadd.s32 s21, s3  }
0x9d: {  	[timem:s7], [sflag:s22] =	dma.local [hbm:s5], s20  }
0x9e: {  	_ =	swait.ge [sflag:s22], s20  }
0x9f: {  	s4 =	ssub.s32 $0x0, s20;
	[sflag:s22] =	ssyncset.done $0x0  }
0xa0: {  	[sflag:s22] =	ssyncadd.s32 s4;
	_ =	sdelay $0x1  }
0xa1: {  	s23 =	simm.s32 $0x1B8B  }
0xa2: {  	_ =	swait.ge [sflag:s23], $0x1  }
0xa3: {  	[sflag:s23] =	ssyncset.done $0x0  }
0xa4: {  	s25 =	simm.s32 $0x1B8E;
	s24 =	sld [smem:$0x3FFE];
	[sflag:s23] =	ssyncadd.s32 $0xFFFFFFFF  }
0xa5: {  	s26 =	simm.s32 $execute0_lowered;
	[smem:$0x3FD2] =	sst s25  }
0xa6: {  	s5 =	sshll.u32 s26, $0x1;
	_ =	strace $0x80000049;
	[dreg:$0x1] =	wrdreg $0xFFFFFFFF  }
0xa7: {  	s28 =	simm.s32 $_size_execute0_lowered;
	s3 =	sadd.s32 s3, s5;
	[dreg:$0x0] =	wrdreg $0x0  }
0xa8: {  	s5 =	sshll.u32 s28, $0x1;
	[dreg:$0x2] =	wrdreg s3  }
0xa9: {  	[dreg:$0x3] =	wrdreg s5  }
0xaa: {  	[dreg:$0x4] =	wrdreg $0xC0  }
0xab: {  	_ =	task [dreg:s7], $0x5FFFF  }
0xac: {  	[dreg:$0x1] =	wrdreg $0xFFFFFFFF  }
0xad: {  	[dreg:$0x0] =	wrdreg $0x60  }
0xae: {  	[dreg:$0x2] =	wrdreg s24  }
0xaf: {  	[dreg:$0x3] =	wrdreg s2  }
0xb0: {  	[dreg:$0x4] =	wrdreg $0x15C000  }
0xb1: {  	[dreg:$0x5] =	wrdreg $0x184000  }
0xb2: {  	[dreg:$0x6] =	wrdreg $0x9  }
0xb3: {  	_ =	task.clear_ibuf [dreg:s7], $0x7FFFF;
	_ =	strace $0x90000049  }
0xb4: {  	s29 =	simm.s32 $0x9;
	_ =	strace $0x8000004B  }
0xb5: {  	_ =	swait.ge [sflag:s29], $0x1  }
0xb6: {  	[sflag:s29] =	ssyncadd.s32 $0xFFFFFFFF  }
0xb7: {  	_ =	strace $0x9000004B  }
0xb8: {  	_ =	sfence  }
0xb9: {  	s30 =	sld [smem:$0x0];
	_ =	sdelay $0x2  }
0xba: {  	s31 =	sshll.u32 s1, $0xD;
	s1 =	sshrl.u32 s1, $0x2  }
0xbb: {  	s3 =	sand.u32 $0x4000, s31;
	s1 =	sadd.s32 s1, s30  }
0xbc: {  	s0 =	sor.u32 s3, s0;
	s1 =	sshll.u32 s1, $0x11  }
0xbd: {  	s0 =	sor.u32 s1, s0  }
0xbe: {  	s0 =	sadd.s32 $0x8F2B, s0  }
0xbf: {  	[sflag:s0] =	ssyncadd.remote.s32 $0x1  }
0xc0: {  	_ =	sfence.sel $0xFFFF  }
0xc1: {  	[dreg:$0x0] =	wrdreg $0xFFFFFFFF;
	(pc) =	sbr.abs _section_cstart, $3  }
0xc2: {  	[dreg:$0x1] =	wrdreg $0xFFFFFFFF  }
0xc3: {  	_ =	task.clear_ibuf [dreg:s7], $0x2FFFF;
	_ =	strace $0x9FFFFFFF  }
0xc4: {  	(tm) =	ssettm $0x7FFFFFFF  }
0xc5: {  	_ =	shalt  }
tec
execute0_lowered:
.L_overlay_start_1:
0x0: {  	(tag) =	ssettag $0x1  }
0x1: {  	s6 =	rddreg [dreg:$0x0]  }
0x2: {  	s1 =	srdreg.scid;
	s2 =	rddreg [dreg:$0x1]  }
0x3: {  	s0 =	stileid.u32;
	s3 =	rddreg [dreg:$0x2]  }
0x4: {  	s4 =	rddreg [dreg:$0x3];
	s5 =	simm.s32 $0x0;
	s17 =	simm.s32 $0x80  }
0x5: {  	s7 =	sand.u32 $0x1, s1;
	s25 =	sshll.u32 s0, $0x1;
	s10 =	smul.u32 $0x2800, s0  }
0x6: {  	s18 =	simm.s32 $0x1;
	s1 =	sor.u32 s7, s25;
	s11 =	smul.u32 $0x28000, s7  }
0x7: {  	s19 =	simm.s32 $0x0;
	[smem:$0x7FF] =	sst s5;
	s8 =	smul.u32 $0x2800, s1  }
0x8: {  	s31 =	sshll.u32 s0, $0x6;
	s7 =	ssub.s32 $0x2, s7;
	s9 =	smul.u32 $0x280, s1  }
0x9: {  	s1 =	rddreg [dreg:$0x4];
	_ =	strace $0x8000004A;
	s29 =	sshrl.u32 s10, $0x3  }
0xa: {  	s30 =	sshrl.u32 s7, $0x1;
	s15 =	sadd.s32 s10, s3;
	s16 =	sadd.s32 s10, s4  }
0xb: {  	s28 =	sadd.s32 s10, s11;
	s11 =	sadd.s32 s29, s6;
	s14 =	ssub.s32 s7, s30  }
0xc: {  	s7 =	sor.u32 $0x1C02, s31;
	s26 =	sadd.s32 s9, s6;
	s9 =	sshrl.u32 s28, $0x3  }
0xd: {  	s12 =	sadd.s32 s8, s6;
	s13 =	sadd.s32 s9, s6;
	s6 =	sadd.s32 $0x62800, s11  }
0xe: {  	s8 =	sadd.s32 $0x5D800, s26;
	s9 =	sadd.s32 $0xD800, s12;
	s12 =	smax.u32 s14, $0x1  }
0xf: {  	s14 =	simm.s32 $0x2;
	s10 =	sadd.s32 $0x71800, s13;
	s11 =	sadd.s32 $0x67800, s13  }
0x10: {  	s13 =	sshrl.u32 s15, $0x3;
	s15 =	sshrl.u32 s16, $0x3;
	s16 =	simm.s32 $0x15400  }
.LBB2_1:
0x11: {  	[spmem:s13], [sflag:s7] =	dma.local [hbm:s6], $0x500  }
0x12: {  	_ =	swait.ge [sflag:s14], $0x500  }
0x13: {  	[sflag:s14] =	ssyncset.done $0x0  }
0x14: {  	[sflag:s14] =	ssyncadd.s32 $0xFFFFFB00  }
0x15: {  	[spmem:s15], [sflag:s7] =	dma.local [hbm:s6], $0x500  }
0x16: {  	_ =	swait.ge [sflag:s14], $0x500  }
0x17: {  	[sflag:s14] =	ssyncset.done $0x0  }
0x18: {  	[sflag:s14] =	ssyncadd.s32 $0xFFFFFB00  }
0x19: {  	[tilespmem:s16], [sflag:$0x2] =	stream.linear.gather [hbm4b:s2+s5], $0x800, $0x38;
	[tilespmem:$0x1AC00] =	vst v63  }
0x1a: {  	_ =	swait.ge [sflag:s14], $0x800  }
0x1b: {  	[sflag:s14] =	ssyncset.done $0x0  }
0x1c: {  	[sflag:s14] =	ssyncadd.s32 $0xFFFFF800  }
0x1d: {  	[tilespmem:s5], [sflag:$0x2] =	stream.linear.gather [hbm4b:s8+s5], $0x1400, $0x38;
	[tilespmem:$0x1AC00] =	vst v63  }
0x1e: {  	_ =	swait.ge [sflag:s14], $0x1400  }
0x1f: {  	[sflag:s14] =	ssyncset.done $0x0  }
0x20: {  	s20 =	simm.s32 $0x1400;
	[sflag:s14] =	ssyncadd.s32 $0xFFFFEC00  }
0x21: {  	[tilespmem:s20], [sflag:$0x2] =	stream.linear.gather [hbm4b:s9+s5], $0x14000, $0x38;
	[tilespmem:$0x1AC00] =	vst v63  }
0x22: {  	_ =	swait.ge [sflag:s14], $0x14000  }
0x23: {  	[sflag:s14] =	ssyncset.done $0x0  }
0x24: {  	[sflag:s14] =	ssyncadd.s32 $0xFFFEC000  }
0x25: {  	s21 =	simm.s32 $0x0;
	[bflag:$0x0] =	sbarrier.arrive $0xFFFF  }
0x26: {  	[spmem:s3] =	stream.indirect.scatter.add.f32 [tilespmem:s20], [sflag:$0x1], $0x10, s21, s17, $0xb8;
	[tilespmem:$0x1AC00] =	vst v63  }
0x27: {  	_ = 	snop  }
0x28: {  	[spmem:s4] =	stream.indirect.scatter.add.f32 [tilespmem:s16], [sflag:$0x1], $0x10, s21, s17, $0xb8;
	[tilespmem:$0x1AC00] =	vst v63  }
0x29: {  	_ =	swait.ge [sflag:s18], $0x800  }
0x2a: {  	[sflag:s18] =	ssyncset.done $0x0  }
0x2b: {  	[sflag:s18] =	ssyncadd.s32 $0xFFFFF800  }
0x2c: {  	s22 =	simm.s32 $0x400;
	_ =	swait.ge [sflag:s18], $0x800  }
0x2d: {  	s20 =	simm.s32 $0x200;
	s21 =	simm.s32 $0x1C00;
	[sflag:s18] =	ssyncset.done $0x0  }
.LBB2_2:
0x2e: {  	s23 =	sshra.s32 s20, $0x2  }
0x2f: {  	[sflag:s18] =	ssyncadd.s32 $0xFFFFF800;
	s20 =	smov.u32 s22;
	s24 =	sadd.s32 $0x200, s22  }
0x30: {  	[spmem:s3] =	stream.indirect.scatter.add.f32 [tilespmem:s21], [sflag:$0x1], $0x10, s23, s17, $0xb8;
	[tilespmem:$0x1AC00] =	vst v63  }
0x31: {  	p0 =	sne.s32 s22, $0x4E00  }
0x32: {  	[spmem:s4] =	stream.indirect.scatter.add.f32 [tilespmem:s16], [sflag:$0x1], $0x10, s23, s17, $0xb8;
	[tilespmem:$0x1AC00] =	vst v63  }
.Ltmp0:
0x33: {  	_ =	swait.ge [sflag:s18], $0x800;
	(pc) =	sbr.rel @p0 .LBB2_2-.Ltmp0, $4  }
0x34: {  	[sflag:s18] =	ssyncset.done $0x0  }
0x35: {  	[sflag:s18] =	ssyncadd.s32 $0xFFFFF800  }
0x36: {  	_ =	swait.ge [sflag:s18], $0x800  }
0x37: {  	s21 =	sadd.s32 $0x800, s21;
	s22 =	smov.u32 s24;
	[sflag:s18] =	ssyncset.done $0x0  }
0x38: {  	s20 =	sshra.s32 s20, $0x2;
	[sflag:s18] =	ssyncadd.s32 $0xFFFFF800  }
0x39: {  	[spmem:s3] =	stream.indirect.scatter.add.f32 [tilespmem:s21], [sflag:$0x1], $0x10, s20, s17, $0xb8;
	[tilespmem:$0x1AC00] =	vst v63  }
0x3a: {  	_ = 	snop  }
0x3b: {  	[spmem:s4] =	stream.indirect.scatter.add.f32 [tilespmem:s16], [sflag:$0x1], $0x10, s20, s17, $0xb8;
	[tilespmem:$0x1AC00] =	vst v63  }
0x3c: {  	_ =	swait.ge [sflag:s18], $0x800  }
0x3d: {  	[sflag:s18] =	ssyncset.done $0x0  }
0x3e: {  	[sflag:s18] =	ssyncadd.s32 $0xFFFFF800  }
0x3f: {  	_ =	swait.ge [sflag:s18], $0x800  }
0x40: {  	[sflag:s18] =	ssyncset.done $0x0  }
0x41: {  	[sflag:s18] =	ssyncadd.s32 $0xFFFFF800  }
0x42: {  	[bflag:$0x0] =	sbarrier.arrive $0xFFFF  }
0x43: {  	[hbm:s10], [sflag:s7] =	dma.local [spmem:s13], $0x500  }
0x44: {  	s19 =	sadd.s32 $0x1, s19;
	_ =	swait.ge [sflag:s14], $0x500  }
0x45: {  	p0 =	sne.s32 s19, s12;
	[sflag:s14] =	ssyncset.done $0x0  }
.Ltmp1:
0x46: {  	[sflag:s14] =	ssyncadd.s32 $0xFFFFFB00;
	(pc) =	sbr.rel @p0 .LBB2_1-.Ltmp1, $4  }
0x47: {  	[hbm:s11], [sflag:s7] =	dma.local [spmem:s15], $0x500  }
0x48: {  	_ =	swait.ge [sflag:s14], $0x500  }
0x49: {  	[sflag:s14] =	ssyncset.done $0x0  }
0x4a: {  	[sflag:s14] =	ssyncadd.s32 $0xFFFFFB00  }
0x4b: {  	_ =	sfence.sel $0x180000  }
0x4c: {  	[bflag:$0x0] =	sbarrier.arrive $0xFFFF  }
0x4d: {  	p0 =	sne.s32 s0, $0x0;
	_ =	strace $0x9000004A  }
0x4e: {  	s0 =	sadd.s32 @!p0 $0x100000, s1;
	[bflag:$0x2] =	sbarrier.arrive $0xFFFF  }
0x4f: {  	[sflag:s0] =	ssyncadd.tile.s32 @!p0 $0x1;
	_ =	shalt  }
.Lfunc_end2:
_tile_overlayer_lowered:
.L_overlay_start_2:
0x50: {  	(tag) =	ssettag $0x2  }
0x51: {  	s0 =	rddreg [dreg:$0x0];
	s2 =	stileid.u32  }
0x52: {  	s1 =	rddreg [dreg:$0x1];
	p0 =	sne.s32 s2, $0x0  }
0x53: {  	s3 =	rddreg [dreg:$0x2];
	[bflag:$0x3] =	sbarrier.arrive $0xFFFF;
	s2 =	simm.s32 @!p0 $0x1C02  }
0x54: {  	[timem:s3], [sflag:s2] =	dma.local @!p0 [hbm:s0], s1  }
0x55: {  	s0 =	simm.s32 @!p0 $0x2  }
0x56: {  	_ =	swait.ge @!p0 [sflag:s0], s1  }
0x57: {  	s1 =	ssub.s32 @!p0 $0x0, s1;
	[sflag:s0] =	ssyncset.done @!p0 $0x0  }
0x58: {  	[sflag:s0] =	ssyncadd.s32 @!p0 s1  }
0x59: {  	[bflag:$0x3] =	sbarrier.arrive $0xFFFF  }
0x5a: {  	_ =	shalt  }

// kernel: kernel.16.cloned.1.call-start
scs
__scs_entry_jumppad:
0x0: {  	(pc) =	sbr.rel $0x88, $3  }
0x1: {  	(tag) =	ssettag $0x0;
	lr =	simm.s32 $0x1  }
0x2: {  	[smem:$0x3F8D] =	sst lr;
	_ =	strace $0xD0000000  }
0x3: {  	_ = 	snop  }
0x4: {  	_ = 	snop  }
0x5: {  	_ = 	snop  }
0x6: {  	_ = 	snop  }
0x7: {  	_ = 	snop  }
__scs_overlays_trampoline_lowered:
0x8: {  	[smem:$0x3F9C] =	sst s0  }
0x9: {  	[smem:$0x3F9D] =	sst s1  }
0xa: {  	[smem:$0x3F9E] =	sst s2  }
0xb: {  	[smem:$0x3F9F] =	sst s3  }
0xc: {  	[smem:$0x3FA0] =	sst s4  }
0xd: {  	[smem:$0x3FA1] =	sst s5  }
0xe: {  	[smem:$0x3FA2] =	sst s6  }
0xf: {  	[smem:$0x3FA3] =	sst s7  }
0x10: {  	[smem:$0x3FA4] =	sst s8  }
0x11: {  	[smem:$0x3FA5] =	sst s9;
	s0 =	simm.s32 @!p0 $0x0  }
0x12: {  	s1 =	sld [smem:$0x3F8B];
	s0 =	simm.s32 @p0 $0x1  }
0x13: {  	[smem:$0x3FA6] =	sst s0;
	s0 =	simm.s32 @!p1 $0x0  }
0x14: {  	s2 =	sld [smem:$0x3F8A];
	s0 =	simm.s32 @p1 $0x1  }
0x15: {  	[smem:$0x3FA7] =	sst s0;
	s0 =	simm.s32 @!p2 $0x0  }
0x16: {  	s3 =	sld [smem:$0x3FDB];
	s0 =	simm.s32 @p2 $0x1  }
0x17: {  	s4 =	simm.s32 $0x1BF5;
	[smem:$0x3FA9] =	sst s0  }
0x18: {  	s0 =	sld [smem:$0x3F8C];
	_ =	swait.ge [sflag:s4], $0x0  }
0x19: {  	s7 =	sld [smem:$0x3F8D]  }
0x1a: {  	s8 =	sadd.s32 $0xFFFFE003, lr  }
0x1b: {  	s9 =	sadd.s32 $0xFFFFFEF7, lr;
	s5 =	simm.s32 $0xFFFFFFFF;
	p2 =	slt.u32 s8, $0xFFFFF086  }
0x1c: {  	p1 =	slt.u32 s9, $0xF7A;
	s5 =	simm.s32 @!p2 $0x0  }
0x1d: {  	s5 =	simm.s32 @p1 $0x1;
	p0 =	seq.s32 s7, s2  }
0x1e: {  	s7 =	smul.u32 @!p0 $0xF7A, s2;
	p2 =	seq.s32 @!p0 s5, $0x0  }
0x1f: {  	s9 =	smul.u32 $0xF7A, s1;
	s8 =	simm.s32 @!p0 $0x1BF5;
	p2 =	por !p2, p0  }
0x20: {  	[sflag:s8] =	ssyncset.s32 @!p0 $0xFFFFF086;
	s6 =	sadd.s32 @!p0 s3, s7;
	s7 =	simm.s32 @!p0 $0x108  }
0x21: {  	s3 =	sadd.s32 s3, s9;
	s6 =	sadd.s32 @!p0 $0x88, s6;
	s7 =	simm.s32 @p2 $0x1082  }
0x22: {  	[simem:s7], [sflag:s8] =	dma.local @!p0 [hbm:s6], $0xF7A  }
0x23: {  	s9 =	sor.u32 $0xD0000000, s2;
	s6 =	simm.s32 $0x108;
	_ =	swait.ge @!p0 [sflag:s8], $0x0  }
0x24: {  	s3 =	sadd.s32 $0x88, s3;
	s6 =	simm.s32 @!p1 $0x1082;
	[sflag:s4] =	ssyncset.s32 $0xFFFFF086  }
0x25: {  	[simem:s6], [sflag:s4] =	dma.local [hbm:s3], $0xF7A  }
0x26: {  	[smem:$0x3F8D] =	sst s1;
	(tag) =	ssettag s2;
	_ =	strace s9  }
0x27: {  	s1 =	sld [smem:$0x3F9D]  }
0x28: {  	s2 =	sld [smem:$0x3F9E]  }
0x29: {  	s4 =	sld [smem:$0x3FA0]  }
0x2a: {  	p0 =	seq.s32 s5, $0x0;
	s5 =	sld [smem:$0x3FA1]  }
0x2b: {  	s6 =	sld [smem:$0x3FA2]  }
0x2c: {  	s7 =	sld [smem:$0x3FA3]  }
0x2d: {  	s3 =	simm.s32 $0x108;
	s8 =	sld [smem:$0x3FA4]  }
0x2e: {  	s3 =	simm.s32 @!p0 $0x1082;
	s9 =	sld [smem:$0x3FA5]  }
0x2f: {  	lr =	sadd.s32 s0, s3;
	s0 =	sld [smem:$0x3F9C]  }
0x30: {  	s3 =	sld [smem:$0x3F9F]  }
0x31: {  	[smem:$0x3FA8] =	sst s10  }
0x32: {  	s10 =	sld [smem:$0x3FA6];
	_ =	sdelay $0x3  }
0x33: {  	p0 =	seq.s32 s10, $0x1;
	s10 =	sld [smem:$0x3FA8];
	_ =	sdelay $0x3  }
0x34: {  	[smem:$0x3FA8] =	sst s10  }
0x35: {  	s10 =	sld [smem:$0x3FA7];
	_ =	sdelay $0x3  }
0x36: {  	p1 =	seq.s32 s10, $0x1;
	s10 =	sld [smem:$0x3FA8];
	_ =	sdelay $0x3  }
0x37: {  	[smem:$0x3FA8] =	sst s10  }
0x38: {  	s10 =	sld [smem:$0x3FA9]  }
0x39: {  	_ = 	snop;
	(pc) =	sbr.ind lr, $3  }
0x3a: {  	_ = 	snop  }
0x3b: {  	_ = 	snop  }
0x3c: {  	p2 =	seq.s32 s10, $0x1;
	s10 =	sld [smem:$0x3FA8]  }
0x3d: {  	_ =	shalt  }
0x3e: {  	_ =	shalt  }
0x3f: {  	_ =	shalt  }
0x40: {  	_ =	shalt  }
0x41: {  	_ =	shalt  }
0x42: {  	_ =	shalt  }
0x43: {  	_ =	shalt  }
0x44: {  	_ =	shalt  }
0x45: {  	_ =	shalt  }
0x46: {  	_ =	shalt  }
0x47: {  	_ =	shalt  }
0x48: {  	_ =	shalt  }
0x49: {  	_ =	shalt  }
0x4a: {  	_ =	shalt  }
0x4b: {  	_ =	shalt  }
0x4c: {  	_ =	shalt  }
0x4d: {  	_ =	shalt  }
0x4e: {  	_ =	shalt  }
0x4f: {  	_ =	shalt  }
0x50: {  	_ =	shalt  }
0x51: {  	_ =	shalt  }
0x52: {  	_ =	shalt  }
0x53: {  	_ =	shalt  }
0x54: {  	_ =	shalt  }
0x55: {  	_ =	shalt  }
0x56: {  	_ =	shalt  }
0x57: {  	_ =	shalt  }
0x58: {  	_ =	shalt  }
0x59: {  	_ =	shalt  }
0x5a: {  	_ =	shalt  }
0x5b: {  	_ =	shalt  }
0x5c: {  	_ =	shalt  }
0x5d: {  	_ =	shalt  }
0x5e: {  	_ =	shalt  }
0x5f: {  	_ =	shalt  }
0x60: {  	_ =	shalt  }
0x61: {  	_ =	shalt  }
0x62: {  	_ =	shalt  }
0x63: {  	_ =	shalt  }
0x64: {  	_ =	shalt  }
0x65: {  	_ =	shalt  }
0x66: {  	_ =	shalt  }
0x67: {  	_ =	shalt  }
0x68: {  	_ =	shalt  }
0x69: {  	_ =	shalt  }
0x6a: {  	_ =	shalt  }
0x6b: {  	_ =	shalt  }
0x6c: {  	_ =	shalt  }
0x6d: {  	_ =	shalt  }
0x6e: {  	_ =	shalt  }
0x6f: {  	_ =	shalt  }
0x70: {  	_ =	shalt  }
0x71: {  	_ =	shalt  }
0x72: {  	_ =	shalt  }
0x73: {  	_ =	shalt  }
0x74: {  	_ =	shalt  }
0x75: {  	_ =	shalt  }
0x76: {  	_ =	shalt  }
0x77: {  	_ =	shalt  }
0x78: {  	_ =	shalt  }
0x79: {  	_ =	shalt  }
0x7a: {  	_ =	shalt  }
0x7b: {  	_ =	shalt  }
0x7c: {  	_ =	shalt  }
0x7d: {  	_ =	shalt  }
0x7e: {  	_ =	shalt  }
0x7f: {  	_ =	shalt  }
0x80: {  	_ =	shalt  }
0x81: {  	_ =	shalt  }
0x82: {  	_ =	shalt  }
0x83: {  	_ =	shalt  }
0x84: {  	_ =	shalt  }
0x85: {  	_ =	shalt  }
0x86: {  	_ =	shalt  }
0x87: {  	_ =	shalt  }
.Lfunc_end0:
.L_simem_size_0:
called_computation.2_lowered:
.L_overlay_start_0:
0x88: {  	s2 =	sld [smem:$0x3FD9]  }
0x89: {  	s3 =	sld [smem:$0x3FFE];
	_ =	sdelay $0x1  }
0x8a: {  	s1 =	srdreg.scid  }
0x8b: {  	s0 =	sand.u32 $0x1, s1  }
0x8c: {  	s16 =	sshll.u32 s0, $0xA;
	s2 =	sadd.s32 s3, s2  }
0x8d: {  	s2 =	sadd.s32 s2, s16  }
0x8e: {  	[smem:$0x3FB4] =	sst s2  }
0x8f: {  	_ = 	snop  }
0x90: {  	(tm) =	ssettm $0x1  }
0x91: {  	s17 =	sld [smem:$0x3FFB];
	_ =	sdelay $0x3  }
0x92: {  	_ =	strace s17  }
0x93: {  	s2 =	sld [smem:$0x3FFC];
	_ =	sdelay $0x3  }
0x94: {  	_ =	strace s2  }
0x95: {  	s2 =	sld [smem:$0x3FFD];
	_ =	sdelay $0x3  }
0x96: {  	_ =	strace s2  }
0x97: {  	_ =	strace $0x8FFFFFFF  }
0x98: {  	s18 =	sld [smem:$0x3FDB];
	_ =	sdelay $0x1  }
0x99: {  	s19 =	simm.s32 $_scs_section_size  }
0x9a: {  	s4 =	simm.s32 $_size__tile_overlayer_lowered;
	s5 =	simm.s32 $_tile_overlayer_lowered  }
0x9b: {  	s22 =	simm.s32 $0x1BFF;
	s21 =	sshll.u32 s5, $0x1;
	s2 =	sadd.s32 s19, s18  }
0x9c: {  	s6 =	simm.s32 $0x0;
	s20 =	sshll.u32 s4, $0x1;
	s4 =	sadd.s32 s21, s2  }
0x9d: {  	[timem:s6], [sflag:s22] =	dma.local [hbm:s4], s20  }
0x9e: {  	_ =	swait.ge [sflag:s22], s20  }
0x9f: {  	s3 =	ssub.s32 $0x0, s20;
	[sflag:s22] =	ssyncset.done $0x0  }
0xa0: {  	[sflag:s22] =	ssyncadd.s32 s3;
	_ =	sdelay $0x1  }
0xa1: {  	s23 =	simm.s32 $0x1B8B  }
0xa2: {  	_ =	swait.ge [sflag:s23], $0x1  }
0xa3: {  	[sflag:s23] =	ssyncset.done $0x0  }
0xa4: {  	s25 =	simm.s32 $0x1B8E;
	s24 =	sld [smem:$0x3FFE];
	[sflag:s23] =	ssyncadd.s32 $0xFFFFFFFF  }
0xa5: {  	s26 =	simm.s32 $execute0_lowered;
	[smem:$0x3FD2] =	sst s25  }
0xa6: {  	s4 =	sshll.u32 s26, $0x1;
	_ =	strace $0x8000004C;
	[dreg:$0x1] =	wrdreg $0xFFFFFFFF  }
0xa7: {  	s28 =	simm.s32 $_size_execute0_lowered;
	s2 =	sadd.s32 s2, s4;
	[dreg:$0x0] =	wrdreg $0x0  }
0xa8: {  	s4 =	sshll.u32 s28, $0x1;
	[dreg:$0x2] =	wrdreg s2  }
0xa9: {  	[dreg:$0x3] =	wrdreg s4  }
0xaa: {  	[dreg:$0x4] =	wrdreg $0xC0  }
0xab: {  	_ =	task [dreg:s6], $0x5FFFF  }
0xac: {  	[dreg:$0x1] =	wrdreg $0xFFFFFFFF  }
0xad: {  	[dreg:$0x0] =	wrdreg $0x60  }
0xae: {  	[dreg:$0x2] =	wrdreg s24  }
0xaf: {  	[dreg:$0x3] =	wrdreg $0x9  }
0xb0: {  	_ =	task.clear_ibuf [dreg:s6], $0x4FFFF;
	_ =	strace $0x9000004C  }
0xb1: {  	s29 =	simm.s32 $0x9;
	_ =	strace $0x8000004E  }
0xb2: {  	_ =	swait.ge [sflag:s29], $0x1  }
0xb3: {  	[sflag:s29] =	ssyncadd.s32 $0xFFFFFFFF  }
0xb4: {  	_ =	strace $0x9000004E  }
0xb5: {  	_ =	sfence  }
0xb6: {  	s30 =	sld [smem:$0x0];
	_ =	sdelay $0x2  }
0xb7: {  	s31 =	sshll.u32 s1, $0xD;
	s1 =	sshrl.u32 s1, $0x2  }
0xb8: {  	s3 =	sand.u32 $0x4000, s31;
	s1 =	sadd.s32 s1, s30  }
0xb9: {  	s0 =	sor.u32 s3, s0;
	s1 =	sshll.u32 s1, $0x11  }
0xba: {  	s0 =	sor.u32 s1, s0  }
0xbb: {  	s0 =	sadd.s32 $0x8F2B, s0  }
0xbc: {  	[sflag:s0] =	ssyncadd.remote.s32 $0x1  }
0xbd: {  	_ =	sfence.sel $0xFFFF  }
0xbe: {  	[dreg:$0x0] =	wrdreg $0xFFFFFFFF;
	(pc) =	sbr.abs _section_cstart, $3  }
0xbf: {  	[dreg:$0x1] =	wrdreg $0xFFFFFFFF  }
0xc0: {  	_ =	task.clear_ibuf [dreg:s6], $0x2FFFF;
	_ =	strace $0x9FFFFFFF  }
0xc1: {  	(tm) =	ssettm $0x7FFFFFFF  }
tec
execute0_lowered:
.L_overlay_start_1:
0x0: {  	(tag) =	ssettag $0x1  }
0x1: {  	s2 =	stileid.u32  }
0x2: {  	s4 =	rddreg [dreg:$0x0];
	s15 =	sshll.u32 s2, $0x1;
	s2 =	simm.s32 $0x0  }
0x3: {  	s16 =	simm.s32 $0x1C00;
	[smem:$0x7FF] =	sst s2  }
0x4: {  	s17 =	simm.s32 $0x100;
	_ =	strace $0x8000004D;
	[dreg:$0x4] =	wrdreg s16  }
0x5: {  	s18 =	simm.s32 $0x2400;
	[dreg:$0x5] =	wrdreg s17  }
0x6: {  	s19 =	simm.s32 $0x180;
	[dreg:$0x6] =	wrdreg s18  }
0x7: {  	s20 =	simm.s32 $0x2C00;
	[dreg:$0x7] =	wrdreg s19  }
0x8: {  	s21 =	simm.s32 $0x200;
	[dreg:$0x8] =	wrdreg s20  }
0x9: {  	s22 =	simm.s32 $0x3400;
	[dreg:$0x9] =	wrdreg s21  }
0xa: {  	s23 =	simm.s32 $0x280;
	[dreg:$0xa] =	wrdreg s22  }
0xb: {  	s24 =	simm.s32 $0x3C00;
	[dreg:$0xb] =	wrdreg s23  }
0xc: {  	s25 =	simm.s32 $0x300;
	[dreg:$0xc] =	wrdreg s24  }
0xd: {  	s26 =	simm.s32 $0x4400;
	[dreg:$0xd] =	wrdreg s25  }
0xe: {  	s5 =	simm.s32 $0x4C00;
	[dreg:$0xe] =	wrdreg s26  }
0xf: {  	s6 =	simm.s32 $0x400;
	[dreg:$0x10] =	wrdreg s5  }
0x10: {  	s7 =	simm.s32 $0x5400;
	[dreg:$0x11] =	wrdreg s6  }
0x11: {  	s8 =	simm.s32 $0x480;
	[dreg:$0x12] =	wrdreg s7  }
0x12: {  	s9 =	simm.s32 $0x5C00;
	[dreg:$0x13] =	wrdreg s8  }
0x13: {  	s10 =	simm.s32 $0x500;
	[dreg:$0x14] =	wrdreg s9  }
0x14: {  	s11 =	simm.s32 $0x6400;
	[dreg:$0x15] =	wrdreg s10  }
0x15: {  	s12 =	simm.s32 $0x580;
	[dreg:$0x16] =	wrdreg s11  }
0x16: {  	s0 =	srdreg.scid;
	s13 =	simm.s32 $0x6C00;
	[dreg:$0x17] =	wrdreg s12  }
0x17: {  	s14 =	simm.s32 $0x600;
	s1 =	sand.u32 $0x1, s0;
	[dreg:$0x18] =	wrdreg s13  }
0x18: {  	s0 =	sor.u32 s1, s15;
	s15 =	simm.s32 $0x7400;
	[dreg:$0x19] =	wrdreg s14  }
0x19: {  	[dreg:$0x1a] =	wrdreg s15;
	s16 =	simm.s32 $0x680  }
0x1a: {  	s17 =	simm.s32 $0x7C00;
	[dreg:$0x1b] =	wrdreg s16  }
0x1b: {  	s18 =	simm.s32 $0x700;
	[dreg:$0x1c] =	wrdreg s17  }
0x1c: {  	s19 =	simm.s32 $0x8400;
	[dreg:$0x1d] =	wrdreg s18  }
0x1d: {  	s20 =	simm.s32 $0x780;
	[dreg:$0x1e] =	wrdreg s19  }
0x1e: {  	s21 =	simm.s32 $0x8C00;
	[dreg:$0x1f] =	wrdreg s20  }
0x1f: {  	s22 =	simm.s32 $0x800;
	[smem:$0x7E5] =	sst s21  }
0x20: {  	s23 =	simm.s32 $0x9400;
	[smem:$0x7E7] =	sst s22  }
0x21: {  	s24 =	simm.s32 $0x880;
	[smem:$0x7E6] =	sst s23  }
0x22: {  	s25 =	simm.s32 $0x9C00;
	[smem:$0x7E8] =	sst s24  }
0x23: {  	s26 =	simm.s32 $0x900;
	[smem:$0x7E4] =	sst s25  }
0x24: {  	s5 =	simm.s32 $0x980;
	[smem:$0x7EA] =	sst s26  }
0x25: {  	s6 =	simm.s32 $0xAC00;
	[smem:$0x7EB] =	sst s5  }
0x26: {  	s7 =	simm.s32 $0xA00;
	[smem:$0x7EC] =	sst s6  }
0x27: {  	s8 =	simm.s32 $0xB400;
	[smem:$0x7F3] =	sst s7  }
0x28: {  	s9 =	simm.s32 $0xA80;
	[smem:$0x7F4] =	sst s8  }
0x29: {  	s10 =	simm.s32 $0xBC00;
	[smem:$0x7F0] =	sst s9  }
0x2a: {  	s11 =	simm.s32 $0xB00;
	[smem:$0x7F1] =	sst s10  }
0x2b: {  	s12 =	simm.s32 $0xC400;
	[smem:$0x7EF] =	sst s11  }
0x2c: {  	s13 =	simm.s32 $0xB80;
	[smem:$0x7F2] =	sst s12  }
0x2d: {  	s14 =	simm.s32 $0xCC00;
	[smem:$0x7F8] =	sst s13  }
0x2e: {  	s15 =	simm.s32 $0xC00;
	[smem:$0x7F7] =	sst s14  }
0x2f: {  	[smem:$0x7F9] =	sst s15;
	s16 =	simm.s32 $0xD400  }
0x30: {  	s17 =	simm.s32 $0xC80;
	[smem:$0x7F6] =	sst s16  }
0x31: {  	s18 =	simm.s32 $0xDC00;
	[smem:$0x7FA] =	sst s17  }
0x32: {  	s19 =	simm.s32 $0xD00;
	[smem:$0x7EE] =	sst s18  }
0x33: {  	s20 =	simm.s32 $0xE400;
	[smem:$0x7FB] =	sst s19  }
0x34: {  	s3 =	smul.u32 $0x280, s0;
	s21 =	simm.s32 $0xD80;
	[smem:$0x7F5] =	sst s20  }
0x35: {  	s0 =	smul.u32 $0x2800, s0;
	s22 =	simm.s32 $0xEC00;
	[smem:$0x7FC] =	sst s21  }
0x36: {  	s23 =	simm.s32 $0xE00;
	s3 =	sadd.s32 s3, s4;
	[smem:$0x7ED] =	sst s22  }
0x37: {  	s0 =	sadd.s32 s0, s4;
	[smem:$0x7FD] =	sst s23;
	s3 =	sadd.s32 $0x8800, s3  }
0x38: {  	s0 =	sadd.s32 $0x67800, s0;
	[dreg:$0x2] =	wrdreg s3  }
0x39: {  	[dreg:$0x3] =	wrdreg s0;
	s3 =	simm.s32 $0x380  }
0x3a: {  	[dreg:$0xf] =	wrdreg s3  }
0x3b: {  	s3 =	simm.s32 $0xA400;
	s5 =	rddreg [dreg:$0x2]  }
0x3c: {  	[smem:$0x7E9] =	sst s3;
	s3 =	simm.s32 $0x2  }
0x3d: {  	[tilespmem:s2], [sflag:$0x2] =	stream.linear.gather [hbm4b:s5+s2], $0x1400, $0x38;
	[tilespmem:$0x15400] =	vst v63  }
0x3e: {  	_ =	swait.ge [sflag:s3], $0x1400  }
0x3f: {  	s0 =	rddreg [dreg:$0x12]  }
0x40: {  	s7 =	rddreg [dreg:$0xd]  }
0x41: {  	s8 =	sld [smem:$0x7E4]  }
0x42: {  	s9 =	rddreg [dreg:$0xe]  }
0x43: {  	s10 =	sld [smem:$0x7E5]  }
0x44: {  	s11 =	rddreg [dreg:$0xb]  }
0x45: {  	s12 =	rddreg [dreg:$0x1c]  }
0x46: {  	s13 =	rddreg [dreg:$0x9]  }
0x47: {  	s14 =	rddreg [dreg:$0x18]  }
0x48: {  	s15 =	rddreg [dreg:$0x14]  }
0x49: {  	s16 =	rddreg [dreg:$0x7]  }
0x4a: {  	s17 =	rddreg [dreg:$0x10]  }
0x4b: {  	s18 =	rddreg [dreg:$0xa]  }
0x4c: {  	s19 =	rddreg [dreg:$0x8]  }
0x4d: {  	s20 =	rddreg [dreg:$0xc]  }
0x4e: {  	s21 =	rddreg [dreg:$0x5]  }
0x4f: {  	s6 =	simm.s32 $0x80;
	s22 =	rddreg [dreg:$0x4]  }
0x50: {  	s5 =	sadd.s32 $0x3800, s4;
	[sflag:s3] =	ssyncset.done $0x0;
	s23 =	rddreg [dreg:$0x6]  }
0x51: {  	s4 =	simm.s32 $0x1400;
	s24 =	rddreg [dreg:$0x11];
	[sflag:s3] =	ssyncadd.s32 $0xFFFFEC00  }
0x52: {  	[tilespmem:s4], [sflag:$0x1] =	stream.indirect.gather [hbm4b:s5+s6], $0x10, s2, s6, $0xb8;
	[tilespmem:$0x15400] =	vst v63  }
0x53: {  	s25 =	rddreg [dreg:$0x13]  }
0x54: {  	[tilespmem:s22], [sflag:$0x1] =	stream.indirect.gather [hbm4b:s5+s6], $0x10, s6, s6, $0xb8;
	[tilespmem:$0x15400] =	vst v63  }
0x55: {  	s26 =	rddreg [dreg:$0x15]  }
0x56: {  	[tilespmem:s23], [sflag:$0x1] =	stream.indirect.gather [hbm4b:s5+s6], $0x10, s21, s6, $0xb8;
	[tilespmem:$0x15400] =	vst v63  }
0x57: {  	s22 =	rddreg [dreg:$0xf]  }
0x58: {  	[tilespmem:s19], [sflag:$0x1] =	stream.indirect.gather [hbm4b:s5+s6], $0x10, s16, s6, $0xb8;
	[tilespmem:$0x15400] =	vst v63  }
0x59: {  	s21 =	sld [smem:$0x7EB]  }
0x5a: {  	[tilespmem:s18], [sflag:$0x1] =	stream.indirect.gather [hbm4b:s5+s6], $0x10, s13, s6, $0xb8;
	[tilespmem:$0x15400] =	vst v63  }
0x5b: {  	s19 =	rddreg [dreg:$0x16]  }
0x5c: {  	[tilespmem:s20], [sflag:$0x1] =	stream.indirect.gather [hbm4b:s5+s6], $0x10, s11, s6, $0xb8;
	[tilespmem:$0x15400] =	vst v63  }
0x5d: {  	s13 =	rddreg [dreg:$0x17]  }
0x5e: {  	[tilespmem:s9], [sflag:$0x1] =	stream.indirect.gather [hbm4b:s5+s6], $0x10, s7, s6, $0xb8;
	[tilespmem:$0x15400] =	vst v63  }
0x5f: {  	s18 =	rddreg [dreg:$0x1a]  }
0x60: {  	[tilespmem:s17], [sflag:$0x1] =	stream.indirect.gather [hbm4b:s5+s6], $0x10, s22, s6, $0xb8;
	[tilespmem:$0x15400] =	vst v63  }
0x61: {  	s20 =	rddreg [dreg:$0x19]  }
0x62: {  	[tilespmem:s0], [sflag:$0x1] =	stream.indirect.gather [hbm4b:s5+s6], $0x10, s24, s6, $0xb8;
	[tilespmem:$0x15400] =	vst v63  }
0x63: {  	s22 =	rddreg [dreg:$0x1b]  }
0x64: {  	[tilespmem:s15], [sflag:$0x1] =	stream.indirect.gather [hbm4b:s5+s6], $0x10, s25, s6, $0xb8;
	[tilespmem:$0x15400] =	vst v63  }
0x65: {  	s17 =	sld [smem:$0x7E7]  }
0x66: {  	[tilespmem:s19], [sflag:$0x1] =	stream.indirect.gather [hbm4b:s5+s6], $0x10, s26, s6, $0xb8;
	[tilespmem:$0x15400] =	vst v63  }
0x67: {  	s24 =	rddreg [dreg:$0x1e]  }
0x68: {  	[tilespmem:s14], [sflag:$0x1] =	stream.indirect.gather [hbm4b:s5+s6], $0x10, s13, s6, $0xb8;
	[tilespmem:$0x15400] =	vst v63  }
0x69: {  	s25 =	rddreg [dreg:$0x1d]  }
0x6a: {  	[tilespmem:s18], [sflag:$0x1] =	stream.indirect.gather [hbm4b:s5+s6], $0x10, s20, s6, $0xb8;
	[tilespmem:$0x15400] =	vst v63  }
0x6b: {  	s26 =	rddreg [dreg:$0x1f]  }
0x6c: {  	[tilespmem:s12], [sflag:$0x1] =	stream.indirect.gather [hbm4b:s5+s6], $0x10, s22, s6, $0xb8;
	[tilespmem:$0x15400] =	vst v63  }
0x6d: {  	s19 =	sld [smem:$0x7E9]  }
0x6e: {  	[tilespmem:s24], [sflag:$0x1] =	stream.indirect.gather [hbm4b:s5+s6], $0x10, s25, s6, $0xb8;
	[tilespmem:$0x15400] =	vst v63  }
0x6f: {  	s14 =	sld [smem:$0x7E6]  }
0x70: {  	[tilespmem:s10], [sflag:$0x1] =	stream.indirect.gather [hbm4b:s5+s6], $0x10, s26, s6, $0xb8;
	[tilespmem:$0x15400] =	vst v63  }
0x71: {  	s18 =	sld [smem:$0x7E8]  }
0x72: {  	[tilespmem:s14], [sflag:$0x1] =	stream.indirect.gather [hbm4b:s5+s6], $0x10, s17, s6, $0xb8;
	[tilespmem:$0x15400] =	vst v63  }
0x73: {  	s20 =	sld [smem:$0x7EA]  }
0x74: {  	[tilespmem:s8], [sflag:$0x1] =	stream.indirect.gather [hbm4b:s5+s6], $0x10, s18, s6, $0xb8;
	[tilespmem:$0x15400] =	vst v63  }
0x75: {  	s22 =	sld [smem:$0x7EC]  }
0x76: {  	[tilespmem:s19], [sflag:$0x1] =	stream.indirect.gather [hbm4b:s5+s6], $0x10, s20, s6, $0xb8;
	[tilespmem:$0x15400] =	vst v63  }
0x77: {  	s7 =	simm.s32 $0x1  }
0x78: {  	[tilespmem:s22], [sflag:$0x1] =	stream.indirect.gather [hbm4b:s5+s6], $0x10, s21, s6, $0xb8;
	[tilespmem:$0x15400] =	vst v63  }
0x79: {  	_ =	swait.ge [sflag:s7], $0x800  }
0x7a: {  	[sflag:s7] =	ssyncset.done $0x0  }
0x7b: {  	[sflag:s7] =	ssyncadd.s32 $0xFFFFF800  }
0x7c: {  	_ =	swait.ge [sflag:s7], $0x800  }
0x7d: {  	[sflag:s7] =	ssyncset.done $0x0  }
0x7e: {  	[sflag:s7] =	ssyncadd.s32 $0xFFFFF800  }
0x7f: {  	_ =	swait.ge [sflag:s7], $0x800  }
0x80: {  	[sflag:s7] =	ssyncset.done $0x0  }
0x81: {  	[sflag:s7] =	ssyncadd.s32 $0xFFFFF800  }
0x82: {  	_ =	swait.ge [sflag:s7], $0x800  }
0x83: {  	[sflag:s7] =	ssyncset.done $0x0  }
0x84: {  	[sflag:s7] =	ssyncadd.s32 $0xFFFFF800  }
0x85: {  	_ =	swait.ge [sflag:s7], $0x800  }
0x86: {  	[sflag:s7] =	ssyncset.done $0x0  }
0x87: {  	[sflag:s7] =	ssyncadd.s32 $0xFFFFF800  }
0x88: {  	_ =	swait.ge [sflag:s7], $0x800  }
0x89: {  	[sflag:s7] =	ssyncset.done $0x0  }
0x8a: {  	[sflag:s7] =	ssyncadd.s32 $0xFFFFF800  }
0x8b: {  	_ =	swait.ge [sflag:s7], $0x800  }
0x8c: {  	[sflag:s7] =	ssyncset.done $0x0  }
0x8d: {  	[sflag:s7] =	ssyncadd.s32 $0xFFFFF800  }
0x8e: {  	_ =	swait.ge [sflag:s7], $0x800  }
0x8f: {  	[sflag:s7] =	ssyncset.done $0x0  }
0x90: {  	[sflag:s7] =	ssyncadd.s32 $0xFFFFF800  }
0x91: {  	_ =	swait.ge [sflag:s7], $0x800  }
0x92: {  	[sflag:s7] =	ssyncset.done $0x0  }
0x93: {  	[sflag:s7] =	ssyncadd.s32 $0xFFFFF800  }
0x94: {  	_ =	swait.ge [sflag:s7], $0x800  }
0x95: {  	[sflag:s7] =	ssyncset.done $0x0  }
0x96: {  	[sflag:s7] =	ssyncadd.s32 $0xFFFFF800  }
0x97: {  	_ =	swait.ge [sflag:s7], $0x800  }
0x98: {  	[sflag:s7] =	ssyncset.done $0x0  }
0x99: {  	[sflag:s7] =	ssyncadd.s32 $0xFFFFF800  }
0x9a: {  	_ =	swait.ge [sflag:s7], $0x800  }
0x9b: {  	[sflag:s7] =	ssyncset.done $0x0  }
0x9c: {  	[sflag:s7] =	ssyncadd.s32 $0xFFFFF800  }
0x9d: {  	_ =	swait.ge [sflag:s7], $0x800  }
0x9e: {  	[sflag:s7] =	ssyncset.done $0x0  }
0x9f: {  	[sflag:s7] =	ssyncadd.s32 $0xFFFFF800  }
0xa0: {  	_ =	swait.ge [sflag:s7], $0x800  }
0xa1: {  	[sflag:s7] =	ssyncset.done $0x0  }
0xa2: {  	[sflag:s7] =	ssyncadd.s32 $0xFFFFF800  }
0xa3: {  	_ =	swait.ge [sflag:s7], $0x800  }
0xa4: {  	[sflag:s7] =	ssyncset.done $0x0  }
0xa5: {  	[sflag:s7] =	ssyncadd.s32 $0xFFFFF800  }
0xa6: {  	_ =	swait.ge [sflag:s7], $0x800  }
0xa7: {  	[sflag:s7] =	ssyncset.done $0x0  }
0xa8: {  	[sflag:s7] =	ssyncadd.s32 $0xFFFFF800  }
0xa9: {  	_ =	swait.ge [sflag:s7], $0x800  }
0xaa: {  	[sflag:s7] =	ssyncset.done $0x0  }
0xab: {  	[sflag:s7] =	ssyncadd.s32 $0xFFFFF800  }
0xac: {  	_ =	swait.ge [sflag:s7], $0x800  }
0xad: {  	[sflag:s7] =	ssyncset.done $0x0  }
0xae: {  	[sflag:s7] =	ssyncadd.s32 $0xFFFFF800  }
0xaf: {  	_ =	swait.ge [sflag:s7], $0x800  }
0xb0: {  	[sflag:s7] =	ssyncset.done $0x0  }
0xb1: {  	[sflag:s7] =	ssyncadd.s32 $0xFFFFF800  }
0xb2: {  	_ =	swait.ge [sflag:s7], $0x800  }
0xb3: {  	s0 =	sld [smem:$0x7ED]  }
0xb4: {  	s8 =	sld [smem:$0x7EE]  }
0xb5: {  	s23 =	sld [smem:$0x7EF]  }
0xb6: {  	s24 =	sld [smem:$0x7F0]  }
0xb7: {  	s25 =	sld [smem:$0x7F1]  }
0xb8: {  	s26 =	sld [smem:$0x7F2]  }
0xb9: {  	s15 =	sld [smem:$0x7F3]  }
0xba: {  	s16 =	sld [smem:$0x7F4]  }
0xbb: {  	[sflag:s7] =	ssyncset.done $0x0;
	s17 =	sld [smem:$0x7F5]  }
0xbc: {  	s18 =	sld [smem:$0x7F6];
	[sflag:s7] =	ssyncadd.s32 $0xFFFFF800  }
0xbd: {  	[tilespmem:s16], [sflag:$0x1] =	stream.indirect.gather [hbm4b:s5+s6], $0x10, s15, s6, $0xb8;
	[tilespmem:$0x15400] =	vst v63  }
0xbe: {  	s19 =	sld [smem:$0x7F7]  }
0xbf: {  	[tilespmem:s25], [sflag:$0x1] =	stream.indirect.gather [hbm4b:s5+s6], $0x10, s24, s6, $0xb8;
	[tilespmem:$0x15400] =	vst v63  }
0xc0: {  	s20 =	sld [smem:$0x7F8]  }
0xc1: {  	[tilespmem:s26], [sflag:$0x1] =	stream.indirect.gather [hbm4b:s5+s6], $0x10, s23, s6, $0xb8;
	[tilespmem:$0x15400] =	vst v63  }
0xc2: {  	s21 =	sld [smem:$0x7F9]  }
0xc3: {  	[tilespmem:s19], [sflag:$0x1] =	stream.indirect.gather [hbm4b:s5+s6], $0x10, s20, s6, $0xb8;
	[tilespmem:$0x15400] =	vst v63  }
0xc4: {  	s22 =	sld [smem:$0x7FA]  }
0xc5: {  	[tilespmem:s18], [sflag:$0x1] =	stream.indirect.gather [hbm4b:s5+s6], $0x10, s21, s6, $0xb8;
	[tilespmem:$0x15400] =	vst v63  }
0xc6: {  	s23 =	sld [smem:$0x7FB]  }
0xc7: {  	[tilespmem:s8], [sflag:$0x1] =	stream.indirect.gather [hbm4b:s5+s6], $0x10, s22, s6, $0xb8;
	[tilespmem:$0x15400] =	vst v63  }
0xc8: {  	s24 =	sld [smem:$0x7FC]  }
0xc9: {  	[tilespmem:s17], [sflag:$0x1] =	stream.indirect.gather [hbm4b:s5+s6], $0x10, s23, s6, $0xb8;
	[tilespmem:$0x15400] =	vst v63  }
0xca: {  	s25 =	sld [smem:$0x7FD]  }
0xcb: {  	[tilespmem:s0], [sflag:$0x1] =	stream.indirect.gather [hbm4b:s5+s6], $0x10, s24, s6, $0xb8;
	[tilespmem:$0x15400] =	vst v63  }
0xcc: {  	s26 =	simm.s32 $0xF400  }
0xcd: {  	[tilespmem:s26], [sflag:$0x1] =	stream.indirect.gather [hbm4b:s5+s6], $0x10, s25, s6, $0xb8;
	[tilespmem:$0x15400] =	vst v63  }
0xce: {  	s9 =	simm.s32 $0xFC00;
	s8 =	simm.s32 $0xE80  }
0xcf: {  	[tilespmem:s9], [sflag:$0x1] =	stream.indirect.gather [hbm4b:s5+s6], $0x10, s8, s6, $0xb8;
	[tilespmem:$0x15400] =	vst v63  }
0xd0: {  	s11 =	simm.s32 $0x10400;
	s10 =	simm.s32 $0xF00  }
0xd1: {  	[tilespmem:s11], [sflag:$0x1] =	stream.indirect.gather [hbm4b:s5+s6], $0x10, s10, s6, $0xb8;
	[tilespmem:$0x15400] =	vst v63  }
0xd2: {  	s13 =	simm.s32 $0x10C00;
	s12 =	simm.s32 $0xF80  }
0xd3: {  	[tilespmem:s13], [sflag:$0x1] =	stream.indirect.gather [hbm4b:s5+s6], $0x10, s12, s6, $0xb8;
	[tilespmem:$0x15400] =	vst v63  }
0xd4: {  	s14 =	simm.s32 $0x1000;
	s15 =	simm.s32 $0x11400  }
0xd5: {  	[tilespmem:s15], [sflag:$0x1] =	stream.indirect.gather [hbm4b:s5+s6], $0x10, s14, s6, $0xb8;
	[tilespmem:$0x15400] =	vst v63  }
0xd6: {  	s16 =	simm.s32 $0x1080;
	s17 =	simm.s32 $0x11C00  }
0xd7: {  	[tilespmem:s17], [sflag:$0x1] =	stream.indirect.gather [hbm4b:s5+s6], $0x10, s16, s6, $0xb8;
	[tilespmem:$0x15400] =	vst v63  }
0xd8: {  	s19 =	simm.s32 $0x12400;
	s18 =	simm.s32 $0x1100  }
0xd9: {  	[tilespmem:s19], [sflag:$0x1] =	stream.indirect.gather [hbm4b:s5+s6], $0x10, s18, s6, $0xb8;
	[tilespmem:$0x15400] =	vst v63  }
0xda: {  	s20 =	simm.s32 $0x1180;
	s21 =	simm.s32 $0x12C00  }
0xdb: {  	[tilespmem:s21], [sflag:$0x1] =	stream.indirect.gather [hbm4b:s5+s6], $0x10, s20, s6, $0xb8;
	[tilespmem:$0x15400] =	vst v63  }
0xdc: {  	s22 =	simm.s32 $0x1200;
	s23 =	simm.s32 $0x13400  }
0xdd: {  	[tilespmem:s23], [sflag:$0x1] =	stream.indirect.gather [hbm4b:s5+s6], $0x10, s22, s6, $0xb8;
	[tilespmem:$0x15400] =	vst v63  }
0xde: {  	s24 =	simm.s32 $0x1280;
	s25 =	simm.s32 $0x13C00  }
0xdf: {  	[tilespmem:s25], [sflag:$0x1] =	stream.indirect.gather [hbm4b:s5+s6], $0x10, s24, s6, $0xb8;
	[tilespmem:$0x15400] =	vst v63  }
0xe0: {  	s28 =	simm.s32 $0x1300;
	s29 =	simm.s32 $0x14400  }
0xe1: {  	[tilespmem:s29], [sflag:$0x1] =	stream.indirect.gather [hbm4b:s5+s6], $0x10, s28, s6, $0xb8;
	[tilespmem:$0x15400] =	vst v63  }
0xe2: {  	s30 =	simm.s32 $0x1380;
	s31 =	simm.s32 $0x14C00  }
0xe3: {  	[tilespmem:s31], [sflag:$0x1] =	stream.indirect.gather [hbm4b:s5+s6], $0x10, s30, s6, $0xb8;
	[tilespmem:$0x15400] =	vst v63  }
0xe4: {  	_ =	swait.ge [sflag:s7], $0x800  }
0xe5: {  	[sflag:s7] =	ssyncset.done $0x0  }
0xe6: {  	[sflag:s7] =	ssyncadd.s32 $0xFFFFF800  }
0xe7: {  	_ =	swait.ge [sflag:s7], $0x800  }
0xe8: {  	[sflag:s7] =	ssyncset.done $0x0  }
0xe9: {  	[sflag:s7] =	ssyncadd.s32 $0xFFFFF800  }
0xea: {  	_ =	swait.ge [sflag:s7], $0x800  }
0xeb: {  	[sflag:s7] =	ssyncset.done $0x0  }
0xec: {  	[sflag:s7] =	ssyncadd.s32 $0xFFFFF800  }
0xed: {  	_ =	swait.ge [sflag:s7], $0x800  }
0xee: {  	[sflag:s7] =	ssyncset.done $0x0  }
0xef: {  	[sflag:s7] =	ssyncadd.s32 $0xFFFFF800  }
0xf0: {  	_ =	swait.ge [sflag:s7], $0x800  }
0xf1: {  	[sflag:s7] =	ssyncset.done $0x0  }
0xf2: {  	[sflag:s7] =	ssyncadd.s32 $0xFFFFF800  }
0xf3: {  	_ =	swait.ge [sflag:s7], $0x800  }
0xf4: {  	[sflag:s7] =	ssyncset.done $0x0  }
0xf5: {  	[sflag:s7] =	ssyncadd.s32 $0xFFFFF800  }
0xf6: {  	_ =	swait.ge [sflag:s7], $0x800  }
0xf7: {  	[sflag:s7] =	ssyncset.done $0x0  }
0xf8: {  	[sflag:s7] =	ssyncadd.s32 $0xFFFFF800  }
0xf9: {  	_ =	swait.ge [sflag:s7], $0x800  }
0xfa: {  	[sflag:s7] =	ssyncset.done $0x0  }
0xfb: {  	[sflag:s7] =	ssyncadd.s32 $0xFFFFF800  }
0xfc: {  	_ =	swait.ge [sflag:s7], $0x800  }
0xfd: {  	[sflag:s7] =	ssyncset.done $0x0  }
0xfe: {  	[sflag:s7] =	ssyncadd.s32 $0xFFFFF800  }
0xff: {  	_ =	swait.ge [sflag:s7], $0x800  }
0x100: {  	s26 =	ssub.s32 $0x2, s1;
	[sflag:s7] =	ssyncset.done $0x0  }
0x101: {  	s1 =	sshrl.u32 s26, $0x1;
	[sflag:s7] =	ssyncadd.s32 $0xFFFFF800  }
0x102: {  	s0 =	ssub.s32 s26, s1;
	_ =	swait.ge [sflag:s7], $0x800  }
0x103: {  	s0 =	smax.u32 s0, $0x1;
	[sflag:s7] =	ssyncset.done $0x0  }
0x104: {  	p0 =	sne.s32 s0, $0x1;
	[sflag:s7] =	ssyncadd.s32 $0xFFFFF800  }
.Ltmp0:
0x105: {  	_ =	swait.ge [sflag:s7], $0x800;
	(pc) =	sbr.rel @!p0 .LBB2_2-.Ltmp0, $4  }
0x106: {  	[sflag:s7] =	ssyncset.done $0x0  }
0x107: {  	[sflag:s7] =	ssyncadd.s32 $0xFFFFF800  }
0x108: {  	_ =	swait.ge [sflag:s7], $0x800  }
0x109: {  	s1 =	sadd.s32 $0xFFFFFFFF, s0;
	[sflag:s7] =	ssyncset.done $0x0  }
.LBB2_1:
0x10a: {  	[sflag:s7] =	ssyncadd.s32 $0xFFFFF800  }
0x10b: {  	_ =	swait.ge [sflag:s7], $0x800  }
0x10c: {  	[sflag:s7] =	ssyncset.done $0x0  }
0x10d: {  	[sflag:s7] =	ssyncadd.s32 $0xFFFFF800  }
0x10e: {  	_ =	swait.ge [sflag:s7], $0x800  }
0x10f: {  	[sflag:s7] =	ssyncset.done $0x0  }
0x110: {  	[sflag:s7] =	ssyncadd.s32 $0xFFFFF800  }
0x111: {  	_ =	swait.ge [sflag:s7], $0x800  }
0x112: {  	[sflag:s7] =	ssyncset.done $0x0  }
0x113: {  	[sflag:s7] =	ssyncadd.s32 $0xFFFFF800  }
0x114: {  	_ =	swait.ge [sflag:s7], $0x800  }
0x115: {  	[sflag:s7] =	ssyncset.done $0x0  }
0x116: {  	[sflag:s7] =	ssyncadd.s32 $0xFFFFF800  }
0x117: {  	_ =	swait.ge [sflag:s7], $0x800  }
0x118: {  	[sflag:s7] =	ssyncset.done $0x0  }
0x119: {  	[sflag:s7] =	ssyncadd.s32 $0xFFFFF800  }
0x11a: {  	_ =	swait.ge [sflag:s7], $0x800  }
0x11b: {  	[sflag:s7] =	ssyncset.done $0x0  }
0x11c: {  	[sflag:s7] =	ssyncadd.s32 $0xFFFFF800  }
0x11d: {  	_ =	swait.ge [sflag:s7], $0x800  }
0x11e: {  	[sflag:s7] =	ssyncset.done $0x0  }
0x11f: {  	s0 =	rddreg [dreg:$0x3];
	[sflag:s7] =	ssyncadd.s32 $0xFFFFF800  }
0x120: {  	[hbm4b:s0+s2] =	stream.linear.scatter [tilespmem:s4], [sflag:$0x2], $0x14000, $0x38;
	[tilespmem:$0x15400] =	vst v63  }
0x121: {  	_ =	swait.ge [sflag:s3], $0x14000  }
0x122: {  	[sflag:s3] =	ssyncset.done $0x0  }
0x123: {  	s18 =	rddreg [dreg:$0x2];
	[sflag:s3] =	ssyncadd.s32 $0xFFFEC000  }
0x124: {  	[tilespmem:s2], [sflag:$0x2] =	stream.linear.gather [hbm4b:s18+s2], $0x1400, $0x38;
	[tilespmem:$0x15400] =	vst v63  }
0x125: {  	_ =	swait.ge [sflag:s3], $0x1400  }
0x126: {  	s10 =	rddreg [dreg:$0x12]  }
0x127: {  	s12 =	rddreg [dreg:$0xd]  }
0x128: {  	s0 =	sld [smem:$0x7E4]  }
0x129: {  	s13 =	rddreg [dreg:$0xe]  }
0x12a: {  	s8 =	sld [smem:$0x7E5]  }
0x12b: {  	s14 =	rddreg [dreg:$0xb]  }
0x12c: {  	s9 =	rddreg [dreg:$0x1c]  }
0x12d: {  	s15 =	rddreg [dreg:$0x9]  }
0x12e: {  	s11 =	rddreg [dreg:$0x18]  }
0x12f: {  	s16 =	rddreg [dreg:$0x14]  }
0x130: {  	s17 =	rddreg [dreg:$0x7]  }
0x131: {  	s18 =	rddreg [dreg:$0x10]  }
0x132: {  	s19 =	rddreg [dreg:$0xa]  }
0x133: {  	s20 =	rddreg [dreg:$0x8]  }
0x134: {  	s21 =	rddreg [dreg:$0xc]  }
0x135: {  	s22 =	rddreg [dreg:$0x5]  }
0x136: {  	s23 =	rddreg [dreg:$0x4]  }
0x137: {  	[sflag:s3] =	ssyncset.done $0x0;
	s24 =	rddreg [dreg:$0x6]  }
0x138: {  	s25 =	rddreg [dreg:$0xf];
	[sflag:s3] =	ssyncadd.s32 $0xFFFFEC00  }
0x139: {  	[tilespmem:s4], [sflag:$0x1] =	stream.indirect.gather [hbm4b:s5+s6], $0x10, s2, s6, $0xb8;
	[tilespmem:$0x15400] =	vst v63  }
0x13a: {  	s26 =	rddreg [dreg:$0x11]  }
0x13b: {  	[tilespmem:s23], [sflag:$0x1] =	stream.indirect.gather [hbm4b:s5+s6], $0x10, s6, s6, $0xb8;
	[tilespmem:$0x15400] =	vst v63  }
0x13c: {  	s23 =	rddreg [dreg:$0x13]  }
0x13d: {  	[tilespmem:s24], [sflag:$0x1] =	stream.indirect.gather [hbm4b:s5+s6], $0x10, s22, s6, $0xb8;
	[tilespmem:$0x15400] =	vst v63  }
0x13e: {  	s22 =	rddreg [dreg:$0x16]  }
0x13f: {  	[tilespmem:s20], [sflag:$0x1] =	stream.indirect.gather [hbm4b:s5+s6], $0x10, s17, s6, $0xb8;
	[tilespmem:$0x15400] =	vst v63  }
0x140: {  	s24 =	rddreg [dreg:$0x1b]  }
0x141: {  	[tilespmem:s19], [sflag:$0x1] =	stream.indirect.gather [hbm4b:s5+s6], $0x10, s15, s6, $0xb8;
	[tilespmem:$0x15400] =	vst v63  }
0x142: {  	s17 =	rddreg [dreg:$0x15]  }
0x143: {  	[tilespmem:s21], [sflag:$0x1] =	stream.indirect.gather [hbm4b:s5+s6], $0x10, s14, s6, $0xb8;
	[tilespmem:$0x15400] =	vst v63  }
0x144: {  	s20 =	rddreg [dreg:$0x1a]  }
0x145: {  	[tilespmem:s13], [sflag:$0x1] =	stream.indirect.gather [hbm4b:s5+s6], $0x10, s12, s6, $0xb8;
	[tilespmem:$0x15400] =	vst v63  }
0x146: {  	s19 =	rddreg [dreg:$0x17]  }
0x147: {  	[tilespmem:s18], [sflag:$0x1] =	stream.indirect.gather [hbm4b:s5+s6], $0x10, s25, s6, $0xb8;
	[tilespmem:$0x15400] =	vst v63  }
0x148: {  	s21 =	rddreg [dreg:$0x19]  }
0x149: {  	[tilespmem:s10], [sflag:$0x1] =	stream.indirect.gather [hbm4b:s5+s6], $0x10, s26, s6, $0xb8;
	[tilespmem:$0x15400] =	vst v63  }
0x14a: {  	s25 =	rddreg [dreg:$0x1e]  }
0x14b: {  	[tilespmem:s16], [sflag:$0x1] =	stream.indirect.gather [hbm4b:s5+s6], $0x10, s23, s6, $0xb8;
	[tilespmem:$0x15400] =	vst v63  }
0x14c: {  	s18 =	rddreg [dreg:$0x1f]  }
0x14d: {  	[tilespmem:s22], [sflag:$0x1] =	stream.indirect.gather [hbm4b:s5+s6], $0x10, s17, s6, $0xb8;
	[tilespmem:$0x15400] =	vst v63  }
0x14e: {  	s26 =	rddreg [dreg:$0x1d]  }
0x14f: {  	[tilespmem:s11], [sflag:$0x1] =	stream.indirect.gather [hbm4b:s5+s6], $0x10, s19, s6, $0xb8;
	[tilespmem:$0x15400] =	vst v63  }
0x150: {  	s23 =	sld [smem:$0x7EA]  }
0x151: {  	[tilespmem:s20], [sflag:$0x1] =	stream.indirect.gather [hbm4b:s5+s6], $0x10, s21, s6, $0xb8;
	[tilespmem:$0x15400] =	vst v63  }
0x152: {  	s22 =	sld [smem:$0x7E9]  }
0x153: {  	[tilespmem:s9], [sflag:$0x1] =	stream.indirect.gather [hbm4b:s5+s6], $0x10, s24, s6, $0xb8;
	[tilespmem:$0x15400] =	vst v63  }
0x154: {  	s19 =	sld [smem:$0x7E6]  }
0x155: {  	[tilespmem:s25], [sflag:$0x1] =	stream.indirect.gather [hbm4b:s5+s6], $0x10, s26, s6, $0xb8;
	[tilespmem:$0x15400] =	vst v63  }
0x156: {  	s20 =	sld [smem:$0x7E7]  }
0x157: {  	[tilespmem:s8], [sflag:$0x1] =	stream.indirect.gather [hbm4b:s5+s6], $0x10, s18, s6, $0xb8;
	[tilespmem:$0x15400] =	vst v63  }
0x158: {  	s21 =	sld [smem:$0x7E8]  }
0x159: {  	[tilespmem:s19], [sflag:$0x1] =	stream.indirect.gather [hbm4b:s5+s6], $0x10, s20, s6, $0xb8;
	[tilespmem:$0x15400] =	vst v63  }
0x15a: {  	s24 =	sld [smem:$0x7EB]  }
0x15b: {  	[tilespmem:s0], [sflag:$0x1] =	stream.indirect.gather [hbm4b:s5+s6], $0x10, s21, s6, $0xb8;
	[tilespmem:$0x15400] =	vst v63  }
0x15c: {  	s25 =	sld [smem:$0x7EC]  }
0x15d: {  	[tilespmem:s22], [sflag:$0x1] =	stream.indirect.gather [hbm4b:s5+s6], $0x10, s23, s6, $0xb8;
	[tilespmem:$0x15400] =	vst v63  }
0x15e: {  	_ = 	snop  }
0x15f: {  	[tilespmem:s25], [sflag:$0x1] =	stream.indirect.gather [hbm4b:s5+s6], $0x10, s24, s6, $0xb8;
	[tilespmem:$0x15400] =	vst v63  }
0x160: {  	_ =	swait.ge [sflag:s7], $0x800  }
0x161: {  	[sflag:s7] =	ssyncset.done $0x0  }
0x162: {  	[sflag:s7] =	ssyncadd.s32 $0xFFFFF800  }
0x163: {  	_ =	swait.ge [sflag:s7], $0x800  }
0x164: {  	[sflag:s7] =	ssyncset.done $0x0  }
0x165: {  	[sflag:s7] =	ssyncadd.s32 $0xFFFFF800  }
0x166: {  	_ =	swait.ge [sflag:s7], $0x800  }
0x167: {  	[sflag:s7] =	ssyncset.done $0x0  }
0x168: {  	[sflag:s7] =	ssyncadd.s32 $0xFFFFF800  }
0x169: {  	_ =	swait.ge [sflag:s7], $0x800  }
0x16a: {  	[sflag:s7] =	ssyncset.done $0x0  }
0x16b: {  	[sflag:s7] =	ssyncadd.s32 $0xFFFFF800  }
0x16c: {  	_ =	swait.ge [sflag:s7], $0x800  }
0x16d: {  	[sflag:s7] =	ssyncset.done $0x0  }
0x16e: {  	[sflag:s7] =	ssyncadd.s32 $0xFFFFF800  }
0x16f: {  	_ =	swait.ge [sflag:s7], $0x800  }
0x170: {  	[sflag:s7] =	ssyncset.done $0x0  }
0x171: {  	[sflag:s7] =	ssyncadd.s32 $0xFFFFF800  }
0x172: {  	_ =	swait.ge [sflag:s7], $0x800  }
0x173: {  	[sflag:s7] =	ssyncset.done $0x0  }
0x174: {  	[sflag:s7] =	ssyncadd.s32 $0xFFFFF800  }
0x175: {  	_ =	swait.ge [sflag:s7], $0x800  }
0x176: {  	[sflag:s7] =	ssyncset.done $0x0  }
0x177: {  	[sflag:s7] =	ssyncadd.s32 $0xFFFFF800  }
0x178: {  	_ =	swait.ge [sflag:s7], $0x800  }
0x179: {  	[sflag:s7] =	ssyncset.done $0x0  }
0x17a: {  	[sflag:s7] =	ssyncadd.s32 $0xFFFFF800  }
0x17b: {  	_ =	swait.ge [sflag:s7], $0x800  }
0x17c: {  	[sflag:s7] =	ssyncset.done $0x0  }
0x17d: {  	[sflag:s7] =	ssyncadd.s32 $0xFFFFF800  }
0x17e: {  	_ =	swait.ge [sflag:s7], $0x800  }
0x17f: {  	[sflag:s7] =	ssyncset.done $0x0  }
0x180: {  	[sflag:s7] =	ssyncadd.s32 $0xFFFFF800  }
0x181: {  	_ =	swait.ge [sflag:s7], $0x800  }
0x182: {  	[sflag:s7] =	ssyncset.done $0x0  }
0x183: {  	[sflag:s7] =	ssyncadd.s32 $0xFFFFF800  }
0x184: {  	_ =	swait.ge [sflag:s7], $0x800  }
0x185: {  	[sflag:s7] =	ssyncset.done $0x0  }
0x186: {  	[sflag:s7] =	ssyncadd.s32 $0xFFFFF800  }
0x187: {  	_ =	swait.ge [sflag:s7], $0x800  }
0x188: {  	[sflag:s7] =	ssyncset.done $0x0  }
0x189: {  	[sflag:s7] =	ssyncadd.s32 $0xFFFFF800  }
0x18a: {  	_ =	swait.ge [sflag:s7], $0x800  }
0x18b: {  	[sflag:s7] =	ssyncset.done $0x0  }
0x18c: {  	[sflag:s7] =	ssyncadd.s32 $0xFFFFF800  }
0x18d: {  	_ =	swait.ge [sflag:s7], $0x800  }
0x18e: {  	[sflag:s7] =	ssyncset.done $0x0  }
0x18f: {  	[sflag:s7] =	ssyncadd.s32 $0xFFFFF800  }
0x190: {  	_ =	swait.ge [sflag:s7], $0x800  }
0x191: {  	[sflag:s7] =	ssyncset.done $0x0  }
0x192: {  	[sflag:s7] =	ssyncadd.s32 $0xFFFFF800  }
0x193: {  	_ =	swait.ge [sflag:s7], $0x800  }
0x194: {  	[sflag:s7] =	ssyncset.done $0x0  }
0x195: {  	[sflag:s7] =	ssyncadd.s32 $0xFFFFF800  }
0x196: {  	_ =	swait.ge [sflag:s7], $0x800  }
0x197: {  	[sflag:s7] =	ssyncset.done $0x0  }
0x198: {  	[sflag:s7] =	ssyncadd.s32 $0xFFFFF800  }
0x199: {  	_ =	swait.ge [sflag:s7], $0x800  }
0x19a: {  	s0 =	sld [smem:$0x7ED]  }
0x19b: {  	s9 =	sld [smem:$0x7EE]  }
0x19c: {  	s26 =	sld [smem:$0x7EF]  }
0x19d: {  	s12 =	sld [smem:$0x7F0]  }
0x19e: {  	s13 =	sld [smem:$0x7F1]  }
0x19f: {  	s16 =	sld [smem:$0x7F2]  }
0x1a0: {  	s17 =	sld [smem:$0x7F3]  }
0x1a1: {  	s18 =	sld [smem:$0x7F4]  }
0x1a2: {  	[sflag:s7] =	ssyncset.done $0x0;
	s19 =	sld [smem:$0x7F5]  }
0x1a3: {  	s20 =	sld [smem:$0x7F6];
	[sflag:s7] =	ssyncadd.s32 $0xFFFFF800  }
0x1a4: {  	[tilespmem:s18], [sflag:$0x1] =	stream.indirect.gather [hbm4b:s5+s6], $0x10, s17, s6, $0xb8;
	[tilespmem:$0x15400] =	vst v63  }
0x1a5: {  	s21 =	sld [smem:$0x7F7]  }
0x1a6: {  	[tilespmem:s13], [sflag:$0x1] =	stream.indirect.gather [hbm4b:s5+s6], $0x10, s12, s6, $0xb8;
	[tilespmem:$0x15400] =	vst v63  }
0x1a7: {  	s22 =	sld [smem:$0x7F8]  }
0x1a8: {  	[tilespmem:s16], [sflag:$0x1] =	stream.indirect.gather [hbm4b:s5+s6], $0x10, s26, s6, $0xb8;
	[tilespmem:$0x15400] =	vst v63  }
0x1a9: {  	s23 =	sld [smem:$0x7F9]  }
0x1aa: {  	[tilespmem:s21], [sflag:$0x1] =	stream.indirect.gather [hbm4b:s5+s6], $0x10, s22, s6, $0xb8;
	[tilespmem:$0x15400] =	vst v63  }
0x1ab: {  	s24 =	sld [smem:$0x7FA]  }
0x1ac: {  	[tilespmem:s20], [sflag:$0x1] =	stream.indirect.gather [hbm4b:s5+s6], $0x10, s23, s6, $0xb8;
	[tilespmem:$0x15400] =	vst v63  }
0x1ad: {  	s25 =	sld [smem:$0x7FB]  }
0x1ae: {  	[tilespmem:s9], [sflag:$0x1] =	stream.indirect.gather [hbm4b:s5+s6], $0x10, s24, s6, $0xb8;
	[tilespmem:$0x15400] =	vst v63  }
0x1af: {  	s8 =	sld [smem:$0x7FC]  }
0x1b0: {  	[tilespmem:s19], [sflag:$0x1] =	stream.indirect.gather [hbm4b:s5+s6], $0x10, s25, s6, $0xb8;
	[tilespmem:$0x15400] =	vst v63  }
0x1b1: {  	s26 =	sld [smem:$0x7FD]  }
0x1b2: {  	[tilespmem:s0], [sflag:$0x1] =	stream.indirect.gather [hbm4b:s5+s6], $0x10, s8, s6, $0xb8;
	[tilespmem:$0x15400] =	vst v63  }
0x1b3: {  	s8 =	simm.s32 $0xF400  }
0x1b4: {  	[tilespmem:s8], [sflag:$0x1] =	stream.indirect.gather [hbm4b:s5+s6], $0x10, s26, s6, $0xb8;
	[tilespmem:$0x15400] =	vst v63  }
0x1b5: {  	s10 =	simm.s32 $0xFC00;
	s9 =	simm.s32 $0xE80  }
0x1b6: {  	[tilespmem:s10], [sflag:$0x1] =	stream.indirect.gather [hbm4b:s5+s6], $0x10, s9, s6, $0xb8;
	[tilespmem:$0x15400] =	vst v63  }
0x1b7: {  	s11 =	simm.s32 $0xF00;
	s12 =	simm.s32 $0x10400  }
0x1b8: {  	[tilespmem:s12], [sflag:$0x1] =	stream.indirect.gather [hbm4b:s5+s6], $0x10, s11, s6, $0xb8;
	[tilespmem:$0x15400] =	vst v63  }
0x1b9: {  	s14 =	simm.s32 $0x10C00;
	s13 =	simm.s32 $0xF80  }
0x1ba: {  	[tilespmem:s14], [sflag:$0x1] =	stream.indirect.gather [hbm4b:s5+s6], $0x10, s13, s6, $0xb8;
	[tilespmem:$0x15400] =	vst v63  }
0x1bb: {  	s15 =	simm.s32 $0x1000;
	s16 =	simm.s32 $0x11400  }
0x1bc: {  	[tilespmem:s16], [sflag:$0x1] =	stream.indirect.gather [hbm4b:s5+s6], $0x10, s15, s6, $0xb8;
	[tilespmem:$0x15400] =	vst v63  }
0x1bd: {  	s17 =	simm.s32 $0x1080;
	s18 =	simm.s32 $0x11C00  }
0x1be: {  	[tilespmem:s18], [sflag:$0x1] =	stream.indirect.gather [hbm4b:s5+s6], $0x10, s17, s6, $0xb8;
	[tilespmem:$0x15400] =	vst v63  }
0x1bf: {  	s20 =	simm.s32 $0x12400;
	s19 =	simm.s32 $0x1100  }
0x1c0: {  	[tilespmem:s20], [sflag:$0x1] =	stream.indirect.gather [hbm4b:s5+s6], $0x10, s19, s6, $0xb8;
	[tilespmem:$0x15400] =	vst v63  }
0x1c1: {  	s21 =	simm.s32 $0x1180;
	s22 =	simm.s32 $0x12C00  }
0x1c2: {  	[tilespmem:s22], [sflag:$0x1] =	stream.indirect.gather [hbm4b:s5+s6], $0x10, s21, s6, $0xb8;
	[tilespmem:$0x15400] =	vst v63  }
0x1c3: {  	s23 =	simm.s32 $0x1200;
	s24 =	simm.s32 $0x13400  }
0x1c4: {  	[tilespmem:s24], [sflag:$0x1] =	stream.indirect.gather [hbm4b:s5+s6], $0x10, s23, s6, $0xb8;
	[tilespmem:$0x15400] =	vst v63  }
0x1c5: {  	s25 =	simm.s32 $0x1280;
	s26 =	simm.s32 $0x13C00  }
0x1c6: {  	[tilespmem:s26], [sflag:$0x1] =	stream.indirect.gather [hbm4b:s5+s6], $0x10, s25, s6, $0xb8;
	[tilespmem:$0x15400] =	vst v63  }
0x1c7: {  	_ = 	snop  }
0x1c8: {  	[tilespmem:s29], [sflag:$0x1] =	stream.indirect.gather [hbm4b:s5+s6], $0x10, s28, s6, $0xb8;
	[tilespmem:$0x15400] =	vst v63  }
0x1c9: {  	_ = 	snop  }
0x1ca: {  	[tilespmem:s31], [sflag:$0x1] =	stream.indirect.gather [hbm4b:s5+s6], $0x10, s30, s6, $0xb8;
	[tilespmem:$0x15400] =	vst v63  }
0x1cb: {  	_ =	swait.ge [sflag:s7], $0x800  }
0x1cc: {  	[sflag:s7] =	ssyncset.done $0x0  }
0x1cd: {  	[sflag:s7] =	ssyncadd.s32 $0xFFFFF800  }
0x1ce: {  	_ =	swait.ge [sflag:s7], $0x800  }
0x1cf: {  	[sflag:s7] =	ssyncset.done $0x0  }
0x1d0: {  	[sflag:s7] =	ssyncadd.s32 $0xFFFFF800  }
0x1d1: {  	_ =	swait.ge [sflag:s7], $0x800  }
0x1d2: {  	[sflag:s7] =	ssyncset.done $0x0  }
0x1d3: {  	[sflag:s7] =	ssyncadd.s32 $0xFFFFF800  }
0x1d4: {  	_ =	swait.ge [sflag:s7], $0x800  }
0x1d5: {  	[sflag:s7] =	ssyncset.done $0x0  }
0x1d6: {  	[sflag:s7] =	ssyncadd.s32 $0xFFFFF800  }
0x1d7: {  	_ =	swait.ge [sflag:s7], $0x800  }
0x1d8: {  	[sflag:s7] =	ssyncset.done $0x0  }
0x1d9: {  	[sflag:s7] =	ssyncadd.s32 $0xFFFFF800  }
0x1da: {  	_ =	swait.ge [sflag:s7], $0x800  }
0x1db: {  	[sflag:s7] =	ssyncset.done $0x0  }
0x1dc: {  	[sflag:s7] =	ssyncadd.s32 $0xFFFFF800  }
0x1dd: {  	_ =	swait.ge [sflag:s7], $0x800  }
0x1de: {  	[sflag:s7] =	ssyncset.done $0x0  }
0x1df: {  	[sflag:s7] =	ssyncadd.s32 $0xFFFFF800  }
0x1e0: {  	_ =	swait.ge [sflag:s7], $0x800  }
0x1e1: {  	[sflag:s7] =	ssyncset.done $0x0  }
0x1e2: {  	[sflag:s7] =	ssyncadd.s32 $0xFFFFF800  }
0x1e3: {  	_ =	swait.ge [sflag:s7], $0x800  }
0x1e4: {  	[sflag:s7] =	ssyncset.done $0x0  }
0x1e5: {  	[sflag:s7] =	ssyncadd.s32 $0xFFFFF800  }
0x1e6: {  	_ =	swait.ge [sflag:s7], $0x800  }
0x1e7: {  	[sflag:s7] =	ssyncset.done $0x0  }
0x1e8: {  	[sflag:s7] =	ssyncadd.s32 $0xFFFFF800  }
0x1e9: {  	_ =	swait.ge [sflag:s7], $0x800  }
0x1ea: {  	[sflag:s7] =	ssyncset.done $0x0  }
0x1eb: {  	p0 =	sne.s32 s1, $0x1;
	[sflag:s7] =	ssyncadd.s32 $0xFFFFF800  }
.Ltmp1:
0x1ec: {  	_ =	swait.ge [sflag:s7], $0x800;
	(pc) =	sbr.rel @p0 .LBB2_1-.Ltmp1, $4  }
0x1ed: {  	[sflag:s7] =	ssyncset.done $0x0  }
0x1ee: {  	[sflag:s7] =	ssyncadd.s32 $0xFFFFF800  }
0x1ef: {  	_ =	swait.ge [sflag:s7], $0x800  }
0x1f0: {  	s1 =	sadd.s32 $0xFFFFFFFF, s1;
	[sflag:s7] =	ssyncset.done $0x0  }
.LBB2_2:
0x1f1: {  	[sflag:s7] =	ssyncadd.s32 $0xFFFFF800  }
0x1f2: {  	_ =	swait.ge [sflag:s7], $0x800  }
0x1f3: {  	[sflag:s7] =	ssyncset.done $0x0  }
0x1f4: {  	[sflag:s7] =	ssyncadd.s32 $0xFFFFF800  }
0x1f5: {  	_ =	swait.ge [sflag:s7], $0x800  }
0x1f6: {  	[sflag:s7] =	ssyncset.done $0x0  }
0x1f7: {  	[sflag:s7] =	ssyncadd.s32 $0xFFFFF800  }
0x1f8: {  	_ =	swait.ge [sflag:s7], $0x800  }
0x1f9: {  	[sflag:s7] =	ssyncset.done $0x0  }
0x1fa: {  	[sflag:s7] =	ssyncadd.s32 $0xFFFFF800  }
0x1fb: {  	_ =	swait.ge [sflag:s7], $0x800  }
0x1fc: {  	[sflag:s7] =	ssyncset.done $0x0  }
0x1fd: {  	[sflag:s7] =	ssyncadd.s32 $0xFFFFF800  }
0x1fe: {  	_ =	swait.ge [sflag:s7], $0x800  }
0x1ff: {  	[sflag:s7] =	ssyncset.done $0x0  }
0x200: {  	[sflag:s7] =	ssyncadd.s32 $0xFFFFF800  }
0x201: {  	_ =	swait.ge [sflag:s7], $0x800  }
0x202: {  	[sflag:s7] =	ssyncset.done $0x0  }
0x203: {  	[sflag:s7] =	ssyncadd.s32 $0xFFFFF800  }
0x204: {  	_ =	swait.ge [sflag:s7], $0x800  }
0x205: {  	[sflag:s7] =	ssyncset.done $0x0  }
0x206: {  	s0 =	rddreg [dreg:$0x3];
	[sflag:s7] =	ssyncadd.s32 $0xFFFFF800  }
0x207: {  	[hbm4b:s0+s2] =	stream.linear.scatter [tilespmem:s4], [sflag:$0x2], $0x14000, $0x38;
	[tilespmem:$0x15400] =	vst v63  }
0x208: {  	_ =	swait.ge [sflag:s3], $0x14000  }
0x209: {  	[sflag:s3] =	ssyncset.done $0x0  }
0x20a: {  	[sflag:s3] =	ssyncadd.s32 $0xFFFEC000  }
0x20b: {  	_ =	sfence.sel $0x180000  }
0x20c: {  	[bflag:$0x0] =	sbarrier.arrive $0xFFFF  }
0x20d: {  	_ =	strace $0x9000004D  }
0x20e: {  	s31 =	stileid.u32;
	[bflag:$0x2] =	sbarrier.arrive $0xFFFF  }
0x20f: {  	p0 =	sne.s32 s31, $0x0;
	s0 =	rddreg [dreg:$0x1]  }
0x210: {  	s0 =	sadd.s32 @!p0 $0x100000, s0  }
0x211: {  	[sflag:s0] =	ssyncadd.tile.s32 @!p0 $0x1;
	_ =	shalt  }
.Lfunc_end2:
_tile_overlayer_lowered:
.L_overlay_start_2:
0x212: {  	(tag) =	ssettag $0x2  }
0x213: {  	s0 =	rddreg [dreg:$0x0];
	s2 =	stileid.u32  }
0x214: {  	s1 =	rddreg [dreg:$0x1];
	p0 =	sne.s32 s2, $0x0  }
0x215: {  	s3 =	rddreg [dreg:$0x2];
	[bflag:$0x3] =	sbarrier.arrive $0xFFFF;
	s2 =	simm.s32 @!p0 $0x1C02  }
0x216: {  	[timem:s3], [sflag:s2] =	dma.local @!p0 [hbm:s0], s1  }
0x217: {  	s0 =	simm.s32 @!p0 $0x2  }
0x218: {  	_ =	swait.ge @!p0 [sflag:s0], s1  }
0x219: {  	s1 =	ssub.s32 @!p0 $0x0, s1;
	[sflag:s0] =	ssyncset.done @!p0 $0x0  }
0x21a: {  	[sflag:s0] =	ssyncadd.s32 @!p0 s1  }
0x21b: {  	[bflag:$0x3] =	sbarrier.arrive $0xFFFF  }
0x21c: {  	_ =	shalt  }

// kernel: kernel.19.cloned.1.call-start
scs
__scs_entry_jumppad:
0x0: {  	(pc) =	sbr.rel $0x88, $3  }
0x1: {  	(tag) =	ssettag $0x0;
	lr =	simm.s32 $0x1  }
0x2: {  	[smem:$0x3F8D] =	sst lr;
	_ =	strace $0xD0000000  }
0x3: {  	_ = 	snop  }
0x4: {  	_ = 	snop  }
0x5: {  	_ = 	snop  }
0x6: {  	_ = 	snop  }
0x7: {  	_ = 	snop  }
__scs_overlays_trampoline_lowered:
0x8: {  	[smem:$0x3F9C] =	sst s0  }
0x9: {  	[smem:$0x3F9D] =	sst s1  }
0xa: {  	[smem:$0x3F9E] =	sst s2  }
0xb: {  	[smem:$0x3F9F] =	sst s3  }
0xc: {  	[smem:$0x3FA0] =	sst s4  }
0xd: {  	[smem:$0x3FA1] =	sst s5  }
0xe: {  	[smem:$0x3FA2] =	sst s6  }
0xf: {  	[smem:$0x3FA3] =	sst s7  }
0x10: {  	[smem:$0x3FA4] =	sst s8  }
0x11: {  	[smem:$0x3FA5] =	sst s9;
	s0 =	simm.s32 @!p0 $0x0  }
0x12: {  	s1 =	sld [smem:$0x3F8B];
	s0 =	simm.s32 @p0 $0x1  }
0x13: {  	[smem:$0x3FA6] =	sst s0;
	s0 =	simm.s32 @!p1 $0x0  }
0x14: {  	s2 =	sld [smem:$0x3F8A];
	s0 =	simm.s32 @p1 $0x1  }
0x15: {  	[smem:$0x3FA7] =	sst s0;
	s0 =	simm.s32 @!p2 $0x0  }
0x16: {  	s3 =	sld [smem:$0x3FDB];
	s0 =	simm.s32 @p2 $0x1  }
0x17: {  	s4 =	simm.s32 $0x1BF5;
	[smem:$0x3FA9] =	sst s0  }
0x18: {  	s0 =	sld [smem:$0x3F8C];
	_ =	swait.ge [sflag:s4], $0x0  }
0x19: {  	s7 =	sld [smem:$0x3F8D]  }
0x1a: {  	s8 =	sadd.s32 $0xFFFFE003, lr  }
0x1b: {  	s9 =	sadd.s32 $0xFFFFFEF7, lr;
	s5 =	simm.s32 $0xFFFFFFFF;
	p2 =	slt.u32 s8, $0xFFFFF086  }
0x1c: {  	p1 =	slt.u32 s9, $0xF7A;
	s5 =	simm.s32 @!p2 $0x0  }
0x1d: {  	s5 =	simm.s32 @p1 $0x1;
	p0 =	seq.s32 s7, s2  }
0x1e: {  	s7 =	smul.u32 @!p0 $0xF7A, s2;
	p2 =	seq.s32 @!p0 s5, $0x0  }
0x1f: {  	s9 =	smul.u32 $0xF7A, s1;
	s8 =	simm.s32 @!p0 $0x1BF5;
	p2 =	por !p2, p0  }
0x20: {  	[sflag:s8] =	ssyncset.s32 @!p0 $0xFFFFF086;
	s6 =	sadd.s32 @!p0 s3, s7;
	s7 =	simm.s32 @!p0 $0x108  }
0x21: {  	s3 =	sadd.s32 s3, s9;
	s6 =	sadd.s32 @!p0 $0x88, s6;
	s7 =	simm.s32 @p2 $0x1082  }
0x22: {  	[simem:s7], [sflag:s8] =	dma.local @!p0 [hbm:s6], $0xF7A  }
0x23: {  	s9 =	sor.u32 $0xD0000000, s2;
	s6 =	simm.s32 $0x108;
	_ =	swait.ge @!p0 [sflag:s8], $0x0  }
0x24: {  	s3 =	sadd.s32 $0x88, s3;
	s6 =	simm.s32 @!p1 $0x1082;
	[sflag:s4] =	ssyncset.s32 $0xFFFFF086  }
0x25: {  	[simem:s6], [sflag:s4] =	dma.local [hbm:s3], $0xF7A  }
0x26: {  	[smem:$0x3F8D] =	sst s1;
	(tag) =	ssettag s2;
	_ =	strace s9  }
0x27: {  	s1 =	sld [smem:$0x3F9D]  }
0x28: {  	s2 =	sld [smem:$0x3F9E]  }
0x29: {  	s4 =	sld [smem:$0x3FA0]  }
0x2a: {  	p0 =	seq.s32 s5, $0x0;
	s5 =	sld [smem:$0x3FA1]  }
0x2b: {  	s6 =	sld [smem:$0x3FA2]  }
0x2c: {  	s7 =	sld [smem:$0x3FA3]  }
0x2d: {  	s3 =	simm.s32 $0x108;
	s8 =	sld [smem:$0x3FA4]  }
0x2e: {  	s3 =	simm.s32 @!p0 $0x1082;
	s9 =	sld [smem:$0x3FA5]  }
0x2f: {  	lr =	sadd.s32 s0, s3;
	s0 =	sld [smem:$0x3F9C]  }
0x30: {  	s3 =	sld [smem:$0x3F9F]  }
0x31: {  	[smem:$0x3FA8] =	sst s10  }
0x32: {  	s10 =	sld [smem:$0x3FA6];
	_ =	sdelay $0x3  }
0x33: {  	p0 =	seq.s32 s10, $0x1;
	s10 =	sld [smem:$0x3FA8];
	_ =	sdelay $0x3  }
0x34: {  	[smem:$0x3FA8] =	sst s10  }
0x35: {  	s10 =	sld [smem:$0x3FA7];
	_ =	sdelay $0x3  }
0x36: {  	p1 =	seq.s32 s10, $0x1;
	s10 =	sld [smem:$0x3FA8];
	_ =	sdelay $0x3  }
0x37: {  	[smem:$0x3FA8] =	sst s10  }
0x38: {  	s10 =	sld [smem:$0x3FA9]  }
0x39: {  	_ = 	snop;
	(pc) =	sbr.ind lr, $3  }
0x3a: {  	_ = 	snop  }
0x3b: {  	_ = 	snop  }
0x3c: {  	p2 =	seq.s32 s10, $0x1;
	s10 =	sld [smem:$0x3FA8]  }
0x3d: {  	_ =	shalt  }
0x3e: {  	_ =	shalt  }
0x3f: {  	_ =	shalt  }
0x40: {  	_ =	shalt  }
0x41: {  	_ =	shalt  }
0x42: {  	_ =	shalt  }
0x43: {  	_ =	shalt  }
0x44: {  	_ =	shalt  }
0x45: {  	_ =	shalt  }
0x46: {  	_ =	shalt  }
0x47: {  	_ =	shalt  }
0x48: {  	_ =	shalt  }
0x49: {  	_ =	shalt  }
0x4a: {  	_ =	shalt  }
0x4b: {  	_ =	shalt  }
0x4c: {  	_ =	shalt  }
0x4d: {  	_ =	shalt  }
0x4e: {  	_ =	shalt  }
0x4f: {  	_ =	shalt  }
0x50: {  	_ =	shalt  }
0x51: {  	_ =	shalt  }
0x52: {  	_ =	shalt  }
0x53: {  	_ =	shalt  }
0x54: {  	_ =	shalt  }
0x55: {  	_ =	shalt  }
0x56: {  	_ =	shalt  }
0x57: {  	_ =	shalt  }
0x58: {  	_ =	shalt  }
0x59: {  	_ =	shalt  }
0x5a: {  	_ =	shalt  }
0x5b: {  	_ =	shalt  }
0x5c: {  	_ =	shalt  }
0x5d: {  	_ =	shalt  }
0x5e: {  	_ =	shalt  }
0x5f: {  	_ =	shalt  }
0x60: {  	_ =	shalt  }
0x61: {  	_ =	shalt  }
0x62: {  	_ =	shalt  }
0x63: {  	_ =	shalt  }
0x64: {  	_ =	shalt  }
0x65: {  	_ =	shalt  }
0x66: {  	_ =	shalt  }
0x67: {  	_ =	shalt  }
0x68: {  	_ =	shalt  }
0x69: {  	_ =	shalt  }
0x6a: {  	_ =	shalt  }
0x6b: {  	_ =	shalt  }
0x6c: {  	_ =	shalt  }
0x6d: {  	_ =	shalt  }
0x6e: {  	_ =	shalt  }
0x6f: {  	_ =	shalt  }
0x70: {  	_ =	shalt  }
0x71: {  	_ =	shalt  }
0x72: {  	_ =	shalt  }
0x73: {  	_ =	shalt  }
0x74: {  	_ =	shalt  }
0x75: {  	_ =	shalt  }
0x76: {  	_ =	shalt  }
0x77: {  	_ =	shalt  }
0x78: {  	_ =	shalt  }
0x79: {  	_ =	shalt  }
0x7a: {  	_ =	shalt  }
0x7b: {  	_ =	shalt  }
0x7c: {  	_ =	shalt  }
0x7d: {  	_ =	shalt  }
0x7e: {  	_ =	shalt  }
0x7f: {  	_ =	shalt  }
0x80: {  	_ =	shalt  }
0x81: {  	_ =	shalt  }
0x82: {  	_ =	shalt  }
0x83: {  	_ =	shalt  }
0x84: {  	_ =	shalt  }
0x85: {  	_ =	shalt  }
0x86: {  	_ =	shalt  }
0x87: {  	_ =	shalt  }
.Lfunc_end0:
.L_simem_size_0:
called_computation.3_lowered:
.L_overlay_start_0:
0x88: {  	s2 =	sld [smem:$0x3FD9]  }
0x89: {  	s3 =	sld [smem:$0x3FFE];
	_ =	sdelay $0x1  }
0x8a: {  	s1 =	srdreg.scid  }
0x8b: {  	s0 =	sand.u32 $0x1, s1  }
0x8c: {  	s16 =	sshll.u32 s0, $0xA;
	s2 =	sadd.s32 s3, s2  }
0x8d: {  	s2 =	sadd.s32 s2, s16  }
0x8e: {  	[smem:$0x3FB4] =	sst s2  }
0x8f: {  	_ = 	snop  }
0x90: {  	(tm) =	ssettm $0x1  }
0x91: {  	s17 =	sld [smem:$0x3FFB];
	_ =	sdelay $0x3  }
0x92: {  	_ =	strace s17  }
0x93: {  	s2 =	sld [smem:$0x3FFC];
	_ =	sdelay $0x3  }
0x94: {  	_ =	strace s2  }
0x95: {  	s2 =	sld [smem:$0x3FFD];
	_ =	sdelay $0x3  }
0x96: {  	_ =	strace s2  }
0x97: {  	_ =	strace $0x8FFFFFFF  }
0x98: {  	s18 =	sld [smem:$0x3FDB];
	_ =	sdelay $0x1  }
0x99: {  	s19 =	simm.s32 $_scs_section_size  }
0x9a: {  	s4 =	simm.s32 $_size__tile_overlayer_lowered;
	s5 =	simm.s32 $_tile_overlayer_lowered  }
0x9b: {  	s22 =	simm.s32 $0x1BFF;
	s21 =	sshll.u32 s5, $0x1;
	s2 =	sadd.s32 s19, s18  }
0x9c: {  	s6 =	simm.s32 $0x0;
	s20 =	sshll.u32 s4, $0x1;
	s4 =	sadd.s32 s21, s2  }
0x9d: {  	[timem:s6], [sflag:s22] =	dma.local [hbm:s4], s20  }
0x9e: {  	_ =	swait.ge [sflag:s22], s20  }
0x9f: {  	s3 =	ssub.s32 $0x0, s20;
	[sflag:s22] =	ssyncset.done $0x0  }
0xa0: {  	[sflag:s22] =	ssyncadd.s32 s3;
	_ =	sdelay $0x1  }
0xa1: {  	s23 =	simm.s32 $0x1B8B  }
0xa2: {  	_ =	swait.ge [sflag:s23], $0x1  }
0xa3: {  	[sflag:s23] =	ssyncset.done $0x0  }
0xa4: {  	s25 =	simm.s32 $0x1B8E;
	s24 =	sld [smem:$0x3FFE];
	[sflag:s23] =	ssyncadd.s32 $0xFFFFFFFF  }
0xa5: {  	s26 =	simm.s32 $execute0_lowered;
	[smem:$0x3FD2] =	sst s25  }
0xa6: {  	s4 =	sshll.u32 s26, $0x1;
	_ =	strace $0x8000004F;
	[dreg:$0x1] =	wrdreg $0xFFFFFFFF  }
0xa7: {  	s28 =	simm.s32 $_size_execute0_lowered;
	s2 =	sadd.s32 s2, s4;
	[dreg:$0x0] =	wrdreg $0x0  }
0xa8: {  	s4 =	sshll.u32 s28, $0x1;
	[dreg:$0x2] =	wrdreg s2  }
0xa9: {  	[dreg:$0x3] =	wrdreg s4  }
0xaa: {  	[dreg:$0x4] =	wrdreg $0xC0  }
0xab: {  	_ =	task [dreg:s6], $0x5FFFF  }
0xac: {  	[dreg:$0x1] =	wrdreg $0xFFFFFFFF  }
0xad: {  	[dreg:$0x0] =	wrdreg $0x60  }
0xae: {  	[dreg:$0x2] =	wrdreg s24  }
0xaf: {  	[dreg:$0x3] =	wrdreg $0x154000  }
0xb0: {  	[dreg:$0x4] =	wrdreg $0x9  }
0xb1: {  	_ =	task.clear_ibuf [dreg:s6], $0x5FFFF;
	_ =	strace $0x9000004F  }
0xb2: {  	s29 =	simm.s32 $0x9;
	_ =	strace $0x80000051  }
0xb3: {  	_ =	swait.ge [sflag:s29], $0x1  }
0xb4: {  	[sflag:s29] =	ssyncadd.s32 $0xFFFFFFFF  }
0xb5: {  	_ =	strace $0x90000051  }
0xb6: {  	_ =	sfence  }
0xb7: {  	s30 =	sld [smem:$0x0];
	_ =	sdelay $0x2  }
0xb8: {  	s31 =	sshll.u32 s1, $0xD;
	s1 =	sshrl.u32 s1, $0x2  }
0xb9: {  	s3 =	sand.u32 $0x4000, s31;
	s1 =	sadd.s32 s1, s30  }
0xba: {  	s0 =	sor.u32 s3, s0;
	s1 =	sshll.u32 s1, $0x11  }
0xbb: {  	s0 =	sor.u32 s1, s0  }
0xbc: {  	s0 =	sadd.s32 $0x8F2B, s0  }
0xbd: {  	[sflag:s0] =	ssyncadd.remote.s32 $0x1  }
0xbe: {  	_ =	sfence.sel $0xFFFF  }
0xbf: {  	[dreg:$0x0] =	wrdreg $0xFFFFFFFF;
	(pc) =	sbr.abs _section_cstart, $3  }
0xc0: {  	[dreg:$0x1] =	wrdreg $0xFFFFFFFF  }
0xc1: {  	_ =	task.clear_ibuf [dreg:s6], $0x2FFFF;
	_ =	strace $0x9FFFFFFF  }
0xc2: {  	(tm) =	ssettm $0x7FFFFFFF  }
0xc3: {  	_ =	shalt  }
tec
execute0_lowered:
.L_overlay_start_1:
0x0: {  	(tag) =	ssettag $0x1  }
0x1: {  	s1 =	srdreg.scid;
	s5 =	rddreg [dreg:$0x0]  }
0x2: {  	s0 =	stileid.u32;
	s2 =	rddreg [dreg:$0x1];
	s3 =	simm.s32 $0x0  }
0x3: {  	s4 =	sand.u32 $0x1, s1;
	s28 =	sshll.u32 s0, $0x1;
	s8 =	smul.u32 $0x2800, s0  }
0x4: {  	s13 =	simm.s32 $0x1;
	s1 =	sor.u32 s4, s28;
	s9 =	smul.u32 $0x28000, s4  }
0x5: {  	s14 =	simm.s32 $0x0;
	[smem:$0x7FF] =	sst s3;
	s6 =	smul.u32 $0x2800, s1  }
0x6: {  	s31 =	sshll.u32 s0, $0x6;
	s4 =	ssub.s32 $0x2, s4;
	s7 =	smul.u32 $0x280, s1  }
0x7: {  	s1 =	rddreg [dreg:$0x2];
	_ =	strace $0x80000050;
	s30 =	sshrl.u32 s8, $0x3  }
0x8: {  	s11 =	sshrl.u32 s4, $0x1;
	s12 =	sadd.s32 s8, s2;
	s9 =	sadd.s32 s8, s9  }
0x9: {  	s11 =	ssub.s32 s4, s11;
	s10 =	sadd.s32 s6, s5;
	s9 =	sshrl.u32 s9, $0x3  }
0xa: {  	s29 =	sadd.s32 s7, s5;
	s7 =	sadd.s32 s30, s5;
	s9 =	sadd.s32 s9, s5  }
0xb: {  	s4 =	sadd.s32 $0x62800, s7;
	s5 =	sor.u32 $0x1C02, s31;
	s6 =	sadd.s32 $0x5D800, s29  }
0xc: {  	s7 =	sadd.s32 $0x67800, s10;
	s10 =	sshrl.u32 s12, $0x3;
	s12 =	simm.s32 $0x80  }
0xd: {  	s8 =	sadd.s32 $0x3800, s9;
	s9 =	smax.u32 s11, $0x1;
	s11 =	simm.s32 $0x2  }
.LBB2_1:
0xe: {  	[spmem:s10], [sflag:s5] =	dma.local [hbm:s4], $0x500  }
0xf: {  	_ =	swait.ge [sflag:s11], $0x500  }
0x10: {  	[sflag:s11] =	ssyncset.done $0x0  }
0x11: {  	[sflag:s11] =	ssyncadd.s32 $0xFFFFFB00  }
0x12: {  	[tilespmem:s3], [sflag:$0x2] =	stream.linear.gather [hbm4b:s6+s3], $0x1400, $0x38;
	[tilespmem:$0x17C00] =	vst v63  }
0x13: {  	_ =	swait.ge [sflag:s11], $0x1400  }
0x14: {  	[sflag:s11] =	ssyncset.done $0x0  }
0x15: {  	s15 =	simm.s32 $0x1400;
	[sflag:s11] =	ssyncadd.s32 $0xFFFFEC00  }
0x16: {  	[tilespmem:s15], [sflag:$0x2] =	stream.linear.gather [hbm4b:s7+s3], $0x14000, $0x38;
	[tilespmem:$0x17C00] =	vst v63  }
0x17: {  	_ =	swait.ge [sflag:s11], $0x14000  }
0x18: {  	[sflag:s11] =	ssyncset.done $0x0  }
0x19: {  	[sflag:s11] =	ssyncadd.s32 $0xFFFEC000  }
0x1a: {  	s16 =	simm.s32 $0x0;
	[bflag:$0x0] =	sbarrier.arrive $0xFFFF  }
0x1b: {  	[spmem:s2] =	stream.indirect.scatter.add.f32 [tilespmem:s15], [sflag:$0x1], $0x10, s16, s12, $0xb8;
	[tilespmem:$0x17C00] =	vst v63  }
0x1c: {  	_ =	swait.ge [sflag:s13], $0x800  }
0x1d: {  	s16 =	simm.s32 $0x200;
	[sflag:s13] =	ssyncset.done $0x0  }
.LBB2_2:
0x1e: {  	s17 =	sshra.s32 s16, $0x2  }
0x1f: {  	[sflag:s13] =	ssyncadd.s32 $0xFFFFF800;
	s15 =	sadd.s32 $0x800, s15;
	p0 =	sne.s32 s16, $0x4E00  }
0x20: {  	[spmem:s2] =	stream.indirect.scatter.add.f32 [tilespmem:s15], [sflag:$0x1], $0x10, s17, s12, $0xb8;
	[tilespmem:$0x17C00] =	vst v63  }
.Ltmp0:
0x21: {  	_ = 	snop;
	(pc) =	sbr.rel @p0 .LBB2_2-.Ltmp0, $4  }
0x22: {  	_ = 	snop  }
0x23: {  	s16 =	sadd.s32 $0x200, s16  }
0x24: {  	_ =	swait.ge [sflag:s13], $0x800  }
0x25: {  	[sflag:s13] =	ssyncset.done $0x0  }
0x26: {  	s14 =	sadd.s32 $0x1, s14  }
0x27: {  	[sflag:s13] =	ssyncadd.s32 $0xFFFFF800;
	p0 =	sne.s32 s14, s9  }
.Ltmp1:
0x28: {  	[bflag:$0x0] =	sbarrier.arrive $0xFFFF;
	(pc) =	sbr.rel @p0 .LBB2_1-.Ltmp1, $4  }
0x29: {  	[hbm:s8], [sflag:s5] =	dma.local [spmem:s10], $0x500  }
0x2a: {  	_ =	swait.ge [sflag:s11], $0x500  }
0x2b: {  	[sflag:s11] =	ssyncset.done $0x0  }
0x2c: {  	[sflag:s11] =	ssyncadd.s32 $0xFFFFFB00  }
0x2d: {  	_ =	sfence.sel $0x180000  }
0x2e: {  	[bflag:$0x0] =	sbarrier.arrive $0xFFFF  }
0x2f: {  	p0 =	sne.s32 s0, $0x0;
	_ =	strace $0x90000050  }
0x30: {  	s0 =	sadd.s32 @!p0 $0x100000, s1;
	[bflag:$0x2] =	sbarrier.arrive $0xFFFF  }
0x31: {  	[sflag:s0] =	ssyncadd.tile.s32 @!p0 $0x1;
	_ =	shalt  }
.Lfunc_end2:
_tile_overlayer_lowered:
.L_overlay_start_2:
0x32: {  	(tag) =	ssettag $0x2  }
0x33: {  	s0 =	rddreg [dreg:$0x0];
	s2 =	stileid.u32  }
0x34: {  	s1 =	rddreg [dreg:$0x1];
	p0 =	sne.s32 s2, $0x0  }
0x35: {  	s3 =	rddreg [dreg:$0x2];
	[bflag:$0x3] =	sbarrier.arrive $0xFFFF;
	s2 =	simm.s32 @!p0 $0x1C02  }
0x36: {  	[timem:s3], [sflag:s2] =	dma.local @!p0 [hbm:s0], s1  }
0x37: {  	s0 =	simm.s32 @!p0 $0x2  }
0x38: {  	_ =	swait.ge @!p0 [sflag:s0], s1  }
0x39: {  	s1 =	ssub.s32 @!p0 $0x0, s1;
	[sflag:s0] =	ssyncset.done @!p0 $0x0  }
0x3a: {  	[sflag:s0] =	ssyncadd.s32 @!p0 s1  }
0x3b: {  	[bflag:$0x3] =	sbarrier.arrive $0xFFFF  }
0x3c: {  	_ =	shalt  }

</sc_bundles>
